<compile_context>
chip_gen: v7x
topology: tpu7x:2x2x1
jax: 0.10.2.dev20260603
libtpu: 0.0.44.dev20260713+nightly
codegen_flags: <defaults>
</compile_context>

<pallas_src>
import math

import jax
import jax.numpy as jnp
from jax import lax
from jax.experimental import pallas as pl
from jax.experimental.pallas import tpu as pltpu
from jax.experimental.pallas import tpu_sc as plsc

M = 500000
PD = 128
SD = 128
H = 768
S = 2048
TOP_K = 5
THRESH = 0.5

NC = 2
NS = 16
NW = NC * NS
LANES = 16

NT = NS
PER_T = ((M + NT * LANES - 1) // (NT * LANES)) * LANES
M_PAD = PER_T * NT
NVREG = PER_T // LANES

NEG = -1e30
INV_SQRT_SD = 1.0 / math.sqrt(SD)


def _query_body(x_ref, wp_ref, bp_ref, out_ref):
    pc = jnp.mean(x_ref[...], axis=0)[None, :]
    q = jnp.dot(pc, wp_ref[...], preferred_element_type=jnp.float32)
    out_ref[...] = q + bp_ref[...]


def _project_query(x2d, Wp, bp2d):
    return pl.pallas_call(
        _query_body,
        out_shape=jax.ShapeDtypeStruct((1, PD), jnp.float32),
    )(x2d, Wp, bp2d)


_CHUNK = 25000
_NCHUNK = M // _CHUNK


def _scores_body(q_ref, pm_ref, conf_ref, use_ref, succ_ref, out_ref):
    sim = lax.dot_general(q_ref[...], pm_ref[...],
                          dimension_numbers=(((1,), (1,)), ((), ())),
                          preferred_element_type=jnp.float32)[0]
    use = use_ref[0, 0, :]
    out_ref[0, 0, :] = ((sim + 0.1 * jnp.log(use + 1.0))
                        + 0.2 * conf_ref[0, 0, :]
                        + 0.3 * (succ_ref[0, 0, :] / (use + 1e-8)))


def _compute_scores(query, problem_memory, confidence_memory, usage, success):
    vec3 = lambda v: v.reshape(_NCHUNK, 1, _CHUNK)
    out = pl.pallas_call(
        _scores_body,
        grid=(_NCHUNK,),
        in_specs=[
            pl.BlockSpec((1, PD), lambda i: (0, 0)),
            pl.BlockSpec((_CHUNK, PD), lambda i: (i, 0)),
            pl.BlockSpec((1, 1, _CHUNK), lambda i: (i, 0, 0)),
            pl.BlockSpec((1, 1, _CHUNK), lambda i: (i, 0, 0)),
            pl.BlockSpec((1, 1, _CHUNK), lambda i: (i, 0, 0)),
        ],
        out_specs=pl.BlockSpec((1, 1, _CHUNK), lambda i: (i, 0, 0)),
        out_shape=jax.ShapeDtypeStruct((_NCHUNK, 1, _CHUNK), jnp.float32),
    )(query, problem_memory, vec3(confidence_memory[:, 0]), vec3(usage),
      vec3(success))
    return out.reshape(M)


def _lane_iota():
    return lax.iota(jnp.int32, LANES)


def _extract_at_lane(vec, lane):
    return jnp.sum(jnp.where(_lane_iota() == lane, vec, 0))


def _merge_rows(rows_s, rows_i):
    lanes = _lane_iota()
    nrows = len(rows_s)
    top_s = jnp.full((LANES,), NEG, jnp.float32)
    top_i = jnp.zeros((LANES,), jnp.int32)
    chosen = []
    for k in range(TOP_K):
        m = jnp.full((LANES,), NEG, jnp.float32)
        arow = jnp.zeros((LANES,), jnp.int32)
        for r in range(nrows):
            v = rows_s[r]
            flatpos = r * LANES + lanes
            for c in chosen:
                v = jnp.where(flatpos == c, NEG, v)
            pred = v > m
            m = jnp.where(pred, v, m)
            arow = jnp.where(pred, r, arow)
        gm = jnp.max(m)
        pred = (m == gm)
        first = jnp.logical_and(pred, jnp.cumsum(pred.astype(jnp.int32)) == 1)
        lane = jnp.sum(jnp.where(first, lanes, 0))
        rbest = jnp.sum(jnp.where(first, arow, 0))
        chosen.append(rbest * LANES + lane)
        acc = jnp.zeros((LANES,), jnp.int32)
        for r in range(nrows):
            acc = jnp.where(jnp.logical_and(rbest == r, lanes == lane),
                            rows_i[r], acc)
        gi = jnp.sum(acc)
        top_s = jnp.where(lanes == k, gm, top_s)
        top_i = jnp.where(lanes == k, gi, top_i)
    return top_s, top_i


def _local_top5(score_ref, base):
    lanes = _lane_iota()

    def body(j, carry):
        ts0, ts1, ts2, ts3, ts4, ti0, ti1, ti2, ti3, ti4 = carry
        cv = score_ref[pl.ds(j * LANES, LANES)]
        ci = (base + j * LANES) + lanes
        ts = [ts0, ts1, ts2, ts3, ts4]
        ti = [ti0, ti1, ti2, ti3, ti4]
        for k in range(TOP_K):
            pred = cv > ts[k]
            ns = jnp.where(pred, cv, ts[k])
            ni = jnp.where(pred, ci, ti[k])
            cv = jnp.where(pred, ts[k], cv)
            ci = jnp.where(pred, ti[k], ci)
            ts[k], ti[k] = ns, ni
        return (*ts, *ti)

    init = ([jnp.full((LANES,), NEG, jnp.float32)] * TOP_K
            + [jnp.zeros((LANES,), jnp.int32)] * TOP_K)
    carry = lax.fori_loop(0, NVREG, body, tuple(init))
    return _merge_rows(list(carry[:TOP_K]), list(carry[TOP_K:]))


def _sc_body(scores_hbm, sol_hbm,
             ts_out, ti_out, w_out, comb_out, misc_out, hbm_s, hbm_i,
             local_v, cand_s_v, cand_i_v, stage_s, stage_i, idx_v,
             rows_v, comb_v, sem):
    cid = lax.axis_index("c")
    sid = lax.axis_index("s")
    base = sid * PER_T
    lanes = _lane_iota()

    @pl.when(cid == 0)
    def _():
        pltpu.sync_copy(scores_hbm.at[pl.ds(base, PER_T)], local_v)

        loc_s, loc_i = _local_top5(local_v, base)

        stage_s[...] = loc_s
        stage_i[...] = loc_i
        pltpu.sync_copy(stage_s, hbm_s.at[sid])
        pltpu.sync_copy(stage_i, hbm_i.at[sid])

    plsc.subcore_barrier()

    @pl.when(jnp.logical_and(cid == 0, sid == 0))
    def _():
        pltpu.sync_copy(hbm_s, cand_s_v)
        pltpu.sync_copy(hbm_i, cand_i_v)

        top_s, top_i = _merge_rows([cand_s_v[r] for r in range(NT)],
                                   [cand_i_v[r] for r in range(NT)])

        valid = lanes < TOP_K
        s0 = jnp.max(top_s)
        logits = (top_s - s0) * INV_SQRT_SD
        w_un = jnp.where(valid, jnp.exp(logits), 0.0)
        weights = w_un / jnp.sum(w_un)

        idx_v[...] = jnp.where(valid, top_i, 0)
        pltpu.async_copy(sol_hbm.at[idx_v], rows_v, sem).wait()

        for c in range(SD // LANES):
            sl = pl.ds(c * LANES, LANES)
            acc = jnp.zeros((LANES,), jnp.float32)
            for k in range(TOP_K):
                wk = _extract_at_lane(weights, k)
                acc = acc + wk * rows_v[k, sl]
            comb_v[sl] = acc

        conf = s0
        n_used = jnp.sum(jnp.where(
            jnp.logical_and(valid, top_s > THRESH), 1.0, 0.0))
        misc = jnp.where(lanes == 0, conf, 0.0)
        misc = jnp.where(lanes == 1, n_used, misc)

        stage_s[...] = jnp.where(valid, top_s, 0.0)
        pltpu.sync_copy(stage_s, ts_out)
        stage_i[...] = top_i
        pltpu.sync_copy(stage_i, ti_out)
        stage_s[...] = weights
        pltpu.sync_copy(stage_s, w_out)
        pltpu.sync_copy(comb_v, comb_out)
        stage_s[...] = misc
        pltpu.sync_copy(stage_s, misc_out)


def _sc_topk(scores_pad, solution_memory):
    mesh = plsc.VectorSubcoreMesh(
        core_axis_name="c", subcore_axis_name="s",
        num_cores=NC, num_subcores=NS)
    fn = pl.kernel(
        _sc_body,
        out_type=(
            jax.ShapeDtypeStruct((LANES,), jnp.float32),
            jax.ShapeDtypeStruct((LANES,), jnp.int32),
            jax.ShapeDtypeStruct((LANES,), jnp.float32),
            jax.ShapeDtypeStruct((SD,), jnp.float32),
            jax.ShapeDtypeStruct((LANES,), jnp.float32),
            jax.ShapeDtypeStruct((NT, LANES), jnp.float32),
            jax.ShapeDtypeStruct((NT, LANES), jnp.int32),
        ),
        mesh=mesh,
        scratch_types=[
            pltpu.VMEM((PER_T,), jnp.float32),
            pltpu.VMEM((NT, LANES), jnp.float32),
            pltpu.VMEM((NT, LANES), jnp.int32),
            pltpu.VMEM((LANES,), jnp.float32),
            pltpu.VMEM((LANES,), jnp.int32),
            pltpu.VMEM((LANES,), jnp.int32),
            pltpu.VMEM((LANES, SD), jnp.float32),
            pltpu.VMEM((SD,), jnp.float32),
            pltpu.SemaphoreType.DMA,
        ],
        compiler_params=pltpu.CompilerParams(needs_layout_passes=False),
    )
    return fn(scores_pad, solution_memory)


def _output_body(x_ref, comb_ref, wo_ref, bo_ref, out_ref):
    e = jnp.dot(comb_ref[0, :], wo_ref[...],
                preferred_element_type=jnp.float32,
                precision=lax.Precision.HIGHEST) + bo_ref[0, :]
    g = jnp.dot(x_ref[...], e, preferred_element_type=jnp.float32,
                precision=lax.Precision.HIGHEST)
    gate = jax.nn.sigmoid(g)[:, None]
    out_ref[...] = gate * e[None, :] + (1.0 - gate) * x_ref[...]


def _blend_output(x2d, comb2d, Wo, bo2d):
    return pl.pallas_call(
        _output_body,
        out_shape=jax.ShapeDtypeStruct((S, H), jnp.float32),
    )(x2d, comb2d, Wo, bo2d)


@jax.jit
def kernel(x, problem_memory, solution_memory, confidence_memory,
           Wp, bp, Wo, bo, pattern_usage, pattern_success):
    B, S_, H_ = x.shape
    x2d = x.reshape(S_, H_)

    query = _project_query(x2d, Wp, bp.reshape(1, PD))
    scores = _compute_scores(query, problem_memory, confidence_memory,
                             pattern_usage, pattern_success)
    scores_pad = jnp.concatenate(
        [scores, jnp.full((M_PAD - M,), NEG, jnp.float32)])

    ts, ti, w, comb, misc, _, _ = _sc_topk(scores_pad, solution_memory)

    out2d = _blend_output(x2d, comb.reshape(1, SD), Wo, bo.reshape(1, H))

    output = out2d.reshape(B, S_, H_)
    top_scores = ts[:TOP_K][None, :]
    top_indices = ti[:TOP_K][None, :]
    attention_weights = w[:TOP_K][None, :]
    confidence = misc[0:1]
    num_patterns_used = misc[1:2].astype(jnp.int32)
    return (output, top_indices, top_scores, attention_weights,
            confidence, num_patterns_used)

# --- scband reference (transcript-rebuilt; emitter-appended) ---
"""Pipeline reference for scband-experience-memory-51874615001332 (READ-ONLY COPY).

The authoritative reference and input builder live on the scoring server;
editing this copy changes nothing except your own understanding.
"""

import jax, jax.numpy as jnp
import numpy as np
import math

M = 500000
PD = 128
SD = 128
H = 768
B = 1
S = 2048
TOP_K = 5
PATTERN_MATCH_THRESHOLD = 0.5


def setup_inputs(seed: int = 0) -> dict:
    key = jax.random.key(seed)
    ks = jax.random.split(key, 8)
    x = jax.random.normal(ks[0], (B, S, H), dtype=jnp.float32)
    problem_memory = jax.random.normal(ks[1], (M, PD), dtype=jnp.float32)
    solution_memory = jax.random.normal(ks[2], (M, SD), dtype=jnp.float32)
    confidence_memory = jax.random.normal(ks[3], (M, 1), dtype=jnp.float32)
    Wp = jax.random.normal(ks[4], (H, PD), dtype=jnp.float32) * 0.02
    bp = jnp.zeros((PD,), dtype=jnp.float32)
    Wo = jax.random.normal(ks[5], (SD, H), dtype=jnp.float32) * 0.02
    bo = jnp.zeros((H,), dtype=jnp.float32)
    pattern_usage = jnp.zeros((M,), dtype=jnp.float32)
    pattern_success = jnp.zeros((M,), dtype=jnp.float32)
    return {
        'x': x,
        'problem_memory': problem_memory,
        'solution_memory': solution_memory,
        'confidence_memory': confidence_memory,
        'Wp': Wp,
        'bp': bp,
        'Wo': Wo,
        'bo': bo,
        'pattern_usage': pattern_usage,
        'pattern_success': pattern_success,
    }


def reference(x, problem_memory, solution_memory, confidence_memory, Wp, bp, Wo, bo, pattern_usage, pattern_success):
    batch_size, seq_len, hidden_size = x.shape
    # problem_context defaults to mean over sequence
    problem_context = x.mean(axis=1)
    # project problem
    current_problem = problem_context @ Wp + bp  # [B, PD]
    # similarity against entire problem memory
    similarity_scores = current_problem @ problem_memory.T  # [B, M]
    usage_boost = jnp.log(pattern_usage + 1.0)[None, :]
    success_rate = pattern_success / (pattern_usage + 1e-08)
    confidence_boost = confidence_memory[:, 0][None, :]
    final_scores = (similarity_scores
                    + 0.1 * usage_boost
                    + 0.2 * jnp.broadcast_to(confidence_boost, similarity_scores.shape)
                    + 0.3 * jnp.broadcast_to(success_rate[None, :], similarity_scores.shape))
    top_k = min(TOP_K, M)
    top_scores, top_indices = jax.lax.top_k(final_scores, top_k)  # [B, k]
    selected_solutions = solution_memory[top_indices]  # gather [B, k, SD]
    attention_weights = jax.nn.softmax(top_scores / math.sqrt(SD), axis=-1)
    combined_solution = jnp.sum(selected_solutions * attention_weights[..., None], axis=1)  # [B, SD]
    experience_output = combined_solution @ Wo + bo  # [B, H]
    experience_broadcast = jnp.broadcast_to(experience_output[:, None, :], (batch_size, seq_len, hidden_size))
    gate = jax.nn.sigmoid(jnp.matmul(x, jnp.swapaxes(experience_broadcast, -2, -1)).mean(axis=-1, keepdims=True))
    output = gate * experience_broadcast + (1.0 - gate) * x
    confidence = top_scores.max(axis=-1)
    num_patterns_used = (top_scores > PATTERN_MATCH_THRESHOLD).sum(axis=-1)
    return (output, top_indices, top_scores, attention_weights, confidence, num_patterns_used)

if __name__ == "__main__":
    import jax
    _d = setup_inputs()
    print(jax.jit(kernel)(*tuple(_d.values())))

</pallas_src>

<mosaic_0001>
#map = affine_map<(d0, d1) -> (0)>
#map1 = affine_map<(d0, d1) -> (0, 0)>
module attributes {stable_mosaic.version = 14 : i64} {
  func.func @_sc_body(%arg0: i32, %arg1: i32, %arg2: memref<500224xf32, #tpu.memory_space<hbm>>, %arg3: memref<500000x128xf32, #tpu.memory_space<hbm>>, %arg4: memref<16xf32, #tpu.memory_space<hbm>>, %arg5: memref<16xi32, #tpu.memory_space<hbm>>, %arg6: memref<16xf32, #tpu.memory_space<hbm>>, %arg7: memref<128xf32, #tpu.memory_space<hbm>>, %arg8: memref<16xf32, #tpu.memory_space<hbm>>, %arg9: memref<16x16xf32, #tpu.memory_space<hbm>>, %arg10: memref<16x16xi32, #tpu.memory_space<hbm>>, %arg11: memref<31264xf32, #tpu.memory_space<vmem>>, %arg12: memref<16x16xf32, #tpu.memory_space<vmem>>, %arg13: memref<16x16xi32, #tpu.memory_space<vmem>>, %arg14: memref<16xf32, #tpu.memory_space<vmem>>, %arg15: memref<16xi32, #tpu.memory_space<vmem>>, %arg16: memref<16xi32, #tpu.memory_space<vmem>>, %arg17: memref<16x128xf32, #tpu.memory_space<vmem>>, %arg18: memref<128xf32, #tpu.memory_space<vmem>>, %arg19: memref<!tpu.dma_semaphore, #tpu.memory_space<semaphore_mem>>) attributes {dimension_semantics = [#tpu.dimension_semantics<core_parallel>, #tpu.dimension_semantics<subcore_parallel>], iteration_bounds = array<i64: 2, 16>, scalar_prefetch = 0 : i64, scratch_operands = 9 : i64, tpu.core_type = #tpu.core_type<sc_vector_subcore>, window_params = [{transform_indices = #map}, {transform_indices = #map1}, {transform_indices = #map}, {transform_indices = #map}, {transform_indices = #map}, {transform_indices = #map}, {transform_indices = #map}, {transform_indices = #map1}, {transform_indices = #map1}]} {
    %mul3A = arith.constant 31264 : i32
    %mul3A_0 = arith.muli %arg1, %mul3A : i32
    %iota3A = tpu.iota {dimensions = array<i32: 0>} : vector<16xi32>
    %eq3A = arith.constant 0 : i32
    %eq3A_1 = arith.cmpi eq, %arg0, %eq3A : i32
    %convert_element_type3A = arith.extui %eq3A_1 : i1 to i32
    %cond3A = arith.constant 0 : i32
    %cond3A_2 = arith.cmpi ne, %convert_element_type3A, %cond3A : i32
    scf.if %cond3A_2 {
      "tpu.region"() ({
        %run_scoped3A = tpu.sem_alloc : memref<!tpu.dma_semaphore, #tpu.memory_space<semaphore_mem>>
        %dma_start3A = tpu.memref_slice %arg2[%mul3A_0] : memref<500224xf32, #tpu.memory_space<hbm>> -> memref<31264xf32, #tpu.memory_space<hbm>>
        %dma_start3A_900 = tpu.memref_slice %arg2[%mul3A_0] : memref<500224xf32, #tpu.memory_space<hbm>> -> memref<31264xf32, #tpu.memory_space<hbm>>
        tpu.enqueue_dma source(%dma_start3A_900 : memref<31264xf32, #tpu.memory_space<hbm>>) target(%arg11 : memref<31264xf32, #tpu.memory_space<vmem>>) target_semaphore(%run_scoped3A : memref<!tpu.dma_semaphore, #tpu.memory_space<semaphore_mem>>)
        %dma_wait3A = tpu.memref_slice %arg2[%mul3A_0] : memref<500224xf32, #tpu.memory_space<hbm>> -> memref<31264xf32, #tpu.memory_space<hbm>>
        %dma_wait3A_901 = tpu.memref_slice %arg2[%mul3A_0] : memref<500224xf32, #tpu.memory_space<hbm>> -> memref<31264xf32, #tpu.memory_space<hbm>>
        tpu.wait_dma2 semaphore(%run_scoped3A : memref<!tpu.dma_semaphore, #tpu.memory_space<semaphore_mem>>) src(%dma_wait3A_901 : memref<31264xf32, #tpu.memory_space<hbm>>) dst(%arg11 : memref<31264xf32, #tpu.memory_space<vmem>>)
        tpu.yield
      }) : () -> ()
      %iota3A_10 = tpu.iota {dimensions = array<i32: 0>} : vector<16xi32>
      %broadcast_in_dim3A = arith.constant -1.000000e+30 : f32
      %broadcast_in_dim3A_11 = vector.broadcast %broadcast_in_dim3A : f32 to vector<16xf32>
      %broadcast_in_dim3A_12 = arith.constant 0 : i32
      %broadcast_in_dim3A_13 = vector.broadcast %broadcast_in_dim3A_12 : i32 to vector<16xi32>
      %scan3A = arith.constant 0 : i32
      %scan3A_14 = arith.constant 1954 : i32
      %scan3A_15 = arith.addi %scan3A, %scan3A_14 : i32
      %scan3A_16 = arith.constant 1 : i32
      %scan3A_17:10 = scf.for %scan3A_900 = %scan3A to %scan3A_15 step %scan3A_16 iter_args(%scan3A_901 = %broadcast_in_dim3A_11, %scan3A_902 = %broadcast_in_dim3A_11, %scan3A_903 = %broadcast_in_dim3A_11, %scan3A_904 = %broadcast_in_dim3A_11, %scan3A_905 = %broadcast_in_dim3A_11, %scan3A_906 = %broadcast_in_dim3A_13, %scan3A_907 = %broadcast_in_dim3A_13, %scan3A_908 = %broadcast_in_dim3A_13, %scan3A_909 = %broadcast_in_dim3A_13, %scan3A_910 = %broadcast_in_dim3A_13) -> (vector<16xf32>, vector<16xf32>, vector<16xf32>, vector<16xf32>, vector<16xf32>, vector<16xi32>, vector<16xi32>, vector<16xi32>, vector<16xi32>, vector<16xi32>)  : i32 {
        %mul3A_911 = arith.constant 16 : i32
        %mul3A_912 = arith.muli %scan3A_900, %mul3A_911 : i32
        %get3A = arith.index_cast %mul3A_912 : i32 to index
        %get3A_913 = tpu.vector_load %arg11[%get3A] {strides = array<i32>} : memref<31264xf32, #tpu.memory_space<vmem>>, vector<16xf32>,
        %mul3A_914 = arith.constant 16 : i32
        %mul3A_915 = arith.muli %scan3A_900, %mul3A_914 : i32
        %add3A_916 = arith.addi %mul3A_0, %mul3A_915 : i32
        %add3A_917 = vector.broadcast %add3A_916 : i32 to vector<16xi32>
        %add3A_918 = arith.addi %add3A_917, %iota3A_10 : vector<16xi32>
        %gt3A_919 = arith.cmpf ogt, %get3A_913, %scan3A_901 : vector<16xf32>
        %select_n3A_920 = arith.select %gt3A_919, %get3A_913, %scan3A_901 : vector<16xi1>, vector<16xf32>
        %select_n3A_921 = arith.select %gt3A_919, %add3A_918, %scan3A_906 : vector<16xi1>, vector<16xi32>
        %select_n3A_922 = arith.select %gt3A_919, %scan3A_901, %get3A_913 : vector<16xi1>, vector<16xf32>
        %select_n3A_923 = arith.select %gt3A_919, %scan3A_906, %add3A_918 : vector<16xi1>, vector<16xi32>
        %gt3A_924 = arith.cmpf ogt, %select_n3A_922, %scan3A_902 : vector<16xf32>
        %select_n3A_925 = arith.select %gt3A_924, %select_n3A_922, %scan3A_902 : vector<16xi1>, vector<16xf32>
        %select_n3A_926 = arith.select %gt3A_924, %select_n3A_923, %scan3A_907 : vector<16xi1>, vector<16xi32>
        %select_n3A_927 = arith.select %gt3A_924, %scan3A_902, %select_n3A_922 : vector<16xi1>, vector<16xf32>
        %select_n3A_928 = arith.select %gt3A_924, %scan3A_907, %select_n3A_923 : vector<16xi1>, vector<16xi32>
        %gt3A_929 = arith.cmpf ogt, %select_n3A_927, %scan3A_903 : vector<16xf32>
        %select_n3A_930 = arith.select %gt3A_929, %select_n3A_927, %scan3A_903 : vector<16xi1>, vector<16xf32>
        %select_n3A_931 = arith.select %gt3A_929, %select_n3A_928, %scan3A_908 : vector<16xi1>, vector<16xi32>
        %select_n3A_932 = arith.select %gt3A_929, %scan3A_903, %select_n3A_927 : vector<16xi1>, vector<16xf32>
        %select_n3A_933 = arith.select %gt3A_929, %scan3A_908, %select_n3A_928 : vector<16xi1>, vector<16xi32>
        %gt3A_934 = arith.cmpf ogt, %select_n3A_932, %scan3A_904 : vector<16xf32>
        %select_n3A_935 = arith.select %gt3A_934, %select_n3A_932, %scan3A_904 : vector<16xi1>, vector<16xf32>
        %select_n3A_936 = arith.select %gt3A_934, %select_n3A_933, %scan3A_909 : vector<16xi1>, vector<16xi32>
        %select_n3A_937 = arith.select %gt3A_934, %scan3A_904, %select_n3A_932 : vector<16xi1>, vector<16xf32>
        %select_n3A_938 = arith.select %gt3A_934, %scan3A_909, %select_n3A_933 : vector<16xi1>, vector<16xi32>
        %gt3A_939 = arith.cmpf ogt, %select_n3A_937, %scan3A_905 : vector<16xf32>
        %select_n3A_940 = arith.select %gt3A_939, %select_n3A_937, %scan3A_905 : vector<16xi1>, vector<16xf32>
        %select_n3A_941 = arith.select %gt3A_939, %select_n3A_938, %scan3A_910 : vector<16xi1>, vector<16xi32>
        %select_n3A_942 = arith.select %gt3A_939, %scan3A_905, %select_n3A_937 : vector<16xi1>, vector<16xf32>
        %select_n3A_943 = arith.select %gt3A_939, %scan3A_910, %select_n3A_938 : vector<16xi1>, vector<16xi32>
        scf.yield %select_n3A_920, %select_n3A_925, %select_n3A_930, %select_n3A_935, %select_n3A_940, %select_n3A_921, %select_n3A_926, %select_n3A_931, %select_n3A_936, %select_n3A_941 : vector<16xf32>, vector<16xf32>, vector<16xf32>, vector<16xf32>, vector<16xf32>, vector<16xi32>, vector<16xi32>, vector<16xi32>, vector<16xi32>, vector<16xi32>
      }
      %scan3A_18 = arith.constant 1954 : i32
      %iota3A_19 = tpu.iota {dimensions = array<i32: 0>} : vector<16xi32>
      %broadcast_in_dim3A_20 = arith.constant -1.000000e+30 : f32
      %broadcast_in_dim3A_21 = vector.broadcast %broadcast_in_dim3A_20 : f32 to vector<16xf32>
      %broadcast_in_dim3A_22 = arith.constant 0 : i32
      %broadcast_in_dim3A_23 = vector.broadcast %broadcast_in_dim3A_22 : i32 to vector<16xi32>
      %broadcast_in_dim3A_24 = arith.constant -1.000000e+30 : f32
      %broadcast_in_dim3A_25 = vector.broadcast %broadcast_in_dim3A_24 : f32 to vector<16xf32>
      %broadcast_in_dim3A_26 = arith.constant 0 : i32
      %broadcast_in_dim3A_27 = vector.broadcast %broadcast_in_dim3A_26 : i32 to vector<16xi32>
      %add3A = arith.constant 0 : i32
      %add3A_28 = vector.broadcast %add3A : i32 to vector<16xi32>
      %add3A_29 = arith.addi %add3A_28, %iota3A_19 : vector<16xi32>
      %gt3A = arith.cmpf ogt, %scan3A_17#0, %broadcast_in_dim3A_25 : vector<16xf32>
      %select_n3A = arith.select %gt3A, %scan3A_17#0, %broadcast_in_dim3A_25 : vector<16xi1>, vector<16xf32>
      %jit3A = arith.constant 0 : i32
      %broadcast_in_dim3A_30 = vector.broadcast %jit3A : i32 to vector<16xi32>
      %select_n3A_31 = arith.select %gt3A, %broadcast_in_dim3A_30, %broadcast_in_dim3A_27 : vector<16xi1>, vector<16xi32>
      %add3A_32 = arith.constant 16 : i32
      %add3A_33 = vector.broadcast %add3A_32 : i32 to vector<16xi32>
      %add3A_34 = arith.addi %add3A_33, %iota3A_19 : vector<16xi32>
      %gt3A_35 = arith.cmpf ogt, %scan3A_17#1, %select_n3A : vector<16xf32>
      %select_n3A_36 = arith.select %gt3A_35, %scan3A_17#1, %select_n3A : vector<16xi1>, vector<16xf32>
      %jit3A_37 = arith.constant 1 : i32
      %broadcast_in_dim3A_38 = vector.broadcast %jit3A_37 : i32 to vector<16xi32>
      %select_n3A_39 = arith.select %gt3A_35, %broadcast_in_dim3A_38, %select_n3A_31 : vector<16xi1>, vector<16xi32>
      %add3A_40 = arith.constant 32 : i32
      %add3A_41 = vector.broadcast %add3A_40 : i32 to vector<16xi32>
      %add3A_42 = arith.addi %add3A_41, %iota3A_19 : vector<16xi32>
      %gt3A_43 = arith.cmpf ogt, %scan3A_17#2, %select_n3A_36 : vector<16xf32>
      %select_n3A_44 = arith.select %gt3A_43, %scan3A_17#2, %select_n3A_36 : vector<16xi1>, vector<16xf32>
      %jit3A_45 = arith.constant 2 : i32
      %broadcast_in_dim3A_46 = vector.broadcast %jit3A_45 : i32 to vector<16xi32>
      %select_n3A_47 = arith.select %gt3A_43, %broadcast_in_dim3A_46, %select_n3A_39 : vector<16xi1>, vector<16xi32>
      %add3A_48 = arith.constant 48 : i32
      %add3A_49 = vector.broadcast %add3A_48 : i32 to vector<16xi32>
      %add3A_50 = arith.addi %add3A_49, %iota3A_19 : vector<16xi32>
      %gt3A_51 = arith.cmpf ogt, %scan3A_17#3, %select_n3A_44 : vector<16xf32>
      %select_n3A_52 = arith.select %gt3A_51, %scan3A_17#3, %select_n3A_44 : vector<16xi1>, vector<16xf32>
      %jit3A_53 = arith.constant 3 : i32
      %broadcast_in_dim3A_54 = vector.broadcast %jit3A_53 : i32 to vector<16xi32>
      %select_n3A_55 = arith.select %gt3A_51, %broadcast_in_dim3A_54, %select_n3A_47 : vector<16xi1>, vector<16xi32>
      %add3A_56 = arith.constant 64 : i32
      %add3A_57 = vector.broadcast %add3A_56 : i32 to vector<16xi32>
      %add3A_58 = arith.addi %add3A_57, %iota3A_19 : vector<16xi32>
      %gt3A_59 = arith.cmpf ogt, %scan3A_17#4, %select_n3A_52 : vector<16xf32>
      %select_n3A_60 = arith.select %gt3A_59, %scan3A_17#4, %select_n3A_52 : vector<16xi1>, vector<16xf32>
      %jit3A_61 = arith.constant 4 : i32
      %broadcast_in_dim3A_62 = vector.broadcast %jit3A_61 : i32 to vector<16xi32>
      %select_n3A_63 = arith.select %gt3A_59, %broadcast_in_dim3A_62, %select_n3A_55 : vector<16xi1>, vector<16xi32>
      %reduce_max3A = arith.constant true
      %reduce_max3A_64 = vector.broadcast %reduce_max3A : i1 to vector<16xi1>
      %reduce_max3A_65 = tpu.scan <max>, %select_n3A_60 masked %reduce_max3A_64 : vector<16xf32>, vector<16xi1> -> vector<16xf32>
      %reduce_max3A_66 = vector.extract %reduce_max3A_65[15] : f32 from vector<16xf32>
      %eq3A_67 = vector.broadcast %reduce_max3A_66 : f32 to vector<16xf32>
      %eq3A_68 = arith.cmpf oeq, %select_n3A_60, %eq3A_67 : vector<16xf32>
      %convert_element_type3A_69 = arith.extui %eq3A_68 : vector<16xi1> to vector<16xi32>
      %cumsum3A = arith.constant true
      %cumsum3A_70 = vector.broadcast %cumsum3A : i1 to vector<16xi1>
      %cumsum3A_71 = tpu.scan <sum>, %convert_element_type3A_69 masked %cumsum3A_70 : vector<16xi32>, vector<16xi1> -> vector<16xi32>
      %eq3A_72 = arith.constant 1 : i32
      %eq3A_73 = vector.broadcast %eq3A_72 : i32 to vector<16xi32>
      %eq3A_74 = arith.cmpi eq, %cumsum3A_71, %eq3A_73 : vector<16xi32>
      %and3A_75 = arith.andi %eq3A_68, %eq3A_74 : vector<16xi1>
      %jit3A_76 = arith.constant 0 : i32
      %broadcast_in_dim3A_77 = vector.broadcast %jit3A_76 : i32 to vector<16xi32>
      %select_n3A_78 = arith.select %and3A_75, %iota3A_19, %broadcast_in_dim3A_77 : vector<16xi1>, vector<16xi32>
      %reduce_sum3A = arith.constant true
      %reduce_sum3A_79 = vector.broadcast %reduce_sum3A : i1 to vector<16xi1>
      %reduce_sum3A_80 = tpu.scan <sum>, %select_n3A_78 masked %reduce_sum3A_79 : vector<16xi32>, vector<16xi1> -> vector<16xi32>
      %reduce_sum3A_81 = vector.extract %reduce_sum3A_80[15] : i32 from vector<16xi32>
      %jit3A_82 = arith.constant 0 : i32
      %broadcast_in_dim3A_83 = vector.broadcast %jit3A_82 : i32 to vector<16xi32>
      %select_n3A_84 = arith.select %and3A_75, %select_n3A_63, %broadcast_in_dim3A_83 : vector<16xi1>, vector<16xi32>
      %reduce_sum3A_85 = arith.constant true
      %reduce_sum3A_86 = vector.broadcast %reduce_sum3A_85 : i1 to vector<16xi1>
      %reduce_sum3A_87 = tpu.scan <sum>, %select_n3A_84 masked %reduce_sum3A_86 : vector<16xi32>, vector<16xi1> -> vector<16xi32>
      %reduce_sum3A_88 = vector.extract %reduce_sum3A_87[15] : i32 from vector<16xi32>
      %mul3A_89 = arith.constant 16 : i32
      %mul3A_90 = arith.muli %reduce_sum3A_88, %mul3A_89 : i32
      %add3A_91 = arith.addi %mul3A_90, %reduce_sum3A_81 : i32
      %broadcast_in_dim3A_92 = arith.constant 0 : i32
      %broadcast_in_dim3A_93 = vector.broadcast %broadcast_in_dim3A_92 : i32 to vector<16xi32>
      %eq3A_94 = arith.constant 0 : i32
      %eq3A_95 = arith.cmpi eq, %reduce_sum3A_88, %eq3A_94 : i32
      %eq3A_96 = vector.broadcast %reduce_sum3A_81 : i32 to vector<16xi32>
      %eq3A_97 = arith.cmpi eq, %iota3A_19, %eq3A_96 : vector<16xi32>
      %and3A_98 = vector.broadcast %eq3A_95 : i1 to vector<16xi1>
      %and3A_99 = arith.andi %and3A_98, %eq3A_97 : vector<16xi1>
      %select_n3A_100 = arith.select %and3A_99, %scan3A_17#5, %broadcast_in_dim3A_93 : vector<16xi1>, vector<16xi32>
      %eq3A_101 = arith.constant 1 : i32
      %eq3A_102 = arith.cmpi eq, %reduce_sum3A_88, %eq3A_101 : i32
      %eq3A_103 = vector.broadcast %reduce_sum3A_81 : i32 to vector<16xi32>
      %eq3A_104 = arith.cmpi eq, %iota3A_19, %eq3A_103 : vector<16xi32>
      %and3A_105 = vector.broadcast %eq3A_102 : i1 to vector<16xi1>
      %and3A_106 = arith.andi %and3A_105, %eq3A_104 : vector<16xi1>
      %select_n3A_107 = arith.select %and3A_106, %scan3A_17#6, %select_n3A_100 : vector<16xi1>, vector<16xi32>
      %eq3A_108 = arith.constant 2 : i32
      %eq3A_109 = arith.cmpi eq, %reduce_sum3A_88, %eq3A_108 : i32
      %eq3A_110 = vector.broadcast %reduce_sum3A_81 : i32 to vector<16xi32>
      %eq3A_111 = arith.cmpi eq, %iota3A_19, %eq3A_110 : vector<16xi32>
      %and3A_112 = vector.broadcast %eq3A_109 : i1 to vector<16xi1>
      %and3A_113 = arith.andi %and3A_112, %eq3A_111 : vector<16xi1>
      %select_n3A_114 = arith.select %and3A_113, %scan3A_17#7, %select_n3A_107 : vector<16xi1>, vector<16xi32>
      %eq3A_115 = arith.constant 3 : i32
      %eq3A_116 = arith.cmpi eq, %reduce_sum3A_88, %eq3A_115 : i32
      %eq3A_117 = vector.broadcast %reduce_sum3A_81 : i32 to vector<16xi32>
      %eq3A_118 = arith.cmpi eq, %iota3A_19, %eq3A_117 : vector<16xi32>
      %and3A_119 = vector.broadcast %eq3A_116 : i1 to vector<16xi1>
      %and3A_120 = arith.andi %and3A_119, %eq3A_118 : vector<16xi1>
      %select_n3A_121 = arith.select %and3A_120, %scan3A_17#8, %select_n3A_114 : vector<16xi1>, vector<16xi32>
      %eq3A_122 = arith.constant 4 : i32
      %eq3A_123 = arith.cmpi eq, %reduce_sum3A_88, %eq3A_122 : i32
      %eq3A_124 = vector.broadcast %reduce_sum3A_81 : i32 to vector<16xi32>
      %eq3A_125 = arith.cmpi eq, %iota3A_19, %eq3A_124 : vector<16xi32>
      %and3A_126 = vector.broadcast %eq3A_123 : i1 to vector<16xi1>
      %and3A_127 = arith.andi %and3A_126, %eq3A_125 : vector<16xi1>
      %select_n3A_128 = arith.select %and3A_127, %scan3A_17#9, %select_n3A_121 : vector<16xi1>, vector<16xi32>
      %reduce_sum3A_129 = arith.constant true
      %reduce_sum3A_130 = vector.broadcast %reduce_sum3A_129 : i1 to vector<16xi1>
      %reduce_sum3A_131 = tpu.scan <sum>, %select_n3A_128 masked %reduce_sum3A_130 : vector<16xi32>, vector<16xi1> -> vector<16xi32>
      %reduce_sum3A_132 = vector.extract %reduce_sum3A_131[15] : i32 from vector<16xi32>
      %eq3A_133 = arith.constant 0 : i32
      %eq3A_134 = vector.broadcast %eq3A_133 : i32 to vector<16xi32>
      %eq3A_135 = arith.cmpi eq, %iota3A_19, %eq3A_134 : vector<16xi32>
      %broadcast_in_dim3A_136 = vector.broadcast %reduce_max3A_66 : f32 to vector<16xf32>
      %select_n3A_137 = arith.select %eq3A_135, %broadcast_in_dim3A_136, %broadcast_in_dim3A_21 : vector<16xi1>, vector<16xf32>
      %eq3A_138 = arith.constant 0 : i32
      %eq3A_139 = vector.broadcast %eq3A_138 : i32 to vector<16xi32>
      %eq3A_140 = arith.cmpi eq, %iota3A_19, %eq3A_139 : vector<16xi32>
      %broadcast_in_dim3A_141 = vector.broadcast %reduce_sum3A_132 : i32 to vector<16xi32>
      %select_n3A_142 = arith.select %eq3A_140, %broadcast_in_dim3A_141, %broadcast_in_dim3A_23 : vector<16xi1>, vector<16xi32>
      %broadcast_in_dim3A_143 = arith.constant -1.000000e+30 : f32
      %broadcast_in_dim3A_144 = vector.broadcast %broadcast_in_dim3A_143 : f32 to vector<16xf32>
      %broadcast_in_dim3A_145 = arith.constant 0 : i32
      %broadcast_in_dim3A_146 = vector.broadcast %broadcast_in_dim3A_145 : i32 to vector<16xi32>
      %add3A_147 = arith.constant 0 : i32
      %add3A_148 = vector.broadcast %add3A_147 : i32 to vector<16xi32>
      %add3A_149 = arith.addi %add3A_148, %iota3A_19 : vector<16xi32>
      %eq3A_150 = vector.broadcast %add3A_91 : i32 to vector<16xi32>
      %eq3A_151 = arith.cmpi eq, %add3A_149, %eq3A_150 : vector<16xi32>
      %jit3A_152 = arith.constant -1.000000e+30 : f32
      %broadcast_in_dim3A_153 = vector.broadcast %jit3A_152 : f32 to vector<16xf32>
      %select_n3A_154 = arith.select %eq3A_151, %broadcast_in_dim3A_153, %scan3A_17#0 : vector<16xi1>, vector<16xf32>
      %gt3A_155 = arith.cmpf ogt, %select_n3A_154, %broadcast_in_dim3A_144 : vector<16xf32>
      %select_n3A_156 = arith.select %gt3A_155, %select_n3A_154, %broadcast_in_dim3A_144 : vector<16xi1>, vector<16xf32>
      %jit3A_157 = arith.constant 0 : i32
      %broadcast_in_dim3A_158 = vector.broadcast %jit3A_157 : i32 to vector<16xi32>
      %select_n3A_159 = arith.select %gt3A_155, %broadcast_in_dim3A_158, %broadcast_in_dim3A_146 : vector<16xi1>, vector<16xi32>
      %add3A_160 = arith.constant 16 : i32
      %add3A_161 = vector.broadcast %add3A_160 : i32 to vector<16xi32>
      %add3A_162 = arith.addi %add3A_161, %iota3A_19 : vector<16xi32>
      %eq3A_163 = vector.broadcast %add3A_91 : i32 to vector<16xi32>
      %eq3A_164 = arith.cmpi eq, %add3A_162, %eq3A_163 : vector<16xi32>
      %jit3A_165 = arith.constant -1.000000e+30 : f32
      %broadcast_in_dim3A_166 = vector.broadcast %jit3A_165 : f32 to vector<16xf32>
      %select_n3A_167 = arith.select %eq3A_164, %broadcast_in_dim3A_166, %scan3A_17#1 : vector<16xi1>, vector<16xf32>
      %gt3A_168 = arith.cmpf ogt, %select_n3A_167, %select_n3A_156 : vector<16xf32>
      %select_n3A_169 = arith.select %gt3A_168, %select_n3A_167, %select_n3A_156 : vector<16xi1>, vector<16xf32>
      %jit3A_170 = arith.constant 1 : i32
      %broadcast_in_dim3A_171 = vector.broadcast %jit3A_170 : i32 to vector<16xi32>
      %select_n3A_172 = arith.select %gt3A_168, %broadcast_in_dim3A_171, %select_n3A_159 : vector<16xi1>, vector<16xi32>
      %add3A_173 = arith.constant 32 : i32
      %add3A_174 = vector.broadcast %add3A_173 : i32 to vector<16xi32>
      %add3A_175 = arith.addi %add3A_174, %iota3A_19 : vector<16xi32>
      %eq3A_176 = vector.broadcast %add3A_91 : i32 to vector<16xi32>
      %eq3A_177 = arith.cmpi eq, %add3A_175, %eq3A_176 : vector<16xi32>
      %jit3A_178 = arith.constant -1.000000e+30 : f32
      %broadcast_in_dim3A_179 = vector.broadcast %jit3A_178 : f32 to vector<16xf32>
      %select_n3A_180 = arith.select %eq3A_177, %broadcast_in_dim3A_179, %scan3A_17#2 : vector<16xi1>, vector<16xf32>
      %gt3A_181 = arith.cmpf ogt, %select_n3A_180, %select_n3A_169 : vector<16xf32>
      %select_n3A_182 = arith.select %gt3A_181, %select_n3A_180, %select_n3A_169 : vector<16xi1>, vector<16xf32>
      %jit3A_183 = arith.constant 2 : i32
      %broadcast_in_dim3A_184 = vector.broadcast %jit3A_183 : i32 to vector<16xi32>
      %select_n3A_185 = arith.select %gt3A_181, %broadcast_in_dim3A_184, %select_n3A_172 : vector<16xi1>, vector<16xi32>
      %add3A_186 = arith.constant 48 : i32
      %add3A_187 = vector.broadcast %add3A_186 : i32 to vector<16xi32>
      %add3A_188 = arith.addi %add3A_187, %iota3A_19 : vector<16xi32>
      %eq3A_189 = vector.broadcast %add3A_91 : i32 to vector<16xi32>
      %eq3A_190 = arith.cmpi eq, %add3A_188, %eq3A_189 : vector<16xi32>
      %jit3A_191 = arith.constant -1.000000e+30 : f32
      %broadcast_in_dim3A_192 = vector.broadcast %jit3A_191 : f32 to vector<16xf32>
      %select_n3A_193 = arith.select %eq3A_190, %broadcast_in_dim3A_192, %scan3A_17#3 : vector<16xi1>, vector<16xf32>
      %gt3A_194 = arith.cmpf ogt, %select_n3A_193, %select_n3A_182 : vector<16xf32>
      %select_n3A_195 = arith.select %gt3A_194, %select_n3A_193, %select_n3A_182 : vector<16xi1>, vector<16xf32>
      %jit3A_196 = arith.constant 3 : i32
      %broadcast_in_dim3A_197 = vector.broadcast %jit3A_196 : i32 to vector<16xi32>
      %select_n3A_198 = arith.select %gt3A_194, %broadcast_in_dim3A_197, %select_n3A_185 : vector<16xi1>, vector<16xi32>
      %add3A_199 = arith.constant 64 : i32
      %add3A_200 = vector.broadcast %add3A_199 : i32 to vector<16xi32>
      %add3A_201 = arith.addi %add3A_200, %iota3A_19 : vector<16xi32>
      %eq3A_202 = vector.broadcast %add3A_91 : i32 to vector<16xi32>
      %eq3A_203 = arith.cmpi eq, %add3A_201, %eq3A_202 : vector<16xi32>
      %jit3A_204 = arith.constant -1.000000e+30 : f32
      %broadcast_in_dim3A_205 = vector.broadcast %jit3A_204 : f32 to vector<16xf32>
      %select_n3A_206 = arith.select %eq3A_203, %broadcast_in_dim3A_205, %scan3A_17#4 : vector<16xi1>, vector<16xf32>
      %gt3A_207 = arith.cmpf ogt, %select_n3A_206, %select_n3A_195 : vector<16xf32>
      %select_n3A_208 = arith.select %gt3A_207, %select_n3A_206, %select_n3A_195 : vector<16xi1>, vector<16xf32>
      %jit3A_209 = arith.constant 4 : i32
      %broadcast_in_dim3A_210 = vector.broadcast %jit3A_209 : i32 to vector<16xi32>
      %select_n3A_211 = arith.select %gt3A_207, %broadcast_in_dim3A_210, %select_n3A_198 : vector<16xi1>, vector<16xi32>
      %reduce_max3A_212 = arith.constant true
      %reduce_max3A_213 = vector.broadcast %reduce_max3A_212 : i1 to vector<16xi1>
      %reduce_max3A_214 = tpu.scan <max>, %select_n3A_208 masked %reduce_max3A_213 : vector<16xf32>, vector<16xi1> -> vector<16xf32>
      %reduce_max3A_215 = vector.extract %reduce_max3A_214[15] : f32 from vector<16xf32>
      %eq3A_216 = vector.broadcast %reduce_max3A_215 : f32 to vector<16xf32>
      %eq3A_217 = arith.cmpf oeq, %select_n3A_208, %eq3A_216 : vector<16xf32>
      %convert_element_type3A_218 = arith.extui %eq3A_217 : vector<16xi1> to vector<16xi32>
      %cumsum3A_219 = arith.constant true
      %cumsum3A_220 = vector.broadcast %cumsum3A_219 : i1 to vector<16xi1>
      %cumsum3A_221 = tpu.scan <sum>, %convert_element_type3A_218 masked %cumsum3A_220 : vector<16xi32>, vector<16xi1> -> vector<16xi32>
      %eq3A_222 = arith.constant 1 : i32
      %eq3A_223 = vector.broadcast %eq3A_222 : i32 to vector<16xi32>
      %eq3A_224 = arith.cmpi eq, %cumsum3A_221, %eq3A_223 : vector<16xi32>
      %and3A_225 = arith.andi %eq3A_217, %eq3A_224 : vector<16xi1>
      %jit3A_226 = arith.constant 0 : i32
      %broadcast_in_dim3A_227 = vector.broadcast %jit3A_226 : i32 to vector<16xi32>
      %select_n3A_228 = arith.select %and3A_225, %iota3A_19, %broadcast_in_dim3A_227 : vector<16xi1>, vector<16xi32>
      %reduce_sum3A_229 = arith.constant true
      %reduce_sum3A_230 = vector.broadcast %reduce_sum3A_229 : i1 to vector<16xi1>
      %reduce_sum3A_231 = tpu.scan <sum>, %select_n3A_228 masked %reduce_sum3A_230 : vector<16xi32>, vector<16xi1> -> vector<16xi32>
      %reduce_sum3A_232 = vector.extract %reduce_sum3A_231[15] : i32 from vector<16xi32>
      %jit3A_233 = arith.constant 0 : i32
      %broadcast_in_dim3A_234 = vector.broadcast %jit3A_233 : i32 to vector<16xi32>
      %select_n3A_235 = arith.select %and3A_225, %select_n3A_211, %broadcast_in_dim3A_234 : vector<16xi1>, vector<16xi32>
      %reduce_sum3A_236 = arith.constant true
      %reduce_sum3A_237 = vector.broadcast %reduce_sum3A_236 : i1 to vector<16xi1>
      %reduce_sum3A_238 = tpu.scan <sum>, %select_n3A_235 masked %reduce_sum3A_237 : vector<16xi32>, vector<16xi1> -> vector<16xi32>
      %reduce_sum3A_239 = vector.extract %reduce_sum3A_238[15] : i32 from vector<16xi32>
      %mul3A_240 = arith.constant 16 : i32
      %mul3A_241 = arith.muli %reduce_sum3A_239, %mul3A_240 : i32
      %add3A_242 = arith.addi %mul3A_241, %reduce_sum3A_232 : i32
      %broadcast_in_dim3A_243 = arith.constant 0 : i32
      %broadcast_in_dim3A_244 = vector.broadcast %broadcast_in_dim3A_243 : i32 to vector<16xi32>
      %eq3A_245 = arith.constant 0 : i32
      %eq3A_246 = arith.cmpi eq, %reduce_sum3A_239, %eq3A_245 : i32
      %eq3A_247 = vector.broadcast %reduce_sum3A_232 : i32 to vector<16xi32>
      %eq3A_248 = arith.cmpi eq, %iota3A_19, %eq3A_247 : vector<16xi32>
      %and3A_249 = vector.broadcast %eq3A_246 : i1 to vector<16xi1>
      %and3A_250 = arith.andi %and3A_249, %eq3A_248 : vector<16xi1>
      %select_n3A_251 = arith.select %and3A_250, %scan3A_17#5, %broadcast_in_dim3A_244 : vector<16xi1>, vector<16xi32>
      %eq3A_252 = arith.constant 1 : i32
      %eq3A_253 = arith.cmpi eq, %reduce_sum3A_239, %eq3A_252 : i32
      %eq3A_254 = vector.broadcast %reduce_sum3A_232 : i32 to vector<16xi32>
      %eq3A_255 = arith.cmpi eq, %iota3A_19, %eq3A_254 : vector<16xi32>
      %and3A_256 = vector.broadcast %eq3A_253 : i1 to vector<16xi1>
      %and3A_257 = arith.andi %and3A_256, %eq3A_255 : vector<16xi1>
      %select_n3A_258 = arith.select %and3A_257, %scan3A_17#6, %select_n3A_251 : vector<16xi1>, vector<16xi32>
      %eq3A_259 = arith.constant 2 : i32
      %eq3A_260 = arith.cmpi eq, %reduce_sum3A_239, %eq3A_259 : i32
      %eq3A_261 = vector.broadcast %reduce_sum3A_232 : i32 to vector<16xi32>
      %eq3A_262 = arith.cmpi eq, %iota3A_19, %eq3A_261 : vector<16xi32>
      %and3A_263 = vector.broadcast %eq3A_260 : i1 to vector<16xi1>
      %and3A_264 = arith.andi %and3A_263, %eq3A_262 : vector<16xi1>
      %select_n3A_265 = arith.select %and3A_264, %scan3A_17#7, %select_n3A_258 : vector<16xi1>, vector<16xi32>
      %eq3A_266 = arith.constant 3 : i32
      %eq3A_267 = arith.cmpi eq, %reduce_sum3A_239, %eq3A_266 : i32
      %eq3A_268 = vector.broadcast %reduce_sum3A_232 : i32 to vector<16xi32>
      %eq3A_269 = arith.cmpi eq, %iota3A_19, %eq3A_268 : vector<16xi32>
      %and3A_270 = vector.broadcast %eq3A_267 : i1 to vector<16xi1>
      %and3A_271 = arith.andi %and3A_270, %eq3A_269 : vector<16xi1>
      %select_n3A_272 = arith.select %and3A_271, %scan3A_17#8, %select_n3A_265 : vector<16xi1>, vector<16xi32>
      %eq3A_273 = arith.constant 4 : i32
      %eq3A_274 = arith.cmpi eq, %reduce_sum3A_239, %eq3A_273 : i32
      %eq3A_275 = vector.broadcast %reduce_sum3A_232 : i32 to vector<16xi32>
      %eq3A_276 = arith.cmpi eq, %iota3A_19, %eq3A_275 : vector<16xi32>
      %and3A_277 = vector.broadcast %eq3A_274 : i1 to vector<16xi1>
      %and3A_278 = arith.andi %and3A_277, %eq3A_276 : vector<16xi1>
      %select_n3A_279 = arith.select %and3A_278, %scan3A_17#9, %select_n3A_272 : vector<16xi1>, vector<16xi32>
      %reduce_sum3A_280 = arith.constant true
      %reduce_sum3A_281 = vector.broadcast %reduce_sum3A_280 : i1 to vector<16xi1>
      %reduce_sum3A_282 = tpu.scan <sum>, %select_n3A_279 masked %reduce_sum3A_281 : vector<16xi32>, vector<16xi1> -> vector<16xi32>
      %reduce_sum3A_283 = vector.extract %reduce_sum3A_282[15] : i32 from vector<16xi32>
      %eq3A_284 = arith.constant 1 : i32
      %eq3A_285 = vector.broadcast %eq3A_284 : i32 to vector<16xi32>
      %eq3A_286 = arith.cmpi eq, %iota3A_19, %eq3A_285 : vector<16xi32>
      %broadcast_in_dim3A_287 = vector.broadcast %reduce_max3A_215 : f32 to vector<16xf32>
      %select_n3A_288 = arith.select %eq3A_286, %broadcast_in_dim3A_287, %select_n3A_137 : vector<16xi1>, vector<16xf32>
      %eq3A_289 = arith.constant 1 : i32
      %eq3A_290 = vector.broadcast %eq3A_289 : i32 to vector<16xi32>
      %eq3A_291 = arith.cmpi eq, %iota3A_19, %eq3A_290 : vector<16xi32>
      %broadcast_in_dim3A_292 = vector.broadcast %reduce_sum3A_283 : i32 to vector<16xi32>
      %select_n3A_293 = arith.select %eq3A_291, %broadcast_in_dim3A_292, %select_n3A_142 : vector<16xi1>, vector<16xi32>
      %broadcast_in_dim3A_294 = arith.constant -1.000000e+30 : f32
      %broadcast_in_dim3A_295 = vector.broadcast %broadcast_in_dim3A_294 : f32 to vector<16xf32>
      %broadcast_in_dim3A_296 = arith.constant 0 : i32
      %broadcast_in_dim3A_297 = vector.broadcast %broadcast_in_dim3A_296 : i32 to vector<16xi32>
      %add3A_298 = arith.constant 0 : i32
      %add3A_299 = vector.broadcast %add3A_298 : i32 to vector<16xi32>
      %add3A_300 = arith.addi %add3A_299, %iota3A_19 : vector<16xi32>
      %eq3A_301 = vector.broadcast %add3A_91 : i32 to vector<16xi32>
      %eq3A_302 = arith.cmpi eq, %add3A_300, %eq3A_301 : vector<16xi32>
      %jit3A_303 = arith.constant -1.000000e+30 : f32
      %broadcast_in_dim3A_304 = vector.broadcast %jit3A_303 : f32 to vector<16xf32>
      %select_n3A_305 = arith.select %eq3A_302, %broadcast_in_dim3A_304, %scan3A_17#0 : vector<16xi1>, vector<16xf32>
      %eq3A_306 = vector.broadcast %add3A_242 : i32 to vector<16xi32>
      %eq3A_307 = arith.cmpi eq, %add3A_300, %eq3A_306 : vector<16xi32>
      %jit3A_308 = arith.constant -1.000000e+30 : f32
      %broadcast_in_dim3A_309 = vector.broadcast %jit3A_308 : f32 to vector<16xf32>
      %select_n3A_310 = arith.select %eq3A_307, %broadcast_in_dim3A_309, %select_n3A_305 : vector<16xi1>, vector<16xf32>
      %gt3A_311 = arith.cmpf ogt, %select_n3A_310, %broadcast_in_dim3A_295 : vector<16xf32>
      %select_n3A_312 = arith.select %gt3A_311, %select_n3A_310, %broadcast_in_dim3A_295 : vector<16xi1>, vector<16xf32>
      %jit3A_313 = arith.constant 0 : i32
      %broadcast_in_dim3A_314 = vector.broadcast %jit3A_313 : i32 to vector<16xi32>
      %select_n3A_315 = arith.select %gt3A_311, %broadcast_in_dim3A_314, %broadcast_in_dim3A_297 : vector<16xi1>, vector<16xi32>
      %add3A_316 = arith.constant 16 : i32
      %add3A_317 = vector.broadcast %add3A_316 : i32 to vector<16xi32>
      %add3A_318 = arith.addi %add3A_317, %iota3A_19 : vector<16xi32>
      %eq3A_319 = vector.broadcast %add3A_91 : i32 to vector<16xi32>
      %eq3A_320 = arith.cmpi eq, %add3A_318, %eq3A_319 : vector<16xi32>
      %jit3A_321 = arith.constant -1.000000e+30 : f32
      %broadcast_in_dim3A_322 = vector.broadcast %jit3A_321 : f32 to vector<16xf32>
      %select_n3A_323 = arith.select %eq3A_320, %broadcast_in_dim3A_322, %scan3A_17#1 : vector<16xi1>, vector<16xf32>
      %eq3A_324 = vector.broadcast %add3A_242 : i32 to vector<16xi32>
      %eq3A_325 = arith.cmpi eq, %add3A_318, %eq3A_324 : vector<16xi32>
      %jit3A_326 = arith.constant -1.000000e+30 : f32
      %broadcast_in_dim3A_327 = vector.broadcast %jit3A_326 : f32 to vector<16xf32>
      %select_n3A_328 = arith.select %eq3A_325, %broadcast_in_dim3A_327, %select_n3A_323 : vector<16xi1>, vector<16xf32>
      %gt3A_329 = arith.cmpf ogt, %select_n3A_328, %select_n3A_312 : vector<16xf32>
      %select_n3A_330 = arith.select %gt3A_329, %select_n3A_328, %select_n3A_312 : vector<16xi1>, vector<16xf32>
      %jit3A_331 = arith.constant 1 : i32
      %broadcast_in_dim3A_332 = vector.broadcast %jit3A_331 : i32 to vector<16xi32>
      %select_n3A_333 = arith.select %gt3A_329, %broadcast_in_dim3A_332, %select_n3A_315 : vector<16xi1>, vector<16xi32>
      %add3A_334 = arith.constant 32 : i32
      %add3A_335 = vector.broadcast %add3A_334 : i32 to vector<16xi32>
      %add3A_336 = arith.addi %add3A_335, %iota3A_19 : vector<16xi32>
      %eq3A_337 = vector.broadcast %add3A_91 : i32 to vector<16xi32>
      %eq3A_338 = arith.cmpi eq, %add3A_336, %eq3A_337 : vector<16xi32>
      %jit3A_339 = arith.constant -1.000000e+30 : f32
      %broadcast_in_dim3A_340 = vector.broadcast %jit3A_339 : f32 to vector<16xf32>
      %select_n3A_341 = arith.select %eq3A_338, %broadcast_in_dim3A_340, %scan3A_17#2 : vector<16xi1>, vector<16xf32>
      %eq3A_342 = vector.broadcast %add3A_242 : i32 to vector<16xi32>
      %eq3A_343 = arith.cmpi eq, %add3A_336, %eq3A_342 : vector<16xi32>
      %jit3A_344 = arith.constant -1.000000e+30 : f32
      %broadcast_in_dim3A_345 = vector.broadcast %jit3A_344 : f32 to vector<16xf32>
      %select_n3A_346 = arith.select %eq3A_343, %broadcast_in_dim3A_345, %select_n3A_341 : vector<16xi1>, vector<16xf32>
      %gt3A_347 = arith.cmpf ogt, %select_n3A_346, %select_n3A_330 : vector<16xf32>
      %select_n3A_348 = arith.select %gt3A_347, %select_n3A_346, %select_n3A_330 : vector<16xi1>, vector<16xf32>
      %jit3A_349 = arith.constant 2 : i32
      %broadcast_in_dim3A_350 = vector.broadcast %jit3A_349 : i32 to vector<16xi32>
      %select_n3A_351 = arith.select %gt3A_347, %broadcast_in_dim3A_350, %select_n3A_333 : vector<16xi1>, vector<16xi32>
      %add3A_352 = arith.constant 48 : i32
      %add3A_353 = vector.broadcast %add3A_352 : i32 to vector<16xi32>
      %add3A_354 = arith.addi %add3A_353, %iota3A_19 : vector<16xi32>
      %eq3A_355 = vector.broadcast %add3A_91 : i32 to vector<16xi32>
      %eq3A_356 = arith.cmpi eq, %add3A_354, %eq3A_355 : vector<16xi32>
      %jit3A_357 = arith.constant -1.000000e+30 : f32
      %broadcast_in_dim3A_358 = vector.broadcast %jit3A_357 : f32 to vector<16xf32>
      %select_n3A_359 = arith.select %eq3A_356, %broadcast_in_dim3A_358, %scan3A_17#3 : vector<16xi1>, vector<16xf32>
      %eq3A_360 = vector.broadcast %add3A_242 : i32 to vector<16xi32>
      %eq3A_361 = arith.cmpi eq, %add3A_354, %eq3A_360 : vector<16xi32>
      %jit3A_362 = arith.constant -1.000000e+30 : f32
      %broadcast_in_dim3A_363 = vector.broadcast %jit3A_362 : f32 to vector<16xf32>
      %select_n3A_364 = arith.select %eq3A_361, %broadcast_in_dim3A_363, %select_n3A_359 : vector<16xi1>, vector<16xf32>
      %gt3A_365 = arith.cmpf ogt, %select_n3A_364, %select_n3A_348 : vector<16xf32>
      %select_n3A_366 = arith.select %gt3A_365, %select_n3A_364, %select_n3A_348 : vector<16xi1>, vector<16xf32>
      %jit3A_367 = arith.constant 3 : i32
      %broadcast_in_dim3A_368 = vector.broadcast %jit3A_367 : i32 to vector<16xi32>
      %select_n3A_369 = arith.select %gt3A_365, %broadcast_in_dim3A_368, %select_n3A_351 : vector<16xi1>, vector<16xi32>
      %add3A_370 = arith.constant 64 : i32
      %add3A_371 = vector.broadcast %add3A_370 : i32 to vector<16xi32>
      %add3A_372 = arith.addi %add3A_371, %iota3A_19 : vector<16xi32>
      %eq3A_373 = vector.broadcast %add3A_91 : i32 to vector<16xi32>
      %eq3A_374 = arith.cmpi eq, %add3A_372, %eq3A_373 : vector<16xi32>
      %jit3A_375 = arith.constant -1.000000e+30 : f32
      %broadcast_in_dim3A_376 = vector.broadcast %jit3A_375 : f32 to vector<16xf32>
      %select_n3A_377 = arith.select %eq3A_374, %broadcast_in_dim3A_376, %scan3A_17#4 : vector<16xi1>, vector<16xf32>
      %eq3A_378 = vector.broadcast %add3A_242 : i32 to vector<16xi32>
      %eq3A_379 = arith.cmpi eq, %add3A_372, %eq3A_378 : vector<16xi32>
      %jit3A_380 = arith.constant -1.000000e+30 : f32
      %broadcast_in_dim3A_381 = vector.broadcast %jit3A_380 : f32 to vector<16xf32>
      %select_n3A_382 = arith.select %eq3A_379, %broadcast_in_dim3A_381, %select_n3A_377 : vector<16xi1>, vector<16xf32>
      %gt3A_383 = arith.cmpf ogt, %select_n3A_382, %select_n3A_366 : vector<16xf32>
      %select_n3A_384 = arith.select %gt3A_383, %select_n3A_382, %select_n3A_366 : vector<16xi1>, vector<16xf32>
      %jit3A_385 = arith.constant 4 : i32
      %broadcast_in_dim3A_386 = vector.broadcast %jit3A_385 : i32 to vector<16xi32>
      %select_n3A_387 = arith.select %gt3A_383, %broadcast_in_dim3A_386, %select_n3A_369 : vector<16xi1>, vector<16xi32>
      %reduce_max3A_388 = arith.constant true
      %reduce_max3A_389 = vector.broadcast %reduce_max3A_388 : i1 to vector<16xi1>
      %reduce_max3A_390 = tpu.scan <max>, %select_n3A_384 masked %reduce_max3A_389 : vector<16xf32>, vector<16xi1> -> vector<16xf32>
      %reduce_max3A_391 = vector.extract %reduce_max3A_390[15] : f32 from vector<16xf32>
      %eq3A_392 = vector.broadcast %reduce_max3A_391 : f32 to vector<16xf32>
      %eq3A_393 = arith.cmpf oeq, %select_n3A_384, %eq3A_392 : vector<16xf32>
      %convert_element_type3A_394 = arith.extui %eq3A_393 : vector<16xi1> to vector<16xi32>
      %cumsum3A_395 = arith.constant true
      %cumsum3A_396 = vector.broadcast %cumsum3A_395 : i1 to vector<16xi1>
      %cumsum3A_397 = tpu.scan <sum>, %convert_element_type3A_394 masked %cumsum3A_396 : vector<16xi32>, vector<16xi1> -> vector<16xi32>
      %eq3A_398 = arith.constant 1 : i32
      %eq3A_399 = vector.broadcast %eq3A_398 : i32 to vector<16xi32>
      %eq3A_400 = arith.cmpi eq, %cumsum3A_397, %eq3A_399 : vector<16xi32>
      %and3A_401 = arith.andi %eq3A_393, %eq3A_400 : vector<16xi1>
      %jit3A_402 = arith.constant 0 : i32
      %broadcast_in_dim3A_403 = vector.broadcast %jit3A_402 : i32 to vector<16xi32>
      %select_n3A_404 = arith.select %and3A_401, %iota3A_19, %broadcast_in_dim3A_403 : vector<16xi1>, vector<16xi32>
      %reduce_sum3A_405 = arith.constant true
      %reduce_sum3A_406 = vector.broadcast %reduce_sum3A_405 : i1 to vector<16xi1>
      %reduce_sum3A_407 = tpu.scan <sum>, %select_n3A_404 masked %reduce_sum3A_406 : vector<16xi32>, vector<16xi1> -> vector<16xi32>
      %reduce_sum3A_408 = vector.extract %reduce_sum3A_407[15] : i32 from vector<16xi32>
      %jit3A_409 = arith.constant 0 : i32
      %broadcast_in_dim3A_410 = vector.broadcast %jit3A_409 : i32 to vector<16xi32>
      %select_n3A_411 = arith.select %and3A_401, %select_n3A_387, %broadcast_in_dim3A_410 : vector<16xi1>, vector<16xi32>
      %reduce_sum3A_412 = arith.constant true
      %reduce_sum3A_413 = vector.broadcast %reduce_sum3A_412 : i1 to vector<16xi1>
      %reduce_sum3A_414 = tpu.scan <sum>, %select_n3A_411 masked %reduce_sum3A_413 : vector<16xi32>, vector<16xi1> -> vector<16xi32>
      %reduce_sum3A_415 = vector.extract %reduce_sum3A_414[15] : i32 from vector<16xi32>
      %mul3A_416 = arith.constant 16 : i32
      %mul3A_417 = arith.muli %reduce_sum3A_415, %mul3A_416 : i32
      %add3A_418 = arith.addi %mul3A_417, %reduce_sum3A_408 : i32
      %broadcast_in_dim3A_419 = arith.constant 0 : i32
      %broadcast_in_dim3A_420 = vector.broadcast %broadcast_in_dim3A_419 : i32 to vector<16xi32>
      %eq3A_421 = arith.constant 0 : i32
      %eq3A_422 = arith.cmpi eq, %reduce_sum3A_415, %eq3A_421 : i32
      %eq3A_423 = vector.broadcast %reduce_sum3A_408 : i32 to vector<16xi32>
      %eq3A_424 = arith.cmpi eq, %iota3A_19, %eq3A_423 : vector<16xi32>
      %and3A_425 = vector.broadcast %eq3A_422 : i1 to vector<16xi1>
      %and3A_426 = arith.andi %and3A_425, %eq3A_424 : vector<16xi1>
      %select_n3A_427 = arith.select %and3A_426, %scan3A_17#5, %broadcast_in_dim3A_420 : vector<16xi1>, vector<16xi32>
      %eq3A_428 = arith.constant 1 : i32
      %eq3A_429 = arith.cmpi eq, %reduce_sum3A_415, %eq3A_428 : i32
      %eq3A_430 = vector.broadcast %reduce_sum3A_408 : i32 to vector<16xi32>
      %eq3A_431 = arith.cmpi eq, %iota3A_19, %eq3A_430 : vector<16xi32>
      %and3A_432 = vector.broadcast %eq3A_429 : i1 to vector<16xi1>
      %and3A_433 = arith.andi %and3A_432, %eq3A_431 : vector<16xi1>
      %select_n3A_434 = arith.select %and3A_433, %scan3A_17#6, %select_n3A_427 : vector<16xi1>, vector<16xi32>
      %eq3A_435 = arith.constant 2 : i32
      %eq3A_436 = arith.cmpi eq, %reduce_sum3A_415, %eq3A_435 : i32
      %eq3A_437 = vector.broadcast %reduce_sum3A_408 : i32 to vector<16xi32>
      %eq3A_438 = arith.cmpi eq, %iota3A_19, %eq3A_437 : vector<16xi32>
      %and3A_439 = vector.broadcast %eq3A_436 : i1 to vector<16xi1>
      %and3A_440 = arith.andi %and3A_439, %eq3A_438 : vector<16xi1>
      %select_n3A_441 = arith.select %and3A_440, %scan3A_17#7, %select_n3A_434 : vector<16xi1>, vector<16xi32>
      %eq3A_442 = arith.constant 3 : i32
      %eq3A_443 = arith.cmpi eq, %reduce_sum3A_415, %eq3A_442 : i32
      %eq3A_444 = vector.broadcast %reduce_sum3A_408 : i32 to vector<16xi32>
      %eq3A_445 = arith.cmpi eq, %iota3A_19, %eq3A_444 : vector<16xi32>
      %and3A_446 = vector.broadcast %eq3A_443 : i1 to vector<16xi1>
      %and3A_447 = arith.andi %and3A_446, %eq3A_445 : vector<16xi1>
      %select_n3A_448 = arith.select %and3A_447, %scan3A_17#8, %select_n3A_441 : vector<16xi1>, vector<16xi32>
      %eq3A_449 = arith.constant 4 : i32
      %eq3A_450 = arith.cmpi eq, %reduce_sum3A_415, %eq3A_449 : i32
      %eq3A_451 = vector.broadcast %reduce_sum3A_408 : i32 to vector<16xi32>
      %eq3A_452 = arith.cmpi eq, %iota3A_19, %eq3A_451 : vector<16xi32>
      %and3A_453 = vector.broadcast %eq3A_450 : i1 to vector<16xi1>
      %and3A_454 = arith.andi %and3A_453, %eq3A_452 : vector<16xi1>
      %select_n3A_455 = arith.select %and3A_454, %scan3A_17#9, %select_n3A_448 : vector<16xi1>, vector<16xi32>
      %reduce_sum3A_456 = arith.constant true
      %reduce_sum3A_457 = vector.broadcast %reduce_sum3A_456 : i1 to vector<16xi1>
      %reduce_sum3A_458 = tpu.scan <sum>, %select_n3A_455 masked %reduce_sum3A_457 : vector<16xi32>, vector<16xi1> -> vector<16xi32>
      %reduce_sum3A_459 = vector.extract %reduce_sum3A_458[15] : i32 from vector<16xi32>
      %eq3A_460 = arith.constant 2 : i32
      %eq3A_461 = vector.broadcast %eq3A_460 : i32 to vector<16xi32>
      %eq3A_462 = arith.cmpi eq, %iota3A_19, %eq3A_461 : vector<16xi32>
      %broadcast_in_dim3A_463 = vector.broadcast %reduce_max3A_391 : f32 to vector<16xf32>
      %select_n3A_464 = arith.select %eq3A_462, %broadcast_in_dim3A_463, %select_n3A_288 : vector<16xi1>, vector<16xf32>
      %eq3A_465 = arith.constant 2 : i32
      %eq3A_466 = vector.broadcast %eq3A_465 : i32 to vector<16xi32>
      %eq3A_467 = arith.cmpi eq, %iota3A_19, %eq3A_466 : vector<16xi32>
      %broadcast_in_dim3A_468 = vector.broadcast %reduce_sum3A_459 : i32 to vector<16xi32>
      %select_n3A_469 = arith.select %eq3A_467, %broadcast_in_dim3A_468, %select_n3A_293 : vector<16xi1>, vector<16xi32>
      %broadcast_in_dim3A_470 = arith.constant -1.000000e+30 : f32
      %broadcast_in_dim3A_471 = vector.broadcast %broadcast_in_dim3A_470 : f32 to vector<16xf32>
      %broadcast_in_dim3A_472 = arith.constant 0 : i32
      %broadcast_in_dim3A_473 = vector.broadcast %broadcast_in_dim3A_472 : i32 to vector<16xi32>
      %add3A_474 = arith.constant 0 : i32
      %add3A_475 = vector.broadcast %add3A_474 : i32 to vector<16xi32>
      %add3A_476 = arith.addi %add3A_475, %iota3A_19 : vector<16xi32>
      %eq3A_477 = vector.broadcast %add3A_91 : i32 to vector<16xi32>
      %eq3A_478 = arith.cmpi eq, %add3A_476, %eq3A_477 : vector<16xi32>
      %jit3A_479 = arith.constant -1.000000e+30 : f32
      %broadcast_in_dim3A_480 = vector.broadcast %jit3A_479 : f32 to vector<16xf32>
      %select_n3A_481 = arith.select %eq3A_478, %broadcast_in_dim3A_480, %scan3A_17#0 : vector<16xi1>, vector<16xf32>
      %eq3A_482 = vector.broadcast %add3A_242 : i32 to vector<16xi32>
      %eq3A_483 = arith.cmpi eq, %add3A_476, %eq3A_482 : vector<16xi32>
      %jit3A_484 = arith.constant -1.000000e+30 : f32
      %broadcast_in_dim3A_485 = vector.broadcast %jit3A_484 : f32 to vector<16xf32>
      %select_n3A_486 = arith.select %eq3A_483, %broadcast_in_dim3A_485, %select_n3A_481 : vector<16xi1>, vector<16xf32>
      %eq3A_487 = vector.broadcast %add3A_418 : i32 to vector<16xi32>
      %eq3A_488 = arith.cmpi eq, %add3A_476, %eq3A_487 : vector<16xi32>
      %jit3A_489 = arith.constant -1.000000e+30 : f32
      %broadcast_in_dim3A_490 = vector.broadcast %jit3A_489 : f32 to vector<16xf32>
      %select_n3A_491 = arith.select %eq3A_488, %broadcast_in_dim3A_490, %select_n3A_486 : vector<16xi1>, vector<16xf32>
      %gt3A_492 = arith.cmpf ogt, %select_n3A_491, %broadcast_in_dim3A_471 : vector<16xf32>
      %select_n3A_493 = arith.select %gt3A_492, %select_n3A_491, %broadcast_in_dim3A_471 : vector<16xi1>, vector<16xf32>
      %jit3A_494 = arith.constant 0 : i32
      %broadcast_in_dim3A_495 = vector.broadcast %jit3A_494 : i32 to vector<16xi32>
      %select_n3A_496 = arith.select %gt3A_492, %broadcast_in_dim3A_495, %broadcast_in_dim3A_473 : vector<16xi1>, vector<16xi32>
      %add3A_497 = arith.constant 16 : i32
      %add3A_498 = vector.broadcast %add3A_497 : i32 to vector<16xi32>
      %add3A_499 = arith.addi %add3A_498, %iota3A_19 : vector<16xi32>
      %eq3A_500 = vector.broadcast %add3A_91 : i32 to vector<16xi32>
      %eq3A_501 = arith.cmpi eq, %add3A_499, %eq3A_500 : vector<16xi32>
      %jit3A_502 = arith.constant -1.000000e+30 : f32
      %broadcast_in_dim3A_503 = vector.broadcast %jit3A_502 : f32 to vector<16xf32>
      %select_n3A_504 = arith.select %eq3A_501, %broadcast_in_dim3A_503, %scan3A_17#1 : vector<16xi1>, vector<16xf32>
      %eq3A_505 = vector.broadcast %add3A_242 : i32 to vector<16xi32>
      %eq3A_506 = arith.cmpi eq, %add3A_499, %eq3A_505 : vector<16xi32>
      %jit3A_507 = arith.constant -1.000000e+30 : f32
      %broadcast_in_dim3A_508 = vector.broadcast %jit3A_507 : f32 to vector<16xf32>
      %select_n3A_509 = arith.select %eq3A_506, %broadcast_in_dim3A_508, %select_n3A_504 : vector<16xi1>, vector<16xf32>
      %eq3A_510 = vector.broadcast %add3A_418 : i32 to vector<16xi32>
      %eq3A_511 = arith.cmpi eq, %add3A_499, %eq3A_510 : vector<16xi32>
      %jit3A_512 = arith.constant -1.000000e+30 : f32
      %broadcast_in_dim3A_513 = vector.broadcast %jit3A_512 : f32 to vector<16xf32>
      %select_n3A_514 = arith.select %eq3A_511, %broadcast_in_dim3A_513, %select_n3A_509 : vector<16xi1>, vector<16xf32>
      %gt3A_515 = arith.cmpf ogt, %select_n3A_514, %select_n3A_493 : vector<16xf32>
      %select_n3A_516 = arith.select %gt3A_515, %select_n3A_514, %select_n3A_493 : vector<16xi1>, vector<16xf32>
      %jit3A_517 = arith.constant 1 : i32
      %broadcast_in_dim3A_518 = vector.broadcast %jit3A_517 : i32 to vector<16xi32>
      %select_n3A_519 = arith.select %gt3A_515, %broadcast_in_dim3A_518, %select_n3A_496 : vector<16xi1>, vector<16xi32>
      %add3A_520 = arith.constant 32 : i32
      %add3A_521 = vector.broadcast %add3A_520 : i32 to vector<16xi32>
      %add3A_522 = arith.addi %add3A_521, %iota3A_19 : vector<16xi32>
      %eq3A_523 = vector.broadcast %add3A_91 : i32 to vector<16xi32>
      %eq3A_524 = arith.cmpi eq, %add3A_522, %eq3A_523 : vector<16xi32>
      %jit3A_525 = arith.constant -1.000000e+30 : f32
      %broadcast_in_dim3A_526 = vector.broadcast %jit3A_525 : f32 to vector<16xf32>
      %select_n3A_527 = arith.select %eq3A_524, %broadcast_in_dim3A_526, %scan3A_17#2 : vector<16xi1>, vector<16xf32>
      %eq3A_528 = vector.broadcast %add3A_242 : i32 to vector<16xi32>
      %eq3A_529 = arith.cmpi eq, %add3A_522, %eq3A_528 : vector<16xi32>
      %jit3A_530 = arith.constant -1.000000e+30 : f32
      %broadcast_in_dim3A_531 = vector.broadcast %jit3A_530 : f32 to vector<16xf32>
      %select_n3A_532 = arith.select %eq3A_529, %broadcast_in_dim3A_531, %select_n3A_527 : vector<16xi1>, vector<16xf32>
      %eq3A_533 = vector.broadcast %add3A_418 : i32 to vector<16xi32>
      %eq3A_534 = arith.cmpi eq, %add3A_522, %eq3A_533 : vector<16xi32>
      %jit3A_535 = arith.constant -1.000000e+30 : f32
      %broadcast_in_dim3A_536 = vector.broadcast %jit3A_535 : f32 to vector<16xf32>
      %select_n3A_537 = arith.select %eq3A_534, %broadcast_in_dim3A_536, %select_n3A_532 : vector<16xi1>, vector<16xf32>
      %gt3A_538 = arith.cmpf ogt, %select_n3A_537, %select_n3A_516 : vector<16xf32>
      %select_n3A_539 = arith.select %gt3A_538, %select_n3A_537, %select_n3A_516 : vector<16xi1>, vector<16xf32>
      %jit3A_540 = arith.constant 2 : i32
      %broadcast_in_dim3A_541 = vector.broadcast %jit3A_540 : i32 to vector<16xi32>
      %select_n3A_542 = arith.select %gt3A_538, %broadcast_in_dim3A_541, %select_n3A_519 : vector<16xi1>, vector<16xi32>
      %add3A_543 = arith.constant 48 : i32
      %add3A_544 = vector.broadcast %add3A_543 : i32 to vector<16xi32>
      %add3A_545 = arith.addi %add3A_544, %iota3A_19 : vector<16xi32>
      %eq3A_546 = vector.broadcast %add3A_91 : i32 to vector<16xi32>
      %eq3A_547 = arith.cmpi eq, %add3A_545, %eq3A_546 : vector<16xi32>
      %jit3A_548 = arith.constant -1.000000e+30 : f32
      %broadcast_in_dim3A_549 = vector.broadcast %jit3A_548 : f32 to vector<16xf32>
      %select_n3A_550 = arith.select %eq3A_547, %broadcast_in_dim3A_549, %scan3A_17#3 : vector<16xi1>, vector<16xf32>
      %eq3A_551 = vector.broadcast %add3A_242 : i32 to vector<16xi32>
      %eq3A_552 = arith.cmpi eq, %add3A_545, %eq3A_551 : vector<16xi32>
      %jit3A_553 = arith.constant -1.000000e+30 : f32
      %broadcast_in_dim3A_554 = vector.broadcast %jit3A_553 : f32 to vector<16xf32>
      %select_n3A_555 = arith.select %eq3A_552, %broadcast_in_dim3A_554, %select_n3A_550 : vector<16xi1>, vector<16xf32>
      %eq3A_556 = vector.broadcast %add3A_418 : i32 to vector<16xi32>
      %eq3A_557 = arith.cmpi eq, %add3A_545, %eq3A_556 : vector<16xi32>
      %jit3A_558 = arith.constant -1.000000e+30 : f32
      %broadcast_in_dim3A_559 = vector.broadcast %jit3A_558 : f32 to vector<16xf32>
      %select_n3A_560 = arith.select %eq3A_557, %broadcast_in_dim3A_559, %select_n3A_555 : vector<16xi1>, vector<16xf32>
      %gt3A_561 = arith.cmpf ogt, %select_n3A_560, %select_n3A_539 : vector<16xf32>
      %select_n3A_562 = arith.select %gt3A_561, %select_n3A_560, %select_n3A_539 : vector<16xi1>, vector<16xf32>
      %jit3A_563 = arith.constant 3 : i32
      %broadcast_in_dim3A_564 = vector.broadcast %jit3A_563 : i32 to vector<16xi32>
      %select_n3A_565 = arith.select %gt3A_561, %broadcast_in_dim3A_564, %select_n3A_542 : vector<16xi1>, vector<16xi32>
      %add3A_566 = arith.constant 64 : i32
      %add3A_567 = vector.broadcast %add3A_566 : i32 to vector<16xi32>
      %add3A_568 = arith.addi %add3A_567, %iota3A_19 : vector<16xi32>
      %eq3A_569 = vector.broadcast %add3A_91 : i32 to vector<16xi32>
      %eq3A_570 = arith.cmpi eq, %add3A_568, %eq3A_569 : vector<16xi32>
      %jit3A_571 = arith.constant -1.000000e+30 : f32
      %broadcast_in_dim3A_572 = vector.broadcast %jit3A_571 : f32 to vector<16xf32>
      %select_n3A_573 = arith.select %eq3A_570, %broadcast_in_dim3A_572, %scan3A_17#4 : vector<16xi1>, vector<16xf32>
      %eq3A_574 = vector.broadcast %add3A_242 : i32 to vector<16xi32>
      %eq3A_575 = arith.cmpi eq, %add3A_568, %eq3A_574 : vector<16xi32>
      %jit3A_576 = arith.constant -1.000000e+30 : f32
      %broadcast_in_dim3A_577 = vector.broadcast %jit3A_576 : f32 to vector<16xf32>
      %select_n3A_578 = arith.select %eq3A_575, %broadcast_in_dim3A_577, %select_n3A_573 : vector<16xi1>, vector<16xf32>
      %eq3A_579 = vector.broadcast %add3A_418 : i32 to vector<16xi32>
      %eq3A_580 = arith.cmpi eq, %add3A_568, %eq3A_579 : vector<16xi32>
      %jit3A_581 = arith.constant -1.000000e+30 : f32
      %broadcast_in_dim3A_582 = vector.broadcast %jit3A_581 : f32 to vector<16xf32>
      %select_n3A_583 = arith.select %eq3A_580, %broadcast_in_dim3A_582, %select_n3A_578 : vector<16xi1>, vector<16xf32>
      %gt3A_584 = arith.cmpf ogt, %select_n3A_583, %select_n3A_562 : vector<16xf32>
      %select_n3A_585 = arith.select %gt3A_584, %select_n3A_583, %select_n3A_562 : vector<16xi1>, vector<16xf32>
      %jit3A_586 = arith.constant 4 : i32
      %broadcast_in_dim3A_587 = vector.broadcast %jit3A_586 : i32 to vector<16xi32>
      %select_n3A_588 = arith.select %gt3A_584, %broadcast_in_dim3A_587, %select_n3A_565 : vector<16xi1>, vector<16xi32>
      %reduce_max3A_589 = arith.constant true
      %reduce_max3A_590 = vector.broadcast %reduce_max3A_589 : i1 to vector<16xi1>
      %reduce_max3A_591 = tpu.scan <max>, %select_n3A_585 masked %reduce_max3A_590 : vector<16xf32>, vector<16xi1> -> vector<16xf32>
      %reduce_max3A_592 = vector.extract %reduce_max3A_591[15] : f32 from vector<16xf32>
      %eq3A_593 = vector.broadcast %reduce_max3A_592 : f32 to vector<16xf32>
      %eq3A_594 = arith.cmpf oeq, %select_n3A_585, %eq3A_593 : vector<16xf32>
      %convert_element_type3A_595 = arith.extui %eq3A_594 : vector<16xi1> to vector<16xi32>
      %cumsum3A_596 = arith.constant true
      %cumsum3A_597 = vector.broadcast %cumsum3A_596 : i1 to vector<16xi1>
      %cumsum3A_598 = tpu.scan <sum>, %convert_element_type3A_595 masked %cumsum3A_597 : vector<16xi32>, vector<16xi1> -> vector<16xi32>
      %eq3A_599 = arith.constant 1 : i32
      %eq3A_600 = vector.broadcast %eq3A_599 : i32 to vector<16xi32>
      %eq3A_601 = arith.cmpi eq, %cumsum3A_598, %eq3A_600 : vector<16xi32>
      %and3A_602 = arith.andi %eq3A_594, %eq3A_601 : vector<16xi1>
      %jit3A_603 = arith.constant 0 : i32
      %broadcast_in_dim3A_604 = vector.broadcast %jit3A_603 : i32 to vector<16xi32>
      %select_n3A_605 = arith.select %and3A_602, %iota3A_19, %broadcast_in_dim3A_604 : vector<16xi1>, vector<16xi32>
      %reduce_sum3A_606 = arith.constant true
      %reduce_sum3A_607 = vector.broadcast %reduce_sum3A_606 : i1 to vector<16xi1>
      %reduce_sum3A_608 = tpu.scan <sum>, %select_n3A_605 masked %reduce_sum3A_607 : vector<16xi32>, vector<16xi1> -> vector<16xi32>
      %reduce_sum3A_609 = vector.extract %reduce_sum3A_608[15] : i32 from vector<16xi32>
      %jit3A_610 = arith.constant 0 : i32
      %broadcast_in_dim3A_611 = vector.broadcast %jit3A_610 : i32 to vector<16xi32>
      %select_n3A_612 = arith.select %and3A_602, %select_n3A_588, %broadcast_in_dim3A_611 : vector<16xi1>, vector<16xi32>
      %reduce_sum3A_613 = arith.constant true
      %reduce_sum3A_614 = vector.broadcast %reduce_sum3A_613 : i1 to vector<16xi1>
      %reduce_sum3A_615 = tpu.scan <sum>, %select_n3A_612 masked %reduce_sum3A_614 : vector<16xi32>, vector<16xi1> -> vector<16xi32>
      %reduce_sum3A_616 = vector.extract %reduce_sum3A_615[15] : i32 from vector<16xi32>
      %mul3A_617 = arith.constant 16 : i32
      %mul3A_618 = arith.muli %reduce_sum3A_616, %mul3A_617 : i32
      %add3A_619 = arith.addi %mul3A_618, %reduce_sum3A_609 : i32
      %broadcast_in_dim3A_620 = arith.constant 0 : i32
      %broadcast_in_dim3A_621 = vector.broadcast %broadcast_in_dim3A_620 : i32 to vector<16xi32>
      %eq3A_622 = arith.constant 0 : i32
      %eq3A_623 = arith.cmpi eq, %reduce_sum3A_616, %eq3A_622 : i32
      %eq3A_624 = vector.broadcast %reduce_sum3A_609 : i32 to vector<16xi32>
      %eq3A_625 = arith.cmpi eq, %iota3A_19, %eq3A_624 : vector<16xi32>
      %and3A_626 = vector.broadcast %eq3A_623 : i1 to vector<16xi1>
      %and3A_627 = arith.andi %and3A_626, %eq3A_625 : vector<16xi1>
      %select_n3A_628 = arith.select %and3A_627, %scan3A_17#5, %broadcast_in_dim3A_621 : vector<16xi1>, vector<16xi32>
      %eq3A_629 = arith.constant 1 : i32
      %eq3A_630 = arith.cmpi eq, %reduce_sum3A_616, %eq3A_629 : i32
      %eq3A_631 = vector.broadcast %reduce_sum3A_609 : i32 to vector<16xi32>
      %eq3A_632 = arith.cmpi eq, %iota3A_19, %eq3A_631 : vector<16xi32>
      %and3A_633 = vector.broadcast %eq3A_630 : i1 to vector<16xi1>
      %and3A_634 = arith.andi %and3A_633, %eq3A_632 : vector<16xi1>
      %select_n3A_635 = arith.select %and3A_634, %scan3A_17#6, %select_n3A_628 : vector<16xi1>, vector<16xi32>
      %eq3A_636 = arith.constant 2 : i32
      %eq3A_637 = arith.cmpi eq, %reduce_sum3A_616, %eq3A_636 : i32
      %eq3A_638 = vector.broadcast %reduce_sum3A_609 : i32 to vector<16xi32>
      %eq3A_639 = arith.cmpi eq, %iota3A_19, %eq3A_638 : vector<16xi32>
      %and3A_640 = vector.broadcast %eq3A_637 : i1 to vector<16xi1>
      %and3A_641 = arith.andi %and3A_640, %eq3A_639 : vector<16xi1>
      %select_n3A_642 = arith.select %and3A_641, %scan3A_17#7, %select_n3A_635 : vector<16xi1>, vector<16xi32>
      %eq3A_643 = arith.constant 3 : i32
      %eq3A_644 = arith.cmpi eq, %reduce_sum3A_616, %eq3A_643 : i32
      %eq3A_645 = vector.broadcast %reduce_sum3A_609 : i32 to vector<16xi32>
      %eq3A_646 = arith.cmpi eq, %iota3A_19, %eq3A_645 : vector<16xi32>
      %and3A_647 = vector.broadcast %eq3A_644 : i1 to vector<16xi1>
      %and3A_648 = arith.andi %and3A_647, %eq3A_646 : vector<16xi1>
      %select_n3A_649 = arith.select %and3A_648, %scan3A_17#8, %select_n3A_642 : vector<16xi1>, vector<16xi32>
      %eq3A_650 = arith.constant 4 : i32
      %eq3A_651 = arith.cmpi eq, %reduce_sum3A_616, %eq3A_650 : i32
      %eq3A_652 = vector.broadcast %reduce_sum3A_609 : i32 to vector<16xi32>
      %eq3A_653 = arith.cmpi eq, %iota3A_19, %eq3A_652 : vector<16xi32>
      %and3A_654 = vector.broadcast %eq3A_651 : i1 to vector<16xi1>
      %and3A_655 = arith.andi %and3A_654, %eq3A_653 : vector<16xi1>
      %select_n3A_656 = arith.select %and3A_655, %scan3A_17#9, %select_n3A_649 : vector<16xi1>, vector<16xi32>
      %reduce_sum3A_657 = arith.constant true
      %reduce_sum3A_658 = vector.broadcast %reduce_sum3A_657 : i1 to vector<16xi1>
      %reduce_sum3A_659 = tpu.scan <sum>, %select_n3A_656 masked %reduce_sum3A_658 : vector<16xi32>, vector<16xi1> -> vector<16xi32>
      %reduce_sum3A_660 = vector.extract %reduce_sum3A_659[15] : i32 from vector<16xi32>
      %eq3A_661 = arith.constant 3 : i32
      %eq3A_662 = vector.broadcast %eq3A_661 : i32 to vector<16xi32>
      %eq3A_663 = arith.cmpi eq, %iota3A_19, %eq3A_662 : vector<16xi32>
      %broadcast_in_dim3A_664 = vector.broadcast %reduce_max3A_592 : f32 to vector<16xf32>
      %select_n3A_665 = arith.select %eq3A_663, %broadcast_in_dim3A_664, %select_n3A_464 : vector<16xi1>, vector<16xf32>
      %eq3A_666 = arith.constant 3 : i32
      %eq3A_667 = vector.broadcast %eq3A_666 : i32 to vector<16xi32>
      %eq3A_668 = arith.cmpi eq, %iota3A_19, %eq3A_667 : vector<16xi32>
      %broadcast_in_dim3A_669 = vector.broadcast %reduce_sum3A_660 : i32 to vector<16xi32>
      %select_n3A_670 = arith.select %eq3A_668, %broadcast_in_dim3A_669, %select_n3A_469 : vector<16xi1>, vector<16xi32>
      %broadcast_in_dim3A_671 = arith.constant -1.000000e+30 : f32
      %broadcast_in_dim3A_672 = vector.broadcast %broadcast_in_dim3A_671 : f32 to vector<16xf32>
      %broadcast_in_dim3A_673 = arith.constant 0 : i32
      %broadcast_in_dim3A_674 = vector.broadcast %broadcast_in_dim3A_673 : i32 to vector<16xi32>
      %add3A_675 = arith.constant 0 : i32
      %add3A_676 = vector.broadcast %add3A_675 : i32 to vector<16xi32>
      %add3A_677 = arith.addi %add3A_676, %iota3A_19 : vector<16xi32>
      %eq3A_678 = vector.broadcast %add3A_91 : i32 to vector<16xi32>
      %eq3A_679 = arith.cmpi eq, %add3A_677, %eq3A_678 : vector<16xi32>
      %jit3A_680 = arith.constant -1.000000e+30 : f32
      %broadcast_in_dim3A_681 = vector.broadcast %jit3A_680 : f32 to vector<16xf32>
      %select_n3A_682 = arith.select %eq3A_679, %broadcast_in_dim3A_681, %scan3A_17#0 : vector<16xi1>, vector<16xf32>
      %eq3A_683 = vector.broadcast %add3A_242 : i32 to vector<16xi32>
      %eq3A_684 = arith.cmpi eq, %add3A_677, %eq3A_683 : vector<16xi32>
      %jit3A_685 = arith.constant -1.000000e+30 : f32
      %broadcast_in_dim3A_686 = vector.broadcast %jit3A_685 : f32 to vector<16xf32>
      %select_n3A_687 = arith.select %eq3A_684, %broadcast_in_dim3A_686, %select_n3A_682 : vector<16xi1>, vector<16xf32>
      %eq3A_688 = vector.broadcast %add3A_418 : i32 to vector<16xi32>
      %eq3A_689 = arith.cmpi eq, %add3A_677, %eq3A_688 : vector<16xi32>
      %jit3A_690 = arith.constant -1.000000e+30 : f32
      %broadcast_in_dim3A_691 = vector.broadcast %jit3A_690 : f32 to vector<16xf32>
      %select_n3A_692 = arith.select %eq3A_689, %broadcast_in_dim3A_691, %select_n3A_687 : vector<16xi1>, vector<16xf32>
      %eq3A_693 = vector.broadcast %add3A_619 : i32 to vector<16xi32>
      %eq3A_694 = arith.cmpi eq, %add3A_677, %eq3A_693 : vector<16xi32>
      %jit3A_695 = arith.constant -1.000000e+30 : f32
      %broadcast_in_dim3A_696 = vector.broadcast %jit3A_695 : f32 to vector<16xf32>
      %select_n3A_697 = arith.select %eq3A_694, %broadcast_in_dim3A_696, %select_n3A_692 : vector<16xi1>, vector<16xf32>
      %gt3A_698 = arith.cmpf ogt, %select_n3A_697, %broadcast_in_dim3A_672 : vector<16xf32>
      %select_n3A_699 = arith.select %gt3A_698, %select_n3A_697, %broadcast_in_dim3A_672 : vector<16xi1>, vector<16xf32>
      %jit3A_700 = arith.constant 0 : i32
      %broadcast_in_dim3A_701 = vector.broadcast %jit3A_700 : i32 to vector<16xi32>
      %select_n3A_702 = arith.select %gt3A_698, %broadcast_in_dim3A_701, %broadcast_in_dim3A_674 : vector<16xi1>, vector<16xi32>
      %add3A_703 = arith.constant 16 : i32
      %add3A_704 = vector.broadcast %add3A_703 : i32 to vector<16xi32>
      %add3A_705 = arith.addi %add3A_704, %iota3A_19 : vector<16xi32>
      %eq3A_706 = vector.broadcast %add3A_91 : i32 to vector<16xi32>
      %eq3A_707 = arith.cmpi eq, %add3A_705, %eq3A_706 : vector<16xi32>
      %jit3A_708 = arith.constant -1.000000e+30 : f32
      %broadcast_in_dim3A_709 = vector.broadcast %jit3A_708 : f32 to vector<16xf32>
      %select_n3A_710 = arith.select %eq3A_707, %broadcast_in_dim3A_709, %scan3A_17#1 : vector<16xi1>, vector<16xf32>
      %eq3A_711 = vector.broadcast %add3A_242 : i32 to vector<16xi32>
      %eq3A_712 = arith.cmpi eq, %add3A_705, %eq3A_711 : vector<16xi32>
      %jit3A_713 = arith.constant -1.000000e+30 : f32
      %broadcast_in_dim3A_714 = vector.broadcast %jit3A_713 : f32 to vector<16xf32>
      %select_n3A_715 = arith.select %eq3A_712, %broadcast_in_dim3A_714, %select_n3A_710 : vector<16xi1>, vector<16xf32>
      %eq3A_716 = vector.broadcast %add3A_418 : i32 to vector<16xi32>
      %eq3A_717 = arith.cmpi eq, %add3A_705, %eq3A_716 : vector<16xi32>
      %jit3A_718 = arith.constant -1.000000e+30 : f32
      %broadcast_in_dim3A_719 = vector.broadcast %jit3A_718 : f32 to vector<16xf32>
      %select_n3A_720 = arith.select %eq3A_717, %broadcast_in_dim3A_719, %select_n3A_715 : vector<16xi1>, vector<16xf32>
      %eq3A_721 = vector.broadcast %add3A_619 : i32 to vector<16xi32>
      %eq3A_722 = arith.cmpi eq, %add3A_705, %eq3A_721 : vector<16xi32>
      %jit3A_723 = arith.constant -1.000000e+30 : f32
      %broadcast_in_dim3A_724 = vector.broadcast %jit3A_723 : f32 to vector<16xf32>
      %select_n3A_725 = arith.select %eq3A_722, %broadcast_in_dim3A_724, %select_n3A_720 : vector<16xi1>, vector<16xf32>
      %gt3A_726 = arith.cmpf ogt, %select_n3A_725, %select_n3A_699 : vector<16xf32>
      %select_n3A_727 = arith.select %gt3A_726, %select_n3A_725, %select_n3A_699 : vector<16xi1>, vector<16xf32>
      %jit3A_728 = arith.constant 1 : i32
      %broadcast_in_dim3A_729 = vector.broadcast %jit3A_728 : i32 to vector<16xi32>
      %select_n3A_730 = arith.select %gt3A_726, %broadcast_in_dim3A_729, %select_n3A_702 : vector<16xi1>, vector<16xi32>
      %add3A_731 = arith.constant 32 : i32
      %add3A_732 = vector.broadcast %add3A_731 : i32 to vector<16xi32>
      %add3A_733 = arith.addi %add3A_732, %iota3A_19 : vector<16xi32>
      %eq3A_734 = vector.broadcast %add3A_91 : i32 to vector<16xi32>
      %eq3A_735 = arith.cmpi eq, %add3A_733, %eq3A_734 : vector<16xi32>
      %jit3A_736 = arith.constant -1.000000e+30 : f32
      %broadcast_in_dim3A_737 = vector.broadcast %jit3A_736 : f32 to vector<16xf32>
      %select_n3A_738 = arith.select %eq3A_735, %broadcast_in_dim3A_737, %scan3A_17#2 : vector<16xi1>, vector<16xf32>
      %eq3A_739 = vector.broadcast %add3A_242 : i32 to vector<16xi32>
      %eq3A_740 = arith.cmpi eq, %add3A_733, %eq3A_739 : vector<16xi32>
      %jit3A_741 = arith.constant -1.000000e+30 : f32
      %broadcast_in_dim3A_742 = vector.broadcast %jit3A_741 : f32 to vector<16xf32>
      %select_n3A_743 = arith.select %eq3A_740, %broadcast_in_dim3A_742, %select_n3A_738 : vector<16xi1>, vector<16xf32>
      %eq3A_744 = vector.broadcast %add3A_418 : i32 to vector<16xi32>
      %eq3A_745 = arith.cmpi eq, %add3A_733, %eq3A_744 : vector<16xi32>
      %jit3A_746 = arith.constant -1.000000e+30 : f32
      %broadcast_in_dim3A_747 = vector.broadcast %jit3A_746 : f32 to vector<16xf32>
      %select_n3A_748 = arith.select %eq3A_745, %broadcast_in_dim3A_747, %select_n3A_743 : vector<16xi1>, vector<16xf32>
      %eq3A_749 = vector.broadcast %add3A_619 : i32 to vector<16xi32>
      %eq3A_750 = arith.cmpi eq, %add3A_733, %eq3A_749 : vector<16xi32>
      %jit3A_751 = arith.constant -1.000000e+30 : f32
      %broadcast_in_dim3A_752 = vector.broadcast %jit3A_751 : f32 to vector<16xf32>
      %select_n3A_753 = arith.select %eq3A_750, %broadcast_in_dim3A_752, %select_n3A_748 : vector<16xi1>, vector<16xf32>
      %gt3A_754 = arith.cmpf ogt, %select_n3A_753, %select_n3A_727 : vector<16xf32>
      %select_n3A_755 = arith.select %gt3A_754, %select_n3A_753, %select_n3A_727 : vector<16xi1>, vector<16xf32>
      %jit3A_756 = arith.constant 2 : i32
      %broadcast_in_dim3A_757 = vector.broadcast %jit3A_756 : i32 to vector<16xi32>
      %select_n3A_758 = arith.select %gt3A_754, %broadcast_in_dim3A_757, %select_n3A_730 : vector<16xi1>, vector<16xi32>
      %add3A_759 = arith.constant 48 : i32
      %add3A_760 = vector.broadcast %add3A_759 : i32 to vector<16xi32>
      %add3A_761 = arith.addi %add3A_760, %iota3A_19 : vector<16xi32>
      %eq3A_762 = vector.broadcast %add3A_91 : i32 to vector<16xi32>
      %eq3A_763 = arith.cmpi eq, %add3A_761, %eq3A_762 : vector<16xi32>
      %jit3A_764 = arith.constant -1.000000e+30 : f32
      %broadcast_in_dim3A_765 = vector.broadcast %jit3A_764 : f32 to vector<16xf32>
      %select_n3A_766 = arith.select %eq3A_763, %broadcast_in_dim3A_765, %scan3A_17#3 : vector<16xi1>, vector<16xf32>
      %eq3A_767 = vector.broadcast %add3A_242 : i32 to vector<16xi32>
      %eq3A_768 = arith.cmpi eq, %add3A_761, %eq3A_767 : vector<16xi32>
      %jit3A_769 = arith.constant -1.000000e+30 : f32
      %broadcast_in_dim3A_770 = vector.broadcast %jit3A_769 : f32 to vector<16xf32>
      %select_n3A_771 = arith.select %eq3A_768, %broadcast_in_dim3A_770, %select_n3A_766 : vector<16xi1>, vector<16xf32>
      %eq3A_772 = vector.broadcast %add3A_418 : i32 to vector<16xi32>
      %eq3A_773 = arith.cmpi eq, %add3A_761, %eq3A_772 : vector<16xi32>
      %jit3A_774 = arith.constant -1.000000e+30 : f32
      %broadcast_in_dim3A_775 = vector.broadcast %jit3A_774 : f32 to vector<16xf32>
      %select_n3A_776 = arith.select %eq3A_773, %broadcast_in_dim3A_775, %select_n3A_771 : vector<16xi1>, vector<16xf32>
      %eq3A_777 = vector.broadcast %add3A_619 : i32 to vector<16xi32>
      %eq3A_778 = arith.cmpi eq, %add3A_761, %eq3A_777 : vector<16xi32>
      %jit3A_779 = arith.constant -1.000000e+30 : f32
      %broadcast_in_dim3A_780 = vector.broadcast %jit3A_779 : f32 to vector<16xf32>
      %select_n3A_781 = arith.select %eq3A_778, %broadcast_in_dim3A_780, %select_n3A_776 : vector<16xi1>, vector<16xf32>
      %gt3A_782 = arith.cmpf ogt, %select_n3A_781, %select_n3A_755 : vector<16xf32>
      %select_n3A_783 = arith.select %gt3A_782, %select_n3A_781, %select_n3A_755 : vector<16xi1>, vector<16xf32>
      %jit3A_784 = arith.constant 3 : i32
      %broadcast_in_dim3A_785 = vector.broadcast %jit3A_784 : i32 to vector<16xi32>
      %select_n3A_786 = arith.select %gt3A_782, %broadcast_in_dim3A_785, %select_n3A_758 : vector<16xi1>, vector<16xi32>
      %add3A_787 = arith.constant 64 : i32
      %add3A_788 = vector.broadcast %add3A_787 : i32 to vector<16xi32>
      %add3A_789 = arith.addi %add3A_788, %iota3A_19 : vector<16xi32>
      %eq3A_790 = vector.broadcast %add3A_91 : i32 to vector<16xi32>
      %eq3A_791 = arith.cmpi eq, %add3A_789, %eq3A_790 : vector<16xi32>
      %jit3A_792 = arith.constant -1.000000e+30 : f32
      %broadcast_in_dim3A_793 = vector.broadcast %jit3A_792 : f32 to vector<16xf32>
      %select_n3A_794 = arith.select %eq3A_791, %broadcast_in_dim3A_793, %scan3A_17#4 : vector<16xi1>, vector<16xf32>
      %eq3A_795 = vector.broadcast %add3A_242 : i32 to vector<16xi32>
      %eq3A_796 = arith.cmpi eq, %add3A_789, %eq3A_795 : vector<16xi32>
      %jit3A_797 = arith.constant -1.000000e+30 : f32
      %broadcast_in_dim3A_798 = vector.broadcast %jit3A_797 : f32 to vector<16xf32>
      %select_n3A_799 = arith.select %eq3A_796, %broadcast_in_dim3A_798, %select_n3A_794 : vector<16xi1>, vector<16xf32>
      %eq3A_800 = vector.broadcast %add3A_418 : i32 to vector<16xi32>
      %eq3A_801 = arith.cmpi eq, %add3A_789, %eq3A_800 : vector<16xi32>
      %jit3A_802 = arith.constant -1.000000e+30 : f32
      %broadcast_in_dim3A_803 = vector.broadcast %jit3A_802 : f32 to vector<16xf32>
      %select_n3A_804 = arith.select %eq3A_801, %broadcast_in_dim3A_803, %select_n3A_799 : vector<16xi1>, vector<16xf32>
      %eq3A_805 = vector.broadcast %add3A_619 : i32 to vector<16xi32>
      %eq3A_806 = arith.cmpi eq, %add3A_789, %eq3A_805 : vector<16xi32>
      %jit3A_807 = arith.constant -1.000000e+30 : f32
      %broadcast_in_dim3A_808 = vector.broadcast %jit3A_807 : f32 to vector<16xf32>
      %select_n3A_809 = arith.select %eq3A_806, %broadcast_in_dim3A_808, %select_n3A_804 : vector<16xi1>, vector<16xf32>
      %gt3A_810 = arith.cmpf ogt, %select_n3A_809, %select_n3A_783 : vector<16xf32>
      %select_n3A_811 = arith.select %gt3A_810, %select_n3A_809, %select_n3A_783 : vector<16xi1>, vector<16xf32>
      %jit3A_812 = arith.constant 4 : i32
      %broadcast_in_dim3A_813 = vector.broadcast %jit3A_812 : i32 to vector<16xi32>
      %select_n3A_814 = arith.select %gt3A_810, %broadcast_in_dim3A_813, %select_n3A_786 : vector<16xi1>, vector<16xi32>
      %reduce_max3A_815 = arith.constant true
      %reduce_max3A_816 = vector.broadcast %reduce_max3A_815 : i1 to vector<16xi1>
      %reduce_max3A_817 = tpu.scan <max>, %select_n3A_811 masked %reduce_max3A_816 : vector<16xf32>, vector<16xi1> -> vector<16xf32>
      %reduce_max3A_818 = vector.extract %reduce_max3A_817[15] : f32 from vector<16xf32>
      %eq3A_819 = vector.broadcast %reduce_max3A_818 : f32 to vector<16xf32>
      %eq3A_820 = arith.cmpf oeq, %select_n3A_811, %eq3A_819 : vector<16xf32>
      %convert_element_type3A_821 = arith.extui %eq3A_820 : vector<16xi1> to vector<16xi32>
      %cumsum3A_822 = arith.constant true
      %cumsum3A_823 = vector.broadcast %cumsum3A_822 : i1 to vector<16xi1>
      %cumsum3A_824 = tpu.scan <sum>, %convert_element_type3A_821 masked %cumsum3A_823 : vector<16xi32>, vector<16xi1> -> vector<16xi32>
      %eq3A_825 = arith.constant 1 : i32
      %eq3A_826 = vector.broadcast %eq3A_825 : i32 to vector<16xi32>
      %eq3A_827 = arith.cmpi eq, %cumsum3A_824, %eq3A_826 : vector<16xi32>
      %and3A_828 = arith.andi %eq3A_820, %eq3A_827 : vector<16xi1>
      %jit3A_829 = arith.constant 0 : i32
      %broadcast_in_dim3A_830 = vector.broadcast %jit3A_829 : i32 to vector<16xi32>
      %select_n3A_831 = arith.select %and3A_828, %iota3A_19, %broadcast_in_dim3A_830 : vector<16xi1>, vector<16xi32>
      %reduce_sum3A_832 = arith.constant true
      %reduce_sum3A_833 = vector.broadcast %reduce_sum3A_832 : i1 to vector<16xi1>
      %reduce_sum3A_834 = tpu.scan <sum>, %select_n3A_831 masked %reduce_sum3A_833 : vector<16xi32>, vector<16xi1> -> vector<16xi32>
      %reduce_sum3A_835 = vector.extract %reduce_sum3A_834[15] : i32 from vector<16xi32>
      %jit3A_836 = arith.constant 0 : i32
      %broadcast_in_dim3A_837 = vector.broadcast %jit3A_836 : i32 to vector<16xi32>
      %select_n3A_838 = arith.select %and3A_828, %select_n3A_814, %broadcast_in_dim3A_837 : vector<16xi1>, vector<16xi32>
      %reduce_sum3A_839 = arith.constant true
      %reduce_sum3A_840 = vector.broadcast %reduce_sum3A_839 : i1 to vector<16xi1>
      %reduce_sum3A_841 = tpu.scan <sum>, %select_n3A_838 masked %reduce_sum3A_840 : vector<16xi32>, vector<16xi1> -> vector<16xi32>
      %reduce_sum3A_842 = vector.extract %reduce_sum3A_841[15] : i32 from vector<16xi32>
      %mul3A_843 = arith.constant 16 : i32
      %mul3A_844 = arith.muli %reduce_sum3A_842, %mul3A_843 : i32
      %add3A_845 = arith.addi %mul3A_844, %reduce_sum3A_835 : i32
      %broadcast_in_dim3A_846 = arith.constant 0 : i32
      %broadcast_in_dim3A_847 = vector.broadcast %broadcast_in_dim3A_846 : i32 to vector<16xi32>
      %eq3A_848 = arith.constant 0 : i32
      %eq3A_849 = arith.cmpi eq, %reduce_sum3A_842, %eq3A_848 : i32
      %eq3A_850 = vector.broadcast %reduce_sum3A_835 : i32 to vector<16xi32>
      %eq3A_851 = arith.cmpi eq, %iota3A_19, %eq3A_850 : vector<16xi32>
      %and3A_852 = vector.broadcast %eq3A_849 : i1 to vector<16xi1>
      %and3A_853 = arith.andi %and3A_852, %eq3A_851 : vector<16xi1>
      %select_n3A_854 = arith.select %and3A_853, %scan3A_17#5, %broadcast_in_dim3A_847 : vector<16xi1>, vector<16xi32>
      %eq3A_855 = arith.constant 1 : i32
      %eq3A_856 = arith.cmpi eq, %reduce_sum3A_842, %eq3A_855 : i32
      %eq3A_857 = vector.broadcast %reduce_sum3A_835 : i32 to vector<16xi32>
      %eq3A_858 = arith.cmpi eq, %iota3A_19, %eq3A_857 : vector<16xi32>
      %and3A_859 = vector.broadcast %eq3A_856 : i1 to vector<16xi1>
      %and3A_860 = arith.andi %and3A_859, %eq3A_858 : vector<16xi1>
      %select_n3A_861 = arith.select %and3A_860, %scan3A_17#6, %select_n3A_854 : vector<16xi1>, vector<16xi32>
      %eq3A_862 = arith.constant 2 : i32
      %eq3A_863 = arith.cmpi eq, %reduce_sum3A_842, %eq3A_862 : i32
      %eq3A_864 = vector.broadcast %reduce_sum3A_835 : i32 to vector<16xi32>
      %eq3A_865 = arith.cmpi eq, %iota3A_19, %eq3A_864 : vector<16xi32>
      %and3A_866 = vector.broadcast %eq3A_863 : i1 to vector<16xi1>
      %and3A_867 = arith.andi %and3A_866, %eq3A_865 : vector<16xi1>
      %select_n3A_868 = arith.select %and3A_867, %scan3A_17#7, %select_n3A_861 : vector<16xi1>, vector<16xi32>
      %eq3A_869 = arith.constant 3 : i32
      %eq3A_870 = arith.cmpi eq, %reduce_sum3A_842, %eq3A_869 : i32
      %eq3A_871 = vector.broadcast %reduce_sum3A_835 : i32 to vector<16xi32>
      %eq3A_872 = arith.cmpi eq, %iota3A_19, %eq3A_871 : vector<16xi32>
      %and3A_873 = vector.broadcast %eq3A_870 : i1 to vector<16xi1>
      %and3A_874 = arith.andi %and3A_873, %eq3A_872 : vector<16xi1>
      %select_n3A_875 = arith.select %and3A_874, %scan3A_17#8, %select_n3A_868 : vector<16xi1>, vector<16xi32>
      %eq3A_876 = arith.constant 4 : i32
      %eq3A_877 = arith.cmpi eq, %reduce_sum3A_842, %eq3A_876 : i32
      %eq3A_878 = vector.broadcast %reduce_sum3A_835 : i32 to vector<16xi32>
      %eq3A_879 = arith.cmpi eq, %iota3A_19, %eq3A_878 : vector<16xi32>
      %and3A_880 = vector.broadcast %eq3A_877 : i1 to vector<16xi1>
      %and3A_881 = arith.andi %and3A_880, %eq3A_879 : vector<16xi1>
      %select_n3A_882 = arith.select %and3A_881, %scan3A_17#9, %select_n3A_875 : vector<16xi1>, vector<16xi32>
      %reduce_sum3A_883 = arith.constant true
      %reduce_sum3A_884 = vector.broadcast %reduce_sum3A_883 : i1 to vector<16xi1>
      %reduce_sum3A_885 = tpu.scan <sum>, %select_n3A_882 masked %reduce_sum3A_884 : vector<16xi32>, vector<16xi1> -> vector<16xi32>
      %reduce_sum3A_886 = vector.extract %reduce_sum3A_885[15] : i32 from vector<16xi32>
      %eq3A_887 = arith.constant 4 : i32
      %eq3A_888 = vector.broadcast %eq3A_887 : i32 to vector<16xi32>
      %eq3A_889 = arith.cmpi eq, %iota3A_19, %eq3A_888 : vector<16xi32>
      %broadcast_in_dim3A_890 = vector.broadcast %reduce_max3A_818 : f32 to vector<16xf32>
      %select_n3A_891 = arith.select %eq3A_889, %broadcast_in_dim3A_890, %select_n3A_665 : vector<16xi1>, vector<16xf32>
      %eq3A_892 = arith.constant 4 : i32
      %eq3A_893 = vector.broadcast %eq3A_892 : i32 to vector<16xi32>
      %eq3A_894 = arith.cmpi eq, %iota3A_19, %eq3A_893 : vector<16xi32>
      %broadcast_in_dim3A_895 = vector.broadcast %reduce_sum3A_886 : i32 to vector<16xi32>
      %select_n3A_896 = arith.select %eq3A_894, %broadcast_in_dim3A_895, %select_n3A_670 : vector<16xi1>, vector<16xi32>
      %swap3A = arith.constant 0 : index
      %swap3A_897 = tpu.vector_load %arg14[%swap3A] {strides = array<i32>} : memref<16xf32, #tpu.memory_space<vmem>>, vector<16xf32>,
      tpu.vector_store %arg14[%swap3A], %select_n3A_891 {strides = array<i32>} : memref<16xf32, #tpu.memory_space<vmem>>, vector<16xf32>,
      %swap3A_898 = arith.constant 0 : index
      %swap3A_899 = tpu.vector_load %arg15[%swap3A_898] {strides = array<i32>} : memref<16xi32, #tpu.memory_space<vmem>>, vector<16xi32>,
      tpu.vector_store %arg15[%swap3A_898], %select_n3A_896 {strides = array<i32>} : memref<16xi32, #tpu.memory_space<vmem>>, vector<16xi32>,
      "tpu.region"() ({
        %run_scoped3A = tpu.sem_alloc : memref<!tpu.dma_semaphore, #tpu.memory_space<semaphore_mem>>
        %dma_start3A = arith.constant 0 : i32
        %dma_start3A_900 = tpu.memref_slice %arg9[%arg1, %dma_start3A] : memref<16x16xf32, #tpu.memory_space<hbm>> -> memref<1x16xf32, #tpu.memory_space<hbm>>
        %dma_start3A_901 = tpu.memref_squeeze %dma_start3A_900 : memref<1x16xf32, #tpu.memory_space<hbm>> -> memref<16xf32, #tpu.memory_space<hbm>>
        %dma_start3A_902 = arith.constant 0 : i32
        %dma_start3A_903 = tpu.memref_slice %arg9[%arg1, %dma_start3A_902] : memref<16x16xf32, #tpu.memory_space<hbm>> -> memref<1x16xf32, #tpu.memory_space<hbm>>
        %dma_start3A_904 = tpu.memref_squeeze %dma_start3A_903 : memref<1x16xf32, #tpu.memory_space<hbm>> -> memref<16xf32, #tpu.memory_space<hbm>>
        tpu.enqueue_dma source(%arg14 : memref<16xf32, #tpu.memory_space<vmem>>) target(%dma_start3A_904 : memref<16xf32, #tpu.memory_space<hbm>>) target_semaphore(%run_scoped3A : memref<!tpu.dma_semaphore, #tpu.memory_space<semaphore_mem>>)
        %dma_wait3A = arith.constant 0 : i32
        %dma_wait3A_905 = tpu.memref_slice %arg9[%arg1, %dma_wait3A] : memref<16x16xf32, #tpu.memory_space<hbm>> -> memref<1x16xf32, #tpu.memory_space<hbm>>
        %dma_wait3A_906 = tpu.memref_squeeze %dma_wait3A_905 : memref<1x16xf32, #tpu.memory_space<hbm>> -> memref<16xf32, #tpu.memory_space<hbm>>
        %dma_wait3A_907 = arith.constant 0 : i32
        %dma_wait3A_908 = tpu.memref_slice %arg9[%arg1, %dma_wait3A_907] : memref<16x16xf32, #tpu.memory_space<hbm>> -> memref<1x16xf32, #tpu.memory_space<hbm>>
        %dma_wait3A_909 = tpu.memref_squeeze %dma_wait3A_908 : memref<1x16xf32, #tpu.memory_space<hbm>> -> memref<16xf32, #tpu.memory_space<hbm>>
        tpu.wait_dma2 semaphore(%run_scoped3A : memref<!tpu.dma_semaphore, #tpu.memory_space<semaphore_mem>>) src(%arg14 : memref<16xf32, #tpu.memory_space<vmem>>) dst(%dma_wait3A_909 : memref<16xf32, #tpu.memory_space<hbm>>)
        tpu.yield
      }) : () -> ()
      "tpu.region"() ({
        %run_scoped3A = tpu.sem_alloc : memref<!tpu.dma_semaphore, #tpu.memory_space<semaphore_mem>>
        %dma_start3A = arith.constant 0 : i32
        %dma_start3A_900 = tpu.memref_slice %arg10[%arg1, %dma_start3A] : memref<16x16xi32, #tpu.memory_space<hbm>> -> memref<1x16xi32, #tpu.memory_space<hbm>>
        %dma_start3A_901 = tpu.memref_squeeze %dma_start3A_900 : memref<1x16xi32, #tpu.memory_space<hbm>> -> memref<16xi32, #tpu.memory_space<hbm>>
        %dma_start3A_902 = arith.constant 0 : i32
        %dma_start3A_903 = tpu.memref_slice %arg10[%arg1, %dma_start3A_902] : memref<16x16xi32, #tpu.memory_space<hbm>> -> memref<1x16xi32, #tpu.memory_space<hbm>>
        %dma_start3A_904 = tpu.memref_squeeze %dma_start3A_903 : memref<1x16xi32, #tpu.memory_space<hbm>> -> memref<16xi32, #tpu.memory_space<hbm>>
        tpu.enqueue_dma source(%arg15 : memref<16xi32, #tpu.memory_space<vmem>>) target(%dma_start3A_904 : memref<16xi32, #tpu.memory_space<hbm>>) target_semaphore(%run_scoped3A : memref<!tpu.dma_semaphore, #tpu.memory_space<semaphore_mem>>)
        %dma_wait3A = arith.constant 0 : i32
        %dma_wait3A_905 = tpu.memref_slice %arg10[%arg1, %dma_wait3A] : memref<16x16xi32, #tpu.memory_space<hbm>> -> memref<1x16xi32, #tpu.memory_space<hbm>>
        %dma_wait3A_906 = tpu.memref_squeeze %dma_wait3A_905 : memref<1x16xi32, #tpu.memory_space<hbm>> -> memref<16xi32, #tpu.memory_space<hbm>>
        %dma_wait3A_907 = arith.constant 0 : i32
        %dma_wait3A_908 = tpu.memref_slice %arg10[%arg1, %dma_wait3A_907] : memref<16x16xi32, #tpu.memory_space<hbm>> -> memref<1x16xi32, #tpu.memory_space<hbm>>
        %dma_wait3A_909 = tpu.memref_squeeze %dma_wait3A_908 : memref<1x16xi32, #tpu.memory_space<hbm>> -> memref<16xi32, #tpu.memory_space<hbm>>
        tpu.wait_dma2 semaphore(%run_scoped3A : memref<!tpu.dma_semaphore, #tpu.memory_space<semaphore_mem>>) src(%arg15 : memref<16xi32, #tpu.memory_space<vmem>>) dst(%dma_wait3A_909 : memref<16xi32, #tpu.memory_space<hbm>>)
        tpu.yield
      }) : () -> ()
    } else {
    }
    %barrier3A = arith.constant 0 : index
    tpu.barrier barrier_id(%barrier3A)
    %eq3A_3 = arith.constant 0 : i32
    %eq3A_4 = arith.cmpi eq, %arg0, %eq3A_3 : i32
    %eq3A_5 = arith.constant 0 : i32
    %eq3A_6 = arith.cmpi eq, %arg1, %eq3A_5 : i32
    %and3A = arith.andi %eq3A_4, %eq3A_6 : i1
    %convert_element_type3A_7 = arith.extui %and3A : i1 to i32
    %cond3A_8 = arith.constant 0 : i32
    %cond3A_9 = arith.cmpi ne, %convert_element_type3A_7, %cond3A_8 : i32
    scf.if %cond3A_9 {
      "tpu.region"() ({
        %run_scoped3A = tpu.sem_alloc : memref<!tpu.dma_semaphore, #tpu.memory_space<semaphore_mem>>
        tpu.enqueue_dma source(%arg9 : memref<16x16xf32, #tpu.memory_space<hbm>>) target(%arg12 : memref<16x16xf32, #tpu.memory_space<vmem>>) target_semaphore(%run_scoped3A : memref<!tpu.dma_semaphore, #tpu.memory_space<semaphore_mem>>)
        tpu.wait_dma2 semaphore(%run_scoped3A : memref<!tpu.dma_semaphore, #tpu.memory_space<semaphore_mem>>) src(%arg9 : memref<16x16xf32, #tpu.memory_space<hbm>>) dst(%arg12 : memref<16x16xf32, #tpu.memory_space<vmem>>)
        tpu.yield
      }) : () -> ()
      "tpu.region"() ({
        %run_scoped3A = tpu.sem_alloc : memref<!tpu.dma_semaphore, #tpu.memory_space<semaphore_mem>>
        tpu.enqueue_dma source(%arg10 : memref<16x16xi32, #tpu.memory_space<hbm>>) target(%arg13 : memref<16x16xi32, #tpu.memory_space<vmem>>) target_semaphore(%run_scoped3A : memref<!tpu.dma_semaphore, #tpu.memory_space<semaphore_mem>>)
        tpu.wait_dma2 semaphore(%run_scoped3A : memref<!tpu.dma_semaphore, #tpu.memory_space<semaphore_mem>>) src(%arg10 : memref<16x16xi32, #tpu.memory_space<hbm>>) dst(%arg13 : memref<16x16xi32, #tpu.memory_space<vmem>>)
        tpu.yield
      }) : () -> ()
      %get3A = arith.constant 0 : i32
      %get3A_10 = arith.index_cast %get3A : i32 to index
      %get3A_11 = arith.constant 0 : index
      %get3A_12 = tpu.vector_load %arg12[%get3A_10, %get3A_11] {strides = array<i32>} : memref<16x16xf32, #tpu.memory_space<vmem>>, vector<16xf32>,
      %get3A_13 = arith.constant 1 : i32
      %get3A_14 = arith.index_cast %get3A_13 : i32 to index
      %get3A_15 = arith.constant 0 : index
      %get3A_16 = tpu.vector_load %arg12[%get3A_14, %get3A_15] {strides = array<i32>} : memref<16x16xf32, #tpu.memory_space<vmem>>, vector<16xf32>,
      %get3A_17 = arith.constant 2 : i32
      %get3A_18 = arith.index_cast %get3A_17 : i32 to index
      %get3A_19 = arith.constant 0 : index
      %get3A_20 = tpu.vector_load %arg12[%get3A_18, %get3A_19] {strides = array<i32>} : memref<16x16xf32, #tpu.memory_space<vmem>>, vector<16xf32>,
      %get3A_21 = arith.constant 3 : i32
      %get3A_22 = arith.index_cast %get3A_21 : i32 to index
      %get3A_23 = arith.constant 0 : index
      %get3A_24 = tpu.vector_load %arg12[%get3A_22, %get3A_23] {strides = array<i32>} : memref<16x16xf32, #tpu.memory_space<vmem>>, vector<16xf32>,
      %get3A_25 = arith.constant 4 : i32
      %get3A_26 = arith.index_cast %get3A_25 : i32 to index
      %get3A_27 = arith.constant 0 : index
      %get3A_28 = tpu.vector_load %arg12[%get3A_26, %get3A_27] {strides = array<i32>} : memref<16x16xf32, #tpu.memory_space<vmem>>, vector<16xf32>,
      %get3A_29 = arith.constant 5 : i32
      %get3A_30 = arith.index_cast %get3A_29 : i32 to index
      %get3A_31 = arith.constant 0 : index
      %get3A_32 = tpu.vector_load %arg12[%get3A_30, %get3A_31] {strides = array<i32>} : memref<16x16xf32, #tpu.memory_space<vmem>>, vector<16xf32>,
      %get3A_33 = arith.constant 6 : i32
      %get3A_34 = arith.index_cast %get3A_33 : i32 to index
      %get3A_35 = arith.constant 0 : index
      %get3A_36 = tpu.vector_load %arg12[%get3A_34, %get3A_35] {strides = array<i32>} : memref<16x16xf32, #tpu.memory_space<vmem>>, vector<16xf32>,
      %get3A_37 = arith.constant 7 : i32
      %get3A_38 = arith.index_cast %get3A_37 : i32 to index
      %get3A_39 = arith.constant 0 : index
      %get3A_40 = tpu.vector_load %arg12[%get3A_38, %get3A_39] {strides = array<i32>} : memref<16x16xf32, #tpu.memory_space<vmem>>, vector<16xf32>,
      %get3A_41 = arith.constant 8 : i32
      %get3A_42 = arith.index_cast %get3A_41 : i32 to index
      %get3A_43 = arith.constant 0 : index
      %get3A_44 = tpu.vector_load %arg12[%get3A_42, %get3A_43] {strides = array<i32>} : memref<16x16xf32, #tpu.memory_space<vmem>>, vector<16xf32>,
      %get3A_45 = arith.constant 9 : i32
      %get3A_46 = arith.index_cast %get3A_45 : i32 to index
      %get3A_47 = arith.constant 0 : index
      %get3A_48 = tpu.vector_load %arg12[%get3A_46, %get3A_47] {strides = array<i32>} : memref<16x16xf32, #tpu.memory_space<vmem>>, vector<16xf32>,
      %get3A_49 = arith.constant 10 : i32
      %get3A_50 = arith.index_cast %get3A_49 : i32 to index
      %get3A_51 = arith.constant 0 : index
      %get3A_52 = tpu.vector_load %arg12[%get3A_50, %get3A_51] {strides = array<i32>} : memref<16x16xf32, #tpu.memory_space<vmem>>, vector<16xf32>,
      %get3A_53 = arith.constant 11 : i32
      %get3A_54 = arith.index_cast %get3A_53 : i32 to index
      %get3A_55 = arith.constant 0 : index
      %get3A_56 = tpu.vector_load %arg12[%get3A_54, %get3A_55] {strides = array<i32>} : memref<16x16xf32, #tpu.memory_space<vmem>>, vector<16xf32>,
      %get3A_57 = arith.constant 12 : i32
      %get3A_58 = arith.index_cast %get3A_57 : i32 to index
      %get3A_59 = arith.constant 0 : index
      %get3A_60 = tpu.vector_load %arg12[%get3A_58, %get3A_59] {strides = array<i32>} : memref<16x16xf32, #tpu.memory_space<vmem>>, vector<16xf32>,
      %get3A_61 = arith.constant 13 : i32
      %get3A_62 = arith.index_cast %get3A_61 : i32 to index
      %get3A_63 = arith.constant 0 : index
      %get3A_64 = tpu.vector_load %arg12[%get3A_62, %get3A_63] {strides = array<i32>} : memref<16x16xf32, #tpu.memory_space<vmem>>, vector<16xf32>,
      %get3A_65 = arith.constant 14 : i32
      %get3A_66 = arith.index_cast %get3A_65 : i32 to index
      %get3A_67 = arith.constant 0 : index
      %get3A_68 = tpu.vector_load %arg12[%get3A_66, %get3A_67] {strides = array<i32>} : memref<16x16xf32, #tpu.memory_space<vmem>>, vector<16xf32>,
      %get3A_69 = arith.constant 15 : i32
      %get3A_70 = arith.index_cast %get3A_69 : i32 to index
      %get3A_71 = arith.constant 0 : index
      %get3A_72 = tpu.vector_load %arg12[%get3A_70, %get3A_71] {strides = array<i32>} : memref<16x16xf32, #tpu.memory_space<vmem>>, vector<16xf32>,
      %get3A_73 = arith.constant 0 : i32
      %get3A_74 = arith.index_cast %get3A_73 : i32 to index
      %get3A_75 = arith.constant 0 : index
      %get3A_76 = tpu.vector_load %arg13[%get3A_74, %get3A_75] {strides = array<i32>} : memref<16x16xi32, #tpu.memory_space<vmem>>, vector<16xi32>,
      %get3A_77 = arith.constant 1 : i32
      %get3A_78 = arith.index_cast %get3A_77 : i32 to index
      %get3A_79 = arith.constant 0 : index
      %get3A_80 = tpu.vector_load %arg13[%get3A_78, %get3A_79] {strides = array<i32>} : memref<16x16xi32, #tpu.memory_space<vmem>>, vector<16xi32>,
      %get3A_81 = arith.constant 2 : i32
      %get3A_82 = arith.index_cast %get3A_81 : i32 to index
      %get3A_83 = arith.constant 0 : index
      %get3A_84 = tpu.vector_load %arg13[%get3A_82, %get3A_83] {strides = array<i32>} : memref<16x16xi32, #tpu.memory_space<vmem>>, vector<16xi32>,
      %get3A_85 = arith.constant 3 : i32
      %get3A_86 = arith.index_cast %get3A_85 : i32 to index
      %get3A_87 = arith.constant 0 : index
      %get3A_88 = tpu.vector_load %arg13[%get3A_86, %get3A_87] {strides = array<i32>} : memref<16x16xi32, #tpu.memory_space<vmem>>, vector<16xi32>,
      %get3A_89 = arith.constant 4 : i32
      %get3A_90 = arith.index_cast %get3A_89 : i32 to index
      %get3A_91 = arith.constant 0 : index
      %get3A_92 = tpu.vector_load %arg13[%get3A_90, %get3A_91] {strides = array<i32>} : memref<16x16xi32, #tpu.memory_space<vmem>>, vector<16xi32>,
      %get3A_93 = arith.constant 5 : i32
      %get3A_94 = arith.index_cast %get3A_93 : i32 to index
      %get3A_95 = arith.constant 0 : index
      %get3A_96 = tpu.vector_load %arg13[%get3A_94, %get3A_95] {strides = array<i32>} : memref<16x16xi32, #tpu.memory_space<vmem>>, vector<16xi32>,
      %get3A_97 = arith.constant 6 : i32
      %get3A_98 = arith.index_cast %get3A_97 : i32 to index
      %get3A_99 = arith.constant 0 : index
      %get3A_100 = tpu.vector_load %arg13[%get3A_98, %get3A_99] {strides = array<i32>} : memref<16x16xi32, #tpu.memory_space<vmem>>, vector<16xi32>,
      %get3A_101 = arith.constant 7 : i32
      %get3A_102 = arith.index_cast %get3A_101 : i32 to index
      %get3A_103 = arith.constant 0 : index
      %get3A_104 = tpu.vector_load %arg13[%get3A_102, %get3A_103] {strides = array<i32>} : memref<16x16xi32, #tpu.memory_space<vmem>>, vector<16xi32>,
      %get3A_105 = arith.constant 8 : i32
      %get3A_106 = arith.index_cast %get3A_105 : i32 to index
      %get3A_107 = arith.constant 0 : index
      %get3A_108 = tpu.vector_load %arg13[%get3A_106, %get3A_107] {strides = array<i32>} : memref<16x16xi32, #tpu.memory_space<vmem>>, vector<16xi32>,
      %get3A_109 = arith.constant 9 : i32
      %get3A_110 = arith.index_cast %get3A_109 : i32 to index
      %get3A_111 = arith.constant 0 : index
      %get3A_112 = tpu.vector_load %arg13[%get3A_110, %get3A_111] {strides = array<i32>} : memref<16x16xi32, #tpu.memory_space<vmem>>, vector<16xi32>,
      %get3A_113 = arith.constant 10 : i32
      %get3A_114 = arith.index_cast %get3A_113 : i32 to index
      %get3A_115 = arith.constant 0 : index
      %get3A_116 = tpu.vector_load %arg13[%get3A_114, %get3A_115] {strides = array<i32>} : memref<16x16xi32, #tpu.memory_space<vmem>>, vector<16xi32>,
      %get3A_117 = arith.constant 11 : i32
      %get3A_118 = arith.index_cast %get3A_117 : i32 to index
      %get3A_119 = arith.constant 0 : index
      %get3A_120 = tpu.vector_load %arg13[%get3A_118, %get3A_119] {strides = array<i32>} : memref<16x16xi32, #tpu.memory_space<vmem>>, vector<16xi32>,
      %get3A_121 = arith.constant 12 : i32
      %get3A_122 = arith.index_cast %get3A_121 : i32 to index
      %get3A_123 = arith.constant 0 : index
      %get3A_124 = tpu.vector_load %arg13[%get3A_122, %get3A_123] {strides = array<i32>} : memref<16x16xi32, #tpu.memory_space<vmem>>, vector<16xi32>,
      %get3A_125 = arith.constant 13 : i32
      %get3A_126 = arith.index_cast %get3A_125 : i32 to index
      %get3A_127 = arith.constant 0 : index
      %get3A_128 = tpu.vector_load %arg13[%get3A_126, %get3A_127] {strides = array<i32>} : memref<16x16xi32, #tpu.memory_space<vmem>>, vector<16xi32>,
      %get3A_129 = arith.constant 14 : i32
      %get3A_130 = arith.index_cast %get3A_129 : i32 to index
      %get3A_131 = arith.constant 0 : index
      %get3A_132 = tpu.vector_load %arg13[%get3A_130, %get3A_131] {strides = array<i32>} : memref<16x16xi32, #tpu.memory_space<vmem>>, vector<16xi32>,
      %get3A_133 = arith.constant 15 : i32
      %get3A_134 = arith.index_cast %get3A_133 : i32 to index
      %get3A_135 = arith.constant 0 : index
      %get3A_136 = tpu.vector_load %arg13[%get3A_134, %get3A_135] {strides = array<i32>} : memref<16x16xi32, #tpu.memory_space<vmem>>, vector<16xi32>,
      %iota3A_137 = tpu.iota {dimensions = array<i32: 0>} : vector<16xi32>
      %broadcast_in_dim3A = arith.constant -1.000000e+30 : f32
      %broadcast_in_dim3A_138 = vector.broadcast %broadcast_in_dim3A : f32 to vector<16xf32>
      %broadcast_in_dim3A_139 = arith.constant 0 : i32
      %broadcast_in_dim3A_140 = vector.broadcast %broadcast_in_dim3A_139 : i32 to vector<16xi32>
      %broadcast_in_dim3A_141 = arith.constant -1.000000e+30 : f32
      %broadcast_in_dim3A_142 = vector.broadcast %broadcast_in_dim3A_141 : f32 to vector<16xf32>
      %broadcast_in_dim3A_143 = arith.constant 0 : i32
      %broadcast_in_dim3A_144 = vector.broadcast %broadcast_in_dim3A_143 : i32 to vector<16xi32>
      %add3A = arith.constant 0 : i32
      %add3A_145 = vector.broadcast %add3A : i32 to vector<16xi32>
      %add3A_146 = arith.addi %add3A_145, %iota3A_137 : vector<16xi32>
      %gt3A = arith.cmpf ogt, %get3A_12, %broadcast_in_dim3A_142 : vector<16xf32>
      %select_n3A = arith.select %gt3A, %get3A_12, %broadcast_in_dim3A_142 : vector<16xi1>, vector<16xf32>
      %jit3A = arith.constant 0 : i32
      %broadcast_in_dim3A_147 = vector.broadcast %jit3A : i32 to vector<16xi32>
      %select_n3A_148 = arith.select %gt3A, %broadcast_in_dim3A_147, %broadcast_in_dim3A_144 : vector<16xi1>, vector<16xi32>
      %add3A_149 = arith.constant 16 : i32
      %add3A_150 = vector.broadcast %add3A_149 : i32 to vector<16xi32>
      %add3A_151 = arith.addi %add3A_150, %iota3A_137 : vector<16xi32>
      %gt3A_152 = arith.cmpf ogt, %get3A_16, %select_n3A : vector<16xf32>
      %select_n3A_153 = arith.select %gt3A_152, %get3A_16, %select_n3A : vector<16xi1>, vector<16xf32>
      %jit3A_154 = arith.constant 1 : i32
      %broadcast_in_dim3A_155 = vector.broadcast %jit3A_154 : i32 to vector<16xi32>
      %select_n3A_156 = arith.select %gt3A_152, %broadcast_in_dim3A_155, %select_n3A_148 : vector<16xi1>, vector<16xi32>
      %add3A_157 = arith.constant 32 : i32
      %add3A_158 = vector.broadcast %add3A_157 : i32 to vector<16xi32>
      %add3A_159 = arith.addi %add3A_158, %iota3A_137 : vector<16xi32>
      %gt3A_160 = arith.cmpf ogt, %get3A_20, %select_n3A_153 : vector<16xf32>
      %select_n3A_161 = arith.select %gt3A_160, %get3A_20, %select_n3A_153 : vector<16xi1>, vector<16xf32>
      %jit3A_162 = arith.constant 2 : i32
      %broadcast_in_dim3A_163 = vector.broadcast %jit3A_162 : i32 to vector<16xi32>
      %select_n3A_164 = arith.select %gt3A_160, %broadcast_in_dim3A_163, %select_n3A_156 : vector<16xi1>, vector<16xi32>
      %add3A_165 = arith.constant 48 : i32
      %add3A_166 = vector.broadcast %add3A_165 : i32 to vector<16xi32>
      %add3A_167 = arith.addi %add3A_166, %iota3A_137 : vector<16xi32>
      %gt3A_168 = arith.cmpf ogt, %get3A_24, %select_n3A_161 : vector<16xf32>
      %select_n3A_169 = arith.select %gt3A_168, %get3A_24, %select_n3A_161 : vector<16xi1>, vector<16xf32>
      %jit3A_170 = arith.constant 3 : i32
      %broadcast_in_dim3A_171 = vector.broadcast %jit3A_170 : i32 to vector<16xi32>
      %select_n3A_172 = arith.select %gt3A_168, %broadcast_in_dim3A_171, %select_n3A_164 : vector<16xi1>, vector<16xi32>
      %add3A_173 = arith.constant 64 : i32
      %add3A_174 = vector.broadcast %add3A_173 : i32 to vector<16xi32>
      %add3A_175 = arith.addi %add3A_174, %iota3A_137 : vector<16xi32>
      %gt3A_176 = arith.cmpf ogt, %get3A_28, %select_n3A_169 : vector<16xf32>
      %select_n3A_177 = arith.select %gt3A_176, %get3A_28, %select_n3A_169 : vector<16xi1>, vector<16xf32>
      %jit3A_178 = arith.constant 4 : i32
      %broadcast_in_dim3A_179 = vector.broadcast %jit3A_178 : i32 to vector<16xi32>
      %select_n3A_180 = arith.select %gt3A_176, %broadcast_in_dim3A_179, %select_n3A_172 : vector<16xi1>, vector<16xi32>
      %add3A_181 = arith.constant 80 : i32
      %add3A_182 = vector.broadcast %add3A_181 : i32 to vector<16xi32>
      %add3A_183 = arith.addi %add3A_182, %iota3A_137 : vector<16xi32>
      %gt3A_184 = arith.cmpf ogt, %get3A_32, %select_n3A_177 : vector<16xf32>
      %select_n3A_185 = arith.select %gt3A_184, %get3A_32, %select_n3A_177 : vector<16xi1>, vector<16xf32>
      %jit3A_186 = arith.constant 5 : i32
      %broadcast_in_dim3A_187 = vector.broadcast %jit3A_186 : i32 to vector<16xi32>
      %select_n3A_188 = arith.select %gt3A_184, %broadcast_in_dim3A_187, %select_n3A_180 : vector<16xi1>, vector<16xi32>
      %add3A_189 = arith.constant 96 : i32
      %add3A_190 = vector.broadcast %add3A_189 : i32 to vector<16xi32>
      %add3A_191 = arith.addi %add3A_190, %iota3A_137 : vector<16xi32>
      %gt3A_192 = arith.cmpf ogt, %get3A_36, %select_n3A_185 : vector<16xf32>
      %select_n3A_193 = arith.select %gt3A_192, %get3A_36, %select_n3A_185 : vector<16xi1>, vector<16xf32>
      %jit3A_194 = arith.constant 6 : i32
      %broadcast_in_dim3A_195 = vector.broadcast %jit3A_194 : i32 to vector<16xi32>
      %select_n3A_196 = arith.select %gt3A_192, %broadcast_in_dim3A_195, %select_n3A_188 : vector<16xi1>, vector<16xi32>
      %add3A_197 = arith.constant 112 : i32
      %add3A_198 = vector.broadcast %add3A_197 : i32 to vector<16xi32>
      %add3A_199 = arith.addi %add3A_198, %iota3A_137 : vector<16xi32>
      %gt3A_200 = arith.cmpf ogt, %get3A_40, %select_n3A_193 : vector<16xf32>
      %select_n3A_201 = arith.select %gt3A_200, %get3A_40, %select_n3A_193 : vector<16xi1>, vector<16xf32>
      %jit3A_202 = arith.constant 7 : i32
      %broadcast_in_dim3A_203 = vector.broadcast %jit3A_202 : i32 to vector<16xi32>
      %select_n3A_204 = arith.select %gt3A_200, %broadcast_in_dim3A_203, %select_n3A_196 : vector<16xi1>, vector<16xi32>
      %add3A_205 = arith.constant 128 : i32
      %add3A_206 = vector.broadcast %add3A_205 : i32 to vector<16xi32>
      %add3A_207 = arith.addi %add3A_206, %iota3A_137 : vector<16xi32>
      %gt3A_208 = arith.cmpf ogt, %get3A_44, %select_n3A_201 : vector<16xf32>
      %select_n3A_209 = arith.select %gt3A_208, %get3A_44, %select_n3A_201 : vector<16xi1>, vector<16xf32>
      %jit3A_210 = arith.constant 8 : i32
      %broadcast_in_dim3A_211 = vector.broadcast %jit3A_210 : i32 to vector<16xi32>
      %select_n3A_212 = arith.select %gt3A_208, %broadcast_in_dim3A_211, %select_n3A_204 : vector<16xi1>, vector<16xi32>
      %add3A_213 = arith.constant 144 : i32
      %add3A_214 = vector.broadcast %add3A_213 : i32 to vector<16xi32>
      %add3A_215 = arith.addi %add3A_214, %iota3A_137 : vector<16xi32>
      %gt3A_216 = arith.cmpf ogt, %get3A_48, %select_n3A_209 : vector<16xf32>
      %select_n3A_217 = arith.select %gt3A_216, %get3A_48, %select_n3A_209 : vector<16xi1>, vector<16xf32>
      %jit3A_218 = arith.constant 9 : i32
      %broadcast_in_dim3A_219 = vector.broadcast %jit3A_218 : i32 to vector<16xi32>
      %select_n3A_220 = arith.select %gt3A_216, %broadcast_in_dim3A_219, %select_n3A_212 : vector<16xi1>, vector<16xi32>
      %add3A_221 = arith.constant 160 : i32
      %add3A_222 = vector.broadcast %add3A_221 : i32 to vector<16xi32>
      %add3A_223 = arith.addi %add3A_222, %iota3A_137 : vector<16xi32>
      %gt3A_224 = arith.cmpf ogt, %get3A_52, %select_n3A_217 : vector<16xf32>
      %select_n3A_225 = arith.select %gt3A_224, %get3A_52, %select_n3A_217 : vector<16xi1>, vector<16xf32>
      %jit3A_226 = arith.constant 10 : i32
      %broadcast_in_dim3A_227 = vector.broadcast %jit3A_226 : i32 to vector<16xi32>
      %select_n3A_228 = arith.select %gt3A_224, %broadcast_in_dim3A_227, %select_n3A_220 : vector<16xi1>, vector<16xi32>
      %add3A_229 = arith.constant 176 : i32
      %add3A_230 = vector.broadcast %add3A_229 : i32 to vector<16xi32>
      %add3A_231 = arith.addi %add3A_230, %iota3A_137 : vector<16xi32>
      %gt3A_232 = arith.cmpf ogt, %get3A_56, %select_n3A_225 : vector<16xf32>
      %select_n3A_233 = arith.select %gt3A_232, %get3A_56, %select_n3A_225 : vector<16xi1>, vector<16xf32>
      %jit3A_234 = arith.constant 11 : i32
      %broadcast_in_dim3A_235 = vector.broadcast %jit3A_234 : i32 to vector<16xi32>
      %select_n3A_236 = arith.select %gt3A_232, %broadcast_in_dim3A_235, %select_n3A_228 : vector<16xi1>, vector<16xi32>
      %add3A_237 = arith.constant 192 : i32
      %add3A_238 = vector.broadcast %add3A_237 : i32 to vector<16xi32>
      %add3A_239 = arith.addi %add3A_238, %iota3A_137 : vector<16xi32>
      %gt3A_240 = arith.cmpf ogt, %get3A_60, %select_n3A_233 : vector<16xf32>
      %select_n3A_241 = arith.select %gt3A_240, %get3A_60, %select_n3A_233 : vector<16xi1>, vector<16xf32>
      %jit3A_242 = arith.constant 12 : i32
      %broadcast_in_dim3A_243 = vector.broadcast %jit3A_242 : i32 to vector<16xi32>
      %select_n3A_244 = arith.select %gt3A_240, %broadcast_in_dim3A_243, %select_n3A_236 : vector<16xi1>, vector<16xi32>
      %add3A_245 = arith.constant 208 : i32
      %add3A_246 = vector.broadcast %add3A_245 : i32 to vector<16xi32>
      %add3A_247 = arith.addi %add3A_246, %iota3A_137 : vector<16xi32>
      %gt3A_248 = arith.cmpf ogt, %get3A_64, %select_n3A_241 : vector<16xf32>
      %select_n3A_249 = arith.select %gt3A_248, %get3A_64, %select_n3A_241 : vector<16xi1>, vector<16xf32>
      %jit3A_250 = arith.constant 13 : i32
      %broadcast_in_dim3A_251 = vector.broadcast %jit3A_250 : i32 to vector<16xi32>
      %select_n3A_252 = arith.select %gt3A_248, %broadcast_in_dim3A_251, %select_n3A_244 : vector<16xi1>, vector<16xi32>
      %add3A_253 = arith.constant 224 : i32
      %add3A_254 = vector.broadcast %add3A_253 : i32 to vector<16xi32>
      %add3A_255 = arith.addi %add3A_254, %iota3A_137 : vector<16xi32>
      %gt3A_256 = arith.cmpf ogt, %get3A_68, %select_n3A_249 : vector<16xf32>
      %select_n3A_257 = arith.select %gt3A_256, %get3A_68, %select_n3A_249 : vector<16xi1>, vector<16xf32>
      %jit3A_258 = arith.constant 14 : i32
      %broadcast_in_dim3A_259 = vector.broadcast %jit3A_258 : i32 to vector<16xi32>
      %select_n3A_260 = arith.select %gt3A_256, %broadcast_in_dim3A_259, %select_n3A_252 : vector<16xi1>, vector<16xi32>
      %add3A_261 = arith.constant 240 : i32
      %add3A_262 = vector.broadcast %add3A_261 : i32 to vector<16xi32>
      %add3A_263 = arith.addi %add3A_262, %iota3A_137 : vector<16xi32>
      %gt3A_264 = arith.cmpf ogt, %get3A_72, %select_n3A_257 : vector<16xf32>
      %select_n3A_265 = arith.select %gt3A_264, %get3A_72, %select_n3A_257 : vector<16xi1>, vector<16xf32>
      %jit3A_266 = arith.constant 15 : i32
      %broadcast_in_dim3A_267 = vector.broadcast %jit3A_266 : i32 to vector<16xi32>
      %select_n3A_268 = arith.select %gt3A_264, %broadcast_in_dim3A_267, %select_n3A_260 : vector<16xi1>, vector<16xi32>
      %reduce_max3A = arith.constant true
      %reduce_max3A_269 = vector.broadcast %reduce_max3A : i1 to vector<16xi1>
      %reduce_max3A_270 = tpu.scan <max>, %select_n3A_265 masked %reduce_max3A_269 : vector<16xf32>, vector<16xi1> -> vector<16xf32>
      %reduce_max3A_271 = vector.extract %reduce_max3A_270[15] : f32 from vector<16xf32>
      %eq3A_272 = vector.broadcast %reduce_max3A_271 : f32 to vector<16xf32>
      %eq3A_273 = arith.cmpf oeq, %select_n3A_265, %eq3A_272 : vector<16xf32>
      %convert_element_type3A_274 = arith.extui %eq3A_273 : vector<16xi1> to vector<16xi32>
      %cumsum3A = arith.constant true
      %cumsum3A_275 = vector.broadcast %cumsum3A : i1 to vector<16xi1>
      %cumsum3A_276 = tpu.scan <sum>, %convert_element_type3A_274 masked %cumsum3A_275 : vector<16xi32>, vector<16xi1> -> vector<16xi32>
      %eq3A_277 = arith.constant 1 : i32
      %eq3A_278 = vector.broadcast %eq3A_277 : i32 to vector<16xi32>
      %eq3A_279 = arith.cmpi eq, %cumsum3A_276, %eq3A_278 : vector<16xi32>
      %and3A_280 = arith.andi %eq3A_273, %eq3A_279 : vector<16xi1>
      %jit3A_281 = arith.constant 0 : i32
      %broadcast_in_dim3A_282 = vector.broadcast %jit3A_281 : i32 to vector<16xi32>
      %select_n3A_283 = arith.select %and3A_280, %iota3A_137, %broadcast_in_dim3A_282 : vector<16xi1>, vector<16xi32>
      %reduce_sum3A = arith.constant true
      %reduce_sum3A_284 = vector.broadcast %reduce_sum3A : i1 to vector<16xi1>
      %reduce_sum3A_285 = tpu.scan <sum>, %select_n3A_283 masked %reduce_sum3A_284 : vector<16xi32>, vector<16xi1> -> vector<16xi32>
      %reduce_sum3A_286 = vector.extract %reduce_sum3A_285[15] : i32 from vector<16xi32>
      %jit3A_287 = arith.constant 0 : i32
      %broadcast_in_dim3A_288 = vector.broadcast %jit3A_287 : i32 to vector<16xi32>
      %select_n3A_289 = arith.select %and3A_280, %select_n3A_268, %broadcast_in_dim3A_288 : vector<16xi1>, vector<16xi32>
      %reduce_sum3A_290 = arith.constant true
      %reduce_sum3A_291 = vector.broadcast %reduce_sum3A_290 : i1 to vector<16xi1>
      %reduce_sum3A_292 = tpu.scan <sum>, %select_n3A_289 masked %reduce_sum3A_291 : vector<16xi32>, vector<16xi1> -> vector<16xi32>
      %reduce_sum3A_293 = vector.extract %reduce_sum3A_292[15] : i32 from vector<16xi32>
      %mul3A_294 = arith.constant 16 : i32
      %mul3A_295 = arith.muli %reduce_sum3A_293, %mul3A_294 : i32
      %add3A_296 = arith.addi %mul3A_295, %reduce_sum3A_286 : i32
      %broadcast_in_dim3A_297 = arith.constant 0 : i32
      %broadcast_in_dim3A_298 = vector.broadcast %broadcast_in_dim3A_297 : i32 to vector<16xi32>
      %eq3A_299 = arith.constant 0 : i32
      %eq3A_300 = arith.cmpi eq, %reduce_sum3A_293, %eq3A_299 : i32
      %eq3A_301 = vector.broadcast %reduce_sum3A_286 : i32 to vector<16xi32>
      %eq3A_302 = arith.cmpi eq, %iota3A_137, %eq3A_301 : vector<16xi32>
      %and3A_303 = vector.broadcast %eq3A_300 : i1 to vector<16xi1>
      %and3A_304 = arith.andi %and3A_303, %eq3A_302 : vector<16xi1>
      %select_n3A_305 = arith.select %and3A_304, %get3A_76, %broadcast_in_dim3A_298 : vector<16xi1>, vector<16xi32>
      %eq3A_306 = arith.constant 1 : i32
      %eq3A_307 = arith.cmpi eq, %reduce_sum3A_293, %eq3A_306 : i32
      %eq3A_308 = vector.broadcast %reduce_sum3A_286 : i32 to vector<16xi32>
      %eq3A_309 = arith.cmpi eq, %iota3A_137, %eq3A_308 : vector<16xi32>
      %and3A_310 = vector.broadcast %eq3A_307 : i1 to vector<16xi1>
      %and3A_311 = arith.andi %and3A_310, %eq3A_309 : vector<16xi1>
      %select_n3A_312 = arith.select %and3A_311, %get3A_80, %select_n3A_305 : vector<16xi1>, vector<16xi32>
      %eq3A_313 = arith.constant 2 : i32
      %eq3A_314 = arith.cmpi eq, %reduce_sum3A_293, %eq3A_313 : i32
      %eq3A_315 = vector.broadcast %reduce_sum3A_286 : i32 to vector<16xi32>
      %eq3A_316 = arith.cmpi eq, %iota3A_137, %eq3A_315 : vector<16xi32>
      %and3A_317 = vector.broadcast %eq3A_314 : i1 to vector<16xi1>
      %and3A_318 = arith.andi %and3A_317, %eq3A_316 : vector<16xi1>
      %select_n3A_319 = arith.select %and3A_318, %get3A_84, %select_n3A_312 : vector<16xi1>, vector<16xi32>
      %eq3A_320 = arith.constant 3 : i32
      %eq3A_321 = arith.cmpi eq, %reduce_sum3A_293, %eq3A_320 : i32
      %eq3A_322 = vector.broadcast %reduce_sum3A_286 : i32 to vector<16xi32>
      %eq3A_323 = arith.cmpi eq, %iota3A_137, %eq3A_322 : vector<16xi32>
      %and3A_324 = vector.broadcast %eq3A_321 : i1 to vector<16xi1>
      %and3A_325 = arith.andi %and3A_324, %eq3A_323 : vector<16xi1>
      %select_n3A_326 = arith.select %and3A_325, %get3A_88, %select_n3A_319 : vector<16xi1>, vector<16xi32>
      %eq3A_327 = arith.constant 4 : i32
      %eq3A_328 = arith.cmpi eq, %reduce_sum3A_293, %eq3A_327 : i32
      %eq3A_329 = vector.broadcast %reduce_sum3A_286 : i32 to vector<16xi32>
      %eq3A_330 = arith.cmpi eq, %iota3A_137, %eq3A_329 : vector<16xi32>
      %and3A_331 = vector.broadcast %eq3A_328 : i1 to vector<16xi1>
      %and3A_332 = arith.andi %and3A_331, %eq3A_330 : vector<16xi1>
      %select_n3A_333 = arith.select %and3A_332, %get3A_92, %select_n3A_326 : vector<16xi1>, vector<16xi32>
      %eq3A_334 = arith.constant 5 : i32
      %eq3A_335 = arith.cmpi eq, %reduce_sum3A_293, %eq3A_334 : i32
      %eq3A_336 = vector.broadcast %reduce_sum3A_286 : i32 to vector<16xi32>
      %eq3A_337 = arith.cmpi eq, %iota3A_137, %eq3A_336 : vector<16xi32>
      %and3A_338 = vector.broadcast %eq3A_335 : i1 to vector<16xi1>
      %and3A_339 = arith.andi %and3A_338, %eq3A_337 : vector<16xi1>
      %select_n3A_340 = arith.select %and3A_339, %get3A_96, %select_n3A_333 : vector<16xi1>, vector<16xi32>
      %eq3A_341 = arith.constant 6 : i32
      %eq3A_342 = arith.cmpi eq, %reduce_sum3A_293, %eq3A_341 : i32
      %eq3A_343 = vector.broadcast %reduce_sum3A_286 : i32 to vector<16xi32>
      %eq3A_344 = arith.cmpi eq, %iota3A_137, %eq3A_343 : vector<16xi32>
      %and3A_345 = vector.broadcast %eq3A_342 : i1 to vector<16xi1>
      %and3A_346 = arith.andi %and3A_345, %eq3A_344 : vector<16xi1>
      %select_n3A_347 = arith.select %and3A_346, %get3A_100, %select_n3A_340 : vector<16xi1>, vector<16xi32>
      %eq3A_348 = arith.constant 7 : i32
      %eq3A_349 = arith.cmpi eq, %reduce_sum3A_293, %eq3A_348 : i32
      %eq3A_350 = vector.broadcast %reduce_sum3A_286 : i32 to vector<16xi32>
      %eq3A_351 = arith.cmpi eq, %iota3A_137, %eq3A_350 : vector<16xi32>
      %and3A_352 = vector.broadcast %eq3A_349 : i1 to vector<16xi1>
      %and3A_353 = arith.andi %and3A_352, %eq3A_351 : vector<16xi1>
      %select_n3A_354 = arith.select %and3A_353, %get3A_104, %select_n3A_347 : vector<16xi1>, vector<16xi32>
      %eq3A_355 = arith.constant 8 : i32
      %eq3A_356 = arith.cmpi eq, %reduce_sum3A_293, %eq3A_355 : i32
      %eq3A_357 = vector.broadcast %reduce_sum3A_286 : i32 to vector<16xi32>
      %eq3A_358 = arith.cmpi eq, %iota3A_137, %eq3A_357 : vector<16xi32>
      %and3A_359 = vector.broadcast %eq3A_356 : i1 to vector<16xi1>
      %and3A_360 = arith.andi %and3A_359, %eq3A_358 : vector<16xi1>
      %select_n3A_361 = arith.select %and3A_360, %get3A_108, %select_n3A_354 : vector<16xi1>, vector<16xi32>
      %eq3A_362 = arith.constant 9 : i32
      %eq3A_363 = arith.cmpi eq, %reduce_sum3A_293, %eq3A_362 : i32
      %eq3A_364 = vector.broadcast %reduce_sum3A_286 : i32 to vector<16xi32>
      %eq3A_365 = arith.cmpi eq, %iota3A_137, %eq3A_364 : vector<16xi32>
      %and3A_366 = vector.broadcast %eq3A_363 : i1 to vector<16xi1>
      %and3A_367 = arith.andi %and3A_366, %eq3A_365 : vector<16xi1>
      %select_n3A_368 = arith.select %and3A_367, %get3A_112, %select_n3A_361 : vector<16xi1>, vector<16xi32>
      %eq3A_369 = arith.constant 10 : i32
      %eq3A_370 = arith.cmpi eq, %reduce_sum3A_293, %eq3A_369 : i32
      %eq3A_371 = vector.broadcast %reduce_sum3A_286 : i32 to vector<16xi32>
      %eq3A_372 = arith.cmpi eq, %iota3A_137, %eq3A_371 : vector<16xi32>
      %and3A_373 = vector.broadcast %eq3A_370 : i1 to vector<16xi1>
      %and3A_374 = arith.andi %and3A_373, %eq3A_372 : vector<16xi1>
      %select_n3A_375 = arith.select %and3A_374, %get3A_116, %select_n3A_368 : vector<16xi1>, vector<16xi32>
      %eq3A_376 = arith.constant 11 : i32
      %eq3A_377 = arith.cmpi eq, %reduce_sum3A_293, %eq3A_376 : i32
      %eq3A_378 = vector.broadcast %reduce_sum3A_286 : i32 to vector<16xi32>
      %eq3A_379 = arith.cmpi eq, %iota3A_137, %eq3A_378 : vector<16xi32>
      %and3A_380 = vector.broadcast %eq3A_377 : i1 to vector<16xi1>
      %and3A_381 = arith.andi %and3A_380, %eq3A_379 : vector<16xi1>
      %select_n3A_382 = arith.select %and3A_381, %get3A_120, %select_n3A_375 : vector<16xi1>, vector<16xi32>
      %eq3A_383 = arith.constant 12 : i32
      %eq3A_384 = arith.cmpi eq, %reduce_sum3A_293, %eq3A_383 : i32
      %eq3A_385 = vector.broadcast %reduce_sum3A_286 : i32 to vector<16xi32>
      %eq3A_386 = arith.cmpi eq, %iota3A_137, %eq3A_385 : vector<16xi32>
      %and3A_387 = vector.broadcast %eq3A_384 : i1 to vector<16xi1>
      %and3A_388 = arith.andi %and3A_387, %eq3A_386 : vector<16xi1>
      %select_n3A_389 = arith.select %and3A_388, %get3A_124, %select_n3A_382 : vector<16xi1>, vector<16xi32>
      %eq3A_390 = arith.constant 13 : i32
      %eq3A_391 = arith.cmpi eq, %reduce_sum3A_293, %eq3A_390 : i32
      %eq3A_392 = vector.broadcast %reduce_sum3A_286 : i32 to vector<16xi32>
      %eq3A_393 = arith.cmpi eq, %iota3A_137, %eq3A_392 : vector<16xi32>
      %and3A_394 = vector.broadcast %eq3A_391 : i1 to vector<16xi1>
      %and3A_395 = arith.andi %and3A_394, %eq3A_393 : vector<16xi1>
      %select_n3A_396 = arith.select %and3A_395, %get3A_128, %select_n3A_389 : vector<16xi1>, vector<16xi32>
      %eq3A_397 = arith.constant 14 : i32
      %eq3A_398 = arith.cmpi eq, %reduce_sum3A_293, %eq3A_397 : i32
      %eq3A_399 = vector.broadcast %reduce_sum3A_286 : i32 to vector<16xi32>
      %eq3A_400 = arith.cmpi eq, %iota3A_137, %eq3A_399 : vector<16xi32>
      %and3A_401 = vector.broadcast %eq3A_398 : i1 to vector<16xi1>
      %and3A_402 = arith.andi %and3A_401, %eq3A_400 : vector<16xi1>
      %select_n3A_403 = arith.select %and3A_402, %get3A_132, %select_n3A_396 : vector<16xi1>, vector<16xi32>
      %eq3A_404 = arith.constant 15 : i32
      %eq3A_405 = arith.cmpi eq, %reduce_sum3A_293, %eq3A_404 : i32
      %eq3A_406 = vector.broadcast %reduce_sum3A_286 : i32 to vector<16xi32>
      %eq3A_407 = arith.cmpi eq, %iota3A_137, %eq3A_406 : vector<16xi32>
      %and3A_408 = vector.broadcast %eq3A_405 : i1 to vector<16xi1>
      %and3A_409 = arith.andi %and3A_408, %eq3A_407 : vector<16xi1>
      %select_n3A_410 = arith.select %and3A_409, %get3A_136, %select_n3A_403 : vector<16xi1>, vector<16xi32>
      %reduce_sum3A_411 = arith.constant true
      %reduce_sum3A_412 = vector.broadcast %reduce_sum3A_411 : i1 to vector<16xi1>
      %reduce_sum3A_413 = tpu.scan <sum>, %select_n3A_410 masked %reduce_sum3A_412 : vector<16xi32>, vector<16xi1> -> vector<16xi32>
      %reduce_sum3A_414 = vector.extract %reduce_sum3A_413[15] : i32 from vector<16xi32>
      %eq3A_415 = arith.constant 0 : i32
      %eq3A_416 = vector.broadcast %eq3A_415 : i32 to vector<16xi32>
      %eq3A_417 = arith.cmpi eq, %iota3A_137, %eq3A_416 : vector<16xi32>
      %broadcast_in_dim3A_418 = vector.broadcast %reduce_max3A_271 : f32 to vector<16xf32>
      %select_n3A_419 = arith.select %eq3A_417, %broadcast_in_dim3A_418, %broadcast_in_dim3A_138 : vector<16xi1>, vector<16xf32>
      %eq3A_420 = arith.constant 0 : i32
      %eq3A_421 = vector.broadcast %eq3A_420 : i32 to vector<16xi32>
      %eq3A_422 = arith.cmpi eq, %iota3A_137, %eq3A_421 : vector<16xi32>
      %broadcast_in_dim3A_423 = vector.broadcast %reduce_sum3A_414 : i32 to vector<16xi32>
      %select_n3A_424 = arith.select %eq3A_422, %broadcast_in_dim3A_423, %broadcast_in_dim3A_140 : vector<16xi1>, vector<16xi32>
      %broadcast_in_dim3A_425 = arith.constant -1.000000e+30 : f32
      %broadcast_in_dim3A_426 = vector.broadcast %broadcast_in_dim3A_425 : f32 to vector<16xf32>
      %broadcast_in_dim3A_427 = arith.constant 0 : i32
      %broadcast_in_dim3A_428 = vector.broadcast %broadcast_in_dim3A_427 : i32 to vector<16xi32>
      %add3A_429 = arith.constant 0 : i32
      %add3A_430 = vector.broadcast %add3A_429 : i32 to vector<16xi32>
      %add3A_431 = arith.addi %add3A_430, %iota3A_137 : vector<16xi32>
      %eq3A_432 = vector.broadcast %add3A_296 : i32 to vector<16xi32>
      %eq3A_433 = arith.cmpi eq, %add3A_431, %eq3A_432 : vector<16xi32>
      %jit3A_434 = arith.constant -1.000000e+30 : f32
      %broadcast_in_dim3A_435 = vector.broadcast %jit3A_434 : f32 to vector<16xf32>
      %select_n3A_436 = arith.select %eq3A_433, %broadcast_in_dim3A_435, %get3A_12 : vector<16xi1>, vector<16xf32>
      %gt3A_437 = arith.cmpf ogt, %select_n3A_436, %broadcast_in_dim3A_426 : vector<16xf32>
      %select_n3A_438 = arith.select %gt3A_437, %select_n3A_436, %broadcast_in_dim3A_426 : vector<16xi1>, vector<16xf32>
      %jit3A_439 = arith.constant 0 : i32
      %broadcast_in_dim3A_440 = vector.broadcast %jit3A_439 : i32 to vector<16xi32>
      %select_n3A_441 = arith.select %gt3A_437, %broadcast_in_dim3A_440, %broadcast_in_dim3A_428 : vector<16xi1>, vector<16xi32>
      %add3A_442 = arith.constant 16 : i32
      %add3A_443 = vector.broadcast %add3A_442 : i32 to vector<16xi32>
      %add3A_444 = arith.addi %add3A_443, %iota3A_137 : vector<16xi32>
      %eq3A_445 = vector.broadcast %add3A_296 : i32 to vector<16xi32>
      %eq3A_446 = arith.cmpi eq, %add3A_444, %eq3A_445 : vector<16xi32>
      %jit3A_447 = arith.constant -1.000000e+30 : f32
      %broadcast_in_dim3A_448 = vector.broadcast %jit3A_447 : f32 to vector<16xf32>
      %select_n3A_449 = arith.select %eq3A_446, %broadcast_in_dim3A_448, %get3A_16 : vector<16xi1>, vector<16xf32>
      %gt3A_450 = arith.cmpf ogt, %select_n3A_449, %select_n3A_438 : vector<16xf32>
      %select_n3A_451 = arith.select %gt3A_450, %select_n3A_449, %select_n3A_438 : vector<16xi1>, vector<16xf32>
      %jit3A_452 = arith.constant 1 : i32
      %broadcast_in_dim3A_453 = vector.broadcast %jit3A_452 : i32 to vector<16xi32>
      %select_n3A_454 = arith.select %gt3A_450, %broadcast_in_dim3A_453, %select_n3A_441 : vector<16xi1>, vector<16xi32>
      %add3A_455 = arith.constant 32 : i32
      %add3A_456 = vector.broadcast %add3A_455 : i32 to vector<16xi32>
      %add3A_457 = arith.addi %add3A_456, %iota3A_137 : vector<16xi32>
      %eq3A_458 = vector.broadcast %add3A_296 : i32 to vector<16xi32>
      %eq3A_459 = arith.cmpi eq, %add3A_457, %eq3A_458 : vector<16xi32>
      %jit3A_460 = arith.constant -1.000000e+30 : f32
      %broadcast_in_dim3A_461 = vector.broadcast %jit3A_460 : f32 to vector<16xf32>
      %select_n3A_462 = arith.select %eq3A_459, %broadcast_in_dim3A_461, %get3A_20 : vector<16xi1>, vector<16xf32>
      %gt3A_463 = arith.cmpf ogt, %select_n3A_462, %select_n3A_451 : vector<16xf32>
      %select_n3A_464 = arith.select %gt3A_463, %select_n3A_462, %select_n3A_451 : vector<16xi1>, vector<16xf32>
      %jit3A_465 = arith.constant 2 : i32
      %broadcast_in_dim3A_466 = vector.broadcast %jit3A_465 : i32 to vector<16xi32>
      %select_n3A_467 = arith.select %gt3A_463, %broadcast_in_dim3A_466, %select_n3A_454 : vector<16xi1>, vector<16xi32>
      %add3A_468 = arith.constant 48 : i32
      %add3A_469 = vector.broadcast %add3A_468 : i32 to vector<16xi32>
      %add3A_470 = arith.addi %add3A_469, %iota3A_137 : vector<16xi32>
      %eq3A_471 = vector.broadcast %add3A_296 : i32 to vector<16xi32>
      %eq3A_472 = arith.cmpi eq, %add3A_470, %eq3A_471 : vector<16xi32>
      %jit3A_473 = arith.constant -1.000000e+30 : f32
      %broadcast_in_dim3A_474 = vector.broadcast %jit3A_473 : f32 to vector<16xf32>
      %select_n3A_475 = arith.select %eq3A_472, %broadcast_in_dim3A_474, %get3A_24 : vector<16xi1>, vector<16xf32>
      %gt3A_476 = arith.cmpf ogt, %select_n3A_475, %select_n3A_464 : vector<16xf32>
      %select_n3A_477 = arith.select %gt3A_476, %select_n3A_475, %select_n3A_464 : vector<16xi1>, vector<16xf32>
      %jit3A_478 = arith.constant 3 : i32
      %broadcast_in_dim3A_479 = vector.broadcast %jit3A_478 : i32 to vector<16xi32>
      %select_n3A_480 = arith.select %gt3A_476, %broadcast_in_dim3A_479, %select_n3A_467 : vector<16xi1>, vector<16xi32>
      %add3A_481 = arith.constant 64 : i32
      %add3A_482 = vector.broadcast %add3A_481 : i32 to vector<16xi32>
      %add3A_483 = arith.addi %add3A_482, %iota3A_137 : vector<16xi32>
      %eq3A_484 = vector.broadcast %add3A_296 : i32 to vector<16xi32>
      %eq3A_485 = arith.cmpi eq, %add3A_483, %eq3A_484 : vector<16xi32>
      %jit3A_486 = arith.constant -1.000000e+30 : f32
      %broadcast_in_dim3A_487 = vector.broadcast %jit3A_486 : f32 to vector<16xf32>
      %select_n3A_488 = arith.select %eq3A_485, %broadcast_in_dim3A_487, %get3A_28 : vector<16xi1>, vector<16xf32>
      %gt3A_489 = arith.cmpf ogt, %select_n3A_488, %select_n3A_477 : vector<16xf32>
      %select_n3A_490 = arith.select %gt3A_489, %select_n3A_488, %select_n3A_477 : vector<16xi1>, vector<16xf32>
      %jit3A_491 = arith.constant 4 : i32
      %broadcast_in_dim3A_492 = vector.broadcast %jit3A_491 : i32 to vector<16xi32>
      %select_n3A_493 = arith.select %gt3A_489, %broadcast_in_dim3A_492, %select_n3A_480 : vector<16xi1>, vector<16xi32>
      %add3A_494 = arith.constant 80 : i32
      %add3A_495 = vector.broadcast %add3A_494 : i32 to vector<16xi32>
      %add3A_496 = arith.addi %add3A_495, %iota3A_137 : vector<16xi32>
      %eq3A_497 = vector.broadcast %add3A_296 : i32 to vector<16xi32>
      %eq3A_498 = arith.cmpi eq, %add3A_496, %eq3A_497 : vector<16xi32>
      %jit3A_499 = arith.constant -1.000000e+30 : f32
      %broadcast_in_dim3A_500 = vector.broadcast %jit3A_499 : f32 to vector<16xf32>
      %select_n3A_501 = arith.select %eq3A_498, %broadcast_in_dim3A_500, %get3A_32 : vector<16xi1>, vector<16xf32>
      %gt3A_502 = arith.cmpf ogt, %select_n3A_501, %select_n3A_490 : vector<16xf32>
      %select_n3A_503 = arith.select %gt3A_502, %select_n3A_501, %select_n3A_490 : vector<16xi1>, vector<16xf32>
      %jit3A_504 = arith.constant 5 : i32
      %broadcast_in_dim3A_505 = vector.broadcast %jit3A_504 : i32 to vector<16xi32>
      %select_n3A_506 = arith.select %gt3A_502, %broadcast_in_dim3A_505, %select_n3A_493 : vector<16xi1>, vector<16xi32>
      %add3A_507 = arith.constant 96 : i32
      %add3A_508 = vector.broadcast %add3A_507 : i32 to vector<16xi32>
      %add3A_509 = arith.addi %add3A_508, %iota3A_137 : vector<16xi32>
      %eq3A_510 = vector.broadcast %add3A_296 : i32 to vector<16xi32>
      %eq3A_511 = arith.cmpi eq, %add3A_509, %eq3A_510 : vector<16xi32>
      %jit3A_512 = arith.constant -1.000000e+30 : f32
      %broadcast_in_dim3A_513 = vector.broadcast %jit3A_512 : f32 to vector<16xf32>
      %select_n3A_514 = arith.select %eq3A_511, %broadcast_in_dim3A_513, %get3A_36 : vector<16xi1>, vector<16xf32>
      %gt3A_515 = arith.cmpf ogt, %select_n3A_514, %select_n3A_503 : vector<16xf32>
      %select_n3A_516 = arith.select %gt3A_515, %select_n3A_514, %select_n3A_503 : vector<16xi1>, vector<16xf32>
      %jit3A_517 = arith.constant 6 : i32
      %broadcast_in_dim3A_518 = vector.broadcast %jit3A_517 : i32 to vector<16xi32>
      %select_n3A_519 = arith.select %gt3A_515, %broadcast_in_dim3A_518, %select_n3A_506 : vector<16xi1>, vector<16xi32>
      %add3A_520 = arith.constant 112 : i32
      %add3A_521 = vector.broadcast %add3A_520 : i32 to vector<16xi32>
      %add3A_522 = arith.addi %add3A_521, %iota3A_137 : vector<16xi32>
      %eq3A_523 = vector.broadcast %add3A_296 : i32 to vector<16xi32>
      %eq3A_524 = arith.cmpi eq, %add3A_522, %eq3A_523 : vector<16xi32>
      %jit3A_525 = arith.constant -1.000000e+30 : f32
      %broadcast_in_dim3A_526 = vector.broadcast %jit3A_525 : f32 to vector<16xf32>
      %select_n3A_527 = arith.select %eq3A_524, %broadcast_in_dim3A_526, %get3A_40 : vector<16xi1>, vector<16xf32>
      %gt3A_528 = arith.cmpf ogt, %select_n3A_527, %select_n3A_516 : vector<16xf32>
      %select_n3A_529 = arith.select %gt3A_528, %select_n3A_527, %select_n3A_516 : vector<16xi1>, vector<16xf32>
      %jit3A_530 = arith.constant 7 : i32
      %broadcast_in_dim3A_531 = vector.broadcast %jit3A_530 : i32 to vector<16xi32>
      %select_n3A_532 = arith.select %gt3A_528, %broadcast_in_dim3A_531, %select_n3A_519 : vector<16xi1>, vector<16xi32>
      %add3A_533 = arith.constant 128 : i32
      %add3A_534 = vector.broadcast %add3A_533 : i32 to vector<16xi32>
      %add3A_535 = arith.addi %add3A_534, %iota3A_137 : vector<16xi32>
      %eq3A_536 = vector.broadcast %add3A_296 : i32 to vector<16xi32>
      %eq3A_537 = arith.cmpi eq, %add3A_535, %eq3A_536 : vector<16xi32>
      %jit3A_538 = arith.constant -1.000000e+30 : f32
      %broadcast_in_dim3A_539 = vector.broadcast %jit3A_538 : f32 to vector<16xf32>
      %select_n3A_540 = arith.select %eq3A_537, %broadcast_in_dim3A_539, %get3A_44 : vector<16xi1>, vector<16xf32>
      %gt3A_541 = arith.cmpf ogt, %select_n3A_540, %select_n3A_529 : vector<16xf32>
      %select_n3A_542 = arith.select %gt3A_541, %select_n3A_540, %select_n3A_529 : vector<16xi1>, vector<16xf32>
      %jit3A_543 = arith.constant 8 : i32
      %broadcast_in_dim3A_544 = vector.broadcast %jit3A_543 : i32 to vector<16xi32>
      %select_n3A_545 = arith.select %gt3A_541, %broadcast_in_dim3A_544, %select_n3A_532 : vector<16xi1>, vector<16xi32>
      %add3A_546 = arith.constant 144 : i32
      %add3A_547 = vector.broadcast %add3A_546 : i32 to vector<16xi32>
      %add3A_548 = arith.addi %add3A_547, %iota3A_137 : vector<16xi32>
      %eq3A_549 = vector.broadcast %add3A_296 : i32 to vector<16xi32>
      %eq3A_550 = arith.cmpi eq, %add3A_548, %eq3A_549 : vector<16xi32>
      %jit3A_551 = arith.constant -1.000000e+30 : f32
      %broadcast_in_dim3A_552 = vector.broadcast %jit3A_551 : f32 to vector<16xf32>
      %select_n3A_553 = arith.select %eq3A_550, %broadcast_in_dim3A_552, %get3A_48 : vector<16xi1>, vector<16xf32>
      %gt3A_554 = arith.cmpf ogt, %select_n3A_553, %select_n3A_542 : vector<16xf32>
      %select_n3A_555 = arith.select %gt3A_554, %select_n3A_553, %select_n3A_542 : vector<16xi1>, vector<16xf32>
      %jit3A_556 = arith.constant 9 : i32
      %broadcast_in_dim3A_557 = vector.broadcast %jit3A_556 : i32 to vector<16xi32>
      %select_n3A_558 = arith.select %gt3A_554, %broadcast_in_dim3A_557, %select_n3A_545 : vector<16xi1>, vector<16xi32>
      %add3A_559 = arith.constant 160 : i32
      %add3A_560 = vector.broadcast %add3A_559 : i32 to vector<16xi32>
      %add3A_561 = arith.addi %add3A_560, %iota3A_137 : vector<16xi32>
      %eq3A_562 = vector.broadcast %add3A_296 : i32 to vector<16xi32>
      %eq3A_563 = arith.cmpi eq, %add3A_561, %eq3A_562 : vector<16xi32>
      %jit3A_564 = arith.constant -1.000000e+30 : f32
      %broadcast_in_dim3A_565 = vector.broadcast %jit3A_564 : f32 to vector<16xf32>
      %select_n3A_566 = arith.select %eq3A_563, %broadcast_in_dim3A_565, %get3A_52 : vector<16xi1>, vector<16xf32>
      %gt3A_567 = arith.cmpf ogt, %select_n3A_566, %select_n3A_555 : vector<16xf32>
      %select_n3A_568 = arith.select %gt3A_567, %select_n3A_566, %select_n3A_555 : vector<16xi1>, vector<16xf32>
      %jit3A_569 = arith.constant 10 : i32
      %broadcast_in_dim3A_570 = vector.broadcast %jit3A_569 : i32 to vector<16xi32>
      %select_n3A_571 = arith.select %gt3A_567, %broadcast_in_dim3A_570, %select_n3A_558 : vector<16xi1>, vector<16xi32>
      %add3A_572 = arith.constant 176 : i32
      %add3A_573 = vector.broadcast %add3A_572 : i32 to vector<16xi32>
      %add3A_574 = arith.addi %add3A_573, %iota3A_137 : vector<16xi32>
      %eq3A_575 = vector.broadcast %add3A_296 : i32 to vector<16xi32>
      %eq3A_576 = arith.cmpi eq, %add3A_574, %eq3A_575 : vector<16xi32>
      %jit3A_577 = arith.constant -1.000000e+30 : f32
      %broadcast_in_dim3A_578 = vector.broadcast %jit3A_577 : f32 to vector<16xf32>
      %select_n3A_579 = arith.select %eq3A_576, %broadcast_in_dim3A_578, %get3A_56 : vector<16xi1>, vector<16xf32>
      %gt3A_580 = arith.cmpf ogt, %select_n3A_579, %select_n3A_568 : vector<16xf32>
      %select_n3A_581 = arith.select %gt3A_580, %select_n3A_579, %select_n3A_568 : vector<16xi1>, vector<16xf32>
      %jit3A_582 = arith.constant 11 : i32
      %broadcast_in_dim3A_583 = vector.broadcast %jit3A_582 : i32 to vector<16xi32>
      %select_n3A_584 = arith.select %gt3A_580, %broadcast_in_dim3A_583, %select_n3A_571 : vector<16xi1>, vector<16xi32>
      %add3A_585 = arith.constant 192 : i32
      %add3A_586 = vector.broadcast %add3A_585 : i32 to vector<16xi32>
      %add3A_587 = arith.addi %add3A_586, %iota3A_137 : vector<16xi32>
      %eq3A_588 = vector.broadcast %add3A_296 : i32 to vector<16xi32>
      %eq3A_589 = arith.cmpi eq, %add3A_587, %eq3A_588 : vector<16xi32>
      %jit3A_590 = arith.constant -1.000000e+30 : f32
      %broadcast_in_dim3A_591 = vector.broadcast %jit3A_590 : f32 to vector<16xf32>
      %select_n3A_592 = arith.select %eq3A_589, %broadcast_in_dim3A_591, %get3A_60 : vector<16xi1>, vector<16xf32>
      %gt3A_593 = arith.cmpf ogt, %select_n3A_592, %select_n3A_581 : vector<16xf32>
      %select_n3A_594 = arith.select %gt3A_593, %select_n3A_592, %select_n3A_581 : vector<16xi1>, vector<16xf32>
      %jit3A_595 = arith.constant 12 : i32
      %broadcast_in_dim3A_596 = vector.broadcast %jit3A_595 : i32 to vector<16xi32>
      %select_n3A_597 = arith.select %gt3A_593, %broadcast_in_dim3A_596, %select_n3A_584 : vector<16xi1>, vector<16xi32>
      %add3A_598 = arith.constant 208 : i32
      %add3A_599 = vector.broadcast %add3A_598 : i32 to vector<16xi32>
      %add3A_600 = arith.addi %add3A_599, %iota3A_137 : vector<16xi32>
      %eq3A_601 = vector.broadcast %add3A_296 : i32 to vector<16xi32>
      %eq3A_602 = arith.cmpi eq, %add3A_600, %eq3A_601 : vector<16xi32>
      %jit3A_603 = arith.constant -1.000000e+30 : f32
      %broadcast_in_dim3A_604 = vector.broadcast %jit3A_603 : f32 to vector<16xf32>
      %select_n3A_605 = arith.select %eq3A_602, %broadcast_in_dim3A_604, %get3A_64 : vector<16xi1>, vector<16xf32>
      %gt3A_606 = arith.cmpf ogt, %select_n3A_605, %select_n3A_594 : vector<16xf32>
      %select_n3A_607 = arith.select %gt3A_606, %select_n3A_605, %select_n3A_594 : vector<16xi1>, vector<16xf32>
      %jit3A_608 = arith.constant 13 : i32
      %broadcast_in_dim3A_609 = vector.broadcast %jit3A_608 : i32 to vector<16xi32>
      %select_n3A_610 = arith.select %gt3A_606, %broadcast_in_dim3A_609, %select_n3A_597 : vector<16xi1>, vector<16xi32>
      %add3A_611 = arith.constant 224 : i32
      %add3A_612 = vector.broadcast %add3A_611 : i32 to vector<16xi32>
      %add3A_613 = arith.addi %add3A_612, %iota3A_137 : vector<16xi32>
      %eq3A_614 = vector.broadcast %add3A_296 : i32 to vector<16xi32>
      %eq3A_615 = arith.cmpi eq, %add3A_613, %eq3A_614 : vector<16xi32>
      %jit3A_616 = arith.constant -1.000000e+30 : f32
      %broadcast_in_dim3A_617 = vector.broadcast %jit3A_616 : f32 to vector<16xf32>
      %select_n3A_618 = arith.select %eq3A_615, %broadcast_in_dim3A_617, %get3A_68 : vector<16xi1>, vector<16xf32>
      %gt3A_619 = arith.cmpf ogt, %select_n3A_618, %select_n3A_607 : vector<16xf32>
      %select_n3A_620 = arith.select %gt3A_619, %select_n3A_618, %select_n3A_607 : vector<16xi1>, vector<16xf32>
      %jit3A_621 = arith.constant 14 : i32
      %broadcast_in_dim3A_622 = vector.broadcast %jit3A_621 : i32 to vector<16xi32>
      %select_n3A_623 = arith.select %gt3A_619, %broadcast_in_dim3A_622, %select_n3A_610 : vector<16xi1>, vector<16xi32>
      %add3A_624 = arith.constant 240 : i32
      %add3A_625 = vector.broadcast %add3A_624 : i32 to vector<16xi32>
      %add3A_626 = arith.addi %add3A_625, %iota3A_137 : vector<16xi32>
      %eq3A_627 = vector.broadcast %add3A_296 : i32 to vector<16xi32>
      %eq3A_628 = arith.cmpi eq, %add3A_626, %eq3A_627 : vector<16xi32>
      %jit3A_629 = arith.constant -1.000000e+30 : f32
      %broadcast_in_dim3A_630 = vector.broadcast %jit3A_629 : f32 to vector<16xf32>
      %select_n3A_631 = arith.select %eq3A_628, %broadcast_in_dim3A_630, %get3A_72 : vector<16xi1>, vector<16xf32>
      %gt3A_632 = arith.cmpf ogt, %select_n3A_631, %select_n3A_620 : vector<16xf32>
      %select_n3A_633 = arith.select %gt3A_632, %select_n3A_631, %select_n3A_620 : vector<16xi1>, vector<16xf32>
      %jit3A_634 = arith.constant 15 : i32
      %broadcast_in_dim3A_635 = vector.broadcast %jit3A_634 : i32 to vector<16xi32>
      %select_n3A_636 = arith.select %gt3A_632, %broadcast_in_dim3A_635, %select_n3A_623 : vector<16xi1>, vector<16xi32>
      %reduce_max3A_637 = arith.constant true
      %reduce_max3A_638 = vector.broadcast %reduce_max3A_637 : i1 to vector<16xi1>
      %reduce_max3A_639 = tpu.scan <max>, %select_n3A_633 masked %reduce_max3A_638 : vector<16xf32>, vector<16xi1> -> vector<16xf32>
      %reduce_max3A_640 = vector.extract %reduce_max3A_639[15] : f32 from vector<16xf32>
      %eq3A_641 = vector.broadcast %reduce_max3A_640 : f32 to vector<16xf32>
      %eq3A_642 = arith.cmpf oeq, %select_n3A_633, %eq3A_641 : vector<16xf32>
      %convert_element_type3A_643 = arith.extui %eq3A_642 : vector<16xi1> to vector<16xi32>
      %cumsum3A_644 = arith.constant true
      %cumsum3A_645 = vector.broadcast %cumsum3A_644 : i1 to vector<16xi1>
      %cumsum3A_646 = tpu.scan <sum>, %convert_element_type3A_643 masked %cumsum3A_645 : vector<16xi32>, vector<16xi1> -> vector<16xi32>
      %eq3A_647 = arith.constant 1 : i32
      %eq3A_648 = vector.broadcast %eq3A_647 : i32 to vector<16xi32>
      %eq3A_649 = arith.cmpi eq, %cumsum3A_646, %eq3A_648 : vector<16xi32>
      %and3A_650 = arith.andi %eq3A_642, %eq3A_649 : vector<16xi1>
      %jit3A_651 = arith.constant 0 : i32
      %broadcast_in_dim3A_652 = vector.broadcast %jit3A_651 : i32 to vector<16xi32>
      %select_n3A_653 = arith.select %and3A_650, %iota3A_137, %broadcast_in_dim3A_652 : vector<16xi1>, vector<16xi32>
      %reduce_sum3A_654 = arith.constant true
      %reduce_sum3A_655 = vector.broadcast %reduce_sum3A_654 : i1 to vector<16xi1>
      %reduce_sum3A_656 = tpu.scan <sum>, %select_n3A_653 masked %reduce_sum3A_655 : vector<16xi32>, vector<16xi1> -> vector<16xi32>
      %reduce_sum3A_657 = vector.extract %reduce_sum3A_656[15] : i32 from vector<16xi32>
      %jit3A_658 = arith.constant 0 : i32
      %broadcast_in_dim3A_659 = vector.broadcast %jit3A_658 : i32 to vector<16xi32>
      %select_n3A_660 = arith.select %and3A_650, %select_n3A_636, %broadcast_in_dim3A_659 : vector<16xi1>, vector<16xi32>
      %reduce_sum3A_661 = arith.constant true
      %reduce_sum3A_662 = vector.broadcast %reduce_sum3A_661 : i1 to vector<16xi1>
      %reduce_sum3A_663 = tpu.scan <sum>, %select_n3A_660 masked %reduce_sum3A_662 : vector<16xi32>, vector<16xi1> -> vector<16xi32>
      %reduce_sum3A_664 = vector.extract %reduce_sum3A_663[15] : i32 from vector<16xi32>
      %mul3A_665 = arith.constant 16 : i32
      %mul3A_666 = arith.muli %reduce_sum3A_664, %mul3A_665 : i32
      %add3A_667 = arith.addi %mul3A_666, %reduce_sum3A_657 : i32
      %broadcast_in_dim3A_668 = arith.constant 0 : i32
      %broadcast_in_dim3A_669 = vector.broadcast %broadcast_in_dim3A_668 : i32 to vector<16xi32>
      %eq3A_670 = arith.constant 0 : i32
      %eq3A_671 = arith.cmpi eq, %reduce_sum3A_664, %eq3A_670 : i32
      %eq3A_672 = vector.broadcast %reduce_sum3A_657 : i32 to vector<16xi32>
      %eq3A_673 = arith.cmpi eq, %iota3A_137, %eq3A_672 : vector<16xi32>
      %and3A_674 = vector.broadcast %eq3A_671 : i1 to vector<16xi1>
      %and3A_675 = arith.andi %and3A_674, %eq3A_673 : vector<16xi1>
      %select_n3A_676 = arith.select %and3A_675, %get3A_76, %broadcast_in_dim3A_669 : vector<16xi1>, vector<16xi32>
      %eq3A_677 = arith.constant 1 : i32
      %eq3A_678 = arith.cmpi eq, %reduce_sum3A_664, %eq3A_677 : i32
      %eq3A_679 = vector.broadcast %reduce_sum3A_657 : i32 to vector<16xi32>
      %eq3A_680 = arith.cmpi eq, %iota3A_137, %eq3A_679 : vector<16xi32>
      %and3A_681 = vector.broadcast %eq3A_678 : i1 to vector<16xi1>
      %and3A_682 = arith.andi %and3A_681, %eq3A_680 : vector<16xi1>
      %select_n3A_683 = arith.select %and3A_682, %get3A_80, %select_n3A_676 : vector<16xi1>, vector<16xi32>
      %eq3A_684 = arith.constant 2 : i32
      %eq3A_685 = arith.cmpi eq, %reduce_sum3A_664, %eq3A_684 : i32
      %eq3A_686 = vector.broadcast %reduce_sum3A_657 : i32 to vector<16xi32>
      %eq3A_687 = arith.cmpi eq, %iota3A_137, %eq3A_686 : vector<16xi32>
      %and3A_688 = vector.broadcast %eq3A_685 : i1 to vector<16xi1>
      %and3A_689 = arith.andi %and3A_688, %eq3A_687 : vector<16xi1>
      %select_n3A_690 = arith.select %and3A_689, %get3A_84, %select_n3A_683 : vector<16xi1>, vector<16xi32>
      %eq3A_691 = arith.constant 3 : i32
      %eq3A_692 = arith.cmpi eq, %reduce_sum3A_664, %eq3A_691 : i32
      %eq3A_693 = vector.broadcast %reduce_sum3A_657 : i32 to vector<16xi32>
      %eq3A_694 = arith.cmpi eq, %iota3A_137, %eq3A_693 : vector<16xi32>
      %and3A_695 = vector.broadcast %eq3A_692 : i1 to vector<16xi1>
      %and3A_696 = arith.andi %and3A_695, %eq3A_694 : vector<16xi1>
      %select_n3A_697 = arith.select %and3A_696, %get3A_88, %select_n3A_690 : vector<16xi1>, vector<16xi32>
      %eq3A_698 = arith.constant 4 : i32
      %eq3A_699 = arith.cmpi eq, %reduce_sum3A_664, %eq3A_698 : i32
      %eq3A_700 = vector.broadcast %reduce_sum3A_657 : i32 to vector<16xi32>
      %eq3A_701 = arith.cmpi eq, %iota3A_137, %eq3A_700 : vector<16xi32>
      %and3A_702 = vector.broadcast %eq3A_699 : i1 to vector<16xi1>
      %and3A_703 = arith.andi %and3A_702, %eq3A_701 : vector<16xi1>
      %select_n3A_704 = arith.select %and3A_703, %get3A_92, %select_n3A_697 : vector<16xi1>, vector<16xi32>
      %eq3A_705 = arith.constant 5 : i32
      %eq3A_706 = arith.cmpi eq, %reduce_sum3A_664, %eq3A_705 : i32
      %eq3A_707 = vector.broadcast %reduce_sum3A_657 : i32 to vector<16xi32>
      %eq3A_708 = arith.cmpi eq, %iota3A_137, %eq3A_707 : vector<16xi32>
      %and3A_709 = vector.broadcast %eq3A_706 : i1 to vector<16xi1>
      %and3A_710 = arith.andi %and3A_709, %eq3A_708 : vector<16xi1>
      %select_n3A_711 = arith.select %and3A_710, %get3A_96, %select_n3A_704 : vector<16xi1>, vector<16xi32>
      %eq3A_712 = arith.constant 6 : i32
      %eq3A_713 = arith.cmpi eq, %reduce_sum3A_664, %eq3A_712 : i32
      %eq3A_714 = vector.broadcast %reduce_sum3A_657 : i32 to vector<16xi32>
      %eq3A_715 = arith.cmpi eq, %iota3A_137, %eq3A_714 : vector<16xi32>
      %and3A_716 = vector.broadcast %eq3A_713 : i1 to vector<16xi1>
      %and3A_717 = arith.andi %and3A_716, %eq3A_715 : vector<16xi1>
      %select_n3A_718 = arith.select %and3A_717, %get3A_100, %select_n3A_711 : vector<16xi1>, vector<16xi32>
      %eq3A_719 = arith.constant 7 : i32
      %eq3A_720 = arith.cmpi eq, %reduce_sum3A_664, %eq3A_719 : i32
      %eq3A_721 = vector.broadcast %reduce_sum3A_657 : i32 to vector<16xi32>
      %eq3A_722 = arith.cmpi eq, %iota3A_137, %eq3A_721 : vector<16xi32>
      %and3A_723 = vector.broadcast %eq3A_720 : i1 to vector<16xi1>
      %and3A_724 = arith.andi %and3A_723, %eq3A_722 : vector<16xi1>
      %select_n3A_725 = arith.select %and3A_724, %get3A_104, %select_n3A_718 : vector<16xi1>, vector<16xi32>
      %eq3A_726 = arith.constant 8 : i32
      %eq3A_727 = arith.cmpi eq, %reduce_sum3A_664, %eq3A_726 : i32
      %eq3A_728 = vector.broadcast %reduce_sum3A_657 : i32 to vector<16xi32>
      %eq3A_729 = arith.cmpi eq, %iota3A_137, %eq3A_728 : vector<16xi32>
      %and3A_730 = vector.broadcast %eq3A_727 : i1 to vector<16xi1>
      %and3A_731 = arith.andi %and3A_730, %eq3A_729 : vector<16xi1>
      %select_n3A_732 = arith.select %and3A_731, %get3A_108, %select_n3A_725 : vector<16xi1>, vector<16xi32>
      %eq3A_733 = arith.constant 9 : i32
      %eq3A_734 = arith.cmpi eq, %reduce_sum3A_664, %eq3A_733 : i32
      %eq3A_735 = vector.broadcast %reduce_sum3A_657 : i32 to vector<16xi32>
      %eq3A_736 = arith.cmpi eq, %iota3A_137, %eq3A_735 : vector<16xi32>
      %and3A_737 = vector.broadcast %eq3A_734 : i1 to vector<16xi1>
      %and3A_738 = arith.andi %and3A_737, %eq3A_736 : vector<16xi1>
      %select_n3A_739 = arith.select %and3A_738, %get3A_112, %select_n3A_732 : vector<16xi1>, vector<16xi32>
      %eq3A_740 = arith.constant 10 : i32
      %eq3A_741 = arith.cmpi eq, %reduce_sum3A_664, %eq3A_740 : i32
      %eq3A_742 = vector.broadcast %reduce_sum3A_657 : i32 to vector<16xi32>
      %eq3A_743 = arith.cmpi eq, %iota3A_137, %eq3A_742 : vector<16xi32>
      %and3A_744 = vector.broadcast %eq3A_741 : i1 to vector<16xi1>
      %and3A_745 = arith.andi %and3A_744, %eq3A_743 : vector<16xi1>
      %select_n3A_746 = arith.select %and3A_745, %get3A_116, %select_n3A_739 : vector<16xi1>, vector<16xi32>
      %eq3A_747 = arith.constant 11 : i32
      %eq3A_748 = arith.cmpi eq, %reduce_sum3A_664, %eq3A_747 : i32
      %eq3A_749 = vector.broadcast %reduce_sum3A_657 : i32 to vector<16xi32>
      %eq3A_750 = arith.cmpi eq, %iota3A_137, %eq3A_749 : vector<16xi32>
      %and3A_751 = vector.broadcast %eq3A_748 : i1 to vector<16xi1>
      %and3A_752 = arith.andi %and3A_751, %eq3A_750 : vector<16xi1>
      %select_n3A_753 = arith.select %and3A_752, %get3A_120, %select_n3A_746 : vector<16xi1>, vector<16xi32>
      %eq3A_754 = arith.constant 12 : i32
      %eq3A_755 = arith.cmpi eq, %reduce_sum3A_664, %eq3A_754 : i32
      %eq3A_756 = vector.broadcast %reduce_sum3A_657 : i32 to vector<16xi32>
      %eq3A_757 = arith.cmpi eq, %iota3A_137, %eq3A_756 : vector<16xi32>
      %and3A_758 = vector.broadcast %eq3A_755 : i1 to vector<16xi1>
      %and3A_759 = arith.andi %and3A_758, %eq3A_757 : vector<16xi1>
      %select_n3A_760 = arith.select %and3A_759, %get3A_124, %select_n3A_753 : vector<16xi1>, vector<16xi32>
      %eq3A_761 = arith.constant 13 : i32
      %eq3A_762 = arith.cmpi eq, %reduce_sum3A_664, %eq3A_761 : i32
      %eq3A_763 = vector.broadcast %reduce_sum3A_657 : i32 to vector<16xi32>
      %eq3A_764 = arith.cmpi eq, %iota3A_137, %eq3A_763 : vector<16xi32>
      %and3A_765 = vector.broadcast %eq3A_762 : i1 to vector<16xi1>
      %and3A_766 = arith.andi %and3A_765, %eq3A_764 : vector<16xi1>
      %select_n3A_767 = arith.select %and3A_766, %get3A_128, %select_n3A_760 : vector<16xi1>, vector<16xi32>
      %eq3A_768 = arith.constant 14 : i32
      %eq3A_769 = arith.cmpi eq, %reduce_sum3A_664, %eq3A_768 : i32
      %eq3A_770 = vector.broadcast %reduce_sum3A_657 : i32 to vector<16xi32>
      %eq3A_771 = arith.cmpi eq, %iota3A_137, %eq3A_770 : vector<16xi32>
      %and3A_772 = vector.broadcast %eq3A_769 : i1 to vector<16xi1>
      %and3A_773 = arith.andi %and3A_772, %eq3A_771 : vector<16xi1>
      %select_n3A_774 = arith.select %and3A_773, %get3A_132, %select_n3A_767 : vector<16xi1>, vector<16xi32>
      %eq3A_775 = arith.constant 15 : i32
      %eq3A_776 = arith.cmpi eq, %reduce_sum3A_664, %eq3A_775 : i32
      %eq3A_777 = vector.broadcast %reduce_sum3A_657 : i32 to vector<16xi32>
      %eq3A_778 = arith.cmpi eq, %iota3A_137, %eq3A_777 : vector<16xi32>
      %and3A_779 = vector.broadcast %eq3A_776 : i1 to vector<16xi1>
      %and3A_780 = arith.andi %and3A_779, %eq3A_778 : vector<16xi1>
      %select_n3A_781 = arith.select %and3A_780, %get3A_136, %select_n3A_774 : vector<16xi1>, vector<16xi32>
      %reduce_sum3A_782 = arith.constant true
      %reduce_sum3A_783 = vector.broadcast %reduce_sum3A_782 : i1 to vector<16xi1>
      %reduce_sum3A_784 = tpu.scan <sum>, %select_n3A_781 masked %reduce_sum3A_783 : vector<16xi32>, vector<16xi1> -> vector<16xi32>
      %reduce_sum3A_785 = vector.extract %reduce_sum3A_784[15] : i32 from vector<16xi32>
      %eq3A_786 = arith.constant 1 : i32
      %eq3A_787 = vector.broadcast %eq3A_786 : i32 to vector<16xi32>
      %eq3A_788 = arith.cmpi eq, %iota3A_137, %eq3A_787 : vector<16xi32>
      %broadcast_in_dim3A_789 = vector.broadcast %reduce_max3A_640 : f32 to vector<16xf32>
      %select_n3A_790 = arith.select %eq3A_788, %broadcast_in_dim3A_789, %select_n3A_419 : vector<16xi1>, vector<16xf32>
      %eq3A_791 = arith.constant 1 : i32
      %eq3A_792 = vector.broadcast %eq3A_791 : i32 to vector<16xi32>
      %eq3A_793 = arith.cmpi eq, %iota3A_137, %eq3A_792 : vector<16xi32>
      %broadcast_in_dim3A_794 = vector.broadcast %reduce_sum3A_785 : i32 to vector<16xi32>
      %select_n3A_795 = arith.select %eq3A_793, %broadcast_in_dim3A_794, %select_n3A_424 : vector<16xi1>, vector<16xi32>
      %broadcast_in_dim3A_796 = arith.constant -1.000000e+30 : f32
      %broadcast_in_dim3A_797 = vector.broadcast %broadcast_in_dim3A_796 : f32 to vector<16xf32>
      %broadcast_in_dim3A_798 = arith.constant 0 : i32
      %broadcast_in_dim3A_799 = vector.broadcast %broadcast_in_dim3A_798 : i32 to vector<16xi32>
      %add3A_800 = arith.constant 0 : i32
      %add3A_801 = vector.broadcast %add3A_800 : i32 to vector<16xi32>
      %add3A_802 = arith.addi %add3A_801, %iota3A_137 : vector<16xi32>
      %eq3A_803 = vector.broadcast %add3A_296 : i32 to vector<16xi32>
      %eq3A_804 = arith.cmpi eq, %add3A_802, %eq3A_803 : vector<16xi32>
      %jit3A_805 = arith.constant -1.000000e+30 : f32
      %broadcast_in_dim3A_806 = vector.broadcast %jit3A_805 : f32 to vector<16xf32>
      %select_n3A_807 = arith.select %eq3A_804, %broadcast_in_dim3A_806, %get3A_12 : vector<16xi1>, vector<16xf32>
      %eq3A_808 = vector.broadcast %add3A_667 : i32 to vector<16xi32>
      %eq3A_809 = arith.cmpi eq, %add3A_802, %eq3A_808 : vector<16xi32>
      %jit3A_810 = arith.constant -1.000000e+30 : f32
      %broadcast_in_dim3A_811 = vector.broadcast %jit3A_810 : f32 to vector<16xf32>
      %select_n3A_812 = arith.select %eq3A_809, %broadcast_in_dim3A_811, %select_n3A_807 : vector<16xi1>, vector<16xf32>
      %gt3A_813 = arith.cmpf ogt, %select_n3A_812, %broadcast_in_dim3A_797 : vector<16xf32>
      %select_n3A_814 = arith.select %gt3A_813, %select_n3A_812, %broadcast_in_dim3A_797 : vector<16xi1>, vector<16xf32>
      %jit3A_815 = arith.constant 0 : i32
      %broadcast_in_dim3A_816 = vector.broadcast %jit3A_815 : i32 to vector<16xi32>
      %select_n3A_817 = arith.select %gt3A_813, %broadcast_in_dim3A_816, %broadcast_in_dim3A_799 : vector<16xi1>, vector<16xi32>
      %add3A_818 = arith.constant 16 : i32
      %add3A_819 = vector.broadcast %add3A_818 : i32 to vector<16xi32>
      %add3A_820 = arith.addi %add3A_819, %iota3A_137 : vector<16xi32>
      %eq3A_821 = vector.broadcast %add3A_296 : i32 to vector<16xi32>
      %eq3A_822 = arith.cmpi eq, %add3A_820, %eq3A_821 : vector<16xi32>
      %jit3A_823 = arith.constant -1.000000e+30 : f32
      %broadcast_in_dim3A_824 = vector.broadcast %jit3A_823 : f32 to vector<16xf32>
      %select_n3A_825 = arith.select %eq3A_822, %broadcast_in_dim3A_824, %get3A_16 : vector<16xi1>, vector<16xf32>
      %eq3A_826 = vector.broadcast %add3A_667 : i32 to vector<16xi32>
      %eq3A_827 = arith.cmpi eq, %add3A_820, %eq3A_826 : vector<16xi32>
      %jit3A_828 = arith.constant -1.000000e+30 : f32
      %broadcast_in_dim3A_829 = vector.broadcast %jit3A_828 : f32 to vector<16xf32>
      %select_n3A_830 = arith.select %eq3A_827, %broadcast_in_dim3A_829, %select_n3A_825 : vector<16xi1>, vector<16xf32>
      %gt3A_831 = arith.cmpf ogt, %select_n3A_830, %select_n3A_814 : vector<16xf32>
      %select_n3A_832 = arith.select %gt3A_831, %select_n3A_830, %select_n3A_814 : vector<16xi1>, vector<16xf32>
      %jit3A_833 = arith.constant 1 : i32
      %broadcast_in_dim3A_834 = vector.broadcast %jit3A_833 : i32 to vector<16xi32>
      %select_n3A_835 = arith.select %gt3A_831, %broadcast_in_dim3A_834, %select_n3A_817 : vector<16xi1>, vector<16xi32>
      %add3A_836 = arith.constant 32 : i32
      %add3A_837 = vector.broadcast %add3A_836 : i32 to vector<16xi32>
      %add3A_838 = arith.addi %add3A_837, %iota3A_137 : vector<16xi32>
      %eq3A_839 = vector.broadcast %add3A_296 : i32 to vector<16xi32>
      %eq3A_840 = arith.cmpi eq, %add3A_838, %eq3A_839 : vector<16xi32>
      %jit3A_841 = arith.constant -1.000000e+30 : f32
      %broadcast_in_dim3A_842 = vector.broadcast %jit3A_841 : f32 to vector<16xf32>
      %select_n3A_843 = arith.select %eq3A_840, %broadcast_in_dim3A_842, %get3A_20 : vector<16xi1>, vector<16xf32>
      %eq3A_844 = vector.broadcast %add3A_667 : i32 to vector<16xi32>
      %eq3A_845 = arith.cmpi eq, %add3A_838, %eq3A_844 : vector<16xi32>
      %jit3A_846 = arith.constant -1.000000e+30 : f32
      %broadcast_in_dim3A_847 = vector.broadcast %jit3A_846 : f32 to vector<16xf32>
      %select_n3A_848 = arith.select %eq3A_845, %broadcast_in_dim3A_847, %select_n3A_843 : vector<16xi1>, vector<16xf32>
      %gt3A_849 = arith.cmpf ogt, %select_n3A_848, %select_n3A_832 : vector<16xf32>
      %select_n3A_850 = arith.select %gt3A_849, %select_n3A_848, %select_n3A_832 : vector<16xi1>, vector<16xf32>
      %jit3A_851 = arith.constant 2 : i32
      %broadcast_in_dim3A_852 = vector.broadcast %jit3A_851 : i32 to vector<16xi32>
      %select_n3A_853 = arith.select %gt3A_849, %broadcast_in_dim3A_852, %select_n3A_835 : vector<16xi1>, vector<16xi32>
      %add3A_854 = arith.constant 48 : i32
      %add3A_855 = vector.broadcast %add3A_854 : i32 to vector<16xi32>
      %add3A_856 = arith.addi %add3A_855, %iota3A_137 : vector<16xi32>
      %eq3A_857 = vector.broadcast %add3A_296 : i32 to vector<16xi32>
      %eq3A_858 = arith.cmpi eq, %add3A_856, %eq3A_857 : vector<16xi32>
      %jit3A_859 = arith.constant -1.000000e+30 : f32
      %broadcast_in_dim3A_860 = vector.broadcast %jit3A_859 : f32 to vector<16xf32>
      %select_n3A_861 = arith.select %eq3A_858, %broadcast_in_dim3A_860, %get3A_24 : vector<16xi1>, vector<16xf32>
      %eq3A_862 = vector.broadcast %add3A_667 : i32 to vector<16xi32>
      %eq3A_863 = arith.cmpi eq, %add3A_856, %eq3A_862 : vector<16xi32>
      %jit3A_864 = arith.constant -1.000000e+30 : f32
      %broadcast_in_dim3A_865 = vector.broadcast %jit3A_864 : f32 to vector<16xf32>
      %select_n3A_866 = arith.select %eq3A_863, %broadcast_in_dim3A_865, %select_n3A_861 : vector<16xi1>, vector<16xf32>
      %gt3A_867 = arith.cmpf ogt, %select_n3A_866, %select_n3A_850 : vector<16xf32>
      %select_n3A_868 = arith.select %gt3A_867, %select_n3A_866, %select_n3A_850 : vector<16xi1>, vector<16xf32>
      %jit3A_869 = arith.constant 3 : i32
      %broadcast_in_dim3A_870 = vector.broadcast %jit3A_869 : i32 to vector<16xi32>
      %select_n3A_871 = arith.select %gt3A_867, %broadcast_in_dim3A_870, %select_n3A_853 : vector<16xi1>, vector<16xi32>
      %add3A_872 = arith.constant 64 : i32
      %add3A_873 = vector.broadcast %add3A_872 : i32 to vector<16xi32>
      %add3A_874 = arith.addi %add3A_873, %iota3A_137 : vector<16xi32>
      %eq3A_875 = vector.broadcast %add3A_296 : i32 to vector<16xi32>
      %eq3A_876 = arith.cmpi eq, %add3A_874, %eq3A_875 : vector<16xi32>
      %jit3A_877 = arith.constant -1.000000e+30 : f32
      %broadcast_in_dim3A_878 = vector.broadcast %jit3A_877 : f32 to vector<16xf32>
      %select_n3A_879 = arith.select %eq3A_876, %broadcast_in_dim3A_878, %get3A_28 : vector<16xi1>, vector<16xf32>
      %eq3A_880 = vector.broadcast %add3A_667 : i32 to vector<16xi32>
      %eq3A_881 = arith.cmpi eq, %add3A_874, %eq3A_880 : vector<16xi32>
      %jit3A_882 = arith.constant -1.000000e+30 : f32
      %broadcast_in_dim3A_883 = vector.broadcast %jit3A_882 : f32 to vector<16xf32>
      %select_n3A_884 = arith.select %eq3A_881, %broadcast_in_dim3A_883, %select_n3A_879 : vector<16xi1>, vector<16xf32>
      %gt3A_885 = arith.cmpf ogt, %select_n3A_884, %select_n3A_868 : vector<16xf32>
      %select_n3A_886 = arith.select %gt3A_885, %select_n3A_884, %select_n3A_868 : vector<16xi1>, vector<16xf32>
      %jit3A_887 = arith.constant 4 : i32
      %broadcast_in_dim3A_888 = vector.broadcast %jit3A_887 : i32 to vector<16xi32>
      %select_n3A_889 = arith.select %gt3A_885, %broadcast_in_dim3A_888, %select_n3A_871 : vector<16xi1>, vector<16xi32>
      %add3A_890 = arith.constant 80 : i32
      %add3A_891 = vector.broadcast %add3A_890 : i32 to vector<16xi32>
      %add3A_892 = arith.addi %add3A_891, %iota3A_137 : vector<16xi32>
      %eq3A_893 = vector.broadcast %add3A_296 : i32 to vector<16xi32>
      %eq3A_894 = arith.cmpi eq, %add3A_892, %eq3A_893 : vector<16xi32>
      %jit3A_895 = arith.constant -1.000000e+30 : f32
      %broadcast_in_dim3A_896 = vector.broadcast %jit3A_895 : f32 to vector<16xf32>
      %select_n3A_897 = arith.select %eq3A_894, %broadcast_in_dim3A_896, %get3A_32 : vector<16xi1>, vector<16xf32>
      %eq3A_898 = vector.broadcast %add3A_667 : i32 to vector<16xi32>
      %eq3A_899 = arith.cmpi eq, %add3A_892, %eq3A_898 : vector<16xi32>
      %jit3A_900 = arith.constant -1.000000e+30 : f32
      %broadcast_in_dim3A_901 = vector.broadcast %jit3A_900 : f32 to vector<16xf32>
      %select_n3A_902 = arith.select %eq3A_899, %broadcast_in_dim3A_901, %select_n3A_897 : vector<16xi1>, vector<16xf32>
      %gt3A_903 = arith.cmpf ogt, %select_n3A_902, %select_n3A_886 : vector<16xf32>
      %select_n3A_904 = arith.select %gt3A_903, %select_n3A_902, %select_n3A_886 : vector<16xi1>, vector<16xf32>
      %jit3A_905 = arith.constant 5 : i32
      %broadcast_in_dim3A_906 = vector.broadcast %jit3A_905 : i32 to vector<16xi32>
      %select_n3A_907 = arith.select %gt3A_903, %broadcast_in_dim3A_906, %select_n3A_889 : vector<16xi1>, vector<16xi32>
      %add3A_908 = arith.constant 96 : i32
      %add3A_909 = vector.broadcast %add3A_908 : i32 to vector<16xi32>
      %add3A_910 = arith.addi %add3A_909, %iota3A_137 : vector<16xi32>
      %eq3A_911 = vector.broadcast %add3A_296 : i32 to vector<16xi32>
      %eq3A_912 = arith.cmpi eq, %add3A_910, %eq3A_911 : vector<16xi32>
      %jit3A_913 = arith.constant -1.000000e+30 : f32
      %broadcast_in_dim3A_914 = vector.broadcast %jit3A_913 : f32 to vector<16xf32>
      %select_n3A_915 = arith.select %eq3A_912, %broadcast_in_dim3A_914, %get3A_36 : vector<16xi1>, vector<16xf32>
      %eq3A_916 = vector.broadcast %add3A_667 : i32 to vector<16xi32>
      %eq3A_917 = arith.cmpi eq, %add3A_910, %eq3A_916 : vector<16xi32>
      %jit3A_918 = arith.constant -1.000000e+30 : f32
      %broadcast_in_dim3A_919 = vector.broadcast %jit3A_918 : f32 to vector<16xf32>
      %select_n3A_920 = arith.select %eq3A_917, %broadcast_in_dim3A_919, %select_n3A_915 : vector<16xi1>, vector<16xf32>
      %gt3A_921 = arith.cmpf ogt, %select_n3A_920, %select_n3A_904 : vector<16xf32>
      %select_n3A_922 = arith.select %gt3A_921, %select_n3A_920, %select_n3A_904 : vector<16xi1>, vector<16xf32>
      %jit3A_923 = arith.constant 6 : i32
      %broadcast_in_dim3A_924 = vector.broadcast %jit3A_923 : i32 to vector<16xi32>
      %select_n3A_925 = arith.select %gt3A_921, %broadcast_in_dim3A_924, %select_n3A_907 : vector<16xi1>, vector<16xi32>
      %add3A_926 = arith.constant 112 : i32
      %add3A_927 = vector.broadcast %add3A_926 : i32 to vector<16xi32>
      %add3A_928 = arith.addi %add3A_927, %iota3A_137 : vector<16xi32>
      %eq3A_929 = vector.broadcast %add3A_296 : i32 to vector<16xi32>
      %eq3A_930 = arith.cmpi eq, %add3A_928, %eq3A_929 : vector<16xi32>
      %jit3A_931 = arith.constant -1.000000e+30 : f32
      %broadcast_in_dim3A_932 = vector.broadcast %jit3A_931 : f32 to vector<16xf32>
      %select_n3A_933 = arith.select %eq3A_930, %broadcast_in_dim3A_932, %get3A_40 : vector<16xi1>, vector<16xf32>
      %eq3A_934 = vector.broadcast %add3A_667 : i32 to vector<16xi32>
      %eq3A_935 = arith.cmpi eq, %add3A_928, %eq3A_934 : vector<16xi32>
      %jit3A_936 = arith.constant -1.000000e+30 : f32
      %broadcast_in_dim3A_937 = vector.broadcast %jit3A_936 : f32 to vector<16xf32>
      %select_n3A_938 = arith.select %eq3A_935, %broadcast_in_dim3A_937, %select_n3A_933 : vector<16xi1>, vector<16xf32>
      %gt3A_939 = arith.cmpf ogt, %select_n3A_938, %select_n3A_922 : vector<16xf32>
      %select_n3A_940 = arith.select %gt3A_939, %select_n3A_938, %select_n3A_922 : vector<16xi1>, vector<16xf32>
      %jit3A_941 = arith.constant 7 : i32
      %broadcast_in_dim3A_942 = vector.broadcast %jit3A_941 : i32 to vector<16xi32>
      %select_n3A_943 = arith.select %gt3A_939, %broadcast_in_dim3A_942, %select_n3A_925 : vector<16xi1>, vector<16xi32>
      %add3A_944 = arith.constant 128 : i32
      %add3A_945 = vector.broadcast %add3A_944 : i32 to vector<16xi32>
      %add3A_946 = arith.addi %add3A_945, %iota3A_137 : vector<16xi32>
      %eq3A_947 = vector.broadcast %add3A_296 : i32 to vector<16xi32>
      %eq3A_948 = arith.cmpi eq, %add3A_946, %eq3A_947 : vector<16xi32>
      %jit3A_949 = arith.constant -1.000000e+30 : f32
      %broadcast_in_dim3A_950 = vector.broadcast %jit3A_949 : f32 to vector<16xf32>
      %select_n3A_951 = arith.select %eq3A_948, %broadcast_in_dim3A_950, %get3A_44 : vector<16xi1>, vector<16xf32>
      %eq3A_952 = vector.broadcast %add3A_667 : i32 to vector<16xi32>
      %eq3A_953 = arith.cmpi eq, %add3A_946, %eq3A_952 : vector<16xi32>
      %jit3A_954 = arith.constant -1.000000e+30 : f32
      %broadcast_in_dim3A_955 = vector.broadcast %jit3A_954 : f32 to vector<16xf32>
      %select_n3A_956 = arith.select %eq3A_953, %broadcast_in_dim3A_955, %select_n3A_951 : vector<16xi1>, vector<16xf32>
      %gt3A_957 = arith.cmpf ogt, %select_n3A_956, %select_n3A_940 : vector<16xf32>
      %select_n3A_958 = arith.select %gt3A_957, %select_n3A_956, %select_n3A_940 : vector<16xi1>, vector<16xf32>
      %jit3A_959 = arith.constant 8 : i32
      %broadcast_in_dim3A_960 = vector.broadcast %jit3A_959 : i32 to vector<16xi32>
      %select_n3A_961 = arith.select %gt3A_957, %broadcast_in_dim3A_960, %select_n3A_943 : vector<16xi1>, vector<16xi32>
      %add3A_962 = arith.constant 144 : i32
      %add3A_963 = vector.broadcast %add3A_962 : i32 to vector<16xi32>
      %add3A_964 = arith.addi %add3A_963, %iota3A_137 : vector<16xi32>
      %eq3A_965 = vector.broadcast %add3A_296 : i32 to vector<16xi32>
      %eq3A_966 = arith.cmpi eq, %add3A_964, %eq3A_965 : vector<16xi32>
      %jit3A_967 = arith.constant -1.000000e+30 : f32
      %broadcast_in_dim3A_968 = vector.broadcast %jit3A_967 : f32 to vector<16xf32>
      %select_n3A_969 = arith.select %eq3A_966, %broadcast_in_dim3A_968, %get3A_48 : vector<16xi1>, vector<16xf32>
      %eq3A_970 = vector.broadcast %add3A_667 : i32 to vector<16xi32>
      %eq3A_971 = arith.cmpi eq, %add3A_964, %eq3A_970 : vector<16xi32>
      %jit3A_972 = arith.constant -1.000000e+30 : f32
      %broadcast_in_dim3A_973 = vector.broadcast %jit3A_972 : f32 to vector<16xf32>
      %select_n3A_974 = arith.select %eq3A_971, %broadcast_in_dim3A_973, %select_n3A_969 : vector<16xi1>, vector<16xf32>
      %gt3A_975 = arith.cmpf ogt, %select_n3A_974, %select_n3A_958 : vector<16xf32>
      %select_n3A_976 = arith.select %gt3A_975, %select_n3A_974, %select_n3A_958 : vector<16xi1>, vector<16xf32>
      %jit3A_977 = arith.constant 9 : i32
      %broadcast_in_dim3A_978 = vector.broadcast %jit3A_977 : i32 to vector<16xi32>
      %select_n3A_979 = arith.select %gt3A_975, %broadcast_in_dim3A_978, %select_n3A_961 : vector<16xi1>, vector<16xi32>
      %add3A_980 = arith.constant 160 : i32
      %add3A_981 = vector.broadcast %add3A_980 : i32 to vector<16xi32>
      %add3A_982 = arith.addi %add3A_981, %iota3A_137 : vector<16xi32>
      %eq3A_983 = vector.broadcast %add3A_296 : i32 to vector<16xi32>
      %eq3A_984 = arith.cmpi eq, %add3A_982, %eq3A_983 : vector<16xi32>
      %jit3A_985 = arith.constant -1.000000e+30 : f32
      %broadcast_in_dim3A_986 = vector.broadcast %jit3A_985 : f32 to vector<16xf32>
      %select_n3A_987 = arith.select %eq3A_984, %broadcast_in_dim3A_986, %get3A_52 : vector<16xi1>, vector<16xf32>
      %eq3A_988 = vector.broadcast %add3A_667 : i32 to vector<16xi32>
      %eq3A_989 = arith.cmpi eq, %add3A_982, %eq3A_988 : vector<16xi32>
      %jit3A_990 = arith.constant -1.000000e+30 : f32
      %broadcast_in_dim3A_991 = vector.broadcast %jit3A_990 : f32 to vector<16xf32>
      %select_n3A_992 = arith.select %eq3A_989, %broadcast_in_dim3A_991, %select_n3A_987 : vector<16xi1>, vector<16xf32>
      %gt3A_993 = arith.cmpf ogt, %select_n3A_992, %select_n3A_976 : vector<16xf32>
      %select_n3A_994 = arith.select %gt3A_993, %select_n3A_992, %select_n3A_976 : vector<16xi1>, vector<16xf32>
      %jit3A_995 = arith.constant 10 : i32
      %broadcast_in_dim3A_996 = vector.broadcast %jit3A_995 : i32 to vector<16xi32>
      %select_n3A_997 = arith.select %gt3A_993, %broadcast_in_dim3A_996, %select_n3A_979 : vector<16xi1>, vector<16xi32>
      %add3A_998 = arith.constant 176 : i32
      %add3A_999 = vector.broadcast %add3A_998 : i32 to vector<16xi32>
      %add3A_1000 = arith.addi %add3A_999, %iota3A_137 : vector<16xi32>
      %eq3A_1001 = vector.broadcast %add3A_296 : i32 to vector<16xi32>
      %eq3A_1002 = arith.cmpi eq, %add3A_1000, %eq3A_1001 : vector<16xi32>
      %jit3A_1003 = arith.constant -1.000000e+30 : f32
      %broadcast_in_dim3A_1004 = vector.broadcast %jit3A_1003 : f32 to vector<16xf32>
      %select_n3A_1005 = arith.select %eq3A_1002, %broadcast_in_dim3A_1004, %get3A_56 : vector<16xi1>, vector<16xf32>
      %eq3A_1006 = vector.broadcast %add3A_667 : i32 to vector<16xi32>
      %eq3A_1007 = arith.cmpi eq, %add3A_1000, %eq3A_1006 : vector<16xi32>
      %jit3A_1008 = arith.constant -1.000000e+30 : f32
      %broadcast_in_dim3A_1009 = vector.broadcast %jit3A_1008 : f32 to vector<16xf32>
      %select_n3A_1010 = arith.select %eq3A_1007, %broadcast_in_dim3A_1009, %select_n3A_1005 : vector<16xi1>, vector<16xf32>
      %gt3A_1011 = arith.cmpf ogt, %select_n3A_1010, %select_n3A_994 : vector<16xf32>
      %select_n3A_1012 = arith.select %gt3A_1011, %select_n3A_1010, %select_n3A_994 : vector<16xi1>, vector<16xf32>
      %jit3A_1013 = arith.constant 11 : i32
      %broadcast_in_dim3A_1014 = vector.broadcast %jit3A_1013 : i32 to vector<16xi32>
      %select_n3A_1015 = arith.select %gt3A_1011, %broadcast_in_dim3A_1014, %select_n3A_997 : vector<16xi1>, vector<16xi32>
      %add3A_1016 = arith.constant 192 : i32
      %add3A_1017 = vector.broadcast %add3A_1016 : i32 to vector<16xi32>
      %add3A_1018 = arith.addi %add3A_1017, %iota3A_137 : vector<16xi32>
      %eq3A_1019 = vector.broadcast %add3A_296 : i32 to vector<16xi32>
      %eq3A_1020 = arith.cmpi eq, %add3A_1018, %eq3A_1019 : vector<16xi32>
      %jit3A_1021 = arith.constant -1.000000e+30 : f32
      %broadcast_in_dim3A_1022 = vector.broadcast %jit3A_1021 : f32 to vector<16xf32>
      %select_n3A_1023 = arith.select %eq3A_1020, %broadcast_in_dim3A_1022, %get3A_60 : vector<16xi1>, vector<16xf32>
      %eq3A_1024 = vector.broadcast %add3A_667 : i32 to vector<16xi32>
      %eq3A_1025 = arith.cmpi eq, %add3A_1018, %eq3A_1024 : vector<16xi32>
      %jit3A_1026 = arith.constant -1.000000e+30 : f32
      %broadcast_in_dim3A_1027 = vector.broadcast %jit3A_1026 : f32 to vector<16xf32>
      %select_n3A_1028 = arith.select %eq3A_1025, %broadcast_in_dim3A_1027, %select_n3A_1023 : vector<16xi1>, vector<16xf32>
      %gt3A_1029 = arith.cmpf ogt, %select_n3A_1028, %select_n3A_1012 : vector<16xf32>
      %select_n3A_1030 = arith.select %gt3A_1029, %select_n3A_1028, %select_n3A_1012 : vector<16xi1>, vector<16xf32>
      %jit3A_1031 = arith.constant 12 : i32
      %broadcast_in_dim3A_1032 = vector.broadcast %jit3A_1031 : i32 to vector<16xi32>
      %select_n3A_1033 = arith.select %gt3A_1029, %broadcast_in_dim3A_1032, %select_n3A_1015 : vector<16xi1>, vector<16xi32>
      %add3A_1034 = arith.constant 208 : i32
      %add3A_1035 = vector.broadcast %add3A_1034 : i32 to vector<16xi32>
      %add3A_1036 = arith.addi %add3A_1035, %iota3A_137 : vector<16xi32>
      %eq3A_1037 = vector.broadcast %add3A_296 : i32 to vector<16xi32>
      %eq3A_1038 = arith.cmpi eq, %add3A_1036, %eq3A_1037 : vector<16xi32>
      %jit3A_1039 = arith.constant -1.000000e+30 : f32
      %broadcast_in_dim3A_1040 = vector.broadcast %jit3A_1039 : f32 to vector<16xf32>
      %select_n3A_1041 = arith.select %eq3A_1038, %broadcast_in_dim3A_1040, %get3A_64 : vector<16xi1>, vector<16xf32>
      %eq3A_1042 = vector.broadcast %add3A_667 : i32 to vector<16xi32>
      %eq3A_1043 = arith.cmpi eq, %add3A_1036, %eq3A_1042 : vector<16xi32>
      %jit3A_1044 = arith.constant -1.000000e+30 : f32
      %broadcast_in_dim3A_1045 = vector.broadcast %jit3A_1044 : f32 to vector<16xf32>
      %select_n3A_1046 = arith.select %eq3A_1043, %broadcast_in_dim3A_1045, %select_n3A_1041 : vector<16xi1>, vector<16xf32>
      %gt3A_1047 = arith.cmpf ogt, %select_n3A_1046, %select_n3A_1030 : vector<16xf32>
      %select_n3A_1048 = arith.select %gt3A_1047, %select_n3A_1046, %select_n3A_1030 : vector<16xi1>, vector<16xf32>
      %jit3A_1049 = arith.constant 13 : i32
      %broadcast_in_dim3A_1050 = vector.broadcast %jit3A_1049 : i32 to vector<16xi32>
      %select_n3A_1051 = arith.select %gt3A_1047, %broadcast_in_dim3A_1050, %select_n3A_1033 : vector<16xi1>, vector<16xi32>
      %add3A_1052 = arith.constant 224 : i32
      %add3A_1053 = vector.broadcast %add3A_1052 : i32 to vector<16xi32>
      %add3A_1054 = arith.addi %add3A_1053, %iota3A_137 : vector<16xi32>
      %eq3A_1055 = vector.broadcast %add3A_296 : i32 to vector<16xi32>
      %eq3A_1056 = arith.cmpi eq, %add3A_1054, %eq3A_1055 : vector<16xi32>
      %jit3A_1057 = arith.constant -1.000000e+30 : f32
      %broadcast_in_dim3A_1058 = vector.broadcast %jit3A_1057 : f32 to vector<16xf32>
      %select_n3A_1059 = arith.select %eq3A_1056, %broadcast_in_dim3A_1058, %get3A_68 : vector<16xi1>, vector<16xf32>
      %eq3A_1060 = vector.broadcast %add3A_667 : i32 to vector<16xi32>
      %eq3A_1061 = arith.cmpi eq, %add3A_1054, %eq3A_1060 : vector<16xi32>
      %jit3A_1062 = arith.constant -1.000000e+30 : f32
      %broadcast_in_dim3A_1063 = vector.broadcast %jit3A_1062 : f32 to vector<16xf32>
      %select_n3A_1064 = arith.select %eq3A_1061, %broadcast_in_dim3A_1063, %select_n3A_1059 : vector<16xi1>, vector<16xf32>
      %gt3A_1065 = arith.cmpf ogt, %select_n3A_1064, %select_n3A_1048 : vector<16xf32>
      %select_n3A_1066 = arith.select %gt3A_1065, %select_n3A_1064, %select_n3A_1048 : vector<16xi1>, vector<16xf32>
      %jit3A_1067 = arith.constant 14 : i32
      %broadcast_in_dim3A_1068 = vector.broadcast %jit3A_1067 : i32 to vector<16xi32>
      %select_n3A_1069 = arith.select %gt3A_1065, %broadcast_in_dim3A_1068, %select_n3A_1051 : vector<16xi1>, vector<16xi32>
      %add3A_1070 = arith.constant 240 : i32
      %add3A_1071 = vector.broadcast %add3A_1070 : i32 to vector<16xi32>
      %add3A_1072 = arith.addi %add3A_1071, %iota3A_137 : vector<16xi32>
      %eq3A_1073 = vector.broadcast %add3A_296 : i32 to vector<16xi32>
      %eq3A_1074 = arith.cmpi eq, %add3A_1072, %eq3A_1073 : vector<16xi32>
      %jit3A_1075 = arith.constant -1.000000e+30 : f32
      %broadcast_in_dim3A_1076 = vector.broadcast %jit3A_1075 : f32 to vector<16xf32>
      %select_n3A_1077 = arith.select %eq3A_1074, %broadcast_in_dim3A_1076, %get3A_72 : vector<16xi1>, vector<16xf32>
      %eq3A_1078 = vector.broadcast %add3A_667 : i32 to vector<16xi32>
      %eq3A_1079 = arith.cmpi eq, %add3A_1072, %eq3A_1078 : vector<16xi32>
      %jit3A_1080 = arith.constant -1.000000e+30 : f32
      %broadcast_in_dim3A_1081 = vector.broadcast %jit3A_1080 : f32 to vector<16xf32>
      %select_n3A_1082 = arith.select %eq3A_1079, %broadcast_in_dim3A_1081, %select_n3A_1077 : vector<16xi1>, vector<16xf32>
      %gt3A_1083 = arith.cmpf ogt, %select_n3A_1082, %select_n3A_1066 : vector<16xf32>
      %select_n3A_1084 = arith.select %gt3A_1083, %select_n3A_1082, %select_n3A_1066 : vector<16xi1>, vector<16xf32>
      %jit3A_1085 = arith.constant 15 : i32
      %broadcast_in_dim3A_1086 = vector.broadcast %jit3A_1085 : i32 to vector<16xi32>
      %select_n3A_1087 = arith.select %gt3A_1083, %broadcast_in_dim3A_1086, %select_n3A_1069 : vector<16xi1>, vector<16xi32>
      %reduce_max3A_1088 = arith.constant true
      %reduce_max3A_1089 = vector.broadcast %reduce_max3A_1088 : i1 to vector<16xi1>
      %reduce_max3A_1090 = tpu.scan <max>, %select_n3A_1084 masked %reduce_max3A_1089 : vector<16xf32>, vector<16xi1> -> vector<16xf32>
      %reduce_max3A_1091 = vector.extract %reduce_max3A_1090[15] : f32 from vector<16xf32>
      %eq3A_1092 = vector.broadcast %reduce_max3A_1091 : f32 to vector<16xf32>
      %eq3A_1093 = arith.cmpf oeq, %select_n3A_1084, %eq3A_1092 : vector<16xf32>
      %convert_element_type3A_1094 = arith.extui %eq3A_1093 : vector<16xi1> to vector<16xi32>
      %cumsum3A_1095 = arith.constant true
      %cumsum3A_1096 = vector.broadcast %cumsum3A_1095 : i1 to vector<16xi1>
      %cumsum3A_1097 = tpu.scan <sum>, %convert_element_type3A_1094 masked %cumsum3A_1096 : vector<16xi32>, vector<16xi1> -> vector<16xi32>
      %eq3A_1098 = arith.constant 1 : i32
      %eq3A_1099 = vector.broadcast %eq3A_1098 : i32 to vector<16xi32>
      %eq3A_1100 = arith.cmpi eq, %cumsum3A_1097, %eq3A_1099 : vector<16xi32>
      %and3A_1101 = arith.andi %eq3A_1093, %eq3A_1100 : vector<16xi1>
      %jit3A_1102 = arith.constant 0 : i32
      %broadcast_in_dim3A_1103 = vector.broadcast %jit3A_1102 : i32 to vector<16xi32>
      %select_n3A_1104 = arith.select %and3A_1101, %iota3A_137, %broadcast_in_dim3A_1103 : vector<16xi1>, vector<16xi32>
      %reduce_sum3A_1105 = arith.constant true
      %reduce_sum3A_1106 = vector.broadcast %reduce_sum3A_1105 : i1 to vector<16xi1>
      %reduce_sum3A_1107 = tpu.scan <sum>, %select_n3A_1104 masked %reduce_sum3A_1106 : vector<16xi32>, vector<16xi1> -> vector<16xi32>
      %reduce_sum3A_1108 = vector.extract %reduce_sum3A_1107[15] : i32 from vector<16xi32>
      %jit3A_1109 = arith.constant 0 : i32
      %broadcast_in_dim3A_1110 = vector.broadcast %jit3A_1109 : i32 to vector<16xi32>
      %select_n3A_1111 = arith.select %and3A_1101, %select_n3A_1087, %broadcast_in_dim3A_1110 : vector<16xi1>, vector<16xi32>
      %reduce_sum3A_1112 = arith.constant true
      %reduce_sum3A_1113 = vector.broadcast %reduce_sum3A_1112 : i1 to vector<16xi1>
      %reduce_sum3A_1114 = tpu.scan <sum>, %select_n3A_1111 masked %reduce_sum3A_1113 : vector<16xi32>, vector<16xi1> -> vector<16xi32>
      %reduce_sum3A_1115 = vector.extract %reduce_sum3A_1114[15] : i32 from vector<16xi32>
      %mul3A_1116 = arith.constant 16 : i32
      %mul3A_1117 = arith.muli %reduce_sum3A_1115, %mul3A_1116 : i32
      %add3A_1118 = arith.addi %mul3A_1117, %reduce_sum3A_1108 : i32
      %broadcast_in_dim3A_1119 = arith.constant 0 : i32
      %broadcast_in_dim3A_1120 = vector.broadcast %broadcast_in_dim3A_1119 : i32 to vector<16xi32>
      %eq3A_1121 = arith.constant 0 : i32
      %eq3A_1122 = arith.cmpi eq, %reduce_sum3A_1115, %eq3A_1121 : i32
      %eq3A_1123 = vector.broadcast %reduce_sum3A_1108 : i32 to vector<16xi32>
      %eq3A_1124 = arith.cmpi eq, %iota3A_137, %eq3A_1123 : vector<16xi32>
      %and3A_1125 = vector.broadcast %eq3A_1122 : i1 to vector<16xi1>
      %and3A_1126 = arith.andi %and3A_1125, %eq3A_1124 : vector<16xi1>
      %select_n3A_1127 = arith.select %and3A_1126, %get3A_76, %broadcast_in_dim3A_1120 : vector<16xi1>, vector<16xi32>
      %eq3A_1128 = arith.constant 1 : i32
      %eq3A_1129 = arith.cmpi eq, %reduce_sum3A_1115, %eq3A_1128 : i32
      %eq3A_1130 = vector.broadcast %reduce_sum3A_1108 : i32 to vector<16xi32>
      %eq3A_1131 = arith.cmpi eq, %iota3A_137, %eq3A_1130 : vector<16xi32>
      %and3A_1132 = vector.broadcast %eq3A_1129 : i1 to vector<16xi1>
      %and3A_1133 = arith.andi %and3A_1132, %eq3A_1131 : vector<16xi1>
      %select_n3A_1134 = arith.select %and3A_1133, %get3A_80, %select_n3A_1127 : vector<16xi1>, vector<16xi32>
      %eq3A_1135 = arith.constant 2 : i32
      %eq3A_1136 = arith.cmpi eq, %reduce_sum3A_1115, %eq3A_1135 : i32
      %eq3A_1137 = vector.broadcast %reduce_sum3A_1108 : i32 to vector<16xi32>
      %eq3A_1138 = arith.cmpi eq, %iota3A_137, %eq3A_1137 : vector<16xi32>
      %and3A_1139 = vector.broadcast %eq3A_1136 : i1 to vector<16xi1>
      %and3A_1140 = arith.andi %and3A_1139, %eq3A_1138 : vector<16xi1>
      %select_n3A_1141 = arith.select %and3A_1140, %get3A_84, %select_n3A_1134 : vector<16xi1>, vector<16xi32>
      %eq3A_1142 = arith.constant 3 : i32
      %eq3A_1143 = arith.cmpi eq, %reduce_sum3A_1115, %eq3A_1142 : i32
      %eq3A_1144 = vector.broadcast %reduce_sum3A_1108 : i32 to vector<16xi32>
      %eq3A_1145 = arith.cmpi eq, %iota3A_137, %eq3A_1144 : vector<16xi32>
      %and3A_1146 = vector.broadcast %eq3A_1143 : i1 to vector<16xi1>
      %and3A_1147 = arith.andi %and3A_1146, %eq3A_1145 : vector<16xi1>
      %select_n3A_1148 = arith.select %and3A_1147, %get3A_88, %select_n3A_1141 : vector<16xi1>, vector<16xi32>
      %eq3A_1149 = arith.constant 4 : i32
      %eq3A_1150 = arith.cmpi eq, %reduce_sum3A_1115, %eq3A_1149 : i32
      %eq3A_1151 = vector.broadcast %reduce_sum3A_1108 : i32 to vector<16xi32>
      %eq3A_1152 = arith.cmpi eq, %iota3A_137, %eq3A_1151 : vector<16xi32>
      %and3A_1153 = vector.broadcast %eq3A_1150 : i1 to vector<16xi1>
      %and3A_1154 = arith.andi %and3A_1153, %eq3A_1152 : vector<16xi1>
      %select_n3A_1155 = arith.select %and3A_1154, %get3A_92, %select_n3A_1148 : vector<16xi1>, vector<16xi32>
      %eq3A_1156 = arith.constant 5 : i32
      %eq3A_1157 = arith.cmpi eq, %reduce_sum3A_1115, %eq3A_1156 : i32
      %eq3A_1158 = vector.broadcast %reduce_sum3A_1108 : i32 to vector<16xi32>
      %eq3A_1159 = arith.cmpi eq, %iota3A_137, %eq3A_1158 : vector<16xi32>
      %and3A_1160 = vector.broadcast %eq3A_1157 : i1 to vector<16xi1>
      %and3A_1161 = arith.andi %and3A_1160, %eq3A_1159 : vector<16xi1>
      %select_n3A_1162 = arith.select %and3A_1161, %get3A_96, %select_n3A_1155 : vector<16xi1>, vector<16xi32>
      %eq3A_1163 = arith.constant 6 : i32
      %eq3A_1164 = arith.cmpi eq, %reduce_sum3A_1115, %eq3A_1163 : i32
      %eq3A_1165 = vector.broadcast %reduce_sum3A_1108 : i32 to vector<16xi32>
      %eq3A_1166 = arith.cmpi eq, %iota3A_137, %eq3A_1165 : vector<16xi32>
      %and3A_1167 = vector.broadcast %eq3A_1164 : i1 to vector<16xi1>
      %and3A_1168 = arith.andi %and3A_1167, %eq3A_1166 : vector<16xi1>
      %select_n3A_1169 = arith.select %and3A_1168, %get3A_100, %select_n3A_1162 : vector<16xi1>, vector<16xi32>
      %eq3A_1170 = arith.constant 7 : i32
      %eq3A_1171 = arith.cmpi eq, %reduce_sum3A_1115, %eq3A_1170 : i32
      %eq3A_1172 = vector.broadcast %reduce_sum3A_1108 : i32 to vector<16xi32>
      %eq3A_1173 = arith.cmpi eq, %iota3A_137, %eq3A_1172 : vector<16xi32>
      %and3A_1174 = vector.broadcast %eq3A_1171 : i1 to vector<16xi1>
      %and3A_1175 = arith.andi %and3A_1174, %eq3A_1173 : vector<16xi1>
      %select_n3A_1176 = arith.select %and3A_1175, %get3A_104, %select_n3A_1169 : vector<16xi1>, vector<16xi32>
      %eq3A_1177 = arith.constant 8 : i32
      %eq3A_1178 = arith.cmpi eq, %reduce_sum3A_1115, %eq3A_1177 : i32
      %eq3A_1179 = vector.broadcast %reduce_sum3A_1108 : i32 to vector<16xi32>
      %eq3A_1180 = arith.cmpi eq, %iota3A_137, %eq3A_1179 : vector<16xi32>
      %and3A_1181 = vector.broadcast %eq3A_1178 : i1 to vector<16xi1>
      %and3A_1182 = arith.andi %and3A_1181, %eq3A_1180 : vector<16xi1>
      %select_n3A_1183 = arith.select %and3A_1182, %get3A_108, %select_n3A_1176 : vector<16xi1>, vector<16xi32>
      %eq3A_1184 = arith.constant 9 : i32
      %eq3A_1185 = arith.cmpi eq, %reduce_sum3A_1115, %eq3A_1184 : i32
      %eq3A_1186 = vector.broadcast %reduce_sum3A_1108 : i32 to vector<16xi32>
      %eq3A_1187 = arith.cmpi eq, %iota3A_137, %eq3A_1186 : vector<16xi32>
      %and3A_1188 = vector.broadcast %eq3A_1185 : i1 to vector<16xi1>
      %and3A_1189 = arith.andi %and3A_1188, %eq3A_1187 : vector<16xi1>
      %select_n3A_1190 = arith.select %and3A_1189, %get3A_112, %select_n3A_1183 : vector<16xi1>, vector<16xi32>
      %eq3A_1191 = arith.constant 10 : i32
      %eq3A_1192 = arith.cmpi eq, %reduce_sum3A_1115, %eq3A_1191 : i32
      %eq3A_1193 = vector.broadcast %reduce_sum3A_1108 : i32 to vector<16xi32>
      %eq3A_1194 = arith.cmpi eq, %iota3A_137, %eq3A_1193 : vector<16xi32>
      %and3A_1195 = vector.broadcast %eq3A_1192 : i1 to vector<16xi1>
      %and3A_1196 = arith.andi %and3A_1195, %eq3A_1194 : vector<16xi1>
      %select_n3A_1197 = arith.select %and3A_1196, %get3A_116, %select_n3A_1190 : vector<16xi1>, vector<16xi32>
      %eq3A_1198 = arith.constant 11 : i32
      %eq3A_1199 = arith.cmpi eq, %reduce_sum3A_1115, %eq3A_1198 : i32
      %eq3A_1200 = vector.broadcast %reduce_sum3A_1108 : i32 to vector<16xi32>
      %eq3A_1201 = arith.cmpi eq, %iota3A_137, %eq3A_1200 : vector<16xi32>
      %and3A_1202 = vector.broadcast %eq3A_1199 : i1 to vector<16xi1>
      %and3A_1203 = arith.andi %and3A_1202, %eq3A_1201 : vector<16xi1>
      %select_n3A_1204 = arith.select %and3A_1203, %get3A_120, %select_n3A_1197 : vector<16xi1>, vector<16xi32>
      %eq3A_1205 = arith.constant 12 : i32
      %eq3A_1206 = arith.cmpi eq, %reduce_sum3A_1115, %eq3A_1205 : i32
      %eq3A_1207 = vector.broadcast %reduce_sum3A_1108 : i32 to vector<16xi32>
      %eq3A_1208 = arith.cmpi eq, %iota3A_137, %eq3A_1207 : vector<16xi32>
      %and3A_1209 = vector.broadcast %eq3A_1206 : i1 to vector<16xi1>
      %and3A_1210 = arith.andi %and3A_1209, %eq3A_1208 : vector<16xi1>
      %select_n3A_1211 = arith.select %and3A_1210, %get3A_124, %select_n3A_1204 : vector<16xi1>, vector<16xi32>
      %eq3A_1212 = arith.constant 13 : i32
      %eq3A_1213 = arith.cmpi eq, %reduce_sum3A_1115, %eq3A_1212 : i32
      %eq3A_1214 = vector.broadcast %reduce_sum3A_1108 : i32 to vector<16xi32>
      %eq3A_1215 = arith.cmpi eq, %iota3A_137, %eq3A_1214 : vector<16xi32>
      %and3A_1216 = vector.broadcast %eq3A_1213 : i1 to vector<16xi1>
      %and3A_1217 = arith.andi %and3A_1216, %eq3A_1215 : vector<16xi1>
      %select_n3A_1218 = arith.select %and3A_1217, %get3A_128, %select_n3A_1211 : vector<16xi1>, vector<16xi32>
      %eq3A_1219 = arith.constant 14 : i32
      %eq3A_1220 = arith.cmpi eq, %reduce_sum3A_1115, %eq3A_1219 : i32
      %eq3A_1221 = vector.broadcast %reduce_sum3A_1108 : i32 to vector<16xi32>
      %eq3A_1222 = arith.cmpi eq, %iota3A_137, %eq3A_1221 : vector<16xi32>
      %and3A_1223 = vector.broadcast %eq3A_1220 : i1 to vector<16xi1>
      %and3A_1224 = arith.andi %and3A_1223, %eq3A_1222 : vector<16xi1>
      %select_n3A_1225 = arith.select %and3A_1224, %get3A_132, %select_n3A_1218 : vector<16xi1>, vector<16xi32>
      %eq3A_1226 = arith.constant 15 : i32
      %eq3A_1227 = arith.cmpi eq, %reduce_sum3A_1115, %eq3A_1226 : i32
      %eq3A_1228 = vector.broadcast %reduce_sum3A_1108 : i32 to vector<16xi32>
      %eq3A_1229 = arith.cmpi eq, %iota3A_137, %eq3A_1228 : vector<16xi32>
      %and3A_1230 = vector.broadcast %eq3A_1227 : i1 to vector<16xi1>
      %and3A_1231 = arith.andi %and3A_1230, %eq3A_1229 : vector<16xi1>
      %select_n3A_1232 = arith.select %and3A_1231, %get3A_136, %select_n3A_1225 : vector<16xi1>, vector<16xi32>
      %reduce_sum3A_1233 = arith.constant true
      %reduce_sum3A_1234 = vector.broadcast %reduce_sum3A_1233 : i1 to vector<16xi1>
      %reduce_sum3A_1235 = tpu.scan <sum>, %select_n3A_1232 masked %reduce_sum3A_1234 : vector<16xi32>, vector<16xi1> -> vector<16xi32>
      %reduce_sum3A_1236 = vector.extract %reduce_sum3A_1235[15] : i32 from vector<16xi32>
      %eq3A_1237 = arith.constant 2 : i32
      %eq3A_1238 = vector.broadcast %eq3A_1237 : i32 to vector<16xi32>
      %eq3A_1239 = arith.cmpi eq, %iota3A_137, %eq3A_1238 : vector<16xi32>
      %broadcast_in_dim3A_1240 = vector.broadcast %reduce_max3A_1091 : f32 to vector<16xf32>
      %select_n3A_1241 = arith.select %eq3A_1239, %broadcast_in_dim3A_1240, %select_n3A_790 : vector<16xi1>, vector<16xf32>
      %eq3A_1242 = arith.constant 2 : i32
      %eq3A_1243 = vector.broadcast %eq3A_1242 : i32 to vector<16xi32>
      %eq3A_1244 = arith.cmpi eq, %iota3A_137, %eq3A_1243 : vector<16xi32>
      %broadcast_in_dim3A_1245 = vector.broadcast %reduce_sum3A_1236 : i32 to vector<16xi32>
      %select_n3A_1246 = arith.select %eq3A_1244, %broadcast_in_dim3A_1245, %select_n3A_795 : vector<16xi1>, vector<16xi32>
      %broadcast_in_dim3A_1247 = arith.constant -1.000000e+30 : f32
      %broadcast_in_dim3A_1248 = vector.broadcast %broadcast_in_dim3A_1247 : f32 to vector<16xf32>
      %broadcast_in_dim3A_1249 = arith.constant 0 : i32
      %broadcast_in_dim3A_1250 = vector.broadcast %broadcast_in_dim3A_1249 : i32 to vector<16xi32>
      %add3A_1251 = arith.constant 0 : i32
      %add3A_1252 = vector.broadcast %add3A_1251 : i32 to vector<16xi32>
      %add3A_1253 = arith.addi %add3A_1252, %iota3A_137 : vector<16xi32>
      %eq3A_1254 = vector.broadcast %add3A_296 : i32 to vector<16xi32>
      %eq3A_1255 = arith.cmpi eq, %add3A_1253, %eq3A_1254 : vector<16xi32>
      %jit3A_1256 = arith.constant -1.000000e+30 : f32
      %broadcast_in_dim3A_1257 = vector.broadcast %jit3A_1256 : f32 to vector<16xf32>
      %select_n3A_1258 = arith.select %eq3A_1255, %broadcast_in_dim3A_1257, %get3A_12 : vector<16xi1>, vector<16xf32>
      %eq3A_1259 = vector.broadcast %add3A_667 : i32 to vector<16xi32>
      %eq3A_1260 = arith.cmpi eq, %add3A_1253, %eq3A_1259 : vector<16xi32>
      %jit3A_1261 = arith.constant -1.000000e+30 : f32
      %broadcast_in_dim3A_1262 = vector.broadcast %jit3A_1261 : f32 to vector<16xf32>
      %select_n3A_1263 = arith.select %eq3A_1260, %broadcast_in_dim3A_1262, %select_n3A_1258 : vector<16xi1>, vector<16xf32>
      %eq3A_1264 = vector.broadcast %add3A_1118 : i32 to vector<16xi32>
      %eq3A_1265 = arith.cmpi eq, %add3A_1253, %eq3A_1264 : vector<16xi32>
      %jit3A_1266 = arith.constant -1.000000e+30 : f32
      %broadcast_in_dim3A_1267 = vector.broadcast %jit3A_1266 : f32 to vector<16xf32>
      %select_n3A_1268 = arith.select %eq3A_1265, %broadcast_in_dim3A_1267, %select_n3A_1263 : vector<16xi1>, vector<16xf32>
      %gt3A_1269 = arith.cmpf ogt, %select_n3A_1268, %broadcast_in_dim3A_1248 : vector<16xf32>
      %select_n3A_1270 = arith.select %gt3A_1269, %select_n3A_1268, %broadcast_in_dim3A_1248 : vector<16xi1>, vector<16xf32>
      %jit3A_1271 = arith.constant 0 : i32
      %broadcast_in_dim3A_1272 = vector.broadcast %jit3A_1271 : i32 to vector<16xi32>
      %select_n3A_1273 = arith.select %gt3A_1269, %broadcast_in_dim3A_1272, %broadcast_in_dim3A_1250 : vector<16xi1>, vector<16xi32>
      %add3A_1274 = arith.constant 16 : i32
      %add3A_1275 = vector.broadcast %add3A_1274 : i32 to vector<16xi32>
      %add3A_1276 = arith.addi %add3A_1275, %iota3A_137 : vector<16xi32>
      %eq3A_1277 = vector.broadcast %add3A_296 : i32 to vector<16xi32>
      %eq3A_1278 = arith.cmpi eq, %add3A_1276, %eq3A_1277 : vector<16xi32>
      %jit3A_1279 = arith.constant -1.000000e+30 : f32
      %broadcast_in_dim3A_1280 = vector.broadcast %jit3A_1279 : f32 to vector<16xf32>
      %select_n3A_1281 = arith.select %eq3A_1278, %broadcast_in_dim3A_1280, %get3A_16 : vector<16xi1>, vector<16xf32>
      %eq3A_1282 = vector.broadcast %add3A_667 : i32 to vector<16xi32>
      %eq3A_1283 = arith.cmpi eq, %add3A_1276, %eq3A_1282 : vector<16xi32>
      %jit3A_1284 = arith.constant -1.000000e+30 : f32
      %broadcast_in_dim3A_1285 = vector.broadcast %jit3A_1284 : f32 to vector<16xf32>
      %select_n3A_1286 = arith.select %eq3A_1283, %broadcast_in_dim3A_1285, %select_n3A_1281 : vector<16xi1>, vector<16xf32>
      %eq3A_1287 = vector.broadcast %add3A_1118 : i32 to vector<16xi32>
      %eq3A_1288 = arith.cmpi eq, %add3A_1276, %eq3A_1287 : vector<16xi32>
      %jit3A_1289 = arith.constant -1.000000e+30 : f32
      %broadcast_in_dim3A_1290 = vector.broadcast %jit3A_1289 : f32 to vector<16xf32>
      %select_n3A_1291 = arith.select %eq3A_1288, %broadcast_in_dim3A_1290, %select_n3A_1286 : vector<16xi1>, vector<16xf32>
      %gt3A_1292 = arith.cmpf ogt, %select_n3A_1291, %select_n3A_1270 : vector<16xf32>
      %select_n3A_1293 = arith.select %gt3A_1292, %select_n3A_1291, %select_n3A_1270 : vector<16xi1>, vector<16xf32>
      %jit3A_1294 = arith.constant 1 : i32
      %broadcast_in_dim3A_1295 = vector.broadcast %jit3A_1294 : i32 to vector<16xi32>
      %select_n3A_1296 = arith.select %gt3A_1292, %broadcast_in_dim3A_1295, %select_n3A_1273 : vector<16xi1>, vector<16xi32>
      %add3A_1297 = arith.constant 32 : i32
      %add3A_1298 = vector.broadcast %add3A_1297 : i32 to vector<16xi32>
      %add3A_1299 = arith.addi %add3A_1298, %iota3A_137 : vector<16xi32>
      %eq3A_1300 = vector.broadcast %add3A_296 : i32 to vector<16xi32>
      %eq3A_1301 = arith.cmpi eq, %add3A_1299, %eq3A_1300 : vector<16xi32>
      %jit3A_1302 = arith.constant -1.000000e+30 : f32
      %broadcast_in_dim3A_1303 = vector.broadcast %jit3A_1302 : f32 to vector<16xf32>
      %select_n3A_1304 = arith.select %eq3A_1301, %broadcast_in_dim3A_1303, %get3A_20 : vector<16xi1>, vector<16xf32>
      %eq3A_1305 = vector.broadcast %add3A_667 : i32 to vector<16xi32>
      %eq3A_1306 = arith.cmpi eq, %add3A_1299, %eq3A_1305 : vector<16xi32>
      %jit3A_1307 = arith.constant -1.000000e+30 : f32
      %broadcast_in_dim3A_1308 = vector.broadcast %jit3A_1307 : f32 to vector<16xf32>
      %select_n3A_1309 = arith.select %eq3A_1306, %broadcast_in_dim3A_1308, %select_n3A_1304 : vector<16xi1>, vector<16xf32>
      %eq3A_1310 = vector.broadcast %add3A_1118 : i32 to vector<16xi32>
      %eq3A_1311 = arith.cmpi eq, %add3A_1299, %eq3A_1310 : vector<16xi32>
      %jit3A_1312 = arith.constant -1.000000e+30 : f32
      %broadcast_in_dim3A_1313 = vector.broadcast %jit3A_1312 : f32 to vector<16xf32>
      %select_n3A_1314 = arith.select %eq3A_1311, %broadcast_in_dim3A_1313, %select_n3A_1309 : vector<16xi1>, vector<16xf32>
      %gt3A_1315 = arith.cmpf ogt, %select_n3A_1314, %select_n3A_1293 : vector<16xf32>
      %select_n3A_1316 = arith.select %gt3A_1315, %select_n3A_1314, %select_n3A_1293 : vector<16xi1>, vector<16xf32>
      %jit3A_1317 = arith.constant 2 : i32
      %broadcast_in_dim3A_1318 = vector.broadcast %jit3A_1317 : i32 to vector<16xi32>
      %select_n3A_1319 = arith.select %gt3A_1315, %broadcast_in_dim3A_1318, %select_n3A_1296 : vector<16xi1>, vector<16xi32>
      %add3A_1320 = arith.constant 48 : i32
      %add3A_1321 = vector.broadcast %add3A_1320 : i32 to vector<16xi32>
      %add3A_1322 = arith.addi %add3A_1321, %iota3A_137 : vector<16xi32>
      %eq3A_1323 = vector.broadcast %add3A_296 : i32 to vector<16xi32>
      %eq3A_1324 = arith.cmpi eq, %add3A_1322, %eq3A_1323 : vector<16xi32>
      %jit3A_1325 = arith.constant -1.000000e+30 : f32
      %broadcast_in_dim3A_1326 = vector.broadcast %jit3A_1325 : f32 to vector<16xf32>
      %select_n3A_1327 = arith.select %eq3A_1324, %broadcast_in_dim3A_1326, %get3A_24 : vector<16xi1>, vector<16xf32>
      %eq3A_1328 = vector.broadcast %add3A_667 : i32 to vector<16xi32>
      %eq3A_1329 = arith.cmpi eq, %add3A_1322, %eq3A_1328 : vector<16xi32>
      %jit3A_1330 = arith.constant -1.000000e+30 : f32
      %broadcast_in_dim3A_1331 = vector.broadcast %jit3A_1330 : f32 to vector<16xf32>
      %select_n3A_1332 = arith.select %eq3A_1329, %broadcast_in_dim3A_1331, %select_n3A_1327 : vector<16xi1>, vector<16xf32>
      %eq3A_1333 = vector.broadcast %add3A_1118 : i32 to vector<16xi32>
      %eq3A_1334 = arith.cmpi eq, %add3A_1322, %eq3A_1333 : vector<16xi32>
      %jit3A_1335 = arith.constant -1.000000e+30 : f32
      %broadcast_in_dim3A_1336 = vector.broadcast %jit3A_1335 : f32 to vector<16xf32>
      %select_n3A_1337 = arith.select %eq3A_1334, %broadcast_in_dim3A_1336, %select_n3A_1332 : vector<16xi1>, vector<16xf32>
      %gt3A_1338 = arith.cmpf ogt, %select_n3A_1337, %select_n3A_1316 : vector<16xf32>
      %select_n3A_1339 = arith.select %gt3A_1338, %select_n3A_1337, %select_n3A_1316 : vector<16xi1>, vector<16xf32>
      %jit3A_1340 = arith.constant 3 : i32
      %broadcast_in_dim3A_1341 = vector.broadcast %jit3A_1340 : i32 to vector<16xi32>
      %select_n3A_1342 = arith.select %gt3A_1338, %broadcast_in_dim3A_1341, %select_n3A_1319 : vector<16xi1>, vector<16xi32>
      %add3A_1343 = arith.constant 64 : i32
      %add3A_1344 = vector.broadcast %add3A_1343 : i32 to vector<16xi32>
      %add3A_1345 = arith.addi %add3A_1344, %iota3A_137 : vector<16xi32>
      %eq3A_1346 = vector.broadcast %add3A_296 : i32 to vector<16xi32>
      %eq3A_1347 = arith.cmpi eq, %add3A_1345, %eq3A_1346 : vector<16xi32>
      %jit3A_1348 = arith.constant -1.000000e+30 : f32
      %broadcast_in_dim3A_1349 = vector.broadcast %jit3A_1348 : f32 to vector<16xf32>
      %select_n3A_1350 = arith.select %eq3A_1347, %broadcast_in_dim3A_1349, %get3A_28 : vector<16xi1>, vector<16xf32>
      %eq3A_1351 = vector.broadcast %add3A_667 : i32 to vector<16xi32>
      %eq3A_1352 = arith.cmpi eq, %add3A_1345, %eq3A_1351 : vector<16xi32>
      %jit3A_1353 = arith.constant -1.000000e+30 : f32
      %broadcast_in_dim3A_1354 = vector.broadcast %jit3A_1353 : f32 to vector<16xf32>
      %select_n3A_1355 = arith.select %eq3A_1352, %broadcast_in_dim3A_1354, %select_n3A_1350 : vector<16xi1>, vector<16xf32>
      %eq3A_1356 = vector.broadcast %add3A_1118 : i32 to vector<16xi32>
      %eq3A_1357 = arith.cmpi eq, %add3A_1345, %eq3A_1356 : vector<16xi32>
      %jit3A_1358 = arith.constant -1.000000e+30 : f32
      %broadcast_in_dim3A_1359 = vector.broadcast %jit3A_1358 : f32 to vector<16xf32>
      %select_n3A_1360 = arith.select %eq3A_1357, %broadcast_in_dim3A_1359, %select_n3A_1355 : vector<16xi1>, vector<16xf32>
      %gt3A_1361 = arith.cmpf ogt, %select_n3A_1360, %select_n3A_1339 : vector<16xf32>
      %select_n3A_1362 = arith.select %gt3A_1361, %select_n3A_1360, %select_n3A_1339 : vector<16xi1>, vector<16xf32>
      %jit3A_1363 = arith.constant 4 : i32
      %broadcast_in_dim3A_1364 = vector.broadcast %jit3A_1363 : i32 to vector<16xi32>
      %select_n3A_1365 = arith.select %gt3A_1361, %broadcast_in_dim3A_1364, %select_n3A_1342 : vector<16xi1>, vector<16xi32>
      %add3A_1366 = arith.constant 80 : i32
      %add3A_1367 = vector.broadcast %add3A_1366 : i32 to vector<16xi32>
      %add3A_1368 = arith.addi %add3A_1367, %iota3A_137 : vector<16xi32>
      %eq3A_1369 = vector.broadcast %add3A_296 : i32 to vector<16xi32>
      %eq3A_1370 = arith.cmpi eq, %add3A_1368, %eq3A_1369 : vector<16xi32>
      %jit3A_1371 = arith.constant -1.000000e+30 : f32
      %broadcast_in_dim3A_1372 = vector.broadcast %jit3A_1371 : f32 to vector<16xf32>
      %select_n3A_1373 = arith.select %eq3A_1370, %broadcast_in_dim3A_1372, %get3A_32 : vector<16xi1>, vector<16xf32>
      %eq3A_1374 = vector.broadcast %add3A_667 : i32 to vector<16xi32>
      %eq3A_1375 = arith.cmpi eq, %add3A_1368, %eq3A_1374 : vector<16xi32>
      %jit3A_1376 = arith.constant -1.000000e+30 : f32
      %broadcast_in_dim3A_1377 = vector.broadcast %jit3A_1376 : f32 to vector<16xf32>
      %select_n3A_1378 = arith.select %eq3A_1375, %broadcast_in_dim3A_1377, %select_n3A_1373 : vector<16xi1>, vector<16xf32>
      %eq3A_1379 = vector.broadcast %add3A_1118 : i32 to vector<16xi32>
      %eq3A_1380 = arith.cmpi eq, %add3A_1368, %eq3A_1379 : vector<16xi32>
      %jit3A_1381 = arith.constant -1.000000e+30 : f32
      %broadcast_in_dim3A_1382 = vector.broadcast %jit3A_1381 : f32 to vector<16xf32>
      %select_n3A_1383 = arith.select %eq3A_1380, %broadcast_in_dim3A_1382, %select_n3A_1378 : vector<16xi1>, vector<16xf32>
      %gt3A_1384 = arith.cmpf ogt, %select_n3A_1383, %select_n3A_1362 : vector<16xf32>
      %select_n3A_1385 = arith.select %gt3A_1384, %select_n3A_1383, %select_n3A_1362 : vector<16xi1>, vector<16xf32>
      %jit3A_1386 = arith.constant 5 : i32
      %broadcast_in_dim3A_1387 = vector.broadcast %jit3A_1386 : i32 to vector<16xi32>
      %select_n3A_1388 = arith.select %gt3A_1384, %broadcast_in_dim3A_1387, %select_n3A_1365 : vector<16xi1>, vector<16xi32>
      %add3A_1389 = arith.constant 96 : i32
      %add3A_1390 = vector.broadcast %add3A_1389 : i32 to vector<16xi32>
      %add3A_1391 = arith.addi %add3A_1390, %iota3A_137 : vector<16xi32>
      %eq3A_1392 = vector.broadcast %add3A_296 : i32 to vector<16xi32>
      %eq3A_1393 = arith.cmpi eq, %add3A_1391, %eq3A_1392 : vector<16xi32>
      %jit3A_1394 = arith.constant -1.000000e+30 : f32
      %broadcast_in_dim3A_1395 = vector.broadcast %jit3A_1394 : f32 to vector<16xf32>
      %select_n3A_1396 = arith.select %eq3A_1393, %broadcast_in_dim3A_1395, %get3A_36 : vector<16xi1>, vector<16xf32>
      %eq3A_1397 = vector.broadcast %add3A_667 : i32 to vector<16xi32>
      %eq3A_1398 = arith.cmpi eq, %add3A_1391, %eq3A_1397 : vector<16xi32>
      %jit3A_1399 = arith.constant -1.000000e+30 : f32
      %broadcast_in_dim3A_1400 = vector.broadcast %jit3A_1399 : f32 to vector<16xf32>
      %select_n3A_1401 = arith.select %eq3A_1398, %broadcast_in_dim3A_1400, %select_n3A_1396 : vector<16xi1>, vector<16xf32>
      %eq3A_1402 = vector.broadcast %add3A_1118 : i32 to vector<16xi32>
      %eq3A_1403 = arith.cmpi eq, %add3A_1391, %eq3A_1402 : vector<16xi32>
      %jit3A_1404 = arith.constant -1.000000e+30 : f32
      %broadcast_in_dim3A_1405 = vector.broadcast %jit3A_1404 : f32 to vector<16xf32>
      %select_n3A_1406 = arith.select %eq3A_1403, %broadcast_in_dim3A_1405, %select_n3A_1401 : vector<16xi1>, vector<16xf32>
      %gt3A_1407 = arith.cmpf ogt, %select_n3A_1406, %select_n3A_1385 : vector<16xf32>
      %select_n3A_1408 = arith.select %gt3A_1407, %select_n3A_1406, %select_n3A_1385 : vector<16xi1>, vector<16xf32>
      %jit3A_1409 = arith.constant 6 : i32
      %broadcast_in_dim3A_1410 = vector.broadcast %jit3A_1409 : i32 to vector<16xi32>
      %select_n3A_1411 = arith.select %gt3A_1407, %broadcast_in_dim3A_1410, %select_n3A_1388 : vector<16xi1>, vector<16xi32>
      %add3A_1412 = arith.constant 112 : i32
      %add3A_1413 = vector.broadcast %add3A_1412 : i32 to vector<16xi32>
      %add3A_1414 = arith.addi %add3A_1413, %iota3A_137 : vector<16xi32>
      %eq3A_1415 = vector.broadcast %add3A_296 : i32 to vector<16xi32>
      %eq3A_1416 = arith.cmpi eq, %add3A_1414, %eq3A_1415 : vector<16xi32>
      %jit3A_1417 = arith.constant -1.000000e+30 : f32
      %broadcast_in_dim3A_1418 = vector.broadcast %jit3A_1417 : f32 to vector<16xf32>
      %select_n3A_1419 = arith.select %eq3A_1416, %broadcast_in_dim3A_1418, %get3A_40 : vector<16xi1>, vector<16xf32>
      %eq3A_1420 = vector.broadcast %add3A_667 : i32 to vector<16xi32>
      %eq3A_1421 = arith.cmpi eq, %add3A_1414, %eq3A_1420 : vector<16xi32>
      %jit3A_1422 = arith.constant -1.000000e+30 : f32
      %broadcast_in_dim3A_1423 = vector.broadcast %jit3A_1422 : f32 to vector<16xf32>
      %select_n3A_1424 = arith.select %eq3A_1421, %broadcast_in_dim3A_1423, %select_n3A_1419 : vector<16xi1>, vector<16xf32>
      %eq3A_1425 = vector.broadcast %add3A_1118 : i32 to vector<16xi32>
      %eq3A_1426 = arith.cmpi eq, %add3A_1414, %eq3A_1425 : vector<16xi32>
      %jit3A_1427 = arith.constant -1.000000e+30 : f32
      %broadcast_in_dim3A_1428 = vector.broadcast %jit3A_1427 : f32 to vector<16xf32>
      %select_n3A_1429 = arith.select %eq3A_1426, %broadcast_in_dim3A_1428, %select_n3A_1424 : vector<16xi1>, vector<16xf32>
      %gt3A_1430 = arith.cmpf ogt, %select_n3A_1429, %select_n3A_1408 : vector<16xf32>
      %select_n3A_1431 = arith.select %gt3A_1430, %select_n3A_1429, %select_n3A_1408 : vector<16xi1>, vector<16xf32>
      %jit3A_1432 = arith.constant 7 : i32
      %broadcast_in_dim3A_1433 = vector.broadcast %jit3A_1432 : i32 to vector<16xi32>
      %select_n3A_1434 = arith.select %gt3A_1430, %broadcast_in_dim3A_1433, %select_n3A_1411 : vector<16xi1>, vector<16xi32>
      %add3A_1435 = arith.constant 128 : i32
      %add3A_1436 = vector.broadcast %add3A_1435 : i32 to vector<16xi32>
      %add3A_1437 = arith.addi %add3A_1436, %iota3A_137 : vector<16xi32>
      %eq3A_1438 = vector.broadcast %add3A_296 : i32 to vector<16xi32>
      %eq3A_1439 = arith.cmpi eq, %add3A_1437, %eq3A_1438 : vector<16xi32>
      %jit3A_1440 = arith.constant -1.000000e+30 : f32
      %broadcast_in_dim3A_1441 = vector.broadcast %jit3A_1440 : f32 to vector<16xf32>
      %select_n3A_1442 = arith.select %eq3A_1439, %broadcast_in_dim3A_1441, %get3A_44 : vector<16xi1>, vector<16xf32>
      %eq3A_1443 = vector.broadcast %add3A_667 : i32 to vector<16xi32>
      %eq3A_1444 = arith.cmpi eq, %add3A_1437, %eq3A_1443 : vector<16xi32>
      %jit3A_1445 = arith.constant -1.000000e+30 : f32
      %broadcast_in_dim3A_1446 = vector.broadcast %jit3A_1445 : f32 to vector<16xf32>
      %select_n3A_1447 = arith.select %eq3A_1444, %broadcast_in_dim3A_1446, %select_n3A_1442 : vector<16xi1>, vector<16xf32>
      %eq3A_1448 = vector.broadcast %add3A_1118 : i32 to vector<16xi32>
      %eq3A_1449 = arith.cmpi eq, %add3A_1437, %eq3A_1448 : vector<16xi32>
      %jit3A_1450 = arith.constant -1.000000e+30 : f32
      %broadcast_in_dim3A_1451 = vector.broadcast %jit3A_1450 : f32 to vector<16xf32>
      %select_n3A_1452 = arith.select %eq3A_1449, %broadcast_in_dim3A_1451, %select_n3A_1447 : vector<16xi1>, vector<16xf32>
      %gt3A_1453 = arith.cmpf ogt, %select_n3A_1452, %select_n3A_1431 : vector<16xf32>
      %select_n3A_1454 = arith.select %gt3A_1453, %select_n3A_1452, %select_n3A_1431 : vector<16xi1>, vector<16xf32>
      %jit3A_1455 = arith.constant 8 : i32
      %broadcast_in_dim3A_1456 = vector.broadcast %jit3A_1455 : i32 to vector<16xi32>
      %select_n3A_1457 = arith.select %gt3A_1453, %broadcast_in_dim3A_1456, %select_n3A_1434 : vector<16xi1>, vector<16xi32>
      %add3A_1458 = arith.constant 144 : i32
      %add3A_1459 = vector.broadcast %add3A_1458 : i32 to vector<16xi32>
      %add3A_1460 = arith.addi %add3A_1459, %iota3A_137 : vector<16xi32>
      %eq3A_1461 = vector.broadcast %add3A_296 : i32 to vector<16xi32>
      %eq3A_1462 = arith.cmpi eq, %add3A_1460, %eq3A_1461 : vector<16xi32>
      %jit3A_1463 = arith.constant -1.000000e+30 : f32
      %broadcast_in_dim3A_1464 = vector.broadcast %jit3A_1463 : f32 to vector<16xf32>
      %select_n3A_1465 = arith.select %eq3A_1462, %broadcast_in_dim3A_1464, %get3A_48 : vector<16xi1>, vector<16xf32>
      %eq3A_1466 = vector.broadcast %add3A_667 : i32 to vector<16xi32>
      %eq3A_1467 = arith.cmpi eq, %add3A_1460, %eq3A_1466 : vector<16xi32>
      %jit3A_1468 = arith.constant -1.000000e+30 : f32
      %broadcast_in_dim3A_1469 = vector.broadcast %jit3A_1468 : f32 to vector<16xf32>
      %select_n3A_1470 = arith.select %eq3A_1467, %broadcast_in_dim3A_1469, %select_n3A_1465 : vector<16xi1>, vector<16xf32>
      %eq3A_1471 = vector.broadcast %add3A_1118 : i32 to vector<16xi32>
      %eq3A_1472 = arith.cmpi eq, %add3A_1460, %eq3A_1471 : vector<16xi32>
      %jit3A_1473 = arith.constant -1.000000e+30 : f32
      %broadcast_in_dim3A_1474 = vector.broadcast %jit3A_1473 : f32 to vector<16xf32>
      %select_n3A_1475 = arith.select %eq3A_1472, %broadcast_in_dim3A_1474, %select_n3A_1470 : vector<16xi1>, vector<16xf32>
      %gt3A_1476 = arith.cmpf ogt, %select_n3A_1475, %select_n3A_1454 : vector<16xf32>
      %select_n3A_1477 = arith.select %gt3A_1476, %select_n3A_1475, %select_n3A_1454 : vector<16xi1>, vector<16xf32>
      %jit3A_1478 = arith.constant 9 : i32
      %broadcast_in_dim3A_1479 = vector.broadcast %jit3A_1478 : i32 to vector<16xi32>
      %select_n3A_1480 = arith.select %gt3A_1476, %broadcast_in_dim3A_1479, %select_n3A_1457 : vector<16xi1>, vector<16xi32>
      %add3A_1481 = arith.constant 160 : i32
      %add3A_1482 = vector.broadcast %add3A_1481 : i32 to vector<16xi32>
      %add3A_1483 = arith.addi %add3A_1482, %iota3A_137 : vector<16xi32>
      %eq3A_1484 = vector.broadcast %add3A_296 : i32 to vector<16xi32>
      %eq3A_1485 = arith.cmpi eq, %add3A_1483, %eq3A_1484 : vector<16xi32>
      %jit3A_1486 = arith.constant -1.000000e+30 : f32
      %broadcast_in_dim3A_1487 = vector.broadcast %jit3A_1486 : f32 to vector<16xf32>
      %select_n3A_1488 = arith.select %eq3A_1485, %broadcast_in_dim3A_1487, %get3A_52 : vector<16xi1>, vector<16xf32>
      %eq3A_1489 = vector.broadcast %add3A_667 : i32 to vector<16xi32>
      %eq3A_1490 = arith.cmpi eq, %add3A_1483, %eq3A_1489 : vector<16xi32>
      %jit3A_1491 = arith.constant -1.000000e+30 : f32
      %broadcast_in_dim3A_1492 = vector.broadcast %jit3A_1491 : f32 to vector<16xf32>
      %select_n3A_1493 = arith.select %eq3A_1490, %broadcast_in_dim3A_1492, %select_n3A_1488 : vector<16xi1>, vector<16xf32>
      %eq3A_1494 = vector.broadcast %add3A_1118 : i32 to vector<16xi32>
      %eq3A_1495 = arith.cmpi eq, %add3A_1483, %eq3A_1494 : vector<16xi32>
      %jit3A_1496 = arith.constant -1.000000e+30 : f32
      %broadcast_in_dim3A_1497 = vector.broadcast %jit3A_1496 : f32 to vector<16xf32>
      %select_n3A_1498 = arith.select %eq3A_1495, %broadcast_in_dim3A_1497, %select_n3A_1493 : vector<16xi1>, vector<16xf32>
      %gt3A_1499 = arith.cmpf ogt, %select_n3A_1498, %select_n3A_1477 : vector<16xf32>
      %select_n3A_1500 = arith.select %gt3A_1499, %select_n3A_1498, %select_n3A_1477 : vector<16xi1>, vector<16xf32>
      %jit3A_1501 = arith.constant 10 : i32
      %broadcast_in_dim3A_1502 = vector.broadcast %jit3A_1501 : i32 to vector<16xi32>
      %select_n3A_1503 = arith.select %gt3A_1499, %broadcast_in_dim3A_1502, %select_n3A_1480 : vector<16xi1>, vector<16xi32>
      %add3A_1504 = arith.constant 176 : i32
      %add3A_1505 = vector.broadcast %add3A_1504 : i32 to vector<16xi32>
      %add3A_1506 = arith.addi %add3A_1505, %iota3A_137 : vector<16xi32>
      %eq3A_1507 = vector.broadcast %add3A_296 : i32 to vector<16xi32>
      %eq3A_1508 = arith.cmpi eq, %add3A_1506, %eq3A_1507 : vector<16xi32>
      %jit3A_1509 = arith.constant -1.000000e+30 : f32
      %broadcast_in_dim3A_1510 = vector.broadcast %jit3A_1509 : f32 to vector<16xf32>
      %select_n3A_1511 = arith.select %eq3A_1508, %broadcast_in_dim3A_1510, %get3A_56 : vector<16xi1>, vector<16xf32>
      %eq3A_1512 = vector.broadcast %add3A_667 : i32 to vector<16xi32>
      %eq3A_1513 = arith.cmpi eq, %add3A_1506, %eq3A_1512 : vector<16xi32>
      %jit3A_1514 = arith.constant -1.000000e+30 : f32
      %broadcast_in_dim3A_1515 = vector.broadcast %jit3A_1514 : f32 to vector<16xf32>
      %select_n3A_1516 = arith.select %eq3A_1513, %broadcast_in_dim3A_1515, %select_n3A_1511 : vector<16xi1>, vector<16xf32>
      %eq3A_1517 = vector.broadcast %add3A_1118 : i32 to vector<16xi32>
      %eq3A_1518 = arith.cmpi eq, %add3A_1506, %eq3A_1517 : vector<16xi32>
      %jit3A_1519 = arith.constant -1.000000e+30 : f32
      %broadcast_in_dim3A_1520 = vector.broadcast %jit3A_1519 : f32 to vector<16xf32>
      %select_n3A_1521 = arith.select %eq3A_1518, %broadcast_in_dim3A_1520, %select_n3A_1516 : vector<16xi1>, vector<16xf32>
      %gt3A_1522 = arith.cmpf ogt, %select_n3A_1521, %select_n3A_1500 : vector<16xf32>
      %select_n3A_1523 = arith.select %gt3A_1522, %select_n3A_1521, %select_n3A_1500 : vector<16xi1>, vector<16xf32>
      %jit3A_1524 = arith.constant 11 : i32
      %broadcast_in_dim3A_1525 = vector.broadcast %jit3A_1524 : i32 to vector<16xi32>
      %select_n3A_1526 = arith.select %gt3A_1522, %broadcast_in_dim3A_1525, %select_n3A_1503 : vector<16xi1>, vector<16xi32>
      %add3A_1527 = arith.constant 192 : i32
      %add3A_1528 = vector.broadcast %add3A_1527 : i32 to vector<16xi32>
      %add3A_1529 = arith.addi %add3A_1528, %iota3A_137 : vector<16xi32>
      %eq3A_1530 = vector.broadcast %add3A_296 : i32 to vector<16xi32>
      %eq3A_1531 = arith.cmpi eq, %add3A_1529, %eq3A_1530 : vector<16xi32>
      %jit3A_1532 = arith.constant -1.000000e+30 : f32
      %broadcast_in_dim3A_1533 = vector.broadcast %jit3A_1532 : f32 to vector<16xf32>
      %select_n3A_1534 = arith.select %eq3A_1531, %broadcast_in_dim3A_1533, %get3A_60 : vector<16xi1>, vector<16xf32>
      %eq3A_1535 = vector.broadcast %add3A_667 : i32 to vector<16xi32>
      %eq3A_1536 = arith.cmpi eq, %add3A_1529, %eq3A_1535 : vector<16xi32>
      %jit3A_1537 = arith.constant -1.000000e+30 : f32
      %broadcast_in_dim3A_1538 = vector.broadcast %jit3A_1537 : f32 to vector<16xf32>
      %select_n3A_1539 = arith.select %eq3A_1536, %broadcast_in_dim3A_1538, %select_n3A_1534 : vector<16xi1>, vector<16xf32>
      %eq3A_1540 = vector.broadcast %add3A_1118 : i32 to vector<16xi32>
      %eq3A_1541 = arith.cmpi eq, %add3A_1529, %eq3A_1540 : vector<16xi32>
      %jit3A_1542 = arith.constant -1.000000e+30 : f32
      %broadcast_in_dim3A_1543 = vector.broadcast %jit3A_1542 : f32 to vector<16xf32>
      %select_n3A_1544 = arith.select %eq3A_1541, %broadcast_in_dim3A_1543, %select_n3A_1539 : vector<16xi1>, vector<16xf32>
      %gt3A_1545 = arith.cmpf ogt, %select_n3A_1544, %select_n3A_1523 : vector<16xf32>
      %select_n3A_1546 = arith.select %gt3A_1545, %select_n3A_1544, %select_n3A_1523 : vector<16xi1>, vector<16xf32>
      %jit3A_1547 = arith.constant 12 : i32
      %broadcast_in_dim3A_1548 = vector.broadcast %jit3A_1547 : i32 to vector<16xi32>
      %select_n3A_1549 = arith.select %gt3A_1545, %broadcast_in_dim3A_1548, %select_n3A_1526 : vector<16xi1>, vector<16xi32>
      %add3A_1550 = arith.constant 208 : i32
      %add3A_1551 = vector.broadcast %add3A_1550 : i32 to vector<16xi32>
      %add3A_1552 = arith.addi %add3A_1551, %iota3A_137 : vector<16xi32>
      %eq3A_1553 = vector.broadcast %add3A_296 : i32 to vector<16xi32>
      %eq3A_1554 = arith.cmpi eq, %add3A_1552, %eq3A_1553 : vector<16xi32>
      %jit3A_1555 = arith.constant -1.000000e+30 : f32
      %broadcast_in_dim3A_1556 = vector.broadcast %jit3A_1555 : f32 to vector<16xf32>
      %select_n3A_1557 = arith.select %eq3A_1554, %broadcast_in_dim3A_1556, %get3A_64 : vector<16xi1>, vector<16xf32>
      %eq3A_1558 = vector.broadcast %add3A_667 : i32 to vector<16xi32>
      %eq3A_1559 = arith.cmpi eq, %add3A_1552, %eq3A_1558 : vector<16xi32>
      %jit3A_1560 = arith.constant -1.000000e+30 : f32
      %broadcast_in_dim3A_1561 = vector.broadcast %jit3A_1560 : f32 to vector<16xf32>
      %select_n3A_1562 = arith.select %eq3A_1559, %broadcast_in_dim3A_1561, %select_n3A_1557 : vector<16xi1>, vector<16xf32>
      %eq3A_1563 = vector.broadcast %add3A_1118 : i32 to vector<16xi32>
      %eq3A_1564 = arith.cmpi eq, %add3A_1552, %eq3A_1563 : vector<16xi32>
      %jit3A_1565 = arith.constant -1.000000e+30 : f32
      %broadcast_in_dim3A_1566 = vector.broadcast %jit3A_1565 : f32 to vector<16xf32>
      %select_n3A_1567 = arith.select %eq3A_1564, %broadcast_in_dim3A_1566, %select_n3A_1562 : vector<16xi1>, vector<16xf32>
      %gt3A_1568 = arith.cmpf ogt, %select_n3A_1567, %select_n3A_1546 : vector<16xf32>
      %select_n3A_1569 = arith.select %gt3A_1568, %select_n3A_1567, %select_n3A_1546 : vector<16xi1>, vector<16xf32>
      %jit3A_1570 = arith.constant 13 : i32
      %broadcast_in_dim3A_1571 = vector.broadcast %jit3A_1570 : i32 to vector<16xi32>
      %select_n3A_1572 = arith.select %gt3A_1568, %broadcast_in_dim3A_1571, %select_n3A_1549 : vector<16xi1>, vector<16xi32>
      %add3A_1573 = arith.constant 224 : i32
      %add3A_1574 = vector.broadcast %add3A_1573 : i32 to vector<16xi32>
      %add3A_1575 = arith.addi %add3A_1574, %iota3A_137 : vector<16xi32>
      %eq3A_1576 = vector.broadcast %add3A_296 : i32 to vector<16xi32>
      %eq3A_1577 = arith.cmpi eq, %add3A_1575, %eq3A_1576 : vector<16xi32>
      %jit3A_1578 = arith.constant -1.000000e+30 : f32
      %broadcast_in_dim3A_1579 = vector.broadcast %jit3A_1578 : f32 to vector<16xf32>
      %select_n3A_1580 = arith.select %eq3A_1577, %broadcast_in_dim3A_1579, %get3A_68 : vector<16xi1>, vector<16xf32>
      %eq3A_1581 = vector.broadcast %add3A_667 : i32 to vector<16xi32>
      %eq3A_1582 = arith.cmpi eq, %add3A_1575, %eq3A_1581 : vector<16xi32>
      %jit3A_1583 = arith.constant -1.000000e+30 : f32
      %broadcast_in_dim3A_1584 = vector.broadcast %jit3A_1583 : f32 to vector<16xf32>
      %select_n3A_1585 = arith.select %eq3A_1582, %broadcast_in_dim3A_1584, %select_n3A_1580 : vector<16xi1>, vector<16xf32>
      %eq3A_1586 = vector.broadcast %add3A_1118 : i32 to vector<16xi32>
      %eq3A_1587 = arith.cmpi eq, %add3A_1575, %eq3A_1586 : vector<16xi32>
      %jit3A_1588 = arith.constant -1.000000e+30 : f32
      %broadcast_in_dim3A_1589 = vector.broadcast %jit3A_1588 : f32 to vector<16xf32>
      %select_n3A_1590 = arith.select %eq3A_1587, %broadcast_in_dim3A_1589, %select_n3A_1585 : vector<16xi1>, vector<16xf32>
      %gt3A_1591 = arith.cmpf ogt, %select_n3A_1590, %select_n3A_1569 : vector<16xf32>
      %select_n3A_1592 = arith.select %gt3A_1591, %select_n3A_1590, %select_n3A_1569 : vector<16xi1>, vector<16xf32>
      %jit3A_1593 = arith.constant 14 : i32
      %broadcast_in_dim3A_1594 = vector.broadcast %jit3A_1593 : i32 to vector<16xi32>
      %select_n3A_1595 = arith.select %gt3A_1591, %broadcast_in_dim3A_1594, %select_n3A_1572 : vector<16xi1>, vector<16xi32>
      %add3A_1596 = arith.constant 240 : i32
      %add3A_1597 = vector.broadcast %add3A_1596 : i32 to vector<16xi32>
      %add3A_1598 = arith.addi %add3A_1597, %iota3A_137 : vector<16xi32>
      %eq3A_1599 = vector.broadcast %add3A_296 : i32 to vector<16xi32>
      %eq3A_1600 = arith.cmpi eq, %add3A_1598, %eq3A_1599 : vector<16xi32>
      %jit3A_1601 = arith.constant -1.000000e+30 : f32
      %broadcast_in_dim3A_1602 = vector.broadcast %jit3A_1601 : f32 to vector<16xf32>
      %select_n3A_1603 = arith.select %eq3A_1600, %broadcast_in_dim3A_1602, %get3A_72 : vector<16xi1>, vector<16xf32>
      %eq3A_1604 = vector.broadcast %add3A_667 : i32 to vector<16xi32>
      %eq3A_1605 = arith.cmpi eq, %add3A_1598, %eq3A_1604 : vector<16xi32>
      %jit3A_1606 = arith.constant -1.000000e+30 : f32
      %broadcast_in_dim3A_1607 = vector.broadcast %jit3A_1606 : f32 to vector<16xf32>
      %select_n3A_1608 = arith.select %eq3A_1605, %broadcast_in_dim3A_1607, %select_n3A_1603 : vector<16xi1>, vector<16xf32>
      %eq3A_1609 = vector.broadcast %add3A_1118 : i32 to vector<16xi32>
      %eq3A_1610 = arith.cmpi eq, %add3A_1598, %eq3A_1609 : vector<16xi32>
      %jit3A_1611 = arith.constant -1.000000e+30 : f32
      %broadcast_in_dim3A_1612 = vector.broadcast %jit3A_1611 : f32 to vector<16xf32>
      %select_n3A_1613 = arith.select %eq3A_1610, %broadcast_in_dim3A_1612, %select_n3A_1608 : vector<16xi1>, vector<16xf32>
      %gt3A_1614 = arith.cmpf ogt, %select_n3A_1613, %select_n3A_1592 : vector<16xf32>
      %select_n3A_1615 = arith.select %gt3A_1614, %select_n3A_1613, %select_n3A_1592 : vector<16xi1>, vector<16xf32>
      %jit3A_1616 = arith.constant 15 : i32
      %broadcast_in_dim3A_1617 = vector.broadcast %jit3A_1616 : i32 to vector<16xi32>
      %select_n3A_1618 = arith.select %gt3A_1614, %broadcast_in_dim3A_1617, %select_n3A_1595 : vector<16xi1>, vector<16xi32>
      %reduce_max3A_1619 = arith.constant true
      %reduce_max3A_1620 = vector.broadcast %reduce_max3A_1619 : i1 to vector<16xi1>
      %reduce_max3A_1621 = tpu.scan <max>, %select_n3A_1615 masked %reduce_max3A_1620 : vector<16xf32>, vector<16xi1> -> vector<16xf32>
      %reduce_max3A_1622 = vector.extract %reduce_max3A_1621[15] : f32 from vector<16xf32>
      %eq3A_1623 = vector.broadcast %reduce_max3A_1622 : f32 to vector<16xf32>
      %eq3A_1624 = arith.cmpf oeq, %select_n3A_1615, %eq3A_1623 : vector<16xf32>
      %convert_element_type3A_1625 = arith.extui %eq3A_1624 : vector<16xi1> to vector<16xi32>
      %cumsum3A_1626 = arith.constant true
      %cumsum3A_1627 = vector.broadcast %cumsum3A_1626 : i1 to vector<16xi1>
      %cumsum3A_1628 = tpu.scan <sum>, %convert_element_type3A_1625 masked %cumsum3A_1627 : vector<16xi32>, vector<16xi1> -> vector<16xi32>
      %eq3A_1629 = arith.constant 1 : i32
      %eq3A_1630 = vector.broadcast %eq3A_1629 : i32 to vector<16xi32>
      %eq3A_1631 = arith.cmpi eq, %cumsum3A_1628, %eq3A_1630 : vector<16xi32>
      %and3A_1632 = arith.andi %eq3A_1624, %eq3A_1631 : vector<16xi1>
      %jit3A_1633 = arith.constant 0 : i32
      %broadcast_in_dim3A_1634 = vector.broadcast %jit3A_1633 : i32 to vector<16xi32>
      %select_n3A_1635 = arith.select %and3A_1632, %iota3A_137, %broadcast_in_dim3A_1634 : vector<16xi1>, vector<16xi32>
      %reduce_sum3A_1636 = arith.constant true
      %reduce_sum3A_1637 = vector.broadcast %reduce_sum3A_1636 : i1 to vector<16xi1>
      %reduce_sum3A_1638 = tpu.scan <sum>, %select_n3A_1635 masked %reduce_sum3A_1637 : vector<16xi32>, vector<16xi1> -> vector<16xi32>
      %reduce_sum3A_1639 = vector.extract %reduce_sum3A_1638[15] : i32 from vector<16xi32>
      %jit3A_1640 = arith.constant 0 : i32
      %broadcast_in_dim3A_1641 = vector.broadcast %jit3A_1640 : i32 to vector<16xi32>
      %select_n3A_1642 = arith.select %and3A_1632, %select_n3A_1618, %broadcast_in_dim3A_1641 : vector<16xi1>, vector<16xi32>
      %reduce_sum3A_1643 = arith.constant true
      %reduce_sum3A_1644 = vector.broadcast %reduce_sum3A_1643 : i1 to vector<16xi1>
      %reduce_sum3A_1645 = tpu.scan <sum>, %select_n3A_1642 masked %reduce_sum3A_1644 : vector<16xi32>, vector<16xi1> -> vector<16xi32>
      %reduce_sum3A_1646 = vector.extract %reduce_sum3A_1645[15] : i32 from vector<16xi32>
      %mul3A_1647 = arith.constant 16 : i32
      %mul3A_1648 = arith.muli %reduce_sum3A_1646, %mul3A_1647 : i32
      %add3A_1649 = arith.addi %mul3A_1648, %reduce_sum3A_1639 : i32
      %broadcast_in_dim3A_1650 = arith.constant 0 : i32
      %broadcast_in_dim3A_1651 = vector.broadcast %broadcast_in_dim3A_1650 : i32 to vector<16xi32>
      %eq3A_1652 = arith.constant 0 : i32
      %eq3A_1653 = arith.cmpi eq, %reduce_sum3A_1646, %eq3A_1652 : i32
      %eq3A_1654 = vector.broadcast %reduce_sum3A_1639 : i32 to vector<16xi32>
      %eq3A_1655 = arith.cmpi eq, %iota3A_137, %eq3A_1654 : vector<16xi32>
      %and3A_1656 = vector.broadcast %eq3A_1653 : i1 to vector<16xi1>
      %and3A_1657 = arith.andi %and3A_1656, %eq3A_1655 : vector<16xi1>
      %select_n3A_1658 = arith.select %and3A_1657, %get3A_76, %broadcast_in_dim3A_1651 : vector<16xi1>, vector<16xi32>
      %eq3A_1659 = arith.constant 1 : i32
      %eq3A_1660 = arith.cmpi eq, %reduce_sum3A_1646, %eq3A_1659 : i32
      %eq3A_1661 = vector.broadcast %reduce_sum3A_1639 : i32 to vector<16xi32>
      %eq3A_1662 = arith.cmpi eq, %iota3A_137, %eq3A_1661 : vector<16xi32>
      %and3A_1663 = vector.broadcast %eq3A_1660 : i1 to vector<16xi1>
      %and3A_1664 = arith.andi %and3A_1663, %eq3A_1662 : vector<16xi1>
      %select_n3A_1665 = arith.select %and3A_1664, %get3A_80, %select_n3A_1658 : vector<16xi1>, vector<16xi32>
      %eq3A_1666 = arith.constant 2 : i32
      %eq3A_1667 = arith.cmpi eq, %reduce_sum3A_1646, %eq3A_1666 : i32
      %eq3A_1668 = vector.broadcast %reduce_sum3A_1639 : i32 to vector<16xi32>
      %eq3A_1669 = arith.cmpi eq, %iota3A_137, %eq3A_1668 : vector<16xi32>
      %and3A_1670 = vector.broadcast %eq3A_1667 : i1 to vector<16xi1>
      %and3A_1671 = arith.andi %and3A_1670, %eq3A_1669 : vector<16xi1>
      %select_n3A_1672 = arith.select %and3A_1671, %get3A_84, %select_n3A_1665 : vector<16xi1>, vector<16xi32>
      %eq3A_1673 = arith.constant 3 : i32
      %eq3A_1674 = arith.cmpi eq, %reduce_sum3A_1646, %eq3A_1673 : i32
      %eq3A_1675 = vector.broadcast %reduce_sum3A_1639 : i32 to vector<16xi32>
      %eq3A_1676 = arith.cmpi eq, %iota3A_137, %eq3A_1675 : vector<16xi32>
      %and3A_1677 = vector.broadcast %eq3A_1674 : i1 to vector<16xi1>
      %and3A_1678 = arith.andi %and3A_1677, %eq3A_1676 : vector<16xi1>
      %select_n3A_1679 = arith.select %and3A_1678, %get3A_88, %select_n3A_1672 : vector<16xi1>, vector<16xi32>
      %eq3A_1680 = arith.constant 4 : i32
      %eq3A_1681 = arith.cmpi eq, %reduce_sum3A_1646, %eq3A_1680 : i32
      %eq3A_1682 = vector.broadcast %reduce_sum3A_1639 : i32 to vector<16xi32>
      %eq3A_1683 = arith.cmpi eq, %iota3A_137, %eq3A_1682 : vector<16xi32>
      %and3A_1684 = vector.broadcast %eq3A_1681 : i1 to vector<16xi1>
      %and3A_1685 = arith.andi %and3A_1684, %eq3A_1683 : vector<16xi1>
      %select_n3A_1686 = arith.select %and3A_1685, %get3A_92, %select_n3A_1679 : vector<16xi1>, vector<16xi32>
      %eq3A_1687 = arith.constant 5 : i32
      %eq3A_1688 = arith.cmpi eq, %reduce_sum3A_1646, %eq3A_1687 : i32
      %eq3A_1689 = vector.broadcast %reduce_sum3A_1639 : i32 to vector<16xi32>
      %eq3A_1690 = arith.cmpi eq, %iota3A_137, %eq3A_1689 : vector<16xi32>
      %and3A_1691 = vector.broadcast %eq3A_1688 : i1 to vector<16xi1>
      %and3A_1692 = arith.andi %and3A_1691, %eq3A_1690 : vector<16xi1>
      %select_n3A_1693 = arith.select %and3A_1692, %get3A_96, %select_n3A_1686 : vector<16xi1>, vector<16xi32>
      %eq3A_1694 = arith.constant 6 : i32
      %eq3A_1695 = arith.cmpi eq, %reduce_sum3A_1646, %eq3A_1694 : i32
      %eq3A_1696 = vector.broadcast %reduce_sum3A_1639 : i32 to vector<16xi32>
      %eq3A_1697 = arith.cmpi eq, %iota3A_137, %eq3A_1696 : vector<16xi32>
      %and3A_1698 = vector.broadcast %eq3A_1695 : i1 to vector<16xi1>
      %and3A_1699 = arith.andi %and3A_1698, %eq3A_1697 : vector<16xi1>
      %select_n3A_1700 = arith.select %and3A_1699, %get3A_100, %select_n3A_1693 : vector<16xi1>, vector<16xi32>
      %eq3A_1701 = arith.constant 7 : i32
      %eq3A_1702 = arith.cmpi eq, %reduce_sum3A_1646, %eq3A_1701 : i32
      %eq3A_1703 = vector.broadcast %reduce_sum3A_1639 : i32 to vector<16xi32>
      %eq3A_1704 = arith.cmpi eq, %iota3A_137, %eq3A_1703 : vector<16xi32>
      %and3A_1705 = vector.broadcast %eq3A_1702 : i1 to vector<16xi1>
      %and3A_1706 = arith.andi %and3A_1705, %eq3A_1704 : vector<16xi1>
      %select_n3A_1707 = arith.select %and3A_1706, %get3A_104, %select_n3A_1700 : vector<16xi1>, vector<16xi32>
      %eq3A_1708 = arith.constant 8 : i32
      %eq3A_1709 = arith.cmpi eq, %reduce_sum3A_1646, %eq3A_1708 : i32
      %eq3A_1710 = vector.broadcast %reduce_sum3A_1639 : i32 to vector<16xi32>
      %eq3A_1711 = arith.cmpi eq, %iota3A_137, %eq3A_1710 : vector<16xi32>
      %and3A_1712 = vector.broadcast %eq3A_1709 : i1 to vector<16xi1>
      %and3A_1713 = arith.andi %and3A_1712, %eq3A_1711 : vector<16xi1>
      %select_n3A_1714 = arith.select %and3A_1713, %get3A_108, %select_n3A_1707 : vector<16xi1>, vector<16xi32>
      %eq3A_1715 = arith.constant 9 : i32
      %eq3A_1716 = arith.cmpi eq, %reduce_sum3A_1646, %eq3A_1715 : i32
      %eq3A_1717 = vector.broadcast %reduce_sum3A_1639 : i32 to vector<16xi32>
      %eq3A_1718 = arith.cmpi eq, %iota3A_137, %eq3A_1717 : vector<16xi32>
      %and3A_1719 = vector.broadcast %eq3A_1716 : i1 to vector<16xi1>
      %and3A_1720 = arith.andi %and3A_1719, %eq3A_1718 : vector<16xi1>
      %select_n3A_1721 = arith.select %and3A_1720, %get3A_112, %select_n3A_1714 : vector<16xi1>, vector<16xi32>
      %eq3A_1722 = arith.constant 10 : i32
      %eq3A_1723 = arith.cmpi eq, %reduce_sum3A_1646, %eq3A_1722 : i32
      %eq3A_1724 = vector.broadcast %reduce_sum3A_1639 : i32 to vector<16xi32>
      %eq3A_1725 = arith.cmpi eq, %iota3A_137, %eq3A_1724 : vector<16xi32>
      %and3A_1726 = vector.broadcast %eq3A_1723 : i1 to vector<16xi1>
      %and3A_1727 = arith.andi %and3A_1726, %eq3A_1725 : vector<16xi1>
      %select_n3A_1728 = arith.select %and3A_1727, %get3A_116, %select_n3A_1721 : vector<16xi1>, vector<16xi32>
      %eq3A_1729 = arith.constant 11 : i32
      %eq3A_1730 = arith.cmpi eq, %reduce_sum3A_1646, %eq3A_1729 : i32
      %eq3A_1731 = vector.broadcast %reduce_sum3A_1639 : i32 to vector<16xi32>
      %eq3A_1732 = arith.cmpi eq, %iota3A_137, %eq3A_1731 : vector<16xi32>
      %and3A_1733 = vector.broadcast %eq3A_1730 : i1 to vector<16xi1>
      %and3A_1734 = arith.andi %and3A_1733, %eq3A_1732 : vector<16xi1>
      %select_n3A_1735 = arith.select %and3A_1734, %get3A_120, %select_n3A_1728 : vector<16xi1>, vector<16xi32>
      %eq3A_1736 = arith.constant 12 : i32
      %eq3A_1737 = arith.cmpi eq, %reduce_sum3A_1646, %eq3A_1736 : i32
      %eq3A_1738 = vector.broadcast %reduce_sum3A_1639 : i32 to vector<16xi32>
      %eq3A_1739 = arith.cmpi eq, %iota3A_137, %eq3A_1738 : vector<16xi32>
      %and3A_1740 = vector.broadcast %eq3A_1737 : i1 to vector<16xi1>
      %and3A_1741 = arith.andi %and3A_1740, %eq3A_1739 : vector<16xi1>
      %select_n3A_1742 = arith.select %and3A_1741, %get3A_124, %select_n3A_1735 : vector<16xi1>, vector<16xi32>
      %eq3A_1743 = arith.constant 13 : i32
      %eq3A_1744 = arith.cmpi eq, %reduce_sum3A_1646, %eq3A_1743 : i32
      %eq3A_1745 = vector.broadcast %reduce_sum3A_1639 : i32 to vector<16xi32>
      %eq3A_1746 = arith.cmpi eq, %iota3A_137, %eq3A_1745 : vector<16xi32>
      %and3A_1747 = vector.broadcast %eq3A_1744 : i1 to vector<16xi1>
      %and3A_1748 = arith.andi %and3A_1747, %eq3A_1746 : vector<16xi1>
      %select_n3A_1749 = arith.select %and3A_1748, %get3A_128, %select_n3A_1742 : vector<16xi1>, vector<16xi32>
      %eq3A_1750 = arith.constant 14 : i32
      %eq3A_1751 = arith.cmpi eq, %reduce_sum3A_1646, %eq3A_1750 : i32
      %eq3A_1752 = vector.broadcast %reduce_sum3A_1639 : i32 to vector<16xi32>
      %eq3A_1753 = arith.cmpi eq, %iota3A_137, %eq3A_1752 : vector<16xi32>
      %and3A_1754 = vector.broadcast %eq3A_1751 : i1 to vector<16xi1>
      %and3A_1755 = arith.andi %and3A_1754, %eq3A_1753 : vector<16xi1>
      %select_n3A_1756 = arith.select %and3A_1755, %get3A_132, %select_n3A_1749 : vector<16xi1>, vector<16xi32>
      %eq3A_1757 = arith.constant 15 : i32
      %eq3A_1758 = arith.cmpi eq, %reduce_sum3A_1646, %eq3A_1757 : i32
      %eq3A_1759 = vector.broadcast %reduce_sum3A_1639 : i32 to vector<16xi32>
      %eq3A_1760 = arith.cmpi eq, %iota3A_137, %eq3A_1759 : vector<16xi32>
      %and3A_1761 = vector.broadcast %eq3A_1758 : i1 to vector<16xi1>
      %and3A_1762 = arith.andi %and3A_1761, %eq3A_1760 : vector<16xi1>
      %select_n3A_1763 = arith.select %and3A_1762, %get3A_136, %select_n3A_1756 : vector<16xi1>, vector<16xi32>
      %reduce_sum3A_1764 = arith.constant true
      %reduce_sum3A_1765 = vector.broadcast %reduce_sum3A_1764 : i1 to vector<16xi1>
      %reduce_sum3A_1766 = tpu.scan <sum>, %select_n3A_1763 masked %reduce_sum3A_1765 : vector<16xi32>, vector<16xi1> -> vector<16xi32>
      %reduce_sum3A_1767 = vector.extract %reduce_sum3A_1766[15] : i32 from vector<16xi32>
      %eq3A_1768 = arith.constant 3 : i32
      %eq3A_1769 = vector.broadcast %eq3A_1768 : i32 to vector<16xi32>
      %eq3A_1770 = arith.cmpi eq, %iota3A_137, %eq3A_1769 : vector<16xi32>
      %broadcast_in_dim3A_1771 = vector.broadcast %reduce_max3A_1622 : f32 to vector<16xf32>
      %select_n3A_1772 = arith.select %eq3A_1770, %broadcast_in_dim3A_1771, %select_n3A_1241 : vector<16xi1>, vector<16xf32>
      %eq3A_1773 = arith.constant 3 : i32
      %eq3A_1774 = vector.broadcast %eq3A_1773 : i32 to vector<16xi32>
      %eq3A_1775 = arith.cmpi eq, %iota3A_137, %eq3A_1774 : vector<16xi32>
      %broadcast_in_dim3A_1776 = vector.broadcast %reduce_sum3A_1767 : i32 to vector<16xi32>
      %select_n3A_1777 = arith.select %eq3A_1775, %broadcast_in_dim3A_1776, %select_n3A_1246 : vector<16xi1>, vector<16xi32>
      %broadcast_in_dim3A_1778 = arith.constant -1.000000e+30 : f32
      %broadcast_in_dim3A_1779 = vector.broadcast %broadcast_in_dim3A_1778 : f32 to vector<16xf32>
      %broadcast_in_dim3A_1780 = arith.constant 0 : i32
      %broadcast_in_dim3A_1781 = vector.broadcast %broadcast_in_dim3A_1780 : i32 to vector<16xi32>
      %add3A_1782 = arith.constant 0 : i32
      %add3A_1783 = vector.broadcast %add3A_1782 : i32 to vector<16xi32>
      %add3A_1784 = arith.addi %add3A_1783, %iota3A_137 : vector<16xi32>
      %eq3A_1785 = vector.broadcast %add3A_296 : i32 to vector<16xi32>
      %eq3A_1786 = arith.cmpi eq, %add3A_1784, %eq3A_1785 : vector<16xi32>
      %jit3A_1787 = arith.constant -1.000000e+30 : f32
      %broadcast_in_dim3A_1788 = vector.broadcast %jit3A_1787 : f32 to vector<16xf32>
      %select_n3A_1789 = arith.select %eq3A_1786, %broadcast_in_dim3A_1788, %get3A_12 : vector<16xi1>, vector<16xf32>
      %eq3A_1790 = vector.broadcast %add3A_667 : i32 to vector<16xi32>
      %eq3A_1791 = arith.cmpi eq, %add3A_1784, %eq3A_1790 : vector<16xi32>
      %jit3A_1792 = arith.constant -1.000000e+30 : f32
      %broadcast_in_dim3A_1793 = vector.broadcast %jit3A_1792 : f32 to vector<16xf32>
      %select_n3A_1794 = arith.select %eq3A_1791, %broadcast_in_dim3A_1793, %select_n3A_1789 : vector<16xi1>, vector<16xf32>
      %eq3A_1795 = vector.broadcast %add3A_1118 : i32 to vector<16xi32>
      %eq3A_1796 = arith.cmpi eq, %add3A_1784, %eq3A_1795 : vector<16xi32>
      %jit3A_1797 = arith.constant -1.000000e+30 : f32
      %broadcast_in_dim3A_1798 = vector.broadcast %jit3A_1797 : f32 to vector<16xf32>
      %select_n3A_1799 = arith.select %eq3A_1796, %broadcast_in_dim3A_1798, %select_n3A_1794 : vector<16xi1>, vector<16xf32>
      %eq3A_1800 = vector.broadcast %add3A_1649 : i32 to vector<16xi32>
      %eq3A_1801 = arith.cmpi eq, %add3A_1784, %eq3A_1800 : vector<16xi32>
      %jit3A_1802 = arith.constant -1.000000e+30 : f32
      %broadcast_in_dim3A_1803 = vector.broadcast %jit3A_1802 : f32 to vector<16xf32>
      %select_n3A_1804 = arith.select %eq3A_1801, %broadcast_in_dim3A_1803, %select_n3A_1799 : vector<16xi1>, vector<16xf32>
      %gt3A_1805 = arith.cmpf ogt, %select_n3A_1804, %broadcast_in_dim3A_1779 : vector<16xf32>
      %select_n3A_1806 = arith.select %gt3A_1805, %select_n3A_1804, %broadcast_in_dim3A_1779 : vector<16xi1>, vector<16xf32>
      %jit3A_1807 = arith.constant 0 : i32
      %broadcast_in_dim3A_1808 = vector.broadcast %jit3A_1807 : i32 to vector<16xi32>
      %select_n3A_1809 = arith.select %gt3A_1805, %broadcast_in_dim3A_1808, %broadcast_in_dim3A_1781 : vector<16xi1>, vector<16xi32>
      %add3A_1810 = arith.constant 16 : i32
      %add3A_1811 = vector.broadcast %add3A_1810 : i32 to vector<16xi32>
      %add3A_1812 = arith.addi %add3A_1811, %iota3A_137 : vector<16xi32>
      %eq3A_1813 = vector.broadcast %add3A_296 : i32 to vector<16xi32>
      %eq3A_1814 = arith.cmpi eq, %add3A_1812, %eq3A_1813 : vector<16xi32>
      %jit3A_1815 = arith.constant -1.000000e+30 : f32
      %broadcast_in_dim3A_1816 = vector.broadcast %jit3A_1815 : f32 to vector<16xf32>
      %select_n3A_1817 = arith.select %eq3A_1814, %broadcast_in_dim3A_1816, %get3A_16 : vector<16xi1>, vector<16xf32>
      %eq3A_1818 = vector.broadcast %add3A_667 : i32 to vector<16xi32>
      %eq3A_1819 = arith.cmpi eq, %add3A_1812, %eq3A_1818 : vector<16xi32>
      %jit3A_1820 = arith.constant -1.000000e+30 : f32
      %broadcast_in_dim3A_1821 = vector.broadcast %jit3A_1820 : f32 to vector<16xf32>
      %select_n3A_1822 = arith.select %eq3A_1819, %broadcast_in_dim3A_1821, %select_n3A_1817 : vector<16xi1>, vector<16xf32>
      %eq3A_1823 = vector.broadcast %add3A_1118 : i32 to vector<16xi32>
      %eq3A_1824 = arith.cmpi eq, %add3A_1812, %eq3A_1823 : vector<16xi32>
      %jit3A_1825 = arith.constant -1.000000e+30 : f32
      %broadcast_in_dim3A_1826 = vector.broadcast %jit3A_1825 : f32 to vector<16xf32>
      %select_n3A_1827 = arith.select %eq3A_1824, %broadcast_in_dim3A_1826, %select_n3A_1822 : vector<16xi1>, vector<16xf32>
      %eq3A_1828 = vector.broadcast %add3A_1649 : i32 to vector<16xi32>
      %eq3A_1829 = arith.cmpi eq, %add3A_1812, %eq3A_1828 : vector<16xi32>
      %jit3A_1830 = arith.constant -1.000000e+30 : f32
      %broadcast_in_dim3A_1831 = vector.broadcast %jit3A_1830 : f32 to vector<16xf32>
      %select_n3A_1832 = arith.select %eq3A_1829, %broadcast_in_dim3A_1831, %select_n3A_1827 : vector<16xi1>, vector<16xf32>
      %gt3A_1833 = arith.cmpf ogt, %select_n3A_1832, %select_n3A_1806 : vector<16xf32>
      %select_n3A_1834 = arith.select %gt3A_1833, %select_n3A_1832, %select_n3A_1806 : vector<16xi1>, vector<16xf32>
      %jit3A_1835 = arith.constant 1 : i32
      %broadcast_in_dim3A_1836 = vector.broadcast %jit3A_1835 : i32 to vector<16xi32>
      %select_n3A_1837 = arith.select %gt3A_1833, %broadcast_in_dim3A_1836, %select_n3A_1809 : vector<16xi1>, vector<16xi32>
      %add3A_1838 = arith.constant 32 : i32
      %add3A_1839 = vector.broadcast %add3A_1838 : i32 to vector<16xi32>
      %add3A_1840 = arith.addi %add3A_1839, %iota3A_137 : vector<16xi32>
      %eq3A_1841 = vector.broadcast %add3A_296 : i32 to vector<16xi32>
      %eq3A_1842 = arith.cmpi eq, %add3A_1840, %eq3A_1841 : vector<16xi32>
      %jit3A_1843 = arith.constant -1.000000e+30 : f32
      %broadcast_in_dim3A_1844 = vector.broadcast %jit3A_1843 : f32 to vector<16xf32>
      %select_n3A_1845 = arith.select %eq3A_1842, %broadcast_in_dim3A_1844, %get3A_20 : vector<16xi1>, vector<16xf32>
      %eq3A_1846 = vector.broadcast %add3A_667 : i32 to vector<16xi32>
      %eq3A_1847 = arith.cmpi eq, %add3A_1840, %eq3A_1846 : vector<16xi32>
      %jit3A_1848 = arith.constant -1.000000e+30 : f32
      %broadcast_in_dim3A_1849 = vector.broadcast %jit3A_1848 : f32 to vector<16xf32>
      %select_n3A_1850 = arith.select %eq3A_1847, %broadcast_in_dim3A_1849, %select_n3A_1845 : vector<16xi1>, vector<16xf32>
      %eq3A_1851 = vector.broadcast %add3A_1118 : i32 to vector<16xi32>
      %eq3A_1852 = arith.cmpi eq, %add3A_1840, %eq3A_1851 : vector<16xi32>
      %jit3A_1853 = arith.constant -1.000000e+30 : f32
      %broadcast_in_dim3A_1854 = vector.broadcast %jit3A_1853 : f32 to vector<16xf32>
      %select_n3A_1855 = arith.select %eq3A_1852, %broadcast_in_dim3A_1854, %select_n3A_1850 : vector<16xi1>, vector<16xf32>
      %eq3A_1856 = vector.broadcast %add3A_1649 : i32 to vector<16xi32>
      %eq3A_1857 = arith.cmpi eq, %add3A_1840, %eq3A_1856 : vector<16xi32>
      %jit3A_1858 = arith.constant -1.000000e+30 : f32
      %broadcast_in_dim3A_1859 = vector.broadcast %jit3A_1858 : f32 to vector<16xf32>
      %select_n3A_1860 = arith.select %eq3A_1857, %broadcast_in_dim3A_1859, %select_n3A_1855 : vector<16xi1>, vector<16xf32>
      %gt3A_1861 = arith.cmpf ogt, %select_n3A_1860, %select_n3A_1834 : vector<16xf32>
      %select_n3A_1862 = arith.select %gt3A_1861, %select_n3A_1860, %select_n3A_1834 : vector<16xi1>, vector<16xf32>
      %jit3A_1863 = arith.constant 2 : i32
      %broadcast_in_dim3A_1864 = vector.broadcast %jit3A_1863 : i32 to vector<16xi32>
      %select_n3A_1865 = arith.select %gt3A_1861, %broadcast_in_dim3A_1864, %select_n3A_1837 : vector<16xi1>, vector<16xi32>
      %add3A_1866 = arith.constant 48 : i32
      %add3A_1867 = vector.broadcast %add3A_1866 : i32 to vector<16xi32>
      %add3A_1868 = arith.addi %add3A_1867, %iota3A_137 : vector<16xi32>
      %eq3A_1869 = vector.broadcast %add3A_296 : i32 to vector<16xi32>
      %eq3A_1870 = arith.cmpi eq, %add3A_1868, %eq3A_1869 : vector<16xi32>
      %jit3A_1871 = arith.constant -1.000000e+30 : f32
      %broadcast_in_dim3A_1872 = vector.broadcast %jit3A_1871 : f32 to vector<16xf32>
      %select_n3A_1873 = arith.select %eq3A_1870, %broadcast_in_dim3A_1872, %get3A_24 : vector<16xi1>, vector<16xf32>
      %eq3A_1874 = vector.broadcast %add3A_667 : i32 to vector<16xi32>
      %eq3A_1875 = arith.cmpi eq, %add3A_1868, %eq3A_1874 : vector<16xi32>
      %jit3A_1876 = arith.constant -1.000000e+30 : f32
      %broadcast_in_dim3A_1877 = vector.broadcast %jit3A_1876 : f32 to vector<16xf32>
      %select_n3A_1878 = arith.select %eq3A_1875, %broadcast_in_dim3A_1877, %select_n3A_1873 : vector<16xi1>, vector<16xf32>
      %eq3A_1879 = vector.broadcast %add3A_1118 : i32 to vector<16xi32>
      %eq3A_1880 = arith.cmpi eq, %add3A_1868, %eq3A_1879 : vector<16xi32>
      %jit3A_1881 = arith.constant -1.000000e+30 : f32
      %broadcast_in_dim3A_1882 = vector.broadcast %jit3A_1881 : f32 to vector<16xf32>
      %select_n3A_1883 = arith.select %eq3A_1880, %broadcast_in_dim3A_1882, %select_n3A_1878 : vector<16xi1>, vector<16xf32>
      %eq3A_1884 = vector.broadcast %add3A_1649 : i32 to vector<16xi32>
      %eq3A_1885 = arith.cmpi eq, %add3A_1868, %eq3A_1884 : vector<16xi32>
      %jit3A_1886 = arith.constant -1.000000e+30 : f32
      %broadcast_in_dim3A_1887 = vector.broadcast %jit3A_1886 : f32 to vector<16xf32>
      %select_n3A_1888 = arith.select %eq3A_1885, %broadcast_in_dim3A_1887, %select_n3A_1883 : vector<16xi1>, vector<16xf32>
      %gt3A_1889 = arith.cmpf ogt, %select_n3A_1888, %select_n3A_1862 : vector<16xf32>
      %select_n3A_1890 = arith.select %gt3A_1889, %select_n3A_1888, %select_n3A_1862 : vector<16xi1>, vector<16xf32>
      %jit3A_1891 = arith.constant 3 : i32
      %broadcast_in_dim3A_1892 = vector.broadcast %jit3A_1891 : i32 to vector<16xi32>
      %select_n3A_1893 = arith.select %gt3A_1889, %broadcast_in_dim3A_1892, %select_n3A_1865 : vector<16xi1>, vector<16xi32>
      %add3A_1894 = arith.constant 64 : i32
      %add3A_1895 = vector.broadcast %add3A_1894 : i32 to vector<16xi32>
      %add3A_1896 = arith.addi %add3A_1895, %iota3A_137 : vector<16xi32>
      %eq3A_1897 = vector.broadcast %add3A_296 : i32 to vector<16xi32>
      %eq3A_1898 = arith.cmpi eq, %add3A_1896, %eq3A_1897 : vector<16xi32>
      %jit3A_1899 = arith.constant -1.000000e+30 : f32
      %broadcast_in_dim3A_1900 = vector.broadcast %jit3A_1899 : f32 to vector<16xf32>
      %select_n3A_1901 = arith.select %eq3A_1898, %broadcast_in_dim3A_1900, %get3A_28 : vector<16xi1>, vector<16xf32>
      %eq3A_1902 = vector.broadcast %add3A_667 : i32 to vector<16xi32>
      %eq3A_1903 = arith.cmpi eq, %add3A_1896, %eq3A_1902 : vector<16xi32>
      %jit3A_1904 = arith.constant -1.000000e+30 : f32
      %broadcast_in_dim3A_1905 = vector.broadcast %jit3A_1904 : f32 to vector<16xf32>
      %select_n3A_1906 = arith.select %eq3A_1903, %broadcast_in_dim3A_1905, %select_n3A_1901 : vector<16xi1>, vector<16xf32>
      %eq3A_1907 = vector.broadcast %add3A_1118 : i32 to vector<16xi32>
      %eq3A_1908 = arith.cmpi eq, %add3A_1896, %eq3A_1907 : vector<16xi32>
      %jit3A_1909 = arith.constant -1.000000e+30 : f32
      %broadcast_in_dim3A_1910 = vector.broadcast %jit3A_1909 : f32 to vector<16xf32>
      %select_n3A_1911 = arith.select %eq3A_1908, %broadcast_in_dim3A_1910, %select_n3A_1906 : vector<16xi1>, vector<16xf32>
      %eq3A_1912 = vector.broadcast %add3A_1649 : i32 to vector<16xi32>
      %eq3A_1913 = arith.cmpi eq, %add3A_1896, %eq3A_1912 : vector<16xi32>
      %jit3A_1914 = arith.constant -1.000000e+30 : f32
      %broadcast_in_dim3A_1915 = vector.broadcast %jit3A_1914 : f32 to vector<16xf32>
      %select_n3A_1916 = arith.select %eq3A_1913, %broadcast_in_dim3A_1915, %select_n3A_1911 : vector<16xi1>, vector<16xf32>
      %gt3A_1917 = arith.cmpf ogt, %select_n3A_1916, %select_n3A_1890 : vector<16xf32>
      %select_n3A_1918 = arith.select %gt3A_1917, %select_n3A_1916, %select_n3A_1890 : vector<16xi1>, vector<16xf32>
      %jit3A_1919 = arith.constant 4 : i32
      %broadcast_in_dim3A_1920 = vector.broadcast %jit3A_1919 : i32 to vector<16xi32>
      %select_n3A_1921 = arith.select %gt3A_1917, %broadcast_in_dim3A_1920, %select_n3A_1893 : vector<16xi1>, vector<16xi32>
      %add3A_1922 = arith.constant 80 : i32
      %add3A_1923 = vector.broadcast %add3A_1922 : i32 to vector<16xi32>
      %add3A_1924 = arith.addi %add3A_1923, %iota3A_137 : vector<16xi32>
      %eq3A_1925 = vector.broadcast %add3A_296 : i32 to vector<16xi32>
      %eq3A_1926 = arith.cmpi eq, %add3A_1924, %eq3A_1925 : vector<16xi32>
      %jit3A_1927 = arith.constant -1.000000e+30 : f32
      %broadcast_in_dim3A_1928 = vector.broadcast %jit3A_1927 : f32 to vector<16xf32>
      %select_n3A_1929 = arith.select %eq3A_1926, %broadcast_in_dim3A_1928, %get3A_32 : vector<16xi1>, vector<16xf32>
      %eq3A_1930 = vector.broadcast %add3A_667 : i32 to vector<16xi32>
      %eq3A_1931 = arith.cmpi eq, %add3A_1924, %eq3A_1930 : vector<16xi32>
      %jit3A_1932 = arith.constant -1.000000e+30 : f32
      %broadcast_in_dim3A_1933 = vector.broadcast %jit3A_1932 : f32 to vector<16xf32>
      %select_n3A_1934 = arith.select %eq3A_1931, %broadcast_in_dim3A_1933, %select_n3A_1929 : vector<16xi1>, vector<16xf32>
      %eq3A_1935 = vector.broadcast %add3A_1118 : i32 to vector<16xi32>
      %eq3A_1936 = arith.cmpi eq, %add3A_1924, %eq3A_1935 : vector<16xi32>
      %jit3A_1937 = arith.constant -1.000000e+30 : f32
      %broadcast_in_dim3A_1938 = vector.broadcast %jit3A_1937 : f32 to vector<16xf32>
      %select_n3A_1939 = arith.select %eq3A_1936, %broadcast_in_dim3A_1938, %select_n3A_1934 : vector<16xi1>, vector<16xf32>
      %eq3A_1940 = vector.broadcast %add3A_1649 : i32 to vector<16xi32>
      %eq3A_1941 = arith.cmpi eq, %add3A_1924, %eq3A_1940 : vector<16xi32>
      %jit3A_1942 = arith.constant -1.000000e+30 : f32
      %broadcast_in_dim3A_1943 = vector.broadcast %jit3A_1942 : f32 to vector<16xf32>
      %select_n3A_1944 = arith.select %eq3A_1941, %broadcast_in_dim3A_1943, %select_n3A_1939 : vector<16xi1>, vector<16xf32>
      %gt3A_1945 = arith.cmpf ogt, %select_n3A_1944, %select_n3A_1918 : vector<16xf32>
      %select_n3A_1946 = arith.select %gt3A_1945, %select_n3A_1944, %select_n3A_1918 : vector<16xi1>, vector<16xf32>
      %jit3A_1947 = arith.constant 5 : i32
      %broadcast_in_dim3A_1948 = vector.broadcast %jit3A_1947 : i32 to vector<16xi32>
      %select_n3A_1949 = arith.select %gt3A_1945, %broadcast_in_dim3A_1948, %select_n3A_1921 : vector<16xi1>, vector<16xi32>
      %add3A_1950 = arith.constant 96 : i32
      %add3A_1951 = vector.broadcast %add3A_1950 : i32 to vector<16xi32>
      %add3A_1952 = arith.addi %add3A_1951, %iota3A_137 : vector<16xi32>
      %eq3A_1953 = vector.broadcast %add3A_296 : i32 to vector<16xi32>
      %eq3A_1954 = arith.cmpi eq, %add3A_1952, %eq3A_1953 : vector<16xi32>
      %jit3A_1955 = arith.constant -1.000000e+30 : f32
      %broadcast_in_dim3A_1956 = vector.broadcast %jit3A_1955 : f32 to vector<16xf32>
      %select_n3A_1957 = arith.select %eq3A_1954, %broadcast_in_dim3A_1956, %get3A_36 : vector<16xi1>, vector<16xf32>
      %eq3A_1958 = vector.broadcast %add3A_667 : i32 to vector<16xi32>
      %eq3A_1959 = arith.cmpi eq, %add3A_1952, %eq3A_1958 : vector<16xi32>
      %jit3A_1960 = arith.constant -1.000000e+30 : f32
      %broadcast_in_dim3A_1961 = vector.broadcast %jit3A_1960 : f32 to vector<16xf32>
      %select_n3A_1962 = arith.select %eq3A_1959, %broadcast_in_dim3A_1961, %select_n3A_1957 : vector<16xi1>, vector<16xf32>
      %eq3A_1963 = vector.broadcast %add3A_1118 : i32 to vector<16xi32>
      %eq3A_1964 = arith.cmpi eq, %add3A_1952, %eq3A_1963 : vector<16xi32>
      %jit3A_1965 = arith.constant -1.000000e+30 : f32
      %broadcast_in_dim3A_1966 = vector.broadcast %jit3A_1965 : f32 to vector<16xf32>
      %select_n3A_1967 = arith.select %eq3A_1964, %broadcast_in_dim3A_1966, %select_n3A_1962 : vector<16xi1>, vector<16xf32>
      %eq3A_1968 = vector.broadcast %add3A_1649 : i32 to vector<16xi32>
      %eq3A_1969 = arith.cmpi eq, %add3A_1952, %eq3A_1968 : vector<16xi32>
      %jit3A_1970 = arith.constant -1.000000e+30 : f32
      %broadcast_in_dim3A_1971 = vector.broadcast %jit3A_1970 : f32 to vector<16xf32>
      %select_n3A_1972 = arith.select %eq3A_1969, %broadcast_in_dim3A_1971, %select_n3A_1967 : vector<16xi1>, vector<16xf32>
      %gt3A_1973 = arith.cmpf ogt, %select_n3A_1972, %select_n3A_1946 : vector<16xf32>
      %select_n3A_1974 = arith.select %gt3A_1973, %select_n3A_1972, %select_n3A_1946 : vector<16xi1>, vector<16xf32>
      %jit3A_1975 = arith.constant 6 : i32
      %broadcast_in_dim3A_1976 = vector.broadcast %jit3A_1975 : i32 to vector<16xi32>
      %select_n3A_1977 = arith.select %gt3A_1973, %broadcast_in_dim3A_1976, %select_n3A_1949 : vector<16xi1>, vector<16xi32>
      %add3A_1978 = arith.constant 112 : i32
      %add3A_1979 = vector.broadcast %add3A_1978 : i32 to vector<16xi32>
      %add3A_1980 = arith.addi %add3A_1979, %iota3A_137 : vector<16xi32>
      %eq3A_1981 = vector.broadcast %add3A_296 : i32 to vector<16xi32>
      %eq3A_1982 = arith.cmpi eq, %add3A_1980, %eq3A_1981 : vector<16xi32>
      %jit3A_1983 = arith.constant -1.000000e+30 : f32
      %broadcast_in_dim3A_1984 = vector.broadcast %jit3A_1983 : f32 to vector<16xf32>
      %select_n3A_1985 = arith.select %eq3A_1982, %broadcast_in_dim3A_1984, %get3A_40 : vector<16xi1>, vector<16xf32>
      %eq3A_1986 = vector.broadcast %add3A_667 : i32 to vector<16xi32>
      %eq3A_1987 = arith.cmpi eq, %add3A_1980, %eq3A_1986 : vector<16xi32>
      %jit3A_1988 = arith.constant -1.000000e+30 : f32
      %broadcast_in_dim3A_1989 = vector.broadcast %jit3A_1988 : f32 to vector<16xf32>
      %select_n3A_1990 = arith.select %eq3A_1987, %broadcast_in_dim3A_1989, %select_n3A_1985 : vector<16xi1>, vector<16xf32>
      %eq3A_1991 = vector.broadcast %add3A_1118 : i32 to vector<16xi32>
      %eq3A_1992 = arith.cmpi eq, %add3A_1980, %eq3A_1991 : vector<16xi32>
      %jit3A_1993 = arith.constant -1.000000e+30 : f32
      %broadcast_in_dim3A_1994 = vector.broadcast %jit3A_1993 : f32 to vector<16xf32>
      %select_n3A_1995 = arith.select %eq3A_1992, %broadcast_in_dim3A_1994, %select_n3A_1990 : vector<16xi1>, vector<16xf32>
      %eq3A_1996 = vector.broadcast %add3A_1649 : i32 to vector<16xi32>
      %eq3A_1997 = arith.cmpi eq, %add3A_1980, %eq3A_1996 : vector<16xi32>
      %jit3A_1998 = arith.constant -1.000000e+30 : f32
      %broadcast_in_dim3A_1999 = vector.broadcast %jit3A_1998 : f32 to vector<16xf32>
      %select_n3A_2000 = arith.select %eq3A_1997, %broadcast_in_dim3A_1999, %select_n3A_1995 : vector<16xi1>, vector<16xf32>
      %gt3A_2001 = arith.cmpf ogt, %select_n3A_2000, %select_n3A_1974 : vector<16xf32>
      %select_n3A_2002 = arith.select %gt3A_2001, %select_n3A_2000, %select_n3A_1974 : vector<16xi1>, vector<16xf32>
      %jit3A_2003 = arith.constant 7 : i32
      %broadcast_in_dim3A_2004 = vector.broadcast %jit3A_2003 : i32 to vector<16xi32>
      %select_n3A_2005 = arith.select %gt3A_2001, %broadcast_in_dim3A_2004, %select_n3A_1977 : vector<16xi1>, vector<16xi32>
      %add3A_2006 = arith.constant 128 : i32
      %add3A_2007 = vector.broadcast %add3A_2006 : i32 to vector<16xi32>
      %add3A_2008 = arith.addi %add3A_2007, %iota3A_137 : vector<16xi32>
      %eq3A_2009 = vector.broadcast %add3A_296 : i32 to vector<16xi32>
      %eq3A_2010 = arith.cmpi eq, %add3A_2008, %eq3A_2009 : vector<16xi32>
      %jit3A_2011 = arith.constant -1.000000e+30 : f32
      %broadcast_in_dim3A_2012 = vector.broadcast %jit3A_2011 : f32 to vector<16xf32>
      %select_n3A_2013 = arith.select %eq3A_2010, %broadcast_in_dim3A_2012, %get3A_44 : vector<16xi1>, vector<16xf32>
      %eq3A_2014 = vector.broadcast %add3A_667 : i32 to vector<16xi32>
      %eq3A_2015 = arith.cmpi eq, %add3A_2008, %eq3A_2014 : vector<16xi32>
      %jit3A_2016 = arith.constant -1.000000e+30 : f32
      %broadcast_in_dim3A_2017 = vector.broadcast %jit3A_2016 : f32 to vector<16xf32>
      %select_n3A_2018 = arith.select %eq3A_2015, %broadcast_in_dim3A_2017, %select_n3A_2013 : vector<16xi1>, vector<16xf32>
      %eq3A_2019 = vector.broadcast %add3A_1118 : i32 to vector<16xi32>
      %eq3A_2020 = arith.cmpi eq, %add3A_2008, %eq3A_2019 : vector<16xi32>
      %jit3A_2021 = arith.constant -1.000000e+30 : f32
      %broadcast_in_dim3A_2022 = vector.broadcast %jit3A_2021 : f32 to vector<16xf32>
      %select_n3A_2023 = arith.select %eq3A_2020, %broadcast_in_dim3A_2022, %select_n3A_2018 : vector<16xi1>, vector<16xf32>
      %eq3A_2024 = vector.broadcast %add3A_1649 : i32 to vector<16xi32>
      %eq3A_2025 = arith.cmpi eq, %add3A_2008, %eq3A_2024 : vector<16xi32>
      %jit3A_2026 = arith.constant -1.000000e+30 : f32
      %broadcast_in_dim3A_2027 = vector.broadcast %jit3A_2026 : f32 to vector<16xf32>
      %select_n3A_2028 = arith.select %eq3A_2025, %broadcast_in_dim3A_2027, %select_n3A_2023 : vector<16xi1>, vector<16xf32>
      %gt3A_2029 = arith.cmpf ogt, %select_n3A_2028, %select_n3A_2002 : vector<16xf32>
      %select_n3A_2030 = arith.select %gt3A_2029, %select_n3A_2028, %select_n3A_2002 : vector<16xi1>, vector<16xf32>
      %jit3A_2031 = arith.constant 8 : i32
      %broadcast_in_dim3A_2032 = vector.broadcast %jit3A_2031 : i32 to vector<16xi32>
      %select_n3A_2033 = arith.select %gt3A_2029, %broadcast_in_dim3A_2032, %select_n3A_2005 : vector<16xi1>, vector<16xi32>
      %add3A_2034 = arith.constant 144 : i32
      %add3A_2035 = vector.broadcast %add3A_2034 : i32 to vector<16xi32>
      %add3A_2036 = arith.addi %add3A_2035, %iota3A_137 : vector<16xi32>
      %eq3A_2037 = vector.broadcast %add3A_296 : i32 to vector<16xi32>
      %eq3A_2038 = arith.cmpi eq, %add3A_2036, %eq3A_2037 : vector<16xi32>
      %jit3A_2039 = arith.constant -1.000000e+30 : f32
      %broadcast_in_dim3A_2040 = vector.broadcast %jit3A_2039 : f32 to vector<16xf32>
      %select_n3A_2041 = arith.select %eq3A_2038, %broadcast_in_dim3A_2040, %get3A_48 : vector<16xi1>, vector<16xf32>
      %eq3A_2042 = vector.broadcast %add3A_667 : i32 to vector<16xi32>
      %eq3A_2043 = arith.cmpi eq, %add3A_2036, %eq3A_2042 : vector<16xi32>
      %jit3A_2044 = arith.constant -1.000000e+30 : f32
      %broadcast_in_dim3A_2045 = vector.broadcast %jit3A_2044 : f32 to vector<16xf32>
      %select_n3A_2046 = arith.select %eq3A_2043, %broadcast_in_dim3A_2045, %select_n3A_2041 : vector<16xi1>, vector<16xf32>
      %eq3A_2047 = vector.broadcast %add3A_1118 : i32 to vector<16xi32>
      %eq3A_2048 = arith.cmpi eq, %add3A_2036, %eq3A_2047 : vector<16xi32>
      %jit3A_2049 = arith.constant -1.000000e+30 : f32
      %broadcast_in_dim3A_2050 = vector.broadcast %jit3A_2049 : f32 to vector<16xf32>
      %select_n3A_2051 = arith.select %eq3A_2048, %broadcast_in_dim3A_2050, %select_n3A_2046 : vector<16xi1>, vector<16xf32>
      %eq3A_2052 = vector.broadcast %add3A_1649 : i32 to vector<16xi32>
      %eq3A_2053 = arith.cmpi eq, %add3A_2036, %eq3A_2052 : vector<16xi32>
      %jit3A_2054 = arith.constant -1.000000e+30 : f32
      %broadcast_in_dim3A_2055 = vector.broadcast %jit3A_2054 : f32 to vector<16xf32>
      %select_n3A_2056 = arith.select %eq3A_2053, %broadcast_in_dim3A_2055, %select_n3A_2051 : vector<16xi1>, vector<16xf32>
      %gt3A_2057 = arith.cmpf ogt, %select_n3A_2056, %select_n3A_2030 : vector<16xf32>
      %select_n3A_2058 = arith.select %gt3A_2057, %select_n3A_2056, %select_n3A_2030 : vector<16xi1>, vector<16xf32>
      %jit3A_2059 = arith.constant 9 : i32
      %broadcast_in_dim3A_2060 = vector.broadcast %jit3A_2059 : i32 to vector<16xi32>
      %select_n3A_2061 = arith.select %gt3A_2057, %broadcast_in_dim3A_2060, %select_n3A_2033 : vector<16xi1>, vector<16xi32>
      %add3A_2062 = arith.constant 160 : i32
      %add3A_2063 = vector.broadcast %add3A_2062 : i32 to vector<16xi32>
      %add3A_2064 = arith.addi %add3A_2063, %iota3A_137 : vector<16xi32>
      %eq3A_2065 = vector.broadcast %add3A_296 : i32 to vector<16xi32>
      %eq3A_2066 = arith.cmpi eq, %add3A_2064, %eq3A_2065 : vector<16xi32>
      %jit3A_2067 = arith.constant -1.000000e+30 : f32
      %broadcast_in_dim3A_2068 = vector.broadcast %jit3A_2067 : f32 to vector<16xf32>
      %select_n3A_2069 = arith.select %eq3A_2066, %broadcast_in_dim3A_2068, %get3A_52 : vector<16xi1>, vector<16xf32>
      %eq3A_2070 = vector.broadcast %add3A_667 : i32 to vector<16xi32>
      %eq3A_2071 = arith.cmpi eq, %add3A_2064, %eq3A_2070 : vector<16xi32>
      %jit3A_2072 = arith.constant -1.000000e+30 : f32
      %broadcast_in_dim3A_2073 = vector.broadcast %jit3A_2072 : f32 to vector<16xf32>
      %select_n3A_2074 = arith.select %eq3A_2071, %broadcast_in_dim3A_2073, %select_n3A_2069 : vector<16xi1>, vector<16xf32>
      %eq3A_2075 = vector.broadcast %add3A_1118 : i32 to vector<16xi32>
      %eq3A_2076 = arith.cmpi eq, %add3A_2064, %eq3A_2075 : vector<16xi32>
      %jit3A_2077 = arith.constant -1.000000e+30 : f32
      %broadcast_in_dim3A_2078 = vector.broadcast %jit3A_2077 : f32 to vector<16xf32>
      %select_n3A_2079 = arith.select %eq3A_2076, %broadcast_in_dim3A_2078, %select_n3A_2074 : vector<16xi1>, vector<16xf32>
      %eq3A_2080 = vector.broadcast %add3A_1649 : i32 to vector<16xi32>
      %eq3A_2081 = arith.cmpi eq, %add3A_2064, %eq3A_2080 : vector<16xi32>
      %jit3A_2082 = arith.constant -1.000000e+30 : f32
      %broadcast_in_dim3A_2083 = vector.broadcast %jit3A_2082 : f32 to vector<16xf32>
      %select_n3A_2084 = arith.select %eq3A_2081, %broadcast_in_dim3A_2083, %select_n3A_2079 : vector<16xi1>, vector<16xf32>
      %gt3A_2085 = arith.cmpf ogt, %select_n3A_2084, %select_n3A_2058 : vector<16xf32>
      %select_n3A_2086 = arith.select %gt3A_2085, %select_n3A_2084, %select_n3A_2058 : vector<16xi1>, vector<16xf32>
      %jit3A_2087 = arith.constant 10 : i32
      %broadcast_in_dim3A_2088 = vector.broadcast %jit3A_2087 : i32 to vector<16xi32>
      %select_n3A_2089 = arith.select %gt3A_2085, %broadcast_in_dim3A_2088, %select_n3A_2061 : vector<16xi1>, vector<16xi32>
      %add3A_2090 = arith.constant 176 : i32
      %add3A_2091 = vector.broadcast %add3A_2090 : i32 to vector<16xi32>
      %add3A_2092 = arith.addi %add3A_2091, %iota3A_137 : vector<16xi32>
      %eq3A_2093 = vector.broadcast %add3A_296 : i32 to vector<16xi32>
      %eq3A_2094 = arith.cmpi eq, %add3A_2092, %eq3A_2093 : vector<16xi32>
      %jit3A_2095 = arith.constant -1.000000e+30 : f32
      %broadcast_in_dim3A_2096 = vector.broadcast %jit3A_2095 : f32 to vector<16xf32>
      %select_n3A_2097 = arith.select %eq3A_2094, %broadcast_in_dim3A_2096, %get3A_56 : vector<16xi1>, vector<16xf32>
      %eq3A_2098 = vector.broadcast %add3A_667 : i32 to vector<16xi32>
      %eq3A_2099 = arith.cmpi eq, %add3A_2092, %eq3A_2098 : vector<16xi32>
      %jit3A_2100 = arith.constant -1.000000e+30 : f32
      %broadcast_in_dim3A_2101 = vector.broadcast %jit3A_2100 : f32 to vector<16xf32>
      %select_n3A_2102 = arith.select %eq3A_2099, %broadcast_in_dim3A_2101, %select_n3A_2097 : vector<16xi1>, vector<16xf32>
      %eq3A_2103 = vector.broadcast %add3A_1118 : i32 to vector<16xi32>
      %eq3A_2104 = arith.cmpi eq, %add3A_2092, %eq3A_2103 : vector<16xi32>
      %jit3A_2105 = arith.constant -1.000000e+30 : f32
      %broadcast_in_dim3A_2106 = vector.broadcast %jit3A_2105 : f32 to vector<16xf32>
      %select_n3A_2107 = arith.select %eq3A_2104, %broadcast_in_dim3A_2106, %select_n3A_2102 : vector<16xi1>, vector<16xf32>
      %eq3A_2108 = vector.broadcast %add3A_1649 : i32 to vector<16xi32>
      %eq3A_2109 = arith.cmpi eq, %add3A_2092, %eq3A_2108 : vector<16xi32>
      %jit3A_2110 = arith.constant -1.000000e+30 : f32
      %broadcast_in_dim3A_2111 = vector.broadcast %jit3A_2110 : f32 to vector<16xf32>
      %select_n3A_2112 = arith.select %eq3A_2109, %broadcast_in_dim3A_2111, %select_n3A_2107 : vector<16xi1>, vector<16xf32>
      %gt3A_2113 = arith.cmpf ogt, %select_n3A_2112, %select_n3A_2086 : vector<16xf32>
      %select_n3A_2114 = arith.select %gt3A_2113, %select_n3A_2112, %select_n3A_2086 : vector<16xi1>, vector<16xf32>
      %jit3A_2115 = arith.constant 11 : i32
      %broadcast_in_dim3A_2116 = vector.broadcast %jit3A_2115 : i32 to vector<16xi32>
      %select_n3A_2117 = arith.select %gt3A_2113, %broadcast_in_dim3A_2116, %select_n3A_2089 : vector<16xi1>, vector<16xi32>
      %add3A_2118 = arith.constant 192 : i32
      %add3A_2119 = vector.broadcast %add3A_2118 : i32 to vector<16xi32>
      %add3A_2120 = arith.addi %add3A_2119, %iota3A_137 : vector<16xi32>
      %eq3A_2121 = vector.broadcast %add3A_296 : i32 to vector<16xi32>
      %eq3A_2122 = arith.cmpi eq, %add3A_2120, %eq3A_2121 : vector<16xi32>
      %jit3A_2123 = arith.constant -1.000000e+30 : f32
      %broadcast_in_dim3A_2124 = vector.broadcast %jit3A_2123 : f32 to vector<16xf32>
      %select_n3A_2125 = arith.select %eq3A_2122, %broadcast_in_dim3A_2124, %get3A_60 : vector<16xi1>, vector<16xf32>
      %eq3A_2126 = vector.broadcast %add3A_667 : i32 to vector<16xi32>
      %eq3A_2127 = arith.cmpi eq, %add3A_2120, %eq3A_2126 : vector<16xi32>
      %jit3A_2128 = arith.constant -1.000000e+30 : f32
      %broadcast_in_dim3A_2129 = vector.broadcast %jit3A_2128 : f32 to vector<16xf32>
      %select_n3A_2130 = arith.select %eq3A_2127, %broadcast_in_dim3A_2129, %select_n3A_2125 : vector<16xi1>, vector<16xf32>
      %eq3A_2131 = vector.broadcast %add3A_1118 : i32 to vector<16xi32>
      %eq3A_2132 = arith.cmpi eq, %add3A_2120, %eq3A_2131 : vector<16xi32>
      %jit3A_2133 = arith.constant -1.000000e+30 : f32
      %broadcast_in_dim3A_2134 = vector.broadcast %jit3A_2133 : f32 to vector<16xf32>
      %select_n3A_2135 = arith.select %eq3A_2132, %broadcast_in_dim3A_2134, %select_n3A_2130 : vector<16xi1>, vector<16xf32>
      %eq3A_2136 = vector.broadcast %add3A_1649 : i32 to vector<16xi32>
      %eq3A_2137 = arith.cmpi eq, %add3A_2120, %eq3A_2136 : vector<16xi32>
      %jit3A_2138 = arith.constant -1.000000e+30 : f32
      %broadcast_in_dim3A_2139 = vector.broadcast %jit3A_2138 : f32 to vector<16xf32>
      %select_n3A_2140 = arith.select %eq3A_2137, %broadcast_in_dim3A_2139, %select_n3A_2135 : vector<16xi1>, vector<16xf32>
      %gt3A_2141 = arith.cmpf ogt, %select_n3A_2140, %select_n3A_2114 : vector<16xf32>
      %select_n3A_2142 = arith.select %gt3A_2141, %select_n3A_2140, %select_n3A_2114 : vector<16xi1>, vector<16xf32>
      %jit3A_2143 = arith.constant 12 : i32
      %broadcast_in_dim3A_2144 = vector.broadcast %jit3A_2143 : i32 to vector<16xi32>
      %select_n3A_2145 = arith.select %gt3A_2141, %broadcast_in_dim3A_2144, %select_n3A_2117 : vector<16xi1>, vector<16xi32>
      %add3A_2146 = arith.constant 208 : i32
      %add3A_2147 = vector.broadcast %add3A_2146 : i32 to vector<16xi32>
      %add3A_2148 = arith.addi %add3A_2147, %iota3A_137 : vector<16xi32>
      %eq3A_2149 = vector.broadcast %add3A_296 : i32 to vector<16xi32>
      %eq3A_2150 = arith.cmpi eq, %add3A_2148, %eq3A_2149 : vector<16xi32>
      %jit3A_2151 = arith.constant -1.000000e+30 : f32
      %broadcast_in_dim3A_2152 = vector.broadcast %jit3A_2151 : f32 to vector<16xf32>
      %select_n3A_2153 = arith.select %eq3A_2150, %broadcast_in_dim3A_2152, %get3A_64 : vector<16xi1>, vector<16xf32>
      %eq3A_2154 = vector.broadcast %add3A_667 : i32 to vector<16xi32>
      %eq3A_2155 = arith.cmpi eq, %add3A_2148, %eq3A_2154 : vector<16xi32>
      %jit3A_2156 = arith.constant -1.000000e+30 : f32
      %broadcast_in_dim3A_2157 = vector.broadcast %jit3A_2156 : f32 to vector<16xf32>
      %select_n3A_2158 = arith.select %eq3A_2155, %broadcast_in_dim3A_2157, %select_n3A_2153 : vector<16xi1>, vector<16xf32>
      %eq3A_2159 = vector.broadcast %add3A_1118 : i32 to vector<16xi32>
      %eq3A_2160 = arith.cmpi eq, %add3A_2148, %eq3A_2159 : vector<16xi32>
      %jit3A_2161 = arith.constant -1.000000e+30 : f32
      %broadcast_in_dim3A_2162 = vector.broadcast %jit3A_2161 : f32 to vector<16xf32>
      %select_n3A_2163 = arith.select %eq3A_2160, %broadcast_in_dim3A_2162, %select_n3A_2158 : vector<16xi1>, vector<16xf32>
      %eq3A_2164 = vector.broadcast %add3A_1649 : i32 to vector<16xi32>
      %eq3A_2165 = arith.cmpi eq, %add3A_2148, %eq3A_2164 : vector<16xi32>
      %jit3A_2166 = arith.constant -1.000000e+30 : f32
      %broadcast_in_dim3A_2167 = vector.broadcast %jit3A_2166 : f32 to vector<16xf32>
      %select_n3A_2168 = arith.select %eq3A_2165, %broadcast_in_dim3A_2167, %select_n3A_2163 : vector<16xi1>, vector<16xf32>
      %gt3A_2169 = arith.cmpf ogt, %select_n3A_2168, %select_n3A_2142 : vector<16xf32>
      %select_n3A_2170 = arith.select %gt3A_2169, %select_n3A_2168, %select_n3A_2142 : vector<16xi1>, vector<16xf32>
      %jit3A_2171 = arith.constant 13 : i32
      %broadcast_in_dim3A_2172 = vector.broadcast %jit3A_2171 : i32 to vector<16xi32>
      %select_n3A_2173 = arith.select %gt3A_2169, %broadcast_in_dim3A_2172, %select_n3A_2145 : vector<16xi1>, vector<16xi32>
      %add3A_2174 = arith.constant 224 : i32
      %add3A_2175 = vector.broadcast %add3A_2174 : i32 to vector<16xi32>
      %add3A_2176 = arith.addi %add3A_2175, %iota3A_137 : vector<16xi32>
      %eq3A_2177 = vector.broadcast %add3A_296 : i32 to vector<16xi32>
      %eq3A_2178 = arith.cmpi eq, %add3A_2176, %eq3A_2177 : vector<16xi32>
      %jit3A_2179 = arith.constant -1.000000e+30 : f32
      %broadcast_in_dim3A_2180 = vector.broadcast %jit3A_2179 : f32 to vector<16xf32>
      %select_n3A_2181 = arith.select %eq3A_2178, %broadcast_in_dim3A_2180, %get3A_68 : vector<16xi1>, vector<16xf32>
      %eq3A_2182 = vector.broadcast %add3A_667 : i32 to vector<16xi32>
      %eq3A_2183 = arith.cmpi eq, %add3A_2176, %eq3A_2182 : vector<16xi32>
      %jit3A_2184 = arith.constant -1.000000e+30 : f32
      %broadcast_in_dim3A_2185 = vector.broadcast %jit3A_2184 : f32 to vector<16xf32>
      %select_n3A_2186 = arith.select %eq3A_2183, %broadcast_in_dim3A_2185, %select_n3A_2181 : vector<16xi1>, vector<16xf32>
      %eq3A_2187 = vector.broadcast %add3A_1118 : i32 to vector<16xi32>
      %eq3A_2188 = arith.cmpi eq, %add3A_2176, %eq3A_2187 : vector<16xi32>
      %jit3A_2189 = arith.constant -1.000000e+30 : f32
      %broadcast_in_dim3A_2190 = vector.broadcast %jit3A_2189 : f32 to vector<16xf32>
      %select_n3A_2191 = arith.select %eq3A_2188, %broadcast_in_dim3A_2190, %select_n3A_2186 : vector<16xi1>, vector<16xf32>
      %eq3A_2192 = vector.broadcast %add3A_1649 : i32 to vector<16xi32>
      %eq3A_2193 = arith.cmpi eq, %add3A_2176, %eq3A_2192 : vector<16xi32>
      %jit3A_2194 = arith.constant -1.000000e+30 : f32
      %broadcast_in_dim3A_2195 = vector.broadcast %jit3A_2194 : f32 to vector<16xf32>
      %select_n3A_2196 = arith.select %eq3A_2193, %broadcast_in_dim3A_2195, %select_n3A_2191 : vector<16xi1>, vector<16xf32>
      %gt3A_2197 = arith.cmpf ogt, %select_n3A_2196, %select_n3A_2170 : vector<16xf32>
      %select_n3A_2198 = arith.select %gt3A_2197, %select_n3A_2196, %select_n3A_2170 : vector<16xi1>, vector<16xf32>
      %jit3A_2199 = arith.constant 14 : i32
      %broadcast_in_dim3A_2200 = vector.broadcast %jit3A_2199 : i32 to vector<16xi32>
      %select_n3A_2201 = arith.select %gt3A_2197, %broadcast_in_dim3A_2200, %select_n3A_2173 : vector<16xi1>, vector<16xi32>
      %add3A_2202 = arith.constant 240 : i32
      %add3A_2203 = vector.broadcast %add3A_2202 : i32 to vector<16xi32>
      %add3A_2204 = arith.addi %add3A_2203, %iota3A_137 : vector<16xi32>
      %eq3A_2205 = vector.broadcast %add3A_296 : i32 to vector<16xi32>
      %eq3A_2206 = arith.cmpi eq, %add3A_2204, %eq3A_2205 : vector<16xi32>
      %jit3A_2207 = arith.constant -1.000000e+30 : f32
      %broadcast_in_dim3A_2208 = vector.broadcast %jit3A_2207 : f32 to vector<16xf32>
      %select_n3A_2209 = arith.select %eq3A_2206, %broadcast_in_dim3A_2208, %get3A_72 : vector<16xi1>, vector<16xf32>
      %eq3A_2210 = vector.broadcast %add3A_667 : i32 to vector<16xi32>
      %eq3A_2211 = arith.cmpi eq, %add3A_2204, %eq3A_2210 : vector<16xi32>
      %jit3A_2212 = arith.constant -1.000000e+30 : f32
      %broadcast_in_dim3A_2213 = vector.broadcast %jit3A_2212 : f32 to vector<16xf32>
      %select_n3A_2214 = arith.select %eq3A_2211, %broadcast_in_dim3A_2213, %select_n3A_2209 : vector<16xi1>, vector<16xf32>
      %eq3A_2215 = vector.broadcast %add3A_1118 : i32 to vector<16xi32>
      %eq3A_2216 = arith.cmpi eq, %add3A_2204, %eq3A_2215 : vector<16xi32>
      %jit3A_2217 = arith.constant -1.000000e+30 : f32
      %broadcast_in_dim3A_2218 = vector.broadcast %jit3A_2217 : f32 to vector<16xf32>
      %select_n3A_2219 = arith.select %eq3A_2216, %broadcast_in_dim3A_2218, %select_n3A_2214 : vector<16xi1>, vector<16xf32>
      %eq3A_2220 = vector.broadcast %add3A_1649 : i32 to vector<16xi32>
      %eq3A_2221 = arith.cmpi eq, %add3A_2204, %eq3A_2220 : vector<16xi32>
      %jit3A_2222 = arith.constant -1.000000e+30 : f32
      %broadcast_in_dim3A_2223 = vector.broadcast %jit3A_2222 : f32 to vector<16xf32>
      %select_n3A_2224 = arith.select %eq3A_2221, %broadcast_in_dim3A_2223, %select_n3A_2219 : vector<16xi1>, vector<16xf32>
      %gt3A_2225 = arith.cmpf ogt, %select_n3A_2224, %select_n3A_2198 : vector<16xf32>
      %select_n3A_2226 = arith.select %gt3A_2225, %select_n3A_2224, %select_n3A_2198 : vector<16xi1>, vector<16xf32>
      %jit3A_2227 = arith.constant 15 : i32
      %broadcast_in_dim3A_2228 = vector.broadcast %jit3A_2227 : i32 to vector<16xi32>
      %select_n3A_2229 = arith.select %gt3A_2225, %broadcast_in_dim3A_2228, %select_n3A_2201 : vector<16xi1>, vector<16xi32>
      %reduce_max3A_2230 = arith.constant true
      %reduce_max3A_2231 = vector.broadcast %reduce_max3A_2230 : i1 to vector<16xi1>
      %reduce_max3A_2232 = tpu.scan <max>, %select_n3A_2226 masked %reduce_max3A_2231 : vector<16xf32>, vector<16xi1> -> vector<16xf32>
      %reduce_max3A_2233 = vector.extract %reduce_max3A_2232[15] : f32 from vector<16xf32>
      %eq3A_2234 = vector.broadcast %reduce_max3A_2233 : f32 to vector<16xf32>
      %eq3A_2235 = arith.cmpf oeq, %select_n3A_2226, %eq3A_2234 : vector<16xf32>
      %convert_element_type3A_2236 = arith.extui %eq3A_2235 : vector<16xi1> to vector<16xi32>
      %cumsum3A_2237 = arith.constant true
      %cumsum3A_2238 = vector.broadcast %cumsum3A_2237 : i1 to vector<16xi1>
      %cumsum3A_2239 = tpu.scan <sum>, %convert_element_type3A_2236 masked %cumsum3A_2238 : vector<16xi32>, vector<16xi1> -> vector<16xi32>
      %eq3A_2240 = arith.constant 1 : i32
      %eq3A_2241 = vector.broadcast %eq3A_2240 : i32 to vector<16xi32>
      %eq3A_2242 = arith.cmpi eq, %cumsum3A_2239, %eq3A_2241 : vector<16xi32>
      %and3A_2243 = arith.andi %eq3A_2235, %eq3A_2242 : vector<16xi1>
      %jit3A_2244 = arith.constant 0 : i32
      %broadcast_in_dim3A_2245 = vector.broadcast %jit3A_2244 : i32 to vector<16xi32>
      %select_n3A_2246 = arith.select %and3A_2243, %iota3A_137, %broadcast_in_dim3A_2245 : vector<16xi1>, vector<16xi32>
      %reduce_sum3A_2247 = arith.constant true
      %reduce_sum3A_2248 = vector.broadcast %reduce_sum3A_2247 : i1 to vector<16xi1>
      %reduce_sum3A_2249 = tpu.scan <sum>, %select_n3A_2246 masked %reduce_sum3A_2248 : vector<16xi32>, vector<16xi1> -> vector<16xi32>
      %reduce_sum3A_2250 = vector.extract %reduce_sum3A_2249[15] : i32 from vector<16xi32>
      %jit3A_2251 = arith.constant 0 : i32
      %broadcast_in_dim3A_2252 = vector.broadcast %jit3A_2251 : i32 to vector<16xi32>
      %select_n3A_2253 = arith.select %and3A_2243, %select_n3A_2229, %broadcast_in_dim3A_2252 : vector<16xi1>, vector<16xi32>
      %reduce_sum3A_2254 = arith.constant true
      %reduce_sum3A_2255 = vector.broadcast %reduce_sum3A_2254 : i1 to vector<16xi1>
      %reduce_sum3A_2256 = tpu.scan <sum>, %select_n3A_2253 masked %reduce_sum3A_2255 : vector<16xi32>, vector<16xi1> -> vector<16xi32>
      %reduce_sum3A_2257 = vector.extract %reduce_sum3A_2256[15] : i32 from vector<16xi32>
      %mul3A_2258 = arith.constant 16 : i32
      %mul3A_2259 = arith.muli %reduce_sum3A_2257, %mul3A_2258 : i32
      %add3A_2260 = arith.addi %mul3A_2259, %reduce_sum3A_2250 : i32
      %broadcast_in_dim3A_2261 = arith.constant 0 : i32
      %broadcast_in_dim3A_2262 = vector.broadcast %broadcast_in_dim3A_2261 : i32 to vector<16xi32>
      %eq3A_2263 = arith.constant 0 : i32
      %eq3A_2264 = arith.cmpi eq, %reduce_sum3A_2257, %eq3A_2263 : i32
      %eq3A_2265 = vector.broadcast %reduce_sum3A_2250 : i32 to vector<16xi32>
      %eq3A_2266 = arith.cmpi eq, %iota3A_137, %eq3A_2265 : vector<16xi32>
      %and3A_2267 = vector.broadcast %eq3A_2264 : i1 to vector<16xi1>
      %and3A_2268 = arith.andi %and3A_2267, %eq3A_2266 : vector<16xi1>
      %select_n3A_2269 = arith.select %and3A_2268, %get3A_76, %broadcast_in_dim3A_2262 : vector<16xi1>, vector<16xi32>
      %eq3A_2270 = arith.constant 1 : i32
      %eq3A_2271 = arith.cmpi eq, %reduce_sum3A_2257, %eq3A_2270 : i32
      %eq3A_2272 = vector.broadcast %reduce_sum3A_2250 : i32 to vector<16xi32>
      %eq3A_2273 = arith.cmpi eq, %iota3A_137, %eq3A_2272 : vector<16xi32>
      %and3A_2274 = vector.broadcast %eq3A_2271 : i1 to vector<16xi1>
      %and3A_2275 = arith.andi %and3A_2274, %eq3A_2273 : vector<16xi1>
      %select_n3A_2276 = arith.select %and3A_2275, %get3A_80, %select_n3A_2269 : vector<16xi1>, vector<16xi32>
      %eq3A_2277 = arith.constant 2 : i32
      %eq3A_2278 = arith.cmpi eq, %reduce_sum3A_2257, %eq3A_2277 : i32
      %eq3A_2279 = vector.broadcast %reduce_sum3A_2250 : i32 to vector<16xi32>
      %eq3A_2280 = arith.cmpi eq, %iota3A_137, %eq3A_2279 : vector<16xi32>
      %and3A_2281 = vector.broadcast %eq3A_2278 : i1 to vector<16xi1>
      %and3A_2282 = arith.andi %and3A_2281, %eq3A_2280 : vector<16xi1>
      %select_n3A_2283 = arith.select %and3A_2282, %get3A_84, %select_n3A_2276 : vector<16xi1>, vector<16xi32>
      %eq3A_2284 = arith.constant 3 : i32
      %eq3A_2285 = arith.cmpi eq, %reduce_sum3A_2257, %eq3A_2284 : i32
      %eq3A_2286 = vector.broadcast %reduce_sum3A_2250 : i32 to vector<16xi32>
      %eq3A_2287 = arith.cmpi eq, %iota3A_137, %eq3A_2286 : vector<16xi32>
      %and3A_2288 = vector.broadcast %eq3A_2285 : i1 to vector<16xi1>
      %and3A_2289 = arith.andi %and3A_2288, %eq3A_2287 : vector<16xi1>
      %select_n3A_2290 = arith.select %and3A_2289, %get3A_88, %select_n3A_2283 : vector<16xi1>, vector<16xi32>
      %eq3A_2291 = arith.constant 4 : i32
      %eq3A_2292 = arith.cmpi eq, %reduce_sum3A_2257, %eq3A_2291 : i32
      %eq3A_2293 = vector.broadcast %reduce_sum3A_2250 : i32 to vector<16xi32>
      %eq3A_2294 = arith.cmpi eq, %iota3A_137, %eq3A_2293 : vector<16xi32>
      %and3A_2295 = vector.broadcast %eq3A_2292 : i1 to vector<16xi1>
      %and3A_2296 = arith.andi %and3A_2295, %eq3A_2294 : vector<16xi1>
      %select_n3A_2297 = arith.select %and3A_2296, %get3A_92, %select_n3A_2290 : vector<16xi1>, vector<16xi32>
      %eq3A_2298 = arith.constant 5 : i32
      %eq3A_2299 = arith.cmpi eq, %reduce_sum3A_2257, %eq3A_2298 : i32
      %eq3A_2300 = vector.broadcast %reduce_sum3A_2250 : i32 to vector<16xi32>
      %eq3A_2301 = arith.cmpi eq, %iota3A_137, %eq3A_2300 : vector<16xi32>
      %and3A_2302 = vector.broadcast %eq3A_2299 : i1 to vector<16xi1>
      %and3A_2303 = arith.andi %and3A_2302, %eq3A_2301 : vector<16xi1>
      %select_n3A_2304 = arith.select %and3A_2303, %get3A_96, %select_n3A_2297 : vector<16xi1>, vector<16xi32>
      %eq3A_2305 = arith.constant 6 : i32
      %eq3A_2306 = arith.cmpi eq, %reduce_sum3A_2257, %eq3A_2305 : i32
      %eq3A_2307 = vector.broadcast %reduce_sum3A_2250 : i32 to vector<16xi32>
      %eq3A_2308 = arith.cmpi eq, %iota3A_137, %eq3A_2307 : vector<16xi32>
      %and3A_2309 = vector.broadcast %eq3A_2306 : i1 to vector<16xi1>
      %and3A_2310 = arith.andi %and3A_2309, %eq3A_2308 : vector<16xi1>
      %select_n3A_2311 = arith.select %and3A_2310, %get3A_100, %select_n3A_2304 : vector<16xi1>, vector<16xi32>
      %eq3A_2312 = arith.constant 7 : i32
      %eq3A_2313 = arith.cmpi eq, %reduce_sum3A_2257, %eq3A_2312 : i32
      %eq3A_2314 = vector.broadcast %reduce_sum3A_2250 : i32 to vector<16xi32>
      %eq3A_2315 = arith.cmpi eq, %iota3A_137, %eq3A_2314 : vector<16xi32>
      %and3A_2316 = vector.broadcast %eq3A_2313 : i1 to vector<16xi1>
      %and3A_2317 = arith.andi %and3A_2316, %eq3A_2315 : vector<16xi1>
      %select_n3A_2318 = arith.select %and3A_2317, %get3A_104, %select_n3A_2311 : vector<16xi1>, vector<16xi32>
      %eq3A_2319 = arith.constant 8 : i32
      %eq3A_2320 = arith.cmpi eq, %reduce_sum3A_2257, %eq3A_2319 : i32
      %eq3A_2321 = vector.broadcast %reduce_sum3A_2250 : i32 to vector<16xi32>
      %eq3A_2322 = arith.cmpi eq, %iota3A_137, %eq3A_2321 : vector<16xi32>
      %and3A_2323 = vector.broadcast %eq3A_2320 : i1 to vector<16xi1>
      %and3A_2324 = arith.andi %and3A_2323, %eq3A_2322 : vector<16xi1>
      %select_n3A_2325 = arith.select %and3A_2324, %get3A_108, %select_n3A_2318 : vector<16xi1>, vector<16xi32>
      %eq3A_2326 = arith.constant 9 : i32
      %eq3A_2327 = arith.cmpi eq, %reduce_sum3A_2257, %eq3A_2326 : i32
      %eq3A_2328 = vector.broadcast %reduce_sum3A_2250 : i32 to vector<16xi32>
      %eq3A_2329 = arith.cmpi eq, %iota3A_137, %eq3A_2328 : vector<16xi32>
      %and3A_2330 = vector.broadcast %eq3A_2327 : i1 to vector<16xi1>
      %and3A_2331 = arith.andi %and3A_2330, %eq3A_2329 : vector<16xi1>
      %select_n3A_2332 = arith.select %and3A_2331, %get3A_112, %select_n3A_2325 : vector<16xi1>, vector<16xi32>
      %eq3A_2333 = arith.constant 10 : i32
      %eq3A_2334 = arith.cmpi eq, %reduce_sum3A_2257, %eq3A_2333 : i32
      %eq3A_2335 = vector.broadcast %reduce_sum3A_2250 : i32 to vector<16xi32>
      %eq3A_2336 = arith.cmpi eq, %iota3A_137, %eq3A_2335 : vector<16xi32>
      %and3A_2337 = vector.broadcast %eq3A_2334 : i1 to vector<16xi1>
      %and3A_2338 = arith.andi %and3A_2337, %eq3A_2336 : vector<16xi1>
      %select_n3A_2339 = arith.select %and3A_2338, %get3A_116, %select_n3A_2332 : vector<16xi1>, vector<16xi32>
      %eq3A_2340 = arith.constant 11 : i32
      %eq3A_2341 = arith.cmpi eq, %reduce_sum3A_2257, %eq3A_2340 : i32
      %eq3A_2342 = vector.broadcast %reduce_sum3A_2250 : i32 to vector<16xi32>
      %eq3A_2343 = arith.cmpi eq, %iota3A_137, %eq3A_2342 : vector<16xi32>
      %and3A_2344 = vector.broadcast %eq3A_2341 : i1 to vector<16xi1>
      %and3A_2345 = arith.andi %and3A_2344, %eq3A_2343 : vector<16xi1>
      %select_n3A_2346 = arith.select %and3A_2345, %get3A_120, %select_n3A_2339 : vector<16xi1>, vector<16xi32>
      %eq3A_2347 = arith.constant 12 : i32
      %eq3A_2348 = arith.cmpi eq, %reduce_sum3A_2257, %eq3A_2347 : i32
      %eq3A_2349 = vector.broadcast %reduce_sum3A_2250 : i32 to vector<16xi32>
      %eq3A_2350 = arith.cmpi eq, %iota3A_137, %eq3A_2349 : vector<16xi32>
      %and3A_2351 = vector.broadcast %eq3A_2348 : i1 to vector<16xi1>
      %and3A_2352 = arith.andi %and3A_2351, %eq3A_2350 : vector<16xi1>
      %select_n3A_2353 = arith.select %and3A_2352, %get3A_124, %select_n3A_2346 : vector<16xi1>, vector<16xi32>
      %eq3A_2354 = arith.constant 13 : i32
      %eq3A_2355 = arith.cmpi eq, %reduce_sum3A_2257, %eq3A_2354 : i32
      %eq3A_2356 = vector.broadcast %reduce_sum3A_2250 : i32 to vector<16xi32>
      %eq3A_2357 = arith.cmpi eq, %iota3A_137, %eq3A_2356 : vector<16xi32>
      %and3A_2358 = vector.broadcast %eq3A_2355 : i1 to vector<16xi1>
      %and3A_2359 = arith.andi %and3A_2358, %eq3A_2357 : vector<16xi1>
      %select_n3A_2360 = arith.select %and3A_2359, %get3A_128, %select_n3A_2353 : vector<16xi1>, vector<16xi32>
      %eq3A_2361 = arith.constant 14 : i32
      %eq3A_2362 = arith.cmpi eq, %reduce_sum3A_2257, %eq3A_2361 : i32
      %eq3A_2363 = vector.broadcast %reduce_sum3A_2250 : i32 to vector<16xi32>
      %eq3A_2364 = arith.cmpi eq, %iota3A_137, %eq3A_2363 : vector<16xi32>
      %and3A_2365 = vector.broadcast %eq3A_2362 : i1 to vector<16xi1>
      %and3A_2366 = arith.andi %and3A_2365, %eq3A_2364 : vector<16xi1>
      %select_n3A_2367 = arith.select %and3A_2366, %get3A_132, %select_n3A_2360 : vector<16xi1>, vector<16xi32>
      %eq3A_2368 = arith.constant 15 : i32
      %eq3A_2369 = arith.cmpi eq, %reduce_sum3A_2257, %eq3A_2368 : i32
      %eq3A_2370 = vector.broadcast %reduce_sum3A_2250 : i32 to vector<16xi32>
      %eq3A_2371 = arith.cmpi eq, %iota3A_137, %eq3A_2370 : vector<16xi32>
      %and3A_2372 = vector.broadcast %eq3A_2369 : i1 to vector<16xi1>
      %and3A_2373 = arith.andi %and3A_2372, %eq3A_2371 : vector<16xi1>
      %select_n3A_2374 = arith.select %and3A_2373, %get3A_136, %select_n3A_2367 : vector<16xi1>, vector<16xi32>
      %reduce_sum3A_2375 = arith.constant true
      %reduce_sum3A_2376 = vector.broadcast %reduce_sum3A_2375 : i1 to vector<16xi1>
      %reduce_sum3A_2377 = tpu.scan <sum>, %select_n3A_2374 masked %reduce_sum3A_2376 : vector<16xi32>, vector<16xi1> -> vector<16xi32>
      %reduce_sum3A_2378 = vector.extract %reduce_sum3A_2377[15] : i32 from vector<16xi32>
      %eq3A_2379 = arith.constant 4 : i32
      %eq3A_2380 = vector.broadcast %eq3A_2379 : i32 to vector<16xi32>
      %eq3A_2381 = arith.cmpi eq, %iota3A_137, %eq3A_2380 : vector<16xi32>
      %broadcast_in_dim3A_2382 = vector.broadcast %reduce_max3A_2233 : f32 to vector<16xf32>
      %select_n3A_2383 = arith.select %eq3A_2381, %broadcast_in_dim3A_2382, %select_n3A_1772 : vector<16xi1>, vector<16xf32>
      %eq3A_2384 = arith.constant 4 : i32
      %eq3A_2385 = vector.broadcast %eq3A_2384 : i32 to vector<16xi32>
      %eq3A_2386 = arith.cmpi eq, %iota3A_137, %eq3A_2385 : vector<16xi32>
      %broadcast_in_dim3A_2387 = vector.broadcast %reduce_sum3A_2378 : i32 to vector<16xi32>
      %select_n3A_2388 = arith.select %eq3A_2386, %broadcast_in_dim3A_2387, %select_n3A_1777 : vector<16xi1>, vector<16xi32>
      %lt3A = arith.constant 5 : i32
      %lt3A_2389 = vector.broadcast %lt3A : i32 to vector<16xi32>
      %lt3A_2390 = arith.cmpi slt, %iota3A, %lt3A_2389 : vector<16xi32>
      %reduce_max3A_2391 = arith.constant true
      %reduce_max3A_2392 = vector.broadcast %reduce_max3A_2391 : i1 to vector<16xi1>
      %reduce_max3A_2393 = tpu.scan <max>, %select_n3A_2383 masked %reduce_max3A_2392 : vector<16xf32>, vector<16xi1> -> vector<16xf32>
      %reduce_max3A_2394 = vector.extract %reduce_max3A_2393[15] : f32 from vector<16xf32>
      %sub3A = vector.broadcast %reduce_max3A_2394 : f32 to vector<16xf32>
      %sub3A_2395 = arith.subf %select_n3A_2383, %sub3A : vector<16xf32>
      %mul3A_2396 = arith.constant 0.0883883461 : f32
      %mul3A_2397 = vector.broadcast %mul3A_2396 : f32 to vector<16xf32>
      %mul3A_2398 = arith.mulf %sub3A_2395, %mul3A_2397 : vector<16xf32>
      %exp3A = math.exp %mul3A_2398 : vector<16xf32>
      %jit3A_2399 = arith.constant 0.000000e+00 : f32
      %broadcast_in_dim3A_2400 = vector.broadcast %jit3A_2399 : f32 to vector<16xf32>
      %select_n3A_2401 = arith.select %lt3A_2390, %exp3A, %broadcast_in_dim3A_2400 : vector<16xi1>, vector<16xf32>
      %reduce_sum3A_2402 = arith.constant true
      %reduce_sum3A_2403 = vector.broadcast %reduce_sum3A_2402 : i1 to vector<16xi1>
      %reduce_sum3A_2404 = tpu.scan <sum>, %select_n3A_2401 masked %reduce_sum3A_2403 : vector<16xf32>, vector<16xi1> -> vector<16xf32>
      %reduce_sum3A_2405 = vector.extract %reduce_sum3A_2404[15] : f32 from vector<16xf32>
      %div3A = vector.broadcast %reduce_sum3A_2405 : f32 to vector<16xf32>
      %div3A_2406 = arith.divf %select_n3A_2401, %div3A : vector<16xf32>
      %jit3A_2407 = arith.constant 0 : i32
      %broadcast_in_dim3A_2408 = vector.broadcast %jit3A_2407 : i32 to vector<16xi32>
      %select_n3A_2409 = arith.select %lt3A_2390, %select_n3A_2388, %broadcast_in_dim3A_2408 : vector<16xi1>, vector<16xi32>
      %swap3A = arith.constant 0 : index
      %swap3A_2410 = tpu.vector_load %arg16[%swap3A] {strides = array<i32>} : memref<16xi32, #tpu.memory_space<vmem>>, vector<16xi32>,
      tpu.vector_store %arg16[%swap3A], %select_n3A_2409 {strides = array<i32>} : memref<16xi32, #tpu.memory_space<vmem>>, vector<16xi32>,
      %dma_start3A = arith.constant 0 : i32
      %dma_start3A_2411 = arith.constant 0 : i32
      %dma_start3A_2412 = tpu.memref_slice %arg3[%dma_start3A, %dma_start3A_2411] : memref<500000x128xf32, #tpu.memory_space<hbm>> -> memref<500000x128xf32, #tpu.memory_space<hbm>>
      tpu.enqueue_indirect_dma source(%dma_start3A_2412 : memref<500000x128xf32, #tpu.memory_space<hbm>>) target(%arg17 : memref<16x128xf32, #tpu.memory_space<vmem>>) offsets(%arg16 : memref<16xi32, #tpu.memory_space<vmem>>) semaphore(%arg19 : memref<!tpu.dma_semaphore, #tpu.memory_space<semaphore_mem>>)
      %dma_wait3A = arith.constant 0 : i32
      %dma_wait3A_2413 = arith.constant 0 : i32
      %dma_wait3A_2414 = tpu.memref_slice %arg3[%dma_wait3A, %dma_wait3A_2413] : memref<500000x128xf32, #tpu.memory_space<hbm>> -> memref<500000x128xf32, #tpu.memory_space<hbm>>
      tpu.wait_indirect_dma semaphore(%arg19 : memref<!tpu.dma_semaphore, #tpu.memory_space<semaphore_mem>>) src(%dma_wait3A_2414 : memref<500000x128xf32, #tpu.memory_space<hbm>>) dst(%arg17 : memref<16x128xf32, #tpu.memory_space<vmem>>)
      %broadcast_in_dim3A_2415 = arith.constant 0.000000e+00 : f32
      %broadcast_in_dim3A_2416 = vector.broadcast %broadcast_in_dim3A_2415 : f32 to vector<16xf32>
      %iota3A_2417 = tpu.iota {dimensions = array<i32: 0>} : vector<16xi32>
      %eq3A_2418 = arith.constant 0 : i32
      %eq3A_2419 = vector.broadcast %eq3A_2418 : i32 to vector<16xi32>
      %eq3A_2420 = arith.cmpi eq, %iota3A_2417, %eq3A_2419 : vector<16xi32>
      %jit3A_2421 = arith.constant 0 : i32
      %convert_element_type3A_2422 = arith.sitofp %jit3A_2421 : i32 to f32
      %broadcast_in_dim3A_2423 = vector.broadcast %convert_element_type3A_2422 : f32 to vector<16xf32>
      %select_n3A_2424 = arith.select %eq3A_2420, %div3A_2406, %broadcast_in_dim3A_2423 : vector<16xi1>, vector<16xf32>
      %reduce_sum3A_2425 = arith.constant true
      %reduce_sum3A_2426 = vector.broadcast %reduce_sum3A_2425 : i1 to vector<16xi1>
      %reduce_sum3A_2427 = tpu.scan <sum>, %select_n3A_2424 masked %reduce_sum3A_2426 : vector<16xf32>, vector<16xi1> -> vector<16xf32>
      %reduce_sum3A_2428 = vector.extract %reduce_sum3A_2427[15] : f32 from vector<16xf32>
      %get3A_2429 = arith.constant 0 : i32
      %get3A_2430 = arith.index_cast %get3A_2429 : i32 to index
      %get3A_2431 = arith.constant 0 : index
      %get3A_2432 = tpu.vector_load %arg17[%get3A_2430, %get3A_2431] {strides = array<i32>} : memref<16x128xf32, #tpu.memory_space<vmem>>, vector<16xf32>,
      %mul3A_2433 = vector.broadcast %reduce_sum3A_2428 : f32 to vector<16xf32>
      %mul3A_2434 = arith.mulf %mul3A_2433, %get3A_2432 : vector<16xf32>
      %add3A_2435 = arith.addf %broadcast_in_dim3A_2416, %mul3A_2434 : vector<16xf32>
      %iota3A_2436 = tpu.iota {dimensions = array<i32: 0>} : vector<16xi32>
      %eq3A_2437 = arith.constant 1 : i32
      %eq3A_2438 = vector.broadcast %eq3A_2437 : i32 to vector<16xi32>
      %eq3A_2439 = arith.cmpi eq, %iota3A_2436, %eq3A_2438 : vector<16xi32>
      %jit3A_2440 = arith.constant 0 : i32
      %convert_element_type3A_2441 = arith.sitofp %jit3A_2440 : i32 to f32
      %broadcast_in_dim3A_2442 = vector.broadcast %convert_element_type3A_2441 : f32 to vector<16xf32>
      %select_n3A_2443 = arith.select %eq3A_2439, %div3A_2406, %broadcast_in_dim3A_2442 : vector<16xi1>, vector<16xf32>
      %reduce_sum3A_2444 = arith.constant true
      %reduce_sum3A_2445 = vector.broadcast %reduce_sum3A_2444 : i1 to vector<16xi1>
      %reduce_sum3A_2446 = tpu.scan <sum>, %select_n3A_2443 masked %reduce_sum3A_2445 : vector<16xf32>, vector<16xi1> -> vector<16xf32>
      %reduce_sum3A_2447 = vector.extract %reduce_sum3A_2446[15] : f32 from vector<16xf32>
      %get3A_2448 = arith.constant 1 : i32
      %get3A_2449 = arith.index_cast %get3A_2448 : i32 to index
      %get3A_2450 = arith.constant 0 : index
      %get3A_2451 = tpu.vector_load %arg17[%get3A_2449, %get3A_2450] {strides = array<i32>} : memref<16x128xf32, #tpu.memory_space<vmem>>, vector<16xf32>,
      %mul3A_2452 = vector.broadcast %reduce_sum3A_2447 : f32 to vector<16xf32>
      %mul3A_2453 = arith.mulf %mul3A_2452, %get3A_2451 : vector<16xf32>
      %add3A_2454 = arith.addf %add3A_2435, %mul3A_2453 : vector<16xf32>
      %iota3A_2455 = tpu.iota {dimensions = array<i32: 0>} : vector<16xi32>
      %eq3A_2456 = arith.constant 2 : i32
      %eq3A_2457 = vector.broadcast %eq3A_2456 : i32 to vector<16xi32>
      %eq3A_2458 = arith.cmpi eq, %iota3A_2455, %eq3A_2457 : vector<16xi32>
      %jit3A_2459 = arith.constant 0 : i32
      %convert_element_type3A_2460 = arith.sitofp %jit3A_2459 : i32 to f32
      %broadcast_in_dim3A_2461 = vector.broadcast %convert_element_type3A_2460 : f32 to vector<16xf32>
      %select_n3A_2462 = arith.select %eq3A_2458, %div3A_2406, %broadcast_in_dim3A_2461 : vector<16xi1>, vector<16xf32>
      %reduce_sum3A_2463 = arith.constant true
      %reduce_sum3A_2464 = vector.broadcast %reduce_sum3A_2463 : i1 to vector<16xi1>
      %reduce_sum3A_2465 = tpu.scan <sum>, %select_n3A_2462 masked %reduce_sum3A_2464 : vector<16xf32>, vector<16xi1> -> vector<16xf32>
      %reduce_sum3A_2466 = vector.extract %reduce_sum3A_2465[15] : f32 from vector<16xf32>
      %get3A_2467 = arith.constant 2 : i32
      %get3A_2468 = arith.index_cast %get3A_2467 : i32 to index
      %get3A_2469 = arith.constant 0 : index
      %get3A_2470 = tpu.vector_load %arg17[%get3A_2468, %get3A_2469] {strides = array<i32>} : memref<16x128xf32, #tpu.memory_space<vmem>>, vector<16xf32>,
      %mul3A_2471 = vector.broadcast %reduce_sum3A_2466 : f32 to vector<16xf32>
      %mul3A_2472 = arith.mulf %mul3A_2471, %get3A_2470 : vector<16xf32>
      %add3A_2473 = arith.addf %add3A_2454, %mul3A_2472 : vector<16xf32>
      %iota3A_2474 = tpu.iota {dimensions = array<i32: 0>} : vector<16xi32>
      %eq3A_2475 = arith.constant 3 : i32
      %eq3A_2476 = vector.broadcast %eq3A_2475 : i32 to vector<16xi32>
      %eq3A_2477 = arith.cmpi eq, %iota3A_2474, %eq3A_2476 : vector<16xi32>
      %jit3A_2478 = arith.constant 0 : i32
      %convert_element_type3A_2479 = arith.sitofp %jit3A_2478 : i32 to f32
      %broadcast_in_dim3A_2480 = vector.broadcast %convert_element_type3A_2479 : f32 to vector<16xf32>
      %select_n3A_2481 = arith.select %eq3A_2477, %div3A_2406, %broadcast_in_dim3A_2480 : vector<16xi1>, vector<16xf32>
      %reduce_sum3A_2482 = arith.constant true
      %reduce_sum3A_2483 = vector.broadcast %reduce_sum3A_2482 : i1 to vector<16xi1>
      %reduce_sum3A_2484 = tpu.scan <sum>, %select_n3A_2481 masked %reduce_sum3A_2483 : vector<16xf32>, vector<16xi1> -> vector<16xf32>
      %reduce_sum3A_2485 = vector.extract %reduce_sum3A_2484[15] : f32 from vector<16xf32>
      %get3A_2486 = arith.constant 3 : i32
      %get3A_2487 = arith.index_cast %get3A_2486 : i32 to index
      %get3A_2488 = arith.constant 0 : index
      %get3A_2489 = tpu.vector_load %arg17[%get3A_2487, %get3A_2488] {strides = array<i32>} : memref<16x128xf32, #tpu.memory_space<vmem>>, vector<16xf32>,
      %mul3A_2490 = vector.broadcast %reduce_sum3A_2485 : f32 to vector<16xf32>
      %mul3A_2491 = arith.mulf %mul3A_2490, %get3A_2489 : vector<16xf32>
      %add3A_2492 = arith.addf %add3A_2473, %mul3A_2491 : vector<16xf32>
      %iota3A_2493 = tpu.iota {dimensions = array<i32: 0>} : vector<16xi32>
      %eq3A_2494 = arith.constant 4 : i32
      %eq3A_2495 = vector.broadcast %eq3A_2494 : i32 to vector<16xi32>
      %eq3A_2496 = arith.cmpi eq, %iota3A_2493, %eq3A_2495 : vector<16xi32>
      %jit3A_2497 = arith.constant 0 : i32
      %convert_element_type3A_2498 = arith.sitofp %jit3A_2497 : i32 to f32
      %broadcast_in_dim3A_2499 = vector.broadcast %convert_element_type3A_2498 : f32 to vector<16xf32>
      %select_n3A_2500 = arith.select %eq3A_2496, %div3A_2406, %broadcast_in_dim3A_2499 : vector<16xi1>, vector<16xf32>
      %reduce_sum3A_2501 = arith.constant true
      %reduce_sum3A_2502 = vector.broadcast %reduce_sum3A_2501 : i1 to vector<16xi1>
      %reduce_sum3A_2503 = tpu.scan <sum>, %select_n3A_2500 masked %reduce_sum3A_2502 : vector<16xf32>, vector<16xi1> -> vector<16xf32>
      %reduce_sum3A_2504 = vector.extract %reduce_sum3A_2503[15] : f32 from vector<16xf32>
      %get3A_2505 = arith.constant 4 : i32
      %get3A_2506 = arith.index_cast %get3A_2505 : i32 to index
      %get3A_2507 = arith.constant 0 : index
      %get3A_2508 = tpu.vector_load %arg17[%get3A_2506, %get3A_2507] {strides = array<i32>} : memref<16x128xf32, #tpu.memory_space<vmem>>, vector<16xf32>,
      %mul3A_2509 = vector.broadcast %reduce_sum3A_2504 : f32 to vector<16xf32>
      %mul3A_2510 = arith.mulf %mul3A_2509, %get3A_2508 : vector<16xf32>
      %add3A_2511 = arith.addf %add3A_2492, %mul3A_2510 : vector<16xf32>
      %swap3A_2512 = arith.constant 0 : index
      %swap3A_2513 = tpu.vector_load %arg18[%swap3A_2512] {strides = array<i32>} : memref<128xf32, #tpu.memory_space<vmem>>, vector<16xf32>,
      tpu.vector_store %arg18[%swap3A_2512], %add3A_2511 {strides = array<i32>} : memref<128xf32, #tpu.memory_space<vmem>>, vector<16xf32>,
      %broadcast_in_dim3A_2514 = arith.constant 0.000000e+00 : f32
      %broadcast_in_dim3A_2515 = vector.broadcast %broadcast_in_dim3A_2514 : f32 to vector<16xf32>
      %iota3A_2516 = tpu.iota {dimensions = array<i32: 0>} : vector<16xi32>
      %eq3A_2517 = arith.constant 0 : i32
      %eq3A_2518 = vector.broadcast %eq3A_2517 : i32 to vector<16xi32>
      %eq3A_2519 = arith.cmpi eq, %iota3A_2516, %eq3A_2518 : vector<16xi32>
      %jit3A_2520 = arith.constant 0 : i32
      %convert_element_type3A_2521 = arith.sitofp %jit3A_2520 : i32 to f32
      %broadcast_in_dim3A_2522 = vector.broadcast %convert_element_type3A_2521 : f32 to vector<16xf32>
      %select_n3A_2523 = arith.select %eq3A_2519, %div3A_2406, %broadcast_in_dim3A_2522 : vector<16xi1>, vector<16xf32>
      %reduce_sum3A_2524 = arith.constant true
      %reduce_sum3A_2525 = vector.broadcast %reduce_sum3A_2524 : i1 to vector<16xi1>
      %reduce_sum3A_2526 = tpu.scan <sum>, %select_n3A_2523 masked %reduce_sum3A_2525 : vector<16xf32>, vector<16xi1> -> vector<16xf32>
      %reduce_sum3A_2527 = vector.extract %reduce_sum3A_2526[15] : f32 from vector<16xf32>
      %get3A_2528 = arith.constant 0 : i32
      %get3A_2529 = arith.index_cast %get3A_2528 : i32 to index
      %get3A_2530 = arith.constant 16 : index
      %get3A_2531 = tpu.vector_load %arg17[%get3A_2529, %get3A_2530] {strides = array<i32>} : memref<16x128xf32, #tpu.memory_space<vmem>>, vector<16xf32>,
      %mul3A_2532 = vector.broadcast %reduce_sum3A_2527 : f32 to vector<16xf32>
      %mul3A_2533 = arith.mulf %mul3A_2532, %get3A_2531 : vector<16xf32>
      %add3A_2534 = arith.addf %broadcast_in_dim3A_2515, %mul3A_2533 : vector<16xf32>
      %iota3A_2535 = tpu.iota {dimensions = array<i32: 0>} : vector<16xi32>
      %eq3A_2536 = arith.constant 1 : i32
      %eq3A_2537 = vector.broadcast %eq3A_2536 : i32 to vector<16xi32>
      %eq3A_2538 = arith.cmpi eq, %iota3A_2535, %eq3A_2537 : vector<16xi32>
      %jit3A_2539 = arith.constant 0 : i32
      %convert_element_type3A_2540 = arith.sitofp %jit3A_2539 : i32 to f32
      %broadcast_in_dim3A_2541 = vector.broadcast %convert_element_type3A_2540 : f32 to vector<16xf32>
      %select_n3A_2542 = arith.select %eq3A_2538, %div3A_2406, %broadcast_in_dim3A_2541 : vector<16xi1>, vector<16xf32>
      %reduce_sum3A_2543 = arith.constant true
      %reduce_sum3A_2544 = vector.broadcast %reduce_sum3A_2543 : i1 to vector<16xi1>
      %reduce_sum3A_2545 = tpu.scan <sum>, %select_n3A_2542 masked %reduce_sum3A_2544 : vector<16xf32>, vector<16xi1> -> vector<16xf32>
      %reduce_sum3A_2546 = vector.extract %reduce_sum3A_2545[15] : f32 from vector<16xf32>
      %get3A_2547 = arith.constant 1 : i32
      %get3A_2548 = arith.index_cast %get3A_2547 : i32 to index
      %get3A_2549 = arith.constant 16 : index
      %get3A_2550 = tpu.vector_load %arg17[%get3A_2548, %get3A_2549] {strides = array<i32>} : memref<16x128xf32, #tpu.memory_space<vmem>>, vector<16xf32>,
      %mul3A_2551 = vector.broadcast %reduce_sum3A_2546 : f32 to vector<16xf32>
      %mul3A_2552 = arith.mulf %mul3A_2551, %get3A_2550 : vector<16xf32>
      %add3A_2553 = arith.addf %add3A_2534, %mul3A_2552 : vector<16xf32>
      %iota3A_2554 = tpu.iota {dimensions = array<i32: 0>} : vector<16xi32>
      %eq3A_2555 = arith.constant 2 : i32
      %eq3A_2556 = vector.broadcast %eq3A_2555 : i32 to vector<16xi32>
      %eq3A_2557 = arith.cmpi eq, %iota3A_2554, %eq3A_2556 : vector<16xi32>
      %jit3A_2558 = arith.constant 0 : i32
      %convert_element_type3A_2559 = arith.sitofp %jit3A_2558 : i32 to f32
      %broadcast_in_dim3A_2560 = vector.broadcast %convert_element_type3A_2559 : f32 to vector<16xf32>
      %select_n3A_2561 = arith.select %eq3A_2557, %div3A_2406, %broadcast_in_dim3A_2560 : vector<16xi1>, vector<16xf32>
      %reduce_sum3A_2562 = arith.constant true
      %reduce_sum3A_2563 = vector.broadcast %reduce_sum3A_2562 : i1 to vector<16xi1>
      %reduce_sum3A_2564 = tpu.scan <sum>, %select_n3A_2561 masked %reduce_sum3A_2563 : vector<16xf32>, vector<16xi1> -> vector<16xf32>
      %reduce_sum3A_2565 = vector.extract %reduce_sum3A_2564[15] : f32 from vector<16xf32>
      %get3A_2566 = arith.constant 2 : i32
      %get3A_2567 = arith.index_cast %get3A_2566 : i32 to index
      %get3A_2568 = arith.constant 16 : index
      %get3A_2569 = tpu.vector_load %arg17[%get3A_2567, %get3A_2568] {strides = array<i32>} : memref<16x128xf32, #tpu.memory_space<vmem>>, vector<16xf32>,
      %mul3A_2570 = vector.broadcast %reduce_sum3A_2565 : f32 to vector<16xf32>
      %mul3A_2571 = arith.mulf %mul3A_2570, %get3A_2569 : vector<16xf32>
      %add3A_2572 = arith.addf %add3A_2553, %mul3A_2571 : vector<16xf32>
      %iota3A_2573 = tpu.iota {dimensions = array<i32: 0>} : vector<16xi32>
      %eq3A_2574 = arith.constant 3 : i32
      %eq3A_2575 = vector.broadcast %eq3A_2574 : i32 to vector<16xi32>
      %eq3A_2576 = arith.cmpi eq, %iota3A_2573, %eq3A_2575 : vector<16xi32>
      %jit3A_2577 = arith.constant 0 : i32
      %convert_element_type3A_2578 = arith.sitofp %jit3A_2577 : i32 to f32
      %broadcast_in_dim3A_2579 = vector.broadcast %convert_element_type3A_2578 : f32 to vector<16xf32>
      %select_n3A_2580 = arith.select %eq3A_2576, %div3A_2406, %broadcast_in_dim3A_2579 : vector<16xi1>, vector<16xf32>
      %reduce_sum3A_2581 = arith.constant true
      %reduce_sum3A_2582 = vector.broadcast %reduce_sum3A_2581 : i1 to vector<16xi1>
      %reduce_sum3A_2583 = tpu.scan <sum>, %select_n3A_2580 masked %reduce_sum3A_2582 : vector<16xf32>, vector<16xi1> -> vector<16xf32>
      %reduce_sum3A_2584 = vector.extract %reduce_sum3A_2583[15] : f32 from vector<16xf32>
      %get3A_2585 = arith.constant 3 : i32
      %get3A_2586 = arith.index_cast %get3A_2585 : i32 to index
      %get3A_2587 = arith.constant 16 : index
      %get3A_2588 = tpu.vector_load %arg17[%get3A_2586, %get3A_2587] {strides = array<i32>} : memref<16x128xf32, #tpu.memory_space<vmem>>, vector<16xf32>,
      %mul3A_2589 = vector.broadcast %reduce_sum3A_2584 : f32 to vector<16xf32>
      %mul3A_2590 = arith.mulf %mul3A_2589, %get3A_2588 : vector<16xf32>
      %add3A_2591 = arith.addf %add3A_2572, %mul3A_2590 : vector<16xf32>
      %iota3A_2592 = tpu.iota {dimensions = array<i32: 0>} : vector<16xi32>
      %eq3A_2593 = arith.constant 4 : i32
      %eq3A_2594 = vector.broadcast %eq3A_2593 : i32 to vector<16xi32>
      %eq3A_2595 = arith.cmpi eq, %iota3A_2592, %eq3A_2594 : vector<16xi32>
      %jit3A_2596 = arith.constant 0 : i32
      %convert_element_type3A_2597 = arith.sitofp %jit3A_2596 : i32 to f32
      %broadcast_in_dim3A_2598 = vector.broadcast %convert_element_type3A_2597 : f32 to vector<16xf32>
      %select_n3A_2599 = arith.select %eq3A_2595, %div3A_2406, %broadcast_in_dim3A_2598 : vector<16xi1>, vector<16xf32>
      %reduce_sum3A_2600 = arith.constant true
      %reduce_sum3A_2601 = vector.broadcast %reduce_sum3A_2600 : i1 to vector<16xi1>
      %reduce_sum3A_2602 = tpu.scan <sum>, %select_n3A_2599 masked %reduce_sum3A_2601 : vector<16xf32>, vector<16xi1> -> vector<16xf32>
      %reduce_sum3A_2603 = vector.extract %reduce_sum3A_2602[15] : f32 from vector<16xf32>
      %get3A_2604 = arith.constant 4 : i32
      %get3A_2605 = arith.index_cast %get3A_2604 : i32 to index
      %get3A_2606 = arith.constant 16 : index
      %get3A_2607 = tpu.vector_load %arg17[%get3A_2605, %get3A_2606] {strides = array<i32>} : memref<16x128xf32, #tpu.memory_space<vmem>>, vector<16xf32>,
      %mul3A_2608 = vector.broadcast %reduce_sum3A_2603 : f32 to vector<16xf32>
      %mul3A_2609 = arith.mulf %mul3A_2608, %get3A_2607 : vector<16xf32>
      %add3A_2610 = arith.addf %add3A_2591, %mul3A_2609 : vector<16xf32>
      %swap3A_2611 = arith.constant 16 : index
      %swap3A_2612 = tpu.vector_load %arg18[%swap3A_2611] {strides = array<i32>} : memref<128xf32, #tpu.memory_space<vmem>>, vector<16xf32>,
      tpu.vector_store %arg18[%swap3A_2611], %add3A_2610 {strides = array<i32>} : memref<128xf32, #tpu.memory_space<vmem>>, vector<16xf32>,
      %broadcast_in_dim3A_2613 = arith.constant 0.000000e+00 : f32
      %broadcast_in_dim3A_2614 = vector.broadcast %broadcast_in_dim3A_2613 : f32 to vector<16xf32>
      %iota3A_2615 = tpu.iota {dimensions = array<i32: 0>} : vector<16xi32>
      %eq3A_2616 = arith.constant 0 : i32
      %eq3A_2617 = vector.broadcast %eq3A_2616 : i32 to vector<16xi32>
      %eq3A_2618 = arith.cmpi eq, %iota3A_2615, %eq3A_2617 : vector<16xi32>
      %jit3A_2619 = arith.constant 0 : i32
      %convert_element_type3A_2620 = arith.sitofp %jit3A_2619 : i32 to f32
      %broadcast_in_dim3A_2621 = vector.broadcast %convert_element_type3A_2620 : f32 to vector<16xf32>
      %select_n3A_2622 = arith.select %eq3A_2618, %div3A_2406, %broadcast_in_dim3A_2621 : vector<16xi1>, vector<16xf32>
      %reduce_sum3A_2623 = arith.constant true
      %reduce_sum3A_2624 = vector.broadcast %reduce_sum3A_2623 : i1 to vector<16xi1>
      %reduce_sum3A_2625 = tpu.scan <sum>, %select_n3A_2622 masked %reduce_sum3A_2624 : vector<16xf32>, vector<16xi1> -> vector<16xf32>
      %reduce_sum3A_2626 = vector.extract %reduce_sum3A_2625[15] : f32 from vector<16xf32>
      %get3A_2627 = arith.constant 0 : i32
      %get3A_2628 = arith.index_cast %get3A_2627 : i32 to index
      %get3A_2629 = arith.constant 32 : index
      %get3A_2630 = tpu.vector_load %arg17[%get3A_2628, %get3A_2629] {strides = array<i32>} : memref<16x128xf32, #tpu.memory_space<vmem>>, vector<16xf32>,
      %mul3A_2631 = vector.broadcast %reduce_sum3A_2626 : f32 to vector<16xf32>
      %mul3A_2632 = arith.mulf %mul3A_2631, %get3A_2630 : vector<16xf32>
      %add3A_2633 = arith.addf %broadcast_in_dim3A_2614, %mul3A_2632 : vector<16xf32>
      %iota3A_2634 = tpu.iota {dimensions = array<i32: 0>} : vector<16xi32>
      %eq3A_2635 = arith.constant 1 : i32
      %eq3A_2636 = vector.broadcast %eq3A_2635 : i32 to vector<16xi32>
      %eq3A_2637 = arith.cmpi eq, %iota3A_2634, %eq3A_2636 : vector<16xi32>
      %jit3A_2638 = arith.constant 0 : i32
      %convert_element_type3A_2639 = arith.sitofp %jit3A_2638 : i32 to f32
      %broadcast_in_dim3A_2640 = vector.broadcast %convert_element_type3A_2639 : f32 to vector<16xf32>
      %select_n3A_2641 = arith.select %eq3A_2637, %div3A_2406, %broadcast_in_dim3A_2640 : vector<16xi1>, vector<16xf32>
      %reduce_sum3A_2642 = arith.constant true
      %reduce_sum3A_2643 = vector.broadcast %reduce_sum3A_2642 : i1 to vector<16xi1>
      %reduce_sum3A_2644 = tpu.scan <sum>, %select_n3A_2641 masked %reduce_sum3A_2643 : vector<16xf32>, vector<16xi1> -> vector<16xf32>
      %reduce_sum3A_2645 = vector.extract %reduce_sum3A_2644[15] : f32 from vector<16xf32>
      %get3A_2646 = arith.constant 1 : i32
      %get3A_2647 = arith.index_cast %get3A_2646 : i32 to index
      %get3A_2648 = arith.constant 32 : index
      %get3A_2649 = tpu.vector_load %arg17[%get3A_2647, %get3A_2648] {strides = array<i32>} : memref<16x128xf32, #tpu.memory_space<vmem>>, vector<16xf32>,
      %mul3A_2650 = vector.broadcast %reduce_sum3A_2645 : f32 to vector<16xf32>
      %mul3A_2651 = arith.mulf %mul3A_2650, %get3A_2649 : vector<16xf32>
      %add3A_2652 = arith.addf %add3A_2633, %mul3A_2651 : vector<16xf32>
      %iota3A_2653 = tpu.iota {dimensions = array<i32: 0>} : vector<16xi32>
      %eq3A_2654 = arith.constant 2 : i32
      %eq3A_2655 = vector.broadcast %eq3A_2654 : i32 to vector<16xi32>
      %eq3A_2656 = arith.cmpi eq, %iota3A_2653, %eq3A_2655 : vector<16xi32>
      %jit3A_2657 = arith.constant 0 : i32
      %convert_element_type3A_2658 = arith.sitofp %jit3A_2657 : i32 to f32
      %broadcast_in_dim3A_2659 = vector.broadcast %convert_element_type3A_2658 : f32 to vector<16xf32>
      %select_n3A_2660 = arith.select %eq3A_2656, %div3A_2406, %broadcast_in_dim3A_2659 : vector<16xi1>, vector<16xf32>
      %reduce_sum3A_2661 = arith.constant true
      %reduce_sum3A_2662 = vector.broadcast %reduce_sum3A_2661 : i1 to vector<16xi1>
      %reduce_sum3A_2663 = tpu.scan <sum>, %select_n3A_2660 masked %reduce_sum3A_2662 : vector<16xf32>, vector<16xi1> -> vector<16xf32>
      %reduce_sum3A_2664 = vector.extract %reduce_sum3A_2663[15] : f32 from vector<16xf32>
      %get3A_2665 = arith.constant 2 : i32
      %get3A_2666 = arith.index_cast %get3A_2665 : i32 to index
      %get3A_2667 = arith.constant 32 : index
      %get3A_2668 = tpu.vector_load %arg17[%get3A_2666, %get3A_2667] {strides = array<i32>} : memref<16x128xf32, #tpu.memory_space<vmem>>, vector<16xf32>,
      %mul3A_2669 = vector.broadcast %reduce_sum3A_2664 : f32 to vector<16xf32>
      %mul3A_2670 = arith.mulf %mul3A_2669, %get3A_2668 : vector<16xf32>
      %add3A_2671 = arith.addf %add3A_2652, %mul3A_2670 : vector<16xf32>
      %iota3A_2672 = tpu.iota {dimensions = array<i32: 0>} : vector<16xi32>
      %eq3A_2673 = arith.constant 3 : i32
      %eq3A_2674 = vector.broadcast %eq3A_2673 : i32 to vector<16xi32>
      %eq3A_2675 = arith.cmpi eq, %iota3A_2672, %eq3A_2674 : vector<16xi32>
      %jit3A_2676 = arith.constant 0 : i32
      %convert_element_type3A_2677 = arith.sitofp %jit3A_2676 : i32 to f32
      %broadcast_in_dim3A_2678 = vector.broadcast %convert_element_type3A_2677 : f32 to vector<16xf32>
      %select_n3A_2679 = arith.select %eq3A_2675, %div3A_2406, %broadcast_in_dim3A_2678 : vector<16xi1>, vector<16xf32>
      %reduce_sum3A_2680 = arith.constant true
      %reduce_sum3A_2681 = vector.broadcast %reduce_sum3A_2680 : i1 to vector<16xi1>
      %reduce_sum3A_2682 = tpu.scan <sum>, %select_n3A_2679 masked %reduce_sum3A_2681 : vector<16xf32>, vector<16xi1> -> vector<16xf32>
      %reduce_sum3A_2683 = vector.extract %reduce_sum3A_2682[15] : f32 from vector<16xf32>
      %get3A_2684 = arith.constant 3 : i32
      %get3A_2685 = arith.index_cast %get3A_2684 : i32 to index
      %get3A_2686 = arith.constant 32 : index
      %get3A_2687 = tpu.vector_load %arg17[%get3A_2685, %get3A_2686] {strides = array<i32>} : memref<16x128xf32, #tpu.memory_space<vmem>>, vector<16xf32>,
      %mul3A_2688 = vector.broadcast %reduce_sum3A_2683 : f32 to vector<16xf32>
      %mul3A_2689 = arith.mulf %mul3A_2688, %get3A_2687 : vector<16xf32>
      %add3A_2690 = arith.addf %add3A_2671, %mul3A_2689 : vector<16xf32>
      %iota3A_2691 = tpu.iota {dimensions = array<i32: 0>} : vector<16xi32>
      %eq3A_2692 = arith.constant 4 : i32
      %eq3A_2693 = vector.broadcast %eq3A_2692 : i32 to vector<16xi32>
      %eq3A_2694 = arith.cmpi eq, %iota3A_2691, %eq3A_2693 : vector<16xi32>
      %jit3A_2695 = arith.constant 0 : i32
      %convert_element_type3A_2696 = arith.sitofp %jit3A_2695 : i32 to f32
      %broadcast_in_dim3A_2697 = vector.broadcast %convert_element_type3A_2696 : f32 to vector<16xf32>
      %select_n3A_2698 = arith.select %eq3A_2694, %div3A_2406, %broadcast_in_dim3A_2697 : vector<16xi1>, vector<16xf32>
      %reduce_sum3A_2699 = arith.constant true
      %reduce_sum3A_2700 = vector.broadcast %reduce_sum3A_2699 : i1 to vector<16xi1>
      %reduce_sum3A_2701 = tpu.scan <sum>, %select_n3A_2698 masked %reduce_sum3A_2700 : vector<16xf32>, vector<16xi1> -> vector<16xf32>
      %reduce_sum3A_2702 = vector.extract %reduce_sum3A_2701[15] : f32 from vector<16xf32>
      %get3A_2703 = arith.constant 4 : i32
      %get3A_2704 = arith.index_cast %get3A_2703 : i32 to index
      %get3A_2705 = arith.constant 32 : index
      %get3A_2706 = tpu.vector_load %arg17[%get3A_2704, %get3A_2705] {strides = array<i32>} : memref<16x128xf32, #tpu.memory_space<vmem>>, vector<16xf32>,
      %mul3A_2707 = vector.broadcast %reduce_sum3A_2702 : f32 to vector<16xf32>
      %mul3A_2708 = arith.mulf %mul3A_2707, %get3A_2706 : vector<16xf32>
      %add3A_2709 = arith.addf %add3A_2690, %mul3A_2708 : vector<16xf32>
      %swap3A_2710 = arith.constant 32 : index
      %swap3A_2711 = tpu.vector_load %arg18[%swap3A_2710] {strides = array<i32>} : memref<128xf32, #tpu.memory_space<vmem>>, vector<16xf32>,
      tpu.vector_store %arg18[%swap3A_2710], %add3A_2709 {strides = array<i32>} : memref<128xf32, #tpu.memory_space<vmem>>, vector<16xf32>,
      %broadcast_in_dim3A_2712 = arith.constant 0.000000e+00 : f32
      %broadcast_in_dim3A_2713 = vector.broadcast %broadcast_in_dim3A_2712 : f32 to vector<16xf32>
      %iota3A_2714 = tpu.iota {dimensions = array<i32: 0>} : vector<16xi32>
      %eq3A_2715 = arith.constant 0 : i32
      %eq3A_2716 = vector.broadcast %eq3A_2715 : i32 to vector<16xi32>
      %eq3A_2717 = arith.cmpi eq, %iota3A_2714, %eq3A_2716 : vector<16xi32>
      %jit3A_2718 = arith.constant 0 : i32
      %convert_element_type3A_2719 = arith.sitofp %jit3A_2718 : i32 to f32
      %broadcast_in_dim3A_2720 = vector.broadcast %convert_element_type3A_2719 : f32 to vector<16xf32>
      %select_n3A_2721 = arith.select %eq3A_2717, %div3A_2406, %broadcast_in_dim3A_2720 : vector<16xi1>, vector<16xf32>
      %reduce_sum3A_2722 = arith.constant true
      %reduce_sum3A_2723 = vector.broadcast %reduce_sum3A_2722 : i1 to vector<16xi1>
      %reduce_sum3A_2724 = tpu.scan <sum>, %select_n3A_2721 masked %reduce_sum3A_2723 : vector<16xf32>, vector<16xi1> -> vector<16xf32>
      %reduce_sum3A_2725 = vector.extract %reduce_sum3A_2724[15] : f32 from vector<16xf32>
      %get3A_2726 = arith.constant 0 : i32
      %get3A_2727 = arith.index_cast %get3A_2726 : i32 to index
      %get3A_2728 = arith.constant 48 : index
      %get3A_2729 = tpu.vector_load %arg17[%get3A_2727, %get3A_2728] {strides = array<i32>} : memref<16x128xf32, #tpu.memory_space<vmem>>, vector<16xf32>,
      %mul3A_2730 = vector.broadcast %reduce_sum3A_2725 : f32 to vector<16xf32>
      %mul3A_2731 = arith.mulf %mul3A_2730, %get3A_2729 : vector<16xf32>
      %add3A_2732 = arith.addf %broadcast_in_dim3A_2713, %mul3A_2731 : vector<16xf32>
      %iota3A_2733 = tpu.iota {dimensions = array<i32: 0>} : vector<16xi32>
      %eq3A_2734 = arith.constant 1 : i32
      %eq3A_2735 = vector.broadcast %eq3A_2734 : i32 to vector<16xi32>
      %eq3A_2736 = arith.cmpi eq, %iota3A_2733, %eq3A_2735 : vector<16xi32>
      %jit3A_2737 = arith.constant 0 : i32
      %convert_element_type3A_2738 = arith.sitofp %jit3A_2737 : i32 to f32
      %broadcast_in_dim3A_2739 = vector.broadcast %convert_element_type3A_2738 : f32 to vector<16xf32>
      %select_n3A_2740 = arith.select %eq3A_2736, %div3A_2406, %broadcast_in_dim3A_2739 : vector<16xi1>, vector<16xf32>
      %reduce_sum3A_2741 = arith.constant true
      %reduce_sum3A_2742 = vector.broadcast %reduce_sum3A_2741 : i1 to vector<16xi1>
      %reduce_sum3A_2743 = tpu.scan <sum>, %select_n3A_2740 masked %reduce_sum3A_2742 : vector<16xf32>, vector<16xi1> -> vector<16xf32>
      %reduce_sum3A_2744 = vector.extract %reduce_sum3A_2743[15] : f32 from vector<16xf32>
      %get3A_2745 = arith.constant 1 : i32
      %get3A_2746 = arith.index_cast %get3A_2745 : i32 to index
      %get3A_2747 = arith.constant 48 : index
      %get3A_2748 = tpu.vector_load %arg17[%get3A_2746, %get3A_2747] {strides = array<i32>} : memref<16x128xf32, #tpu.memory_space<vmem>>, vector<16xf32>,
      %mul3A_2749 = vector.broadcast %reduce_sum3A_2744 : f32 to vector<16xf32>
      %mul3A_2750 = arith.mulf %mul3A_2749, %get3A_2748 : vector<16xf32>
      %add3A_2751 = arith.addf %add3A_2732, %mul3A_2750 : vector<16xf32>
      %iota3A_2752 = tpu.iota {dimensions = array<i32: 0>} : vector<16xi32>
      %eq3A_2753 = arith.constant 2 : i32
      %eq3A_2754 = vector.broadcast %eq3A_2753 : i32 to vector<16xi32>
      %eq3A_2755 = arith.cmpi eq, %iota3A_2752, %eq3A_2754 : vector<16xi32>
      %jit3A_2756 = arith.constant 0 : i32
      %convert_element_type3A_2757 = arith.sitofp %jit3A_2756 : i32 to f32
      %broadcast_in_dim3A_2758 = vector.broadcast %convert_element_type3A_2757 : f32 to vector<16xf32>
      %select_n3A_2759 = arith.select %eq3A_2755, %div3A_2406, %broadcast_in_dim3A_2758 : vector<16xi1>, vector<16xf32>
      %reduce_sum3A_2760 = arith.constant true
      %reduce_sum3A_2761 = vector.broadcast %reduce_sum3A_2760 : i1 to vector<16xi1>
      %reduce_sum3A_2762 = tpu.scan <sum>, %select_n3A_2759 masked %reduce_sum3A_2761 : vector<16xf32>, vector<16xi1> -> vector<16xf32>
      %reduce_sum3A_2763 = vector.extract %reduce_sum3A_2762[15] : f32 from vector<16xf32>
      %get3A_2764 = arith.constant 2 : i32
      %get3A_2765 = arith.index_cast %get3A_2764 : i32 to index
      %get3A_2766 = arith.constant 48 : index
      %get3A_2767 = tpu.vector_load %arg17[%get3A_2765, %get3A_2766] {strides = array<i32>} : memref<16x128xf32, #tpu.memory_space<vmem>>, vector<16xf32>,
      %mul3A_2768 = vector.broadcast %reduce_sum3A_2763 : f32 to vector<16xf32>
      %mul3A_2769 = arith.mulf %mul3A_2768, %get3A_2767 : vector<16xf32>
      %add3A_2770 = arith.addf %add3A_2751, %mul3A_2769 : vector<16xf32>
      %iota3A_2771 = tpu.iota {dimensions = array<i32: 0>} : vector<16xi32>
      %eq3A_2772 = arith.constant 3 : i32
      %eq3A_2773 = vector.broadcast %eq3A_2772 : i32 to vector<16xi32>
      %eq3A_2774 = arith.cmpi eq, %iota3A_2771, %eq3A_2773 : vector<16xi32>
      %jit3A_2775 = arith.constant 0 : i32
      %convert_element_type3A_2776 = arith.sitofp %jit3A_2775 : i32 to f32
      %broadcast_in_dim3A_2777 = vector.broadcast %convert_element_type3A_2776 : f32 to vector<16xf32>
      %select_n3A_2778 = arith.select %eq3A_2774, %div3A_2406, %broadcast_in_dim3A_2777 : vector<16xi1>, vector<16xf32>
      %reduce_sum3A_2779 = arith.constant true
      %reduce_sum3A_2780 = vector.broadcast %reduce_sum3A_2779 : i1 to vector<16xi1>
      %reduce_sum3A_2781 = tpu.scan <sum>, %select_n3A_2778 masked %reduce_sum3A_2780 : vector<16xf32>, vector<16xi1> -> vector<16xf32>
      %reduce_sum3A_2782 = vector.extract %reduce_sum3A_2781[15] : f32 from vector<16xf32>
      %get3A_2783 = arith.constant 3 : i32
      %get3A_2784 = arith.index_cast %get3A_2783 : i32 to index
      %get3A_2785 = arith.constant 48 : index
      %get3A_2786 = tpu.vector_load %arg17[%get3A_2784, %get3A_2785] {strides = array<i32>} : memref<16x128xf32, #tpu.memory_space<vmem>>, vector<16xf32>,
      %mul3A_2787 = vector.broadcast %reduce_sum3A_2782 : f32 to vector<16xf32>
      %mul3A_2788 = arith.mulf %mul3A_2787, %get3A_2786 : vector<16xf32>
      %add3A_2789 = arith.addf %add3A_2770, %mul3A_2788 : vector<16xf32>
      %iota3A_2790 = tpu.iota {dimensions = array<i32: 0>} : vector<16xi32>
      %eq3A_2791 = arith.constant 4 : i32
      %eq3A_2792 = vector.broadcast %eq3A_2791 : i32 to vector<16xi32>
      %eq3A_2793 = arith.cmpi eq, %iota3A_2790, %eq3A_2792 : vector<16xi32>
      %jit3A_2794 = arith.constant 0 : i32
      %convert_element_type3A_2795 = arith.sitofp %jit3A_2794 : i32 to f32
      %broadcast_in_dim3A_2796 = vector.broadcast %convert_element_type3A_2795 : f32 to vector<16xf32>
      %select_n3A_2797 = arith.select %eq3A_2793, %div3A_2406, %broadcast_in_dim3A_2796 : vector<16xi1>, vector<16xf32>
      %reduce_sum3A_2798 = arith.constant true
      %reduce_sum3A_2799 = vector.broadcast %reduce_sum3A_2798 : i1 to vector<16xi1>
      %reduce_sum3A_2800 = tpu.scan <sum>, %select_n3A_2797 masked %reduce_sum3A_2799 : vector<16xf32>, vector<16xi1> -> vector<16xf32>
      %reduce_sum3A_2801 = vector.extract %reduce_sum3A_2800[15] : f32 from vector<16xf32>
      %get3A_2802 = arith.constant 4 : i32
      %get3A_2803 = arith.index_cast %get3A_2802 : i32 to index
      %get3A_2804 = arith.constant 48 : index
      %get3A_2805 = tpu.vector_load %arg17[%get3A_2803, %get3A_2804] {strides = array<i32>} : memref<16x128xf32, #tpu.memory_space<vmem>>, vector<16xf32>,
      %mul3A_2806 = vector.broadcast %reduce_sum3A_2801 : f32 to vector<16xf32>
      %mul3A_2807 = arith.mulf %mul3A_2806, %get3A_2805 : vector<16xf32>
      %add3A_2808 = arith.addf %add3A_2789, %mul3A_2807 : vector<16xf32>
      %swap3A_2809 = arith.constant 48 : index
      %swap3A_2810 = tpu.vector_load %arg18[%swap3A_2809] {strides = array<i32>} : memref<128xf32, #tpu.memory_space<vmem>>, vector<16xf32>,
      tpu.vector_store %arg18[%swap3A_2809], %add3A_2808 {strides = array<i32>} : memref<128xf32, #tpu.memory_space<vmem>>, vector<16xf32>,
      %broadcast_in_dim3A_2811 = arith.constant 0.000000e+00 : f32
      %broadcast_in_dim3A_2812 = vector.broadcast %broadcast_in_dim3A_2811 : f32 to vector<16xf32>
      %iota3A_2813 = tpu.iota {dimensions = array<i32: 0>} : vector<16xi32>
      %eq3A_2814 = arith.constant 0 : i32
      %eq3A_2815 = vector.broadcast %eq3A_2814 : i32 to vector<16xi32>
      %eq3A_2816 = arith.cmpi eq, %iota3A_2813, %eq3A_2815 : vector<16xi32>
      %jit3A_2817 = arith.constant 0 : i32
      %convert_element_type3A_2818 = arith.sitofp %jit3A_2817 : i32 to f32
      %broadcast_in_dim3A_2819 = vector.broadcast %convert_element_type3A_2818 : f32 to vector<16xf32>
      %select_n3A_2820 = arith.select %eq3A_2816, %div3A_2406, %broadcast_in_dim3A_2819 : vector<16xi1>, vector<16xf32>
      %reduce_sum3A_2821 = arith.constant true
      %reduce_sum3A_2822 = vector.broadcast %reduce_sum3A_2821 : i1 to vector<16xi1>
      %reduce_sum3A_2823 = tpu.scan <sum>, %select_n3A_2820 masked %reduce_sum3A_2822 : vector<16xf32>, vector<16xi1> -> vector<16xf32>
      %reduce_sum3A_2824 = vector.extract %reduce_sum3A_2823[15] : f32 from vector<16xf32>
      %get3A_2825 = arith.constant 0 : i32
      %get3A_2826 = arith.index_cast %get3A_2825 : i32 to index
      %get3A_2827 = arith.constant 64 : index
      %get3A_2828 = tpu.vector_load %arg17[%get3A_2826, %get3A_2827] {strides = array<i32>} : memref<16x128xf32, #tpu.memory_space<vmem>>, vector<16xf32>,
      %mul3A_2829 = vector.broadcast %reduce_sum3A_2824 : f32 to vector<16xf32>
      %mul3A_2830 = arith.mulf %mul3A_2829, %get3A_2828 : vector<16xf32>
      %add3A_2831 = arith.addf %broadcast_in_dim3A_2812, %mul3A_2830 : vector<16xf32>
      %iota3A_2832 = tpu.iota {dimensions = array<i32: 0>} : vector<16xi32>
      %eq3A_2833 = arith.constant 1 : i32
      %eq3A_2834 = vector.broadcast %eq3A_2833 : i32 to vector<16xi32>
      %eq3A_2835 = arith.cmpi eq, %iota3A_2832, %eq3A_2834 : vector<16xi32>
      %jit3A_2836 = arith.constant 0 : i32
      %convert_element_type3A_2837 = arith.sitofp %jit3A_2836 : i32 to f32
      %broadcast_in_dim3A_2838 = vector.broadcast %convert_element_type3A_2837 : f32 to vector<16xf32>
      %select_n3A_2839 = arith.select %eq3A_2835, %div3A_2406, %broadcast_in_dim3A_2838 : vector<16xi1>, vector<16xf32>
      %reduce_sum3A_2840 = arith.constant true
      %reduce_sum3A_2841 = vector.broadcast %reduce_sum3A_2840 : i1 to vector<16xi1>
      %reduce_sum3A_2842 = tpu.scan <sum>, %select_n3A_2839 masked %reduce_sum3A_2841 : vector<16xf32>, vector<16xi1> -> vector<16xf32>
      %reduce_sum3A_2843 = vector.extract %reduce_sum3A_2842[15] : f32 from vector<16xf32>
      %get3A_2844 = arith.constant 1 : i32
      %get3A_2845 = arith.index_cast %get3A_2844 : i32 to index
      %get3A_2846 = arith.constant 64 : index
      %get3A_2847 = tpu.vector_load %arg17[%get3A_2845, %get3A_2846] {strides = array<i32>} : memref<16x128xf32, #tpu.memory_space<vmem>>, vector<16xf32>,
      %mul3A_2848 = vector.broadcast %reduce_sum3A_2843 : f32 to vector<16xf32>
      %mul3A_2849 = arith.mulf %mul3A_2848, %get3A_2847 : vector<16xf32>
      %add3A_2850 = arith.addf %add3A_2831, %mul3A_2849 : vector<16xf32>
      %iota3A_2851 = tpu.iota {dimensions = array<i32: 0>} : vector<16xi32>
      %eq3A_2852 = arith.constant 2 : i32
      %eq3A_2853 = vector.broadcast %eq3A_2852 : i32 to vector<16xi32>
      %eq3A_2854 = arith.cmpi eq, %iota3A_2851, %eq3A_2853 : vector<16xi32>
      %jit3A_2855 = arith.constant 0 : i32
      %convert_element_type3A_2856 = arith.sitofp %jit3A_2855 : i32 to f32
      %broadcast_in_dim3A_2857 = vector.broadcast %convert_element_type3A_2856 : f32 to vector<16xf32>
      %select_n3A_2858 = arith.select %eq3A_2854, %div3A_2406, %broadcast_in_dim3A_2857 : vector<16xi1>, vector<16xf32>
      %reduce_sum3A_2859 = arith.constant true
      %reduce_sum3A_2860 = vector.broadcast %reduce_sum3A_2859 : i1 to vector<16xi1>
      %reduce_sum3A_2861 = tpu.scan <sum>, %select_n3A_2858 masked %reduce_sum3A_2860 : vector<16xf32>, vector<16xi1> -> vector<16xf32>
      %reduce_sum3A_2862 = vector.extract %reduce_sum3A_2861[15] : f32 from vector<16xf32>
      %get3A_2863 = arith.constant 2 : i32
      %get3A_2864 = arith.index_cast %get3A_2863 : i32 to index
      %get3A_2865 = arith.constant 64 : index
      %get3A_2866 = tpu.vector_load %arg17[%get3A_2864, %get3A_2865] {strides = array<i32>} : memref<16x128xf32, #tpu.memory_space<vmem>>, vector<16xf32>,
      %mul3A_2867 = vector.broadcast %reduce_sum3A_2862 : f32 to vector<16xf32>
      %mul3A_2868 = arith.mulf %mul3A_2867, %get3A_2866 : vector<16xf32>
      %add3A_2869 = arith.addf %add3A_2850, %mul3A_2868 : vector<16xf32>
      %iota3A_2870 = tpu.iota {dimensions = array<i32: 0>} : vector<16xi32>
      %eq3A_2871 = arith.constant 3 : i32
      %eq3A_2872 = vector.broadcast %eq3A_2871 : i32 to vector<16xi32>
      %eq3A_2873 = arith.cmpi eq, %iota3A_2870, %eq3A_2872 : vector<16xi32>
      %jit3A_2874 = arith.constant 0 : i32
      %convert_element_type3A_2875 = arith.sitofp %jit3A_2874 : i32 to f32
      %broadcast_in_dim3A_2876 = vector.broadcast %convert_element_type3A_2875 : f32 to vector<16xf32>
      %select_n3A_2877 = arith.select %eq3A_2873, %div3A_2406, %broadcast_in_dim3A_2876 : vector<16xi1>, vector<16xf32>
      %reduce_sum3A_2878 = arith.constant true
      %reduce_sum3A_2879 = vector.broadcast %reduce_sum3A_2878 : i1 to vector<16xi1>
      %reduce_sum3A_2880 = tpu.scan <sum>, %select_n3A_2877 masked %reduce_sum3A_2879 : vector<16xf32>, vector<16xi1> -> vector<16xf32>
      %reduce_sum3A_2881 = vector.extract %reduce_sum3A_2880[15] : f32 from vector<16xf32>
      %get3A_2882 = arith.constant 3 : i32
      %get3A_2883 = arith.index_cast %get3A_2882 : i32 to index
      %get3A_2884 = arith.constant 64 : index
      %get3A_2885 = tpu.vector_load %arg17[%get3A_2883, %get3A_2884] {strides = array<i32>} : memref<16x128xf32, #tpu.memory_space<vmem>>, vector<16xf32>,
      %mul3A_2886 = vector.broadcast %reduce_sum3A_2881 : f32 to vector<16xf32>
      %mul3A_2887 = arith.mulf %mul3A_2886, %get3A_2885 : vector<16xf32>
      %add3A_2888 = arith.addf %add3A_2869, %mul3A_2887 : vector<16xf32>
      %iota3A_2889 = tpu.iota {dimensions = array<i32: 0>} : vector<16xi32>
      %eq3A_2890 = arith.constant 4 : i32
      %eq3A_2891 = vector.broadcast %eq3A_2890 : i32 to vector<16xi32>
      %eq3A_2892 = arith.cmpi eq, %iota3A_2889, %eq3A_2891 : vector<16xi32>
      %jit3A_2893 = arith.constant 0 : i32
      %convert_element_type3A_2894 = arith.sitofp %jit3A_2893 : i32 to f32
      %broadcast_in_dim3A_2895 = vector.broadcast %convert_element_type3A_2894 : f32 to vector<16xf32>
      %select_n3A_2896 = arith.select %eq3A_2892, %div3A_2406, %broadcast_in_dim3A_2895 : vector<16xi1>, vector<16xf32>
      %reduce_sum3A_2897 = arith.constant true
      %reduce_sum3A_2898 = vector.broadcast %reduce_sum3A_2897 : i1 to vector<16xi1>
      %reduce_sum3A_2899 = tpu.scan <sum>, %select_n3A_2896 masked %reduce_sum3A_2898 : vector<16xf32>, vector<16xi1> -> vector<16xf32>
      %reduce_sum3A_2900 = vector.extract %reduce_sum3A_2899[15] : f32 from vector<16xf32>
      %get3A_2901 = arith.constant 4 : i32
      %get3A_2902 = arith.index_cast %get3A_2901 : i32 to index
      %get3A_2903 = arith.constant 64 : index
      %get3A_2904 = tpu.vector_load %arg17[%get3A_2902, %get3A_2903] {strides = array<i32>} : memref<16x128xf32, #tpu.memory_space<vmem>>, vector<16xf32>,
      %mul3A_2905 = vector.broadcast %reduce_sum3A_2900 : f32 to vector<16xf32>
      %mul3A_2906 = arith.mulf %mul3A_2905, %get3A_2904 : vector<16xf32>
      %add3A_2907 = arith.addf %add3A_2888, %mul3A_2906 : vector<16xf32>
      %swap3A_2908 = arith.constant 64 : index
      %swap3A_2909 = tpu.vector_load %arg18[%swap3A_2908] {strides = array<i32>} : memref<128xf32, #tpu.memory_space<vmem>>, vector<16xf32>,
      tpu.vector_store %arg18[%swap3A_2908], %add3A_2907 {strides = array<i32>} : memref<128xf32, #tpu.memory_space<vmem>>, vector<16xf32>,
      %broadcast_in_dim3A_2910 = arith.constant 0.000000e+00 : f32
      %broadcast_in_dim3A_2911 = vector.broadcast %broadcast_in_dim3A_2910 : f32 to vector<16xf32>
      %iota3A_2912 = tpu.iota {dimensions = array<i32: 0>} : vector<16xi32>
      %eq3A_2913 = arith.constant 0 : i32
      %eq3A_2914 = vector.broadcast %eq3A_2913 : i32 to vector<16xi32>
      %eq3A_2915 = arith.cmpi eq, %iota3A_2912, %eq3A_2914 : vector<16xi32>
      %jit3A_2916 = arith.constant 0 : i32
      %convert_element_type3A_2917 = arith.sitofp %jit3A_2916 : i32 to f32
      %broadcast_in_dim3A_2918 = vector.broadcast %convert_element_type3A_2917 : f32 to vector<16xf32>
      %select_n3A_2919 = arith.select %eq3A_2915, %div3A_2406, %broadcast_in_dim3A_2918 : vector<16xi1>, vector<16xf32>
      %reduce_sum3A_2920 = arith.constant true
      %reduce_sum3A_2921 = vector.broadcast %reduce_sum3A_2920 : i1 to vector<16xi1>
      %reduce_sum3A_2922 = tpu.scan <sum>, %select_n3A_2919 masked %reduce_sum3A_2921 : vector<16xf32>, vector<16xi1> -> vector<16xf32>
      %reduce_sum3A_2923 = vector.extract %reduce_sum3A_2922[15] : f32 from vector<16xf32>
      %get3A_2924 = arith.constant 0 : i32
      %get3A_2925 = arith.index_cast %get3A_2924 : i32 to index
      %get3A_2926 = arith.constant 80 : index
      %get3A_2927 = tpu.vector_load %arg17[%get3A_2925, %get3A_2926] {strides = array<i32>} : memref<16x128xf32, #tpu.memory_space<vmem>>, vector<16xf32>,
      %mul3A_2928 = vector.broadcast %reduce_sum3A_2923 : f32 to vector<16xf32>
      %mul3A_2929 = arith.mulf %mul3A_2928, %get3A_2927 : vector<16xf32>
      %add3A_2930 = arith.addf %broadcast_in_dim3A_2911, %mul3A_2929 : vector<16xf32>
      %iota3A_2931 = tpu.iota {dimensions = array<i32: 0>} : vector<16xi32>
      %eq3A_2932 = arith.constant 1 : i32
      %eq3A_2933 = vector.broadcast %eq3A_2932 : i32 to vector<16xi32>
      %eq3A_2934 = arith.cmpi eq, %iota3A_2931, %eq3A_2933 : vector<16xi32>
      %jit3A_2935 = arith.constant 0 : i32
      %convert_element_type3A_2936 = arith.sitofp %jit3A_2935 : i32 to f32
      %broadcast_in_dim3A_2937 = vector.broadcast %convert_element_type3A_2936 : f32 to vector<16xf32>
      %select_n3A_2938 = arith.select %eq3A_2934, %div3A_2406, %broadcast_in_dim3A_2937 : vector<16xi1>, vector<16xf32>
      %reduce_sum3A_2939 = arith.constant true
      %reduce_sum3A_2940 = vector.broadcast %reduce_sum3A_2939 : i1 to vector<16xi1>
      %reduce_sum3A_2941 = tpu.scan <sum>, %select_n3A_2938 masked %reduce_sum3A_2940 : vector<16xf32>, vector<16xi1> -> vector<16xf32>
      %reduce_sum3A_2942 = vector.extract %reduce_sum3A_2941[15] : f32 from vector<16xf32>
      %get3A_2943 = arith.constant 1 : i32
      %get3A_2944 = arith.index_cast %get3A_2943 : i32 to index
      %get3A_2945 = arith.constant 80 : index
      %get3A_2946 = tpu.vector_load %arg17[%get3A_2944, %get3A_2945] {strides = array<i32>} : memref<16x128xf32, #tpu.memory_space<vmem>>, vector<16xf32>,
      %mul3A_2947 = vector.broadcast %reduce_sum3A_2942 : f32 to vector<16xf32>
      %mul3A_2948 = arith.mulf %mul3A_2947, %get3A_2946 : vector<16xf32>
      %add3A_2949 = arith.addf %add3A_2930, %mul3A_2948 : vector<16xf32>
      %iota3A_2950 = tpu.iota {dimensions = array<i32: 0>} : vector<16xi32>
      %eq3A_2951 = arith.constant 2 : i32
      %eq3A_2952 = vector.broadcast %eq3A_2951 : i32 to vector<16xi32>
      %eq3A_2953 = arith.cmpi eq, %iota3A_2950, %eq3A_2952 : vector<16xi32>
      %jit3A_2954 = arith.constant 0 : i32
      %convert_element_type3A_2955 = arith.sitofp %jit3A_2954 : i32 to f32
      %broadcast_in_dim3A_2956 = vector.broadcast %convert_element_type3A_2955 : f32 to vector<16xf32>
      %select_n3A_2957 = arith.select %eq3A_2953, %div3A_2406, %broadcast_in_dim3A_2956 : vector<16xi1>, vector<16xf32>
      %reduce_sum3A_2958 = arith.constant true
      %reduce_sum3A_2959 = vector.broadcast %reduce_sum3A_2958 : i1 to vector<16xi1>
      %reduce_sum3A_2960 = tpu.scan <sum>, %select_n3A_2957 masked %reduce_sum3A_2959 : vector<16xf32>, vector<16xi1> -> vector<16xf32>
      %reduce_sum3A_2961 = vector.extract %reduce_sum3A_2960[15] : f32 from vector<16xf32>
      %get3A_2962 = arith.constant 2 : i32
      %get3A_2963 = arith.index_cast %get3A_2962 : i32 to index
      %get3A_2964 = arith.constant 80 : index
      %get3A_2965 = tpu.vector_load %arg17[%get3A_2963, %get3A_2964] {strides = array<i32>} : memref<16x128xf32, #tpu.memory_space<vmem>>, vector<16xf32>,
      %mul3A_2966 = vector.broadcast %reduce_sum3A_2961 : f32 to vector<16xf32>
      %mul3A_2967 = arith.mulf %mul3A_2966, %get3A_2965 : vector<16xf32>
      %add3A_2968 = arith.addf %add3A_2949, %mul3A_2967 : vector<16xf32>
      %iota3A_2969 = tpu.iota {dimensions = array<i32: 0>} : vector<16xi32>
      %eq3A_2970 = arith.constant 3 : i32
      %eq3A_2971 = vector.broadcast %eq3A_2970 : i32 to vector<16xi32>
      %eq3A_2972 = arith.cmpi eq, %iota3A_2969, %eq3A_2971 : vector<16xi32>
      %jit3A_2973 = arith.constant 0 : i32
      %convert_element_type3A_2974 = arith.sitofp %jit3A_2973 : i32 to f32
      %broadcast_in_dim3A_2975 = vector.broadcast %convert_element_type3A_2974 : f32 to vector<16xf32>
      %select_n3A_2976 = arith.select %eq3A_2972, %div3A_2406, %broadcast_in_dim3A_2975 : vector<16xi1>, vector<16xf32>
      %reduce_sum3A_2977 = arith.constant true
      %reduce_sum3A_2978 = vector.broadcast %reduce_sum3A_2977 : i1 to vector<16xi1>
      %reduce_sum3A_2979 = tpu.scan <sum>, %select_n3A_2976 masked %reduce_sum3A_2978 : vector<16xf32>, vector<16xi1> -> vector<16xf32>
      %reduce_sum3A_2980 = vector.extract %reduce_sum3A_2979[15] : f32 from vector<16xf32>
      %get3A_2981 = arith.constant 3 : i32
      %get3A_2982 = arith.index_cast %get3A_2981 : i32 to index
      %get3A_2983 = arith.constant 80 : index
      %get3A_2984 = tpu.vector_load %arg17[%get3A_2982, %get3A_2983] {strides = array<i32>} : memref<16x128xf32, #tpu.memory_space<vmem>>, vector<16xf32>,
      %mul3A_2985 = vector.broadcast %reduce_sum3A_2980 : f32 to vector<16xf32>
      %mul3A_2986 = arith.mulf %mul3A_2985, %get3A_2984 : vector<16xf32>
      %add3A_2987 = arith.addf %add3A_2968, %mul3A_2986 : vector<16xf32>
      %iota3A_2988 = tpu.iota {dimensions = array<i32: 0>} : vector<16xi32>
      %eq3A_2989 = arith.constant 4 : i32
      %eq3A_2990 = vector.broadcast %eq3A_2989 : i32 to vector<16xi32>
      %eq3A_2991 = arith.cmpi eq, %iota3A_2988, %eq3A_2990 : vector<16xi32>
      %jit3A_2992 = arith.constant 0 : i32
      %convert_element_type3A_2993 = arith.sitofp %jit3A_2992 : i32 to f32
      %broadcast_in_dim3A_2994 = vector.broadcast %convert_element_type3A_2993 : f32 to vector<16xf32>
      %select_n3A_2995 = arith.select %eq3A_2991, %div3A_2406, %broadcast_in_dim3A_2994 : vector<16xi1>, vector<16xf32>
      %reduce_sum3A_2996 = arith.constant true
      %reduce_sum3A_2997 = vector.broadcast %reduce_sum3A_2996 : i1 to vector<16xi1>
      %reduce_sum3A_2998 = tpu.scan <sum>, %select_n3A_2995 masked %reduce_sum3A_2997 : vector<16xf32>, vector<16xi1> -> vector<16xf32>
      %reduce_sum3A_2999 = vector.extract %reduce_sum3A_2998[15] : f32 from vector<16xf32>
      %get3A_3000 = arith.constant 4 : i32
      %get3A_3001 = arith.index_cast %get3A_3000 : i32 to index
      %get3A_3002 = arith.constant 80 : index
      %get3A_3003 = tpu.vector_load %arg17[%get3A_3001, %get3A_3002] {strides = array<i32>} : memref<16x128xf32, #tpu.memory_space<vmem>>, vector<16xf32>,
      %mul3A_3004 = vector.broadcast %reduce_sum3A_2999 : f32 to vector<16xf32>
      %mul3A_3005 = arith.mulf %mul3A_3004, %get3A_3003 : vector<16xf32>
      %add3A_3006 = arith.addf %add3A_2987, %mul3A_3005 : vector<16xf32>
      %swap3A_3007 = arith.constant 80 : index
      %swap3A_3008 = tpu.vector_load %arg18[%swap3A_3007] {strides = array<i32>} : memref<128xf32, #tpu.memory_space<vmem>>, vector<16xf32>,
      tpu.vector_store %arg18[%swap3A_3007], %add3A_3006 {strides = array<i32>} : memref<128xf32, #tpu.memory_space<vmem>>, vector<16xf32>,
      %broadcast_in_dim3A_3009 = arith.constant 0.000000e+00 : f32
      %broadcast_in_dim3A_3010 = vector.broadcast %broadcast_in_dim3A_3009 : f32 to vector<16xf32>
      %iota3A_3011 = tpu.iota {dimensions = array<i32: 0>} : vector<16xi32>
      %eq3A_3012 = arith.constant 0 : i32
      %eq3A_3013 = vector.broadcast %eq3A_3012 : i32 to vector<16xi32>
      %eq3A_3014 = arith.cmpi eq, %iota3A_3011, %eq3A_3013 : vector<16xi32>
      %jit3A_3015 = arith.constant 0 : i32
      %convert_element_type3A_3016 = arith.sitofp %jit3A_3015 : i32 to f32
      %broadcast_in_dim3A_3017 = vector.broadcast %convert_element_type3A_3016 : f32 to vector<16xf32>
      %select_n3A_3018 = arith.select %eq3A_3014, %div3A_2406, %broadcast_in_dim3A_3017 : vector<16xi1>, vector<16xf32>
      %reduce_sum3A_3019 = arith.constant true
      %reduce_sum3A_3020 = vector.broadcast %reduce_sum3A_3019 : i1 to vector<16xi1>
      %reduce_sum3A_3021 = tpu.scan <sum>, %select_n3A_3018 masked %reduce_sum3A_3020 : vector<16xf32>, vector<16xi1> -> vector<16xf32>
      %reduce_sum3A_3022 = vector.extract %reduce_sum3A_3021[15] : f32 from vector<16xf32>
      %get3A_3023 = arith.constant 0 : i32
      %get3A_3024 = arith.index_cast %get3A_3023 : i32 to index
      %get3A_3025 = arith.constant 96 : index
      %get3A_3026 = tpu.vector_load %arg17[%get3A_3024, %get3A_3025] {strides = array<i32>} : memref<16x128xf32, #tpu.memory_space<vmem>>, vector<16xf32>,
      %mul3A_3027 = vector.broadcast %reduce_sum3A_3022 : f32 to vector<16xf32>
      %mul3A_3028 = arith.mulf %mul3A_3027, %get3A_3026 : vector<16xf32>
      %add3A_3029 = arith.addf %broadcast_in_dim3A_3010, %mul3A_3028 : vector<16xf32>
      %iota3A_3030 = tpu.iota {dimensions = array<i32: 0>} : vector<16xi32>
      %eq3A_3031 = arith.constant 1 : i32
      %eq3A_3032 = vector.broadcast %eq3A_3031 : i32 to vector<16xi32>
      %eq3A_3033 = arith.cmpi eq, %iota3A_3030, %eq3A_3032 : vector<16xi32>
      %jit3A_3034 = arith.constant 0 : i32
      %convert_element_type3A_3035 = arith.sitofp %jit3A_3034 : i32 to f32
      %broadcast_in_dim3A_3036 = vector.broadcast %convert_element_type3A_3035 : f32 to vector<16xf32>
      %select_n3A_3037 = arith.select %eq3A_3033, %div3A_2406, %broadcast_in_dim3A_3036 : vector<16xi1>, vector<16xf32>
      %reduce_sum3A_3038 = arith.constant true
      %reduce_sum3A_3039 = vector.broadcast %reduce_sum3A_3038 : i1 to vector<16xi1>
      %reduce_sum3A_3040 = tpu.scan <sum>, %select_n3A_3037 masked %reduce_sum3A_3039 : vector<16xf32>, vector<16xi1> -> vector<16xf32>
      %reduce_sum3A_3041 = vector.extract %reduce_sum3A_3040[15] : f32 from vector<16xf32>
      %get3A_3042 = arith.constant 1 : i32
      %get3A_3043 = arith.index_cast %get3A_3042 : i32 to index
      %get3A_3044 = arith.constant 96 : index
      %get3A_3045 = tpu.vector_load %arg17[%get3A_3043, %get3A_3044] {strides = array<i32>} : memref<16x128xf32, #tpu.memory_space<vmem>>, vector<16xf32>,
      %mul3A_3046 = vector.broadcast %reduce_sum3A_3041 : f32 to vector<16xf32>
      %mul3A_3047 = arith.mulf %mul3A_3046, %get3A_3045 : vector<16xf32>
      %add3A_3048 = arith.addf %add3A_3029, %mul3A_3047 : vector<16xf32>
      %iota3A_3049 = tpu.iota {dimensions = array<i32: 0>} : vector<16xi32>
      %eq3A_3050 = arith.constant 2 : i32
      %eq3A_3051 = vector.broadcast %eq3A_3050 : i32 to vector<16xi32>
      %eq3A_3052 = arith.cmpi eq, %iota3A_3049, %eq3A_3051 : vector<16xi32>
      %jit3A_3053 = arith.constant 0 : i32
      %convert_element_type3A_3054 = arith.sitofp %jit3A_3053 : i32 to f32
      %broadcast_in_dim3A_3055 = vector.broadcast %convert_element_type3A_3054 : f32 to vector<16xf32>
      %select_n3A_3056 = arith.select %eq3A_3052, %div3A_2406, %broadcast_in_dim3A_3055 : vector<16xi1>, vector<16xf32>
      %reduce_sum3A_3057 = arith.constant true
      %reduce_sum3A_3058 = vector.broadcast %reduce_sum3A_3057 : i1 to vector<16xi1>
      %reduce_sum3A_3059 = tpu.scan <sum>, %select_n3A_3056 masked %reduce_sum3A_3058 : vector<16xf32>, vector<16xi1> -> vector<16xf32>
      %reduce_sum3A_3060 = vector.extract %reduce_sum3A_3059[15] : f32 from vector<16xf32>
      %get3A_3061 = arith.constant 2 : i32
      %get3A_3062 = arith.index_cast %get3A_3061 : i32 to index
      %get3A_3063 = arith.constant 96 : index
      %get3A_3064 = tpu.vector_load %arg17[%get3A_3062, %get3A_3063] {strides = array<i32>} : memref<16x128xf32, #tpu.memory_space<vmem>>, vector<16xf32>,
      %mul3A_3065 = vector.broadcast %reduce_sum3A_3060 : f32 to vector<16xf32>
      %mul3A_3066 = arith.mulf %mul3A_3065, %get3A_3064 : vector<16xf32>
      %add3A_3067 = arith.addf %add3A_3048, %mul3A_3066 : vector<16xf32>
      %iota3A_3068 = tpu.iota {dimensions = array<i32: 0>} : vector<16xi32>
      %eq3A_3069 = arith.constant 3 : i32
      %eq3A_3070 = vector.broadcast %eq3A_3069 : i32 to vector<16xi32>
      %eq3A_3071 = arith.cmpi eq, %iota3A_3068, %eq3A_3070 : vector<16xi32>
      %jit3A_3072 = arith.constant 0 : i32
      %convert_element_type3A_3073 = arith.sitofp %jit3A_3072 : i32 to f32
      %broadcast_in_dim3A_3074 = vector.broadcast %convert_element_type3A_3073 : f32 to vector<16xf32>
      %select_n3A_3075 = arith.select %eq3A_3071, %div3A_2406, %broadcast_in_dim3A_3074 : vector<16xi1>, vector<16xf32>
      %reduce_sum3A_3076 = arith.constant true
      %reduce_sum3A_3077 = vector.broadcast %reduce_sum3A_3076 : i1 to vector<16xi1>
      %reduce_sum3A_3078 = tpu.scan <sum>, %select_n3A_3075 masked %reduce_sum3A_3077 : vector<16xf32>, vector<16xi1> -> vector<16xf32>
      %reduce_sum3A_3079 = vector.extract %reduce_sum3A_3078[15] : f32 from vector<16xf32>
      %get3A_3080 = arith.constant 3 : i32
      %get3A_3081 = arith.index_cast %get3A_3080 : i32 to index
      %get3A_3082 = arith.constant 96 : index
      %get3A_3083 = tpu.vector_load %arg17[%get3A_3081, %get3A_3082] {strides = array<i32>} : memref<16x128xf32, #tpu.memory_space<vmem>>, vector<16xf32>,
      %mul3A_3084 = vector.broadcast %reduce_sum3A_3079 : f32 to vector<16xf32>
      %mul3A_3085 = arith.mulf %mul3A_3084, %get3A_3083 : vector<16xf32>
      %add3A_3086 = arith.addf %add3A_3067, %mul3A_3085 : vector<16xf32>
      %iota3A_3087 = tpu.iota {dimensions = array<i32: 0>} : vector<16xi32>
      %eq3A_3088 = arith.constant 4 : i32
      %eq3A_3089 = vector.broadcast %eq3A_3088 : i32 to vector<16xi32>
      %eq3A_3090 = arith.cmpi eq, %iota3A_3087, %eq3A_3089 : vector<16xi32>
      %jit3A_3091 = arith.constant 0 : i32
      %convert_element_type3A_3092 = arith.sitofp %jit3A_3091 : i32 to f32
      %broadcast_in_dim3A_3093 = vector.broadcast %convert_element_type3A_3092 : f32 to vector<16xf32>
      %select_n3A_3094 = arith.select %eq3A_3090, %div3A_2406, %broadcast_in_dim3A_3093 : vector<16xi1>, vector<16xf32>
      %reduce_sum3A_3095 = arith.constant true
      %reduce_sum3A_3096 = vector.broadcast %reduce_sum3A_3095 : i1 to vector<16xi1>
      %reduce_sum3A_3097 = tpu.scan <sum>, %select_n3A_3094 masked %reduce_sum3A_3096 : vector<16xf32>, vector<16xi1> -> vector<16xf32>
      %reduce_sum3A_3098 = vector.extract %reduce_sum3A_3097[15] : f32 from vector<16xf32>
      %get3A_3099 = arith.constant 4 : i32
      %get3A_3100 = arith.index_cast %get3A_3099 : i32 to index
      %get3A_3101 = arith.constant 96 : index
      %get3A_3102 = tpu.vector_load %arg17[%get3A_3100, %get3A_3101] {strides = array<i32>} : memref<16x128xf32, #tpu.memory_space<vmem>>, vector<16xf32>,
      %mul3A_3103 = vector.broadcast %reduce_sum3A_3098 : f32 to vector<16xf32>
      %mul3A_3104 = arith.mulf %mul3A_3103, %get3A_3102 : vector<16xf32>
      %add3A_3105 = arith.addf %add3A_3086, %mul3A_3104 : vector<16xf32>
      %swap3A_3106 = arith.constant 96 : index
      %swap3A_3107 = tpu.vector_load %arg18[%swap3A_3106] {strides = array<i32>} : memref<128xf32, #tpu.memory_space<vmem>>, vector<16xf32>,
      tpu.vector_store %arg18[%swap3A_3106], %add3A_3105 {strides = array<i32>} : memref<128xf32, #tpu.memory_space<vmem>>, vector<16xf32>,
      %broadcast_in_dim3A_3108 = arith.constant 0.000000e+00 : f32
      %broadcast_in_dim3A_3109 = vector.broadcast %broadcast_in_dim3A_3108 : f32 to vector<16xf32>
      %iota3A_3110 = tpu.iota {dimensions = array<i32: 0>} : vector<16xi32>
      %eq3A_3111 = arith.constant 0 : i32
      %eq3A_3112 = vector.broadcast %eq3A_3111 : i32 to vector<16xi32>
      %eq3A_3113 = arith.cmpi eq, %iota3A_3110, %eq3A_3112 : vector<16xi32>
      %jit3A_3114 = arith.constant 0 : i32
      %convert_element_type3A_3115 = arith.sitofp %jit3A_3114 : i32 to f32
      %broadcast_in_dim3A_3116 = vector.broadcast %convert_element_type3A_3115 : f32 to vector<16xf32>
      %select_n3A_3117 = arith.select %eq3A_3113, %div3A_2406, %broadcast_in_dim3A_3116 : vector<16xi1>, vector<16xf32>
      %reduce_sum3A_3118 = arith.constant true
      %reduce_sum3A_3119 = vector.broadcast %reduce_sum3A_3118 : i1 to vector<16xi1>
      %reduce_sum3A_3120 = tpu.scan <sum>, %select_n3A_3117 masked %reduce_sum3A_3119 : vector<16xf32>, vector<16xi1> -> vector<16xf32>
      %reduce_sum3A_3121 = vector.extract %reduce_sum3A_3120[15] : f32 from vector<16xf32>
      %get3A_3122 = arith.constant 0 : i32
      %get3A_3123 = arith.index_cast %get3A_3122 : i32 to index
      %get3A_3124 = arith.constant 112 : index
      %get3A_3125 = tpu.vector_load %arg17[%get3A_3123, %get3A_3124] {strides = array<i32>} : memref<16x128xf32, #tpu.memory_space<vmem>>, vector<16xf32>,
      %mul3A_3126 = vector.broadcast %reduce_sum3A_3121 : f32 to vector<16xf32>
      %mul3A_3127 = arith.mulf %mul3A_3126, %get3A_3125 : vector<16xf32>
      %add3A_3128 = arith.addf %broadcast_in_dim3A_3109, %mul3A_3127 : vector<16xf32>
      %iota3A_3129 = tpu.iota {dimensions = array<i32: 0>} : vector<16xi32>
      %eq3A_3130 = arith.constant 1 : i32
      %eq3A_3131 = vector.broadcast %eq3A_3130 : i32 to vector<16xi32>
      %eq3A_3132 = arith.cmpi eq, %iota3A_3129, %eq3A_3131 : vector<16xi32>
      %jit3A_3133 = arith.constant 0 : i32
      %convert_element_type3A_3134 = arith.sitofp %jit3A_3133 : i32 to f32
      %broadcast_in_dim3A_3135 = vector.broadcast %convert_element_type3A_3134 : f32 to vector<16xf32>
      %select_n3A_3136 = arith.select %eq3A_3132, %div3A_2406, %broadcast_in_dim3A_3135 : vector<16xi1>, vector<16xf32>
      %reduce_sum3A_3137 = arith.constant true
      %reduce_sum3A_3138 = vector.broadcast %reduce_sum3A_3137 : i1 to vector<16xi1>
      %reduce_sum3A_3139 = tpu.scan <sum>, %select_n3A_3136 masked %reduce_sum3A_3138 : vector<16xf32>, vector<16xi1> -> vector<16xf32>
      %reduce_sum3A_3140 = vector.extract %reduce_sum3A_3139[15] : f32 from vector<16xf32>
      %get3A_3141 = arith.constant 1 : i32
      %get3A_3142 = arith.index_cast %get3A_3141 : i32 to index
      %get3A_3143 = arith.constant 112 : index
      %get3A_3144 = tpu.vector_load %arg17[%get3A_3142, %get3A_3143] {strides = array<i32>} : memref<16x128xf32, #tpu.memory_space<vmem>>, vector<16xf32>,
      %mul3A_3145 = vector.broadcast %reduce_sum3A_3140 : f32 to vector<16xf32>
      %mul3A_3146 = arith.mulf %mul3A_3145, %get3A_3144 : vector<16xf32>
      %add3A_3147 = arith.addf %add3A_3128, %mul3A_3146 : vector<16xf32>
      %iota3A_3148 = tpu.iota {dimensions = array<i32: 0>} : vector<16xi32>
      %eq3A_3149 = arith.constant 2 : i32
      %eq3A_3150 = vector.broadcast %eq3A_3149 : i32 to vector<16xi32>
      %eq3A_3151 = arith.cmpi eq, %iota3A_3148, %eq3A_3150 : vector<16xi32>
      %jit3A_3152 = arith.constant 0 : i32
      %convert_element_type3A_3153 = arith.sitofp %jit3A_3152 : i32 to f32
      %broadcast_in_dim3A_3154 = vector.broadcast %convert_element_type3A_3153 : f32 to vector<16xf32>
      %select_n3A_3155 = arith.select %eq3A_3151, %div3A_2406, %broadcast_in_dim3A_3154 : vector<16xi1>, vector<16xf32>
      %reduce_sum3A_3156 = arith.constant true
      %reduce_sum3A_3157 = vector.broadcast %reduce_sum3A_3156 : i1 to vector<16xi1>
      %reduce_sum3A_3158 = tpu.scan <sum>, %select_n3A_3155 masked %reduce_sum3A_3157 : vector<16xf32>, vector<16xi1> -> vector<16xf32>
      %reduce_sum3A_3159 = vector.extract %reduce_sum3A_3158[15] : f32 from vector<16xf32>
      %get3A_3160 = arith.constant 2 : i32
      %get3A_3161 = arith.index_cast %get3A_3160 : i32 to index
      %get3A_3162 = arith.constant 112 : index
      %get3A_3163 = tpu.vector_load %arg17[%get3A_3161, %get3A_3162] {strides = array<i32>} : memref<16x128xf32, #tpu.memory_space<vmem>>, vector<16xf32>,
      %mul3A_3164 = vector.broadcast %reduce_sum3A_3159 : f32 to vector<16xf32>
      %mul3A_3165 = arith.mulf %mul3A_3164, %get3A_3163 : vector<16xf32>
      %add3A_3166 = arith.addf %add3A_3147, %mul3A_3165 : vector<16xf32>
      %iota3A_3167 = tpu.iota {dimensions = array<i32: 0>} : vector<16xi32>
      %eq3A_3168 = arith.constant 3 : i32
      %eq3A_3169 = vector.broadcast %eq3A_3168 : i32 to vector<16xi32>
      %eq3A_3170 = arith.cmpi eq, %iota3A_3167, %eq3A_3169 : vector<16xi32>
      %jit3A_3171 = arith.constant 0 : i32
      %convert_element_type3A_3172 = arith.sitofp %jit3A_3171 : i32 to f32
      %broadcast_in_dim3A_3173 = vector.broadcast %convert_element_type3A_3172 : f32 to vector<16xf32>
      %select_n3A_3174 = arith.select %eq3A_3170, %div3A_2406, %broadcast_in_dim3A_3173 : vector<16xi1>, vector<16xf32>
      %reduce_sum3A_3175 = arith.constant true
      %reduce_sum3A_3176 = vector.broadcast %reduce_sum3A_3175 : i1 to vector<16xi1>
      %reduce_sum3A_3177 = tpu.scan <sum>, %select_n3A_3174 masked %reduce_sum3A_3176 : vector<16xf32>, vector<16xi1> -> vector<16xf32>
      %reduce_sum3A_3178 = vector.extract %reduce_sum3A_3177[15] : f32 from vector<16xf32>
      %get3A_3179 = arith.constant 3 : i32
      %get3A_3180 = arith.index_cast %get3A_3179 : i32 to index
      %get3A_3181 = arith.constant 112 : index
      %get3A_3182 = tpu.vector_load %arg17[%get3A_3180, %get3A_3181] {strides = array<i32>} : memref<16x128xf32, #tpu.memory_space<vmem>>, vector<16xf32>,
      %mul3A_3183 = vector.broadcast %reduce_sum3A_3178 : f32 to vector<16xf32>
      %mul3A_3184 = arith.mulf %mul3A_3183, %get3A_3182 : vector<16xf32>
      %add3A_3185 = arith.addf %add3A_3166, %mul3A_3184 : vector<16xf32>
      %iota3A_3186 = tpu.iota {dimensions = array<i32: 0>} : vector<16xi32>
      %eq3A_3187 = arith.constant 4 : i32
      %eq3A_3188 = vector.broadcast %eq3A_3187 : i32 to vector<16xi32>
      %eq3A_3189 = arith.cmpi eq, %iota3A_3186, %eq3A_3188 : vector<16xi32>
      %jit3A_3190 = arith.constant 0 : i32
      %convert_element_type3A_3191 = arith.sitofp %jit3A_3190 : i32 to f32
      %broadcast_in_dim3A_3192 = vector.broadcast %convert_element_type3A_3191 : f32 to vector<16xf32>
      %select_n3A_3193 = arith.select %eq3A_3189, %div3A_2406, %broadcast_in_dim3A_3192 : vector<16xi1>, vector<16xf32>
      %reduce_sum3A_3194 = arith.constant true
      %reduce_sum3A_3195 = vector.broadcast %reduce_sum3A_3194 : i1 to vector<16xi1>
      %reduce_sum3A_3196 = tpu.scan <sum>, %select_n3A_3193 masked %reduce_sum3A_3195 : vector<16xf32>, vector<16xi1> -> vector<16xf32>
      %reduce_sum3A_3197 = vector.extract %reduce_sum3A_3196[15] : f32 from vector<16xf32>
      %get3A_3198 = arith.constant 4 : i32
      %get3A_3199 = arith.index_cast %get3A_3198 : i32 to index
      %get3A_3200 = arith.constant 112 : index
      %get3A_3201 = tpu.vector_load %arg17[%get3A_3199, %get3A_3200] {strides = array<i32>} : memref<16x128xf32, #tpu.memory_space<vmem>>, vector<16xf32>,
      %mul3A_3202 = vector.broadcast %reduce_sum3A_3197 : f32 to vector<16xf32>
      %mul3A_3203 = arith.mulf %mul3A_3202, %get3A_3201 : vector<16xf32>
      %add3A_3204 = arith.addf %add3A_3185, %mul3A_3203 : vector<16xf32>
      %swap3A_3205 = arith.constant 112 : index
      %swap3A_3206 = tpu.vector_load %arg18[%swap3A_3205] {strides = array<i32>} : memref<128xf32, #tpu.memory_space<vmem>>, vector<16xf32>,
      tpu.vector_store %arg18[%swap3A_3205], %add3A_3204 {strides = array<i32>} : memref<128xf32, #tpu.memory_space<vmem>>, vector<16xf32>,
      %gt3A_3207 = arith.constant 5.000000e-01 : f32
      %gt3A_3208 = vector.broadcast %gt3A_3207 : f32 to vector<16xf32>
      %gt3A_3209 = arith.cmpf ogt, %select_n3A_2383, %gt3A_3208 : vector<16xf32>
      %and3A_3210 = arith.andi %lt3A_2390, %gt3A_3209 : vector<16xi1>
      %jit3A_3211 = arith.constant 1.000000e+00 : f32
      %jit3A_3212 = arith.constant 0.000000e+00 : f32
      %broadcast_in_dim3A_3213 = vector.broadcast %jit3A_3211 : f32 to vector<16xf32>
      %broadcast_in_dim3A_3214 = vector.broadcast %jit3A_3212 : f32 to vector<16xf32>
      %select_n3A_3215 = arith.select %and3A_3210, %broadcast_in_dim3A_3213, %broadcast_in_dim3A_3214 : vector<16xi1>, vector<16xf32>
      %reduce_sum3A_3216 = arith.constant true
      %reduce_sum3A_3217 = vector.broadcast %reduce_sum3A_3216 : i1 to vector<16xi1>
      %reduce_sum3A_3218 = tpu.scan <sum>, %select_n3A_3215 masked %reduce_sum3A_3217 : vector<16xf32>, vector<16xi1> -> vector<16xf32>
      %reduce_sum3A_3219 = vector.extract %reduce_sum3A_3218[15] : f32 from vector<16xf32>
      %eq3A_3220 = arith.constant 0 : i32
      %eq3A_3221 = vector.broadcast %eq3A_3220 : i32 to vector<16xi32>
      %eq3A_3222 = arith.cmpi eq, %iota3A, %eq3A_3221 : vector<16xi32>
      %jit3A_3223 = arith.constant 0.000000e+00 : f32
      %broadcast_in_dim3A_3224 = vector.broadcast %reduce_max3A_2394 : f32 to vector<16xf32>
      %broadcast_in_dim3A_3225 = vector.broadcast %jit3A_3223 : f32 to vector<16xf32>
      %select_n3A_3226 = arith.select %eq3A_3222, %broadcast_in_dim3A_3224, %broadcast_in_dim3A_3225 : vector<16xi1>, vector<16xf32>
      %eq3A_3227 = arith.constant 1 : i32
      %eq3A_3228 = vector.broadcast %eq3A_3227 : i32 to vector<16xi32>
      %eq3A_3229 = arith.cmpi eq, %iota3A, %eq3A_3228 : vector<16xi32>
      %broadcast_in_dim3A_3230 = vector.broadcast %reduce_sum3A_3219 : f32 to vector<16xf32>
      %select_n3A_3231 = arith.select %eq3A_3229, %broadcast_in_dim3A_3230, %select_n3A_3226 : vector<16xi1>, vector<16xf32>
      %jit3A_3232 = arith.constant 0.000000e+00 : f32
      %broadcast_in_dim3A_3233 = vector.broadcast %jit3A_3232 : f32 to vector<16xf32>
      %select_n3A_3234 = arith.select %lt3A_2390, %select_n3A_2383, %broadcast_in_dim3A_3233 : vector<16xi1>, vector<16xf32>
      %swap3A_3235 = arith.constant 0 : index
      %swap3A_3236 = tpu.vector_load %arg14[%swap3A_3235] {strides = array<i32>} : memref<16xf32, #tpu.memory_space<vmem>>, vector<16xf32>,
      tpu.vector_store %arg14[%swap3A_3235], %select_n3A_3234 {strides = array<i32>} : memref<16xf32, #tpu.memory_space<vmem>>, vector<16xf32>,
      "tpu.region"() ({
        %run_scoped3A = tpu.sem_alloc : memref<!tpu.dma_semaphore, #tpu.memory_space<semaphore_mem>>
        tpu.enqueue_dma source(%arg14 : memref<16xf32, #tpu.memory_space<vmem>>) target(%arg4 : memref<16xf32, #tpu.memory_space<hbm>>) target_semaphore(%run_scoped3A : memref<!tpu.dma_semaphore, #tpu.memory_space<semaphore_mem>>)
        tpu.wait_dma2 semaphore(%run_scoped3A : memref<!tpu.dma_semaphore, #tpu.memory_space<semaphore_mem>>) src(%arg14 : memref<16xf32, #tpu.memory_space<vmem>>) dst(%arg4 : memref<16xf32, #tpu.memory_space<hbm>>)
        tpu.yield
      }) : () -> ()
      %swap3A_3237 = arith.constant 0 : index
      %swap3A_3238 = tpu.vector_load %arg15[%swap3A_3237] {strides = array<i32>} : memref<16xi32, #tpu.memory_space<vmem>>, vector<16xi32>,
      tpu.vector_store %arg15[%swap3A_3237], %select_n3A_2388 {strides = array<i32>} : memref<16xi32, #tpu.memory_space<vmem>>, vector<16xi32>,
      "tpu.region"() ({
        %run_scoped3A = tpu.sem_alloc : memref<!tpu.dma_semaphore, #tpu.memory_space<semaphore_mem>>
        tpu.enqueue_dma source(%arg15 : memref<16xi32, #tpu.memory_space<vmem>>) target(%arg5 : memref<16xi32, #tpu.memory_space<hbm>>) target_semaphore(%run_scoped3A : memref<!tpu.dma_semaphore, #tpu.memory_space<semaphore_mem>>)
        tpu.wait_dma2 semaphore(%run_scoped3A : memref<!tpu.dma_semaphore, #tpu.memory_space<semaphore_mem>>) src(%arg15 : memref<16xi32, #tpu.memory_space<vmem>>) dst(%arg5 : memref<16xi32, #tpu.memory_space<hbm>>)
        tpu.yield
      }) : () -> ()
      %swap3A_3239 = arith.constant 0 : index
      %swap3A_3240 = tpu.vector_load %arg14[%swap3A_3239] {strides = array<i32>} : memref<16xf32, #tpu.memory_space<vmem>>, vector<16xf32>,
      tpu.vector_store %arg14[%swap3A_3239], %div3A_2406 {strides = array<i32>} : memref<16xf32, #tpu.memory_space<vmem>>, vector<16xf32>,
      "tpu.region"() ({
        %run_scoped3A = tpu.sem_alloc : memref<!tpu.dma_semaphore, #tpu.memory_space<semaphore_mem>>
        tpu.enqueue_dma source(%arg14 : memref<16xf32, #tpu.memory_space<vmem>>) target(%arg6 : memref<16xf32, #tpu.memory_space<hbm>>) target_semaphore(%run_scoped3A : memref<!tpu.dma_semaphore, #tpu.memory_space<semaphore_mem>>)
        tpu.wait_dma2 semaphore(%run_scoped3A : memref<!tpu.dma_semaphore, #tpu.memory_space<semaphore_mem>>) src(%arg14 : memref<16xf32, #tpu.memory_space<vmem>>) dst(%arg6 : memref<16xf32, #tpu.memory_space<hbm>>)
        tpu.yield
      }) : () -> ()
      "tpu.region"() ({
        %run_scoped3A = tpu.sem_alloc : memref<!tpu.dma_semaphore, #tpu.memory_space<semaphore_mem>>
        tpu.enqueue_dma source(%arg18 : memref<128xf32, #tpu.memory_space<vmem>>) target(%arg7 : memref<128xf32, #tpu.memory_space<hbm>>) target_semaphore(%run_scoped3A : memref<!tpu.dma_semaphore, #tpu.memory_space<semaphore_mem>>)
        tpu.wait_dma2 semaphore(%run_scoped3A : memref<!tpu.dma_semaphore, #tpu.memory_space<semaphore_mem>>) src(%arg18 : memref<128xf32, #tpu.memory_space<vmem>>) dst(%arg7 : memref<128xf32, #tpu.memory_space<hbm>>)
        tpu.yield
      }) : () -> ()
      %swap3A_3241 = arith.constant 0 : index
      %swap3A_3242 = tpu.vector_load %arg14[%swap3A_3241] {strides = array<i32>} : memref<16xf32, #tpu.memory_space<vmem>>, vector<16xf32>,
      tpu.vector_store %arg14[%swap3A_3241], %select_n3A_3231 {strides = array<i32>} : memref<16xf32, #tpu.memory_space<vmem>>, vector<16xf32>,
      "tpu.region"() ({
        %run_scoped3A = tpu.sem_alloc : memref<!tpu.dma_semaphore, #tpu.memory_space<semaphore_mem>>
        tpu.enqueue_dma source(%arg14 : memref<16xf32, #tpu.memory_space<vmem>>) target(%arg8 : memref<16xf32, #tpu.memory_space<hbm>>) target_semaphore(%run_scoped3A : memref<!tpu.dma_semaphore, #tpu.memory_space<semaphore_mem>>)
        tpu.wait_dma2 semaphore(%run_scoped3A : memref<!tpu.dma_semaphore, #tpu.memory_space<semaphore_mem>>) src(%arg14 : memref<16xf32, #tpu.memory_space<vmem>>) dst(%arg8 : memref<16xf32, #tpu.memory_space<hbm>>)
        tpu.yield
      }) : () -> ()
    } else {
    }
    return
  }
}

module attributes {stable_mosaic.version = 14 : i64} {
  func.func @_scores_body(%arg0: i32, %arg1: memref<1x128xf32, #tpu.memory_space<vmem>>, %arg2: memref<25000x128xf32, #tpu.memory_space<vmem>>, %arg3: memref<1x1x25000xf32, #tpu.memory_space<vmem>>, %arg4: memref<1x1x25000xf32, #tpu.memory_space<vmem>>, %arg5: memref<1x1x25000xf32, #tpu.memory_space<vmem>>, %arg6: memref<1x1x25000xf32, #tpu.memory_space<vmem>>) attributes {dimension_semantics = [#tpu.dimension_semantics<arbitrary>], iteration_bounds = array<i64: 20>, scalar_prefetch = 0 : i64, scratch_operands = 0 : i64, tpu.core_type = #tpu.core_type<tc>, window_params = [{pipeline_mode = #tpu.pipeline_mode<synchronous>, transform_indices = @transform_0, window_bounds = array<i64: 1, 128>}, {transform_indices = @transform_1, window_bounds = array<i64: 25000, 128>}, {transform_indices = @transform_2, window_bounds = array<i64: 1, 1, 25000>}, {transform_indices = @transform_3, window_bounds = array<i64: 1, 1, 25000>}, {transform_indices = @transform_4, window_bounds = array<i64: 1, 1, 25000>}, {transform_indices = @transform_5, window_bounds = array<i64: 1, 1, 25000>}]} {
    %get3A = arith.constant 0 : index
    %get3A_0 = arith.constant 0 : index
    %get3A_1 = vector.load %arg1[%get3A, %get3A_0] : memref<1x128xf32, #tpu.memory_space<vmem>>, vector<1x128xf32>
    %get3A_2 = arith.constant 0 : index
    %get3A_3 = arith.constant 0 : index
    %get3A_4 = vector.load %arg2[%get3A_2, %get3A_3] : memref<25000x128xf32, #tpu.memory_space<vmem>>, vector<25000x128xf32>
    %dot_general3A = arith.constant dense<0.000000e+00> : vector<1x25000xf32>
    %dot_general3A_5 = tpu.matmul %get3A_1, %get3A_4, %dot_general3A {dimension_numbers = #tpu.dot_dimension_numbers<[1], [1], [0], [0], [0, 0, 1, 0], [], []>, transpose_lhs_hint = false} : vector<1x128xf32>, vector<25000x128xf32>, vector<1x25000xf32> -> vector<1x25000xf32>
    %squeeze3A = vector.shape_cast %dot_general3A_5 : vector<1x25000xf32> to vector<25000xf32>
    %get3A_6 = arith.constant 0 : index
    %get3A_7 = arith.constant 0 : index
    %get3A_8 = arith.constant 0 : index
    %get3A_9 = vector.load %arg4[%get3A_6, %get3A_7, %get3A_8] : memref<1x1x25000xf32, #tpu.memory_space<vmem>>, vector<1x1x25000xf32>
    %get3A_10 = vector.shape_cast %get3A_9 : vector<1x1x25000xf32> to vector<25000xf32>
    %add3A = arith.constant 1.000000e+00 : f32
    %add3A_11 = vector.broadcast %add3A : f32 to vector<25000xf32>
    %add3A_12 = arith.addf %get3A_10, %add3A_11 : vector<25000xf32>
    %log3A = math.log %add3A_12 : vector<25000xf32>
    %mul3A = arith.constant 1.000000e-01 : f32
    %mul3A_13 = vector.broadcast %mul3A : f32 to vector<25000xf32>
    %mul3A_14 = arith.mulf %mul3A_13, %log3A : vector<25000xf32>
    %add3A_15 = arith.addf %squeeze3A, %mul3A_14 : vector<25000xf32>
    %get3A_16 = arith.constant 0 : index
    %get3A_17 = arith.constant 0 : index
    %get3A_18 = arith.constant 0 : index
    %get3A_19 = vector.load %arg3[%get3A_16, %get3A_17, %get3A_18] : memref<1x1x25000xf32, #tpu.memory_space<vmem>>, vector<1x1x25000xf32>
    %get3A_20 = vector.shape_cast %get3A_19 : vector<1x1x25000xf32> to vector<25000xf32>
    %mul3A_21 = arith.constant 2.000000e-01 : f32
    %mul3A_22 = vector.broadcast %mul3A_21 : f32 to vector<25000xf32>
    %mul3A_23 = arith.mulf %mul3A_22, %get3A_20 : vector<25000xf32>
    %add3A_24 = arith.addf %add3A_15, %mul3A_23 : vector<25000xf32>
    %get3A_25 = arith.constant 0 : index
    %get3A_26 = arith.constant 0 : index
    %get3A_27 = arith.constant 0 : index
    %get3A_28 = vector.load %arg5[%get3A_25, %get3A_26, %get3A_27] : memref<1x1x25000xf32, #tpu.memory_space<vmem>>, vector<1x1x25000xf32>
    %get3A_29 = vector.shape_cast %get3A_28 : vector<1x1x25000xf32> to vector<25000xf32>
    %add3A_30 = arith.constant 9.99999993E-9 : f32
    %add3A_31 = vector.broadcast %add3A_30 : f32 to vector<25000xf32>
    %add3A_32 = arith.addf %get3A_10, %add3A_31 : vector<25000xf32>
    %div3A = arith.divf %get3A_29, %add3A_32 : vector<25000xf32>
    %mul3A_33 = arith.constant 3.000000e-01 : f32
    %mul3A_34 = vector.broadcast %mul3A_33 : f32 to vector<25000xf32>
    %mul3A_35 = arith.mulf %mul3A_34, %div3A : vector<25000xf32>
    %add3A_36 = arith.addf %add3A_24, %mul3A_35 : vector<25000xf32>
    %swap3A = arith.constant 0 : index
    %swap3A_37 = arith.constant 0 : index
    %swap3A_38 = arith.constant 0 : index
    %swap3A_39 = vector.load %arg6[%swap3A, %swap3A_37, %swap3A_38] : memref<1x1x25000xf32, #tpu.memory_space<vmem>>, vector<1x1x25000xf32>
    %swap3A_40 = vector.shape_cast %swap3A_39 : vector<1x1x25000xf32> to vector<25000xf32>
    %swap3A_41 = vector.shape_cast %add3A_36 : vector<25000xf32> to vector<1x1x25000xf32>
    tpu.vector_store %arg6[%swap3A, %swap3A_37, %swap3A_38], %swap3A_41 {strides = array<i32>} : memref<1x1x25000xf32, #tpu.memory_space<vmem>>, vector<1x1x25000xf32>,
    return
  }
  func.func @transform_0(%arg0: i32) -> (i32, i32) {
    %c0_i32 = arith.constant 0 : i32
    %c0_i32_0 = arith.constant 0 : i32
    %c0_i32_1 = arith.constant 0 : i32
    return %c0_i32, %c0_i32_0 : i32, i32
  }
  func.func @transform_1(%arg0: i32) -> (i32, i32) {
    %c0_i32 = arith.constant 0 : i32
    %c0_i32_0 = arith.constant 0 : i32
    return %arg0, %c0_i32 : i32, i32
  }
  func.func @transform_2(%arg0: i32) -> (i32, i32, i32) {
    %c0_i32 = arith.constant 0 : i32
    %c0_i32_0 = arith.constant 0 : i32
    %c0_i32_1 = arith.constant 0 : i32
    return %arg0, %c0_i32, %c0_i32_0 : i32, i32, i32
  }
  func.func @transform_3(%arg0: i32) -> (i32, i32, i32) {
    %c0_i32 = arith.constant 0 : i32
    %c0_i32_0 = arith.constant 0 : i32
    %c0_i32_1 = arith.constant 0 : i32
    return %arg0, %c0_i32, %c0_i32_0 : i32, i32, i32
  }
  func.func @transform_4(%arg0: i32) -> (i32, i32, i32) {
    %c0_i32 = arith.constant 0 : i32
    %c0_i32_0 = arith.constant 0 : i32
    %c0_i32_1 = arith.constant 0 : i32
    return %arg0, %c0_i32, %c0_i32_0 : i32, i32, i32
  }
  func.func @transform_5(%arg0: i32) -> (i32, i32, i32) {
    %c0_i32 = arith.constant 0 : i32
    %c0_i32_0 = arith.constant 0 : i32
    %c0_i32_1 = arith.constant 0 : i32
    return %arg0, %c0_i32, %c0_i32_0 : i32, i32, i32
  }
}

module attributes {stable_mosaic.version = 14 : i64} {
  func.func @_query_body(%arg0: memref<2048x768xf32, #tpu.memory_space<vmem>>, %arg1: memref<768x128xf32, #tpu.memory_space<vmem>>, %arg2: memref<1x128xf32, #tpu.memory_space<vmem>>, %arg3: memref<1x128xf32, #tpu.memory_space<vmem>>) attributes {dimension_semantics = [], scalar_prefetch = 0 : i64, scratch_operands = 0 : i64, tpu.core_type = #tpu.core_type<tc>} {
    %get3A = arith.constant 0 : index
    %get3A_0 = arith.constant 0 : index
    %get3A_1 = vector.load %arg0[%get3A, %get3A_0] : memref<2048x768xf32, #tpu.memory_space<vmem>>, vector<2048x768xf32>
    %reduce_sum3A = arith.constant dense<0.000000e+00> : vector<768xf32>
    %reduce_sum3A_2 = vector.multi_reduction <add>, %get3A_1, %reduce_sum3A [0] : vector<2048x768xf32> to vector<768xf32>
    %div3A = arith.constant 2.048000e+03 : f32
    %div3A_3 = vector.broadcast %div3A : f32 to vector<768xf32>
    %div3A_4 = arith.divf %reduce_sum3A_2, %div3A_3 : vector<768xf32>
    %broadcast_in_dim3A = vector.shape_cast %div3A_4 : vector<768xf32> to vector<1x768xf32>
    %get3A_5 = arith.constant 0 : index
    %get3A_6 = arith.constant 0 : index
    %get3A_7 = vector.load %arg1[%get3A_5, %get3A_6] : memref<768x128xf32, #tpu.memory_space<vmem>>, vector<768x128xf32>
    %dot_general3A = arith.constant dense<0.000000e+00> : vector<1x128xf32>
    %dot_general3A_8 = tpu.matmul %broadcast_in_dim3A, %get3A_7, %dot_general3A {dimension_numbers = #tpu.dot_dimension_numbers<[1], [0], [0], [1], [0, 0, 1, 1], [], []>, transpose_lhs_hint = false} : vector<1x768xf32>, vector<768x128xf32>, vector<1x128xf32> -> vector<1x128xf32>
    %get3A_9 = arith.constant 0 : index
    %get3A_10 = arith.constant 0 : index
    %get3A_11 = vector.load %arg2[%get3A_9, %get3A_10] : memref<1x128xf32, #tpu.memory_space<vmem>>, vector<1x128xf32>
    %add3A = arith.addf %dot_general3A_8, %get3A_11 : vector<1x128xf32>
    %swap3A = arith.constant 0 : index
    %swap3A_12 = arith.constant 0 : index
    %swap3A_13 = vector.load %arg3[%swap3A, %swap3A_12] : memref<1x128xf32, #tpu.memory_space<vmem>>, vector<1x128xf32>
    tpu.vector_store %arg3[%swap3A, %swap3A_12], %add3A {strides = array<i32>} : memref<1x128xf32, #tpu.memory_space<vmem>>, vector<1x128xf32>,
    return
  }
}

module attributes {stable_mosaic.version = 14 : i64} {
  func.func @_output_body(%arg0: memref<2048x768xf32, #tpu.memory_space<vmem>>, %arg1: memref<1x128xf32, #tpu.memory_space<vmem>>, %arg2: memref<128x768xf32, #tpu.memory_space<vmem>>, %arg3: memref<1x768xf32, #tpu.memory_space<vmem>>, %arg4: memref<2048x768xf32, #tpu.memory_space<vmem>>) attributes {dimension_semantics = [], scalar_prefetch = 0 : i64, scratch_operands = 0 : i64, tpu.core_type = #tpu.core_type<tc>} {
    %get3A = arith.constant 0 : index
    %get3A_0 = arith.constant 0 : index
    %get3A_1 = vector.load %arg1[%get3A, %get3A_0] : memref<1x128xf32, #tpu.memory_space<vmem>>, vector<1x128xf32>
    %get3A_2 = vector.shape_cast %get3A_1 : vector<1x128xf32> to vector<128xf32>
    %get3A_3 = arith.constant 0 : index
    %get3A_4 = arith.constant 0 : index
    %get3A_5 = vector.load %arg2[%get3A_3, %get3A_4] : memref<128x768xf32, #tpu.memory_space<vmem>>, vector<128x768xf32>
    %dot_general3A = arith.constant dense<0.000000e+00> : vector<768xf32>
    %dot_general3A_6 = tpu.matmul %get3A_2, %get3A_5, %dot_general3A {dimension_numbers = #tpu.dot_dimension_numbers<[0], [0], [], [1], [1, 1], [], []>, precision = #tpu.contract_precision<fp32>, transpose_lhs_hint = false} : vector<128xf32>, vector<128x768xf32>, vector<768xf32> -> vector<768xf32>
    %get3A_7 = arith.constant 0 : index
    %get3A_8 = arith.constant 0 : index
    %get3A_9 = vector.load %arg3[%get3A_7, %get3A_8] : memref<1x768xf32, #tpu.memory_space<vmem>>, vector<1x768xf32>
    %get3A_10 = vector.shape_cast %get3A_9 : vector<1x768xf32> to vector<768xf32>
    %add3A = arith.addf %dot_general3A_6, %get3A_10 : vector<768xf32>
    %get3A_11 = arith.constant 0 : index
    %get3A_12 = arith.constant 0 : index
    %get3A_13 = vector.load %arg0[%get3A_11, %get3A_12] : memref<2048x768xf32, #tpu.memory_space<vmem>>, vector<2048x768xf32>
    %dot_general3A_14 = arith.constant dense<0.000000e+00> : vector<2048xf32>
    %dot_general3A_15 = tpu.matmul %get3A_13, %add3A, %dot_general3A_14 {dimension_numbers = #tpu.dot_dimension_numbers<[1], [0], [0], [], [0, 0], [], []>, precision = #tpu.contract_precision<fp32>, transpose_lhs_hint = false} : vector<2048x768xf32>, vector<768xf32>, vector<2048xf32> -> vector<2048xf32>
    %logistic3A = arith.negf %dot_general3A_15 : vector<2048xf32>
    %logistic3A_16 = math.exp %logistic3A : vector<2048xf32>
    %logistic3A_17 = arith.constant 1.000000e+00 : f32
    %logistic3A_18 = vector.broadcast %logistic3A_17 : f32 to vector<2048xf32>
    %logistic3A_19 = arith.addf %logistic3A_18, %logistic3A_16 : vector<2048xf32>
    %logistic3A_20 = arith.divf %logistic3A_18, %logistic3A_19 : vector<2048xf32>
    %broadcast_in_dim3A = vector.shape_cast %logistic3A_20 : vector<2048xf32> to vector<2048x1xf32>
    %broadcast_in_dim3A_21 = vector.shape_cast %add3A : vector<768xf32> to vector<1x768xf32>
    %mul3A = vector.broadcast %broadcast_in_dim3A : vector<2048x1xf32> to vector<2048x768xf32>
    %mul3A_22 = vector.broadcast %broadcast_in_dim3A_21 : vector<1x768xf32> to vector<2048x768xf32>
    %mul3A_23 = arith.mulf %mul3A, %mul3A_22 : vector<2048x768xf32>
    %sub3A = arith.constant 1.000000e+00 : f32
    %sub3A_24 = vector.broadcast %sub3A : f32 to vector<2048x1xf32>
    %sub3A_25 = arith.subf %sub3A_24, %broadcast_in_dim3A : vector<2048x1xf32>
    %get3A_26 = arith.constant 0 : index
    %get3A_27 = arith.constant 0 : index
    %get3A_28 = vector.load %arg0[%get3A_26, %get3A_27] : memref<2048x768xf32, #tpu.memory_space<vmem>>, vector<2048x768xf32>
    %mul3A_29 = vector.broadcast %sub3A_25 : vector<2048x1xf32> to vector<2048x768xf32>
    %mul3A_30 = arith.mulf %mul3A_29, %get3A_28 : vector<2048x768xf32>
    %add3A_31 = arith.addf %mul3A_23, %mul3A_30 : vector<2048x768xf32>
    %swap3A = arith.constant 0 : index
    %swap3A_32 = arith.constant 0 : index
    %swap3A_33 = vector.load %arg4[%swap3A, %swap3A_32] : memref<2048x768xf32, #tpu.memory_space<vmem>>, vector<2048x768xf32>
    tpu.vector_store %arg4[%swap3A, %swap3A_32], %add3A_31 {strides = array<i32>} : memref<2048x768xf32, #tpu.memory_space<vmem>>, vector<2048x768xf32>,
    return
  }
}

</mosaic_0001>

<sc_bundles>
// kernel: kernel.6.cloned.1.call-start
scs
__scs_entry_jumppad:
0x0: {  	(pc) =	sbr.rel $0x88, $3  }
0x1: {  	(tag) =	ssettag $0x0;
	lr =	simm.s32 $0x1  }
0x2: {  	[smem:$0x3F97] =	sst lr;
	_ =	strace $0xD0000000  }
0x3: {  	_ = 	snop  }
0x4: {  	_ = 	snop  }
0x5: {  	_ = 	snop  }
0x6: {  	_ = 	snop  }
0x7: {  	_ = 	snop  }
__scs_overlays_trampoline_lowered:
0x8: {  	[smem:$0x3FA6] =	sst s0  }
0x9: {  	[smem:$0x3FA7] =	sst s1  }
0xa: {  	[smem:$0x3FA8] =	sst s2  }
0xb: {  	[smem:$0x3FA9] =	sst s3  }
0xc: {  	[smem:$0x3FAA] =	sst s4  }
0xd: {  	[smem:$0x3FAB] =	sst s5  }
0xe: {  	[smem:$0x3FAC] =	sst s6  }
0xf: {  	[smem:$0x3FAD] =	sst s7  }
0x10: {  	[smem:$0x3FAE] =	sst s8  }
0x11: {  	[smem:$0x3FAF] =	sst s9;
	s0 =	simm.s32 @!p0 $0x0  }
0x12: {  	s1 =	sld [smem:$0x3F95];
	s0 =	simm.s32 @p0 $0x1  }
0x13: {  	[smem:$0x3FB0] =	sst s0;
	s0 =	simm.s32 @!p1 $0x0  }
0x14: {  	s2 =	sld [smem:$0x3F94];
	s0 =	simm.s32 @p1 $0x1  }
0x15: {  	[smem:$0x3FB1] =	sst s0;
	s0 =	simm.s32 @!p2 $0x0  }
0x16: {  	s3 =	sld [smem:$0x3FDB];
	s0 =	simm.s32 @p2 $0x1  }
0x17: {  	s4 =	simm.s32 $0x1BF5;
	[smem:$0x3FB3] =	sst s0  }
0x18: {  	s0 =	sld [smem:$0x3F96];
	_ =	swait.ge [sflag:s4], $0x0  }
0x19: {  	s7 =	sld [smem:$0x3F97]  }
0x1a: {  	s8 =	sadd.s32 $0xFFFFE003, lr  }
0x1b: {  	s9 =	sadd.s32 $0xFFFFFEF7, lr;
	s5 =	simm.s32 $0xFFFFFFFF;
	p2 =	slt.u32 s8, $0xFFFFF086  }
0x1c: {  	p1 =	slt.u32 s9, $0xF7A;
	s5 =	simm.s32 @!p2 $0x0  }
0x1d: {  	s5 =	simm.s32 @p1 $0x1;
	p0 =	seq.s32 s7, s2  }
0x1e: {  	s7 =	smul.u32 @!p0 $0xF7A, s2;
	p2 =	seq.s32 @!p0 s5, $0x0  }
0x1f: {  	s9 =	smul.u32 $0xF7A, s1;
	s8 =	simm.s32 @!p0 $0x1BF5;
	p2 =	por !p2, p0  }
0x20: {  	[sflag:s8] =	ssyncset.s32 @!p0 $0xFFFFF086;
	s6 =	sadd.s32 @!p0 s3, s7;
	s7 =	simm.s32 @!p0 $0x108  }
0x21: {  	s3 =	sadd.s32 s3, s9;
	s6 =	sadd.s32 @!p0 $0x88, s6;
	s7 =	simm.s32 @p2 $0x1082  }
0x22: {  	[simem:s7], [sflag:s8] =	dma.local @!p0 [hbm:s6], $0xF7A  }
0x23: {  	s9 =	sor.u32 $0xD0000000, s2;
	s6 =	simm.s32 $0x108;
	_ =	swait.ge @!p0 [sflag:s8], $0x0  }
0x24: {  	s3 =	sadd.s32 $0x88, s3;
	s6 =	simm.s32 @!p1 $0x1082;
	[sflag:s4] =	ssyncset.s32 $0xFFFFF086  }
0x25: {  	[simem:s6], [sflag:s4] =	dma.local [hbm:s3], $0xF7A  }
0x26: {  	[smem:$0x3F97] =	sst s1;
	(tag) =	ssettag s2;
	_ =	strace s9  }
0x27: {  	s1 =	sld [smem:$0x3FA7]  }
0x28: {  	s2 =	sld [smem:$0x3FA8]  }
0x29: {  	s4 =	sld [smem:$0x3FAA]  }
0x2a: {  	p0 =	seq.s32 s5, $0x0;
	s5 =	sld [smem:$0x3FAB]  }
0x2b: {  	s6 =	sld [smem:$0x3FAC]  }
0x2c: {  	s7 =	sld [smem:$0x3FAD]  }
0x2d: {  	s3 =	simm.s32 $0x108;
	s8 =	sld [smem:$0x3FAE]  }
0x2e: {  	s3 =	simm.s32 @!p0 $0x1082;
	s9 =	sld [smem:$0x3FAF]  }
0x2f: {  	lr =	sadd.s32 s0, s3;
	s0 =	sld [smem:$0x3FA6]  }
0x30: {  	s3 =	sld [smem:$0x3FA9]  }
0x31: {  	[smem:$0x3FB2] =	sst s10  }
0x32: {  	s10 =	sld [smem:$0x3FB0];
	_ =	sdelay $0x3  }
0x33: {  	p0 =	seq.s32 s10, $0x1;
	s10 =	sld [smem:$0x3FB2];
	_ =	sdelay $0x3  }
0x34: {  	[smem:$0x3FB2] =	sst s10  }
0x35: {  	s10 =	sld [smem:$0x3FB1];
	_ =	sdelay $0x3  }
0x36: {  	p1 =	seq.s32 s10, $0x1;
	s10 =	sld [smem:$0x3FB2];
	_ =	sdelay $0x3  }
0x37: {  	[smem:$0x3FB2] =	sst s10  }
0x38: {  	s10 =	sld [smem:$0x3FB3]  }
0x39: {  	_ = 	snop;
	(pc) =	sbr.ind lr, $3  }
0x3a: {  	_ = 	snop  }
0x3b: {  	_ = 	snop  }
0x3c: {  	p2 =	seq.s32 s10, $0x1;
	s10 =	sld [smem:$0x3FB2]  }
0x3d: {  	_ =	shalt  }
0x3e: {  	_ =	shalt  }
0x3f: {  	_ =	shalt  }
0x40: {  	_ =	shalt  }
0x41: {  	_ =	shalt  }
0x42: {  	_ =	shalt  }
0x43: {  	_ =	shalt  }
0x44: {  	_ =	shalt  }
0x45: {  	_ =	shalt  }
0x46: {  	_ =	shalt  }
0x47: {  	_ =	shalt  }
0x48: {  	_ =	shalt  }
0x49: {  	_ =	shalt  }
0x4a: {  	_ =	shalt  }
0x4b: {  	_ =	shalt  }
0x4c: {  	_ =	shalt  }
0x4d: {  	_ =	shalt  }
0x4e: {  	_ =	shalt  }
0x4f: {  	_ =	shalt  }
0x50: {  	_ =	shalt  }
0x51: {  	_ =	shalt  }
0x52: {  	_ =	shalt  }
0x53: {  	_ =	shalt  }
0x54: {  	_ =	shalt  }
0x55: {  	_ =	shalt  }
0x56: {  	_ =	shalt  }
0x57: {  	_ =	shalt  }
0x58: {  	_ =	shalt  }
0x59: {  	_ =	shalt  }
0x5a: {  	_ =	shalt  }
0x5b: {  	_ =	shalt  }
0x5c: {  	_ =	shalt  }
0x5d: {  	_ =	shalt  }
0x5e: {  	_ =	shalt  }
0x5f: {  	_ =	shalt  }
0x60: {  	_ =	shalt  }
0x61: {  	_ =	shalt  }
0x62: {  	_ =	shalt  }
0x63: {  	_ =	shalt  }
0x64: {  	_ =	shalt  }
0x65: {  	_ =	shalt  }
0x66: {  	_ =	shalt  }
0x67: {  	_ =	shalt  }
0x68: {  	_ =	shalt  }
0x69: {  	_ =	shalt  }
0x6a: {  	_ =	shalt  }
0x6b: {  	_ =	shalt  }
0x6c: {  	_ =	shalt  }
0x6d: {  	_ =	shalt  }
0x6e: {  	_ =	shalt  }
0x6f: {  	_ =	shalt  }
0x70: {  	_ =	shalt  }
0x71: {  	_ =	shalt  }
0x72: {  	_ =	shalt  }
0x73: {  	_ =	shalt  }
0x74: {  	_ =	shalt  }
0x75: {  	_ =	shalt  }
0x76: {  	_ =	shalt  }
0x77: {  	_ =	shalt  }
0x78: {  	_ =	shalt  }
0x79: {  	_ =	shalt  }
0x7a: {  	_ =	shalt  }
0x7b: {  	_ =	shalt  }
0x7c: {  	_ =	shalt  }
0x7d: {  	_ =	shalt  }
0x7e: {  	_ =	shalt  }
0x7f: {  	_ =	shalt  }
0x80: {  	_ =	shalt  }
0x81: {  	_ =	shalt  }
0x82: {  	_ =	shalt  }
0x83: {  	_ =	shalt  }
0x84: {  	_ =	shalt  }
0x85: {  	_ =	shalt  }
0x86: {  	_ =	shalt  }
0x87: {  	_ =	shalt  }
.Lfunc_end0:
.L_simem_size_0:
called_computation_lowered:
.L_overlay_start_0:
0x88: {  	s2 =	sld [smem:$0x3FD9]  }
0x89: {  	s3 =	sld [smem:$0x3FFE];
	_ =	sdelay $0x1  }
0x8a: {  	s1 =	srdreg.scid  }
0x8b: {  	s0 =	sand.u32 $0x1, s1  }
0x8c: {  	s14 =	sshll.u32 s0, $0xA;
	s2 =	sadd.s32 s3, s2  }
0x8d: {  	s2 =	sadd.s32 s2, s14  }
0x8e: {  	[smem:$0x3FBE] =	sst s2  }
0x8f: {  	_ = 	snop  }
0x90: {  	s2 =	sld [smem:$0x3FD0];
	_ =	sdelay $0x2  }
0x91: {  	s4 =	simm.s32 $0xA;
	s5 =	simm.s32 $0x10;
	s15 =	sld [smem:$0x3FC7]  }
0x92: {  	[smem:s5], [sflag:s4] =	dma.local [hbm:s2], $0x1  }
0x93: {  	_ =	swait.eq [sflag:s4], $0x1  }
0x94: {  	s16 =	sld [smem:$0x10];
	[sflag:s4] =	ssyncset.done $0x0  }
0x95: {  	s17 =	sld [smem:$0x13];
	[sflag:s4] =	ssyncadd.s32 $0xFFFFFFFF  }
0x96: {  	s18 =	sld [smem:$0x15];
	(tm) =	ssettm $0x1  }
0x97: {  	s6 =	sld [smem:$0x3FFB];
	_ =	sdelay $0x3  }
0x98: {  	_ =	strace s6  }
0x99: {  	s6 =	sld [smem:$0x3FFC];
	_ =	sdelay $0x3  }
0x9a: {  	_ =	strace s6  }
0x9b: {  	s6 =	sld [smem:$0x3FFD];
	_ =	sdelay $0x3  }
0x9c: {  	_ =	strace s6  }
0x9d: {  	_ =	strace $0x8FFFFFFF  }
0x9e: {  	s19 =	sld [smem:$0x3FDB];
	_ =	sdelay $0x1  }
0x9f: {  	s7 =	simm.s32 $_scs_section_size  }
0xa0: {  	s8 =	simm.s32 $_size__tile_overlayer_lowered;
	s9 =	simm.s32 $_tile_overlayer_lowered  }
0xa1: {  	s22 =	simm.s32 $0x1BFF;
	s21 =	sshll.u32 s9, $0x1;
	s6 =	sadd.s32 s7, s19  }
0xa2: {  	s10 =	simm.s32 $0x0;
	s20 =	sshll.u32 s8, $0x1;
	s8 =	sadd.s32 s21, s6  }
0xa3: {  	[timem:s10], [sflag:s22] =	dma.local [hbm:s8], s20  }
0xa4: {  	_ =	swait.ge [sflag:s22], s20  }
0xa5: {  	s7 =	ssub.s32 $0x0, s20;
	[sflag:s22] =	ssyncset.done $0x0  }
0xa6: {  	[sflag:s22] =	ssyncadd.s32 s7;
	_ =	sdelay $0x1  }
0xa7: {  	s23 =	simm.s32 $0x1B8B  }
0xa8: {  	_ =	swait.ge [sflag:s23], $0x1  }
0xa9: {  	[sflag:s23] =	ssyncset.done $0x0  }
0xaa: {  	s25 =	simm.s32 $0x1B8E;
	s24 =	sld [smem:$0x3FFE];
	[sflag:s23] =	ssyncadd.s32 $0xFFFFFFFF  }
0xab: {  	s26 =	simm.s32 $execute0_lowered;
	[smem:$0x3FD2] =	sst s25  }
0xac: {  	s8 =	sshll.u32 s26, $0x1;
	_ =	strace $0x80000046;
	[dreg:$0x1] =	wrdreg $0xFFFFFFFF  }
0xad: {  	s28 =	simm.s32 $_size_execute0_lowered;
	s6 =	sadd.s32 s6, s8;
	[dreg:$0x0] =	wrdreg $0x0  }
0xae: {  	s8 =	sshll.u32 s28, $0x1;
	[dreg:$0x2] =	wrdreg s6  }
0xaf: {  	[dreg:$0x3] =	wrdreg s8  }
0xb0: {  	[dreg:$0x4] =	wrdreg $0xC0  }
0xb1: {  	_ =	task [dreg:s10], $0x5FFFF  }
0xb2: {  	[dreg:$0x1] =	wrdreg $0xFFFFFFFF  }
0xb3: {  	[dreg:$0x0] =	wrdreg $0x60  }
0xb4: {  	[dreg:$0x2] =	wrdreg s16  }
0xb5: {  	[dreg:$0x3] =	wrdreg s15  }
0xb6: {  	[dreg:$0x4] =	wrdreg s24  }
0xb7: {  	[dreg:$0x5] =	wrdreg s17  }
0xb8: {  	[dreg:$0x6] =	wrdreg s18  }
0xb9: {  	[dreg:$0x7] =	wrdreg $0x9  }
0xba: {  	_ =	task.clear_ibuf [dreg:s10], $0x8FFFF;
	_ =	strace $0x90000046  }
0xbb: {  	s29 =	simm.s32 $0x9;
	_ =	strace $0x80000048  }
0xbc: {  	_ =	swait.ge [sflag:s29], $0x1  }
0xbd: {  	[sflag:s29] =	ssyncadd.s32 $0xFFFFFFFF  }
0xbe: {  	_ =	strace $0x90000048  }
0xbf: {  	_ =	sfence  }
0xc0: {  	s30 =	sld [smem:$0x0];
	_ =	sdelay $0x2  }
0xc1: {  	s31 =	sshll.u32 s1, $0xD;
	s1 =	sshrl.u32 s1, $0x2  }
0xc2: {  	s3 =	sand.u32 $0x4000, s31;
	s1 =	sadd.s32 s1, s30  }
0xc3: {  	s0 =	sor.u32 s3, s0;
	s1 =	sshll.u32 s1, $0x11  }
0xc4: {  	s0 =	sor.u32 s1, s0  }
0xc5: {  	s0 =	sadd.s32 $0x8F2B, s0  }
0xc6: {  	[sflag:s0] =	ssyncadd.remote.s32 $0x1  }
0xc7: {  	_ =	sfence.sel $0xFFFF  }
0xc8: {  	[dreg:$0x0] =	wrdreg $0xFFFFFFFF;
	(pc) =	sbr.abs _section_cstart, $3  }
0xc9: {  	[dreg:$0x1] =	wrdreg $0xFFFFFFFF  }
0xca: {  	_ =	task.clear_ibuf [dreg:s10], $0x2FFFF;
	_ =	strace $0x9FFFFFFF  }
0xcb: {  	(tm) =	ssettm $0x7FFFFFFF  }
tec
execute0_lowered:
.L_overlay_start_1:
0x0: {  	(tag) =	ssettag $0x1  }
0x1: {  	s12 =	rddreg [dreg:$0x0]  }
0x2: {  	s1 =	rddreg [dreg:$0x1]  }
0x3: {  	s11 =	rddreg [dreg:$0x2]  }
0x4: {  	s2 =	rddreg [dreg:$0x3]  }
0x5: {  	s3 =	rddreg [dreg:$0x4]  }
0x6: {  	s0 =	rddreg [dreg:$0x5]  }
0x7: {  	s4 =	simm.s32 $0x0;
	s8 =	srdreg.scid;
	s5 =	stileid.u32  }
0x8: {  	s17 =	simm.s32 $0x8A80;
	s18 =	simm.s32 $0x8B00;
	s20 =	simm.s32 $0x8280  }
0x9: {  	s21 =	simm.s32 $0x10;
	s22 =	simm.s32 $0x8B80;
	s23 =	simm.s32 $0x8C00  }
0xa: {  	s24 =	simm.s32 $0x1;
	s25 =	simm.s32 $0x9400;
	s26 =	simm.s32 $0x0  }
0xb: {  	[smem:$0x7FF] =	sst s4;
	s6 =	sadd.s32 $0x1E00, s11;
	s7 =	sadd.s32 $0x2000, s11  }
0xc: {  	s16 =	sand.u32 $0x1, s8;
	s8 =	sadd.s32 $0x2200, s11;
	s9 =	smul.u32 $0x7A20, s5  }
0xd: {  	s10 =	sadd.s32 $0x1A00, s11;
	s11 =	sadd.s32 $0x1C00, s11;
	s31 =	sshll.u32 s5, $0x4  }
.Ltmp0:
0xe: {  	v0 =	vlaneseq.u32;
	_ =	strace $0x80000047;
	s13 =	ssub.s32 $0x2, s16;
	(pc) =	sbr.rel .LBB2_1-.Ltmp0, $4  }
0xf: {  	v1 =	vimm.s32 $0x0;
	vm15 =	vmmov $0x1;
	vm1 =	vcmask $0x714;
	s19 =	sor.u32 s5, s16;
	p0 =	sne.s32 s16, $0x0;
	s16 =	simm.s32 $0x2  }
0x10: {  	vm2 =	vcmask $0x1300;
	v6 =	vimm.f32 $0.0e+00;
	v7 =	vimm.s32 $0x0;
	s14 =	sshrl.u32 s13, $0x1;
	s30 =	sshrl.u32 s9, $0x3;
	p1 =	sne.s32 s19, $0x0  }
0x11: {  	v2 =	vor.u32 $0x10, v0;
	v3 =	vor.u32 $0x20, v0;
	v7 =	vsel vm15, $0xFFFFFFFF, v7;
	s19 =	simm.s32 $0x7A80;
	s15 =	ssub.s32 s13, s14;
	s12 =	sadd.s32 s12, s30  }
0x12: {  	v4 =	vor.u32 $0x30, v0;
	v5 =	vor.u32 $0x40, v0;
	v6 =	vsel vm2, $0x3F800000, v6;
	[tilespmem:$0x1FFF0] =	vst v7;
	s13 =	sadd.s32 s10, s31;
	s14 =	sadd.s32 s11, s31;
	s15 =	smax.u32 s15, $0x1  }
.LBB2_4:
0x13: {  	v18 =	vsel vm10, v18, v20  }
0x14: {  	vm2 =	vgt.f32 v24, v19;
	vm3 =	vgt.f32 v18, $-1.000000020e+30  }
0x15: {  	v29 =	vsel vm2, v24, v19;
	v30 =	vsel vm2, v19, v24;
	v31 =	vnsel vm3, $0xF149F2CA, v18  }
0x16: {  	vm3 =	vgt.f32 v30, v21;
	vm4 =	vgt.f32 v29, v31  }
0x17: {  	v25 =	vsel vm3, v30, v21;
	v19 =	vsel vm3, v21, v30;
	v32 =	vsel vm4, v29, v31  }
0x18: {  	v7 =	vsel vm7, v23, v7;
	vm8 =	vgt.f32 v19, v22;
	vm5 =	vgt.f32 v25, v32  }
0x19: {  	v33 =	vsel vm8, v22, v19;
	v19 =	vsel vm8, v19, v22;
	v21 =	vsel vm5, v25, v32  }
0x1a: {  	vm6 =	vgt.f32 v33, v7;
	vm12 =	vgt.f32 v19, v21  }
0x1b: {  	v34 =	vsel vm6, v33, v7;
	v7 =	vsel vm12, v19, v21  }
0x1c: {  	vm13 =	vgt.f32 v34, v7  }
0x1d: {  	v21 =	vsel vm13, v34, v7  }
0x1e: {  	(xrf0) =	vmax.scan.msk.f32 $0xffff, v21;
	_ =	sdelay $0x5  }
0x1f: {  	v7, _, _ =	vpop (xrf0)  }
0x20: {  	v7 =	vbroadcast v7, $0xF;
	_ =	sdelay $0x1  }
0x21: {  	vm14 =	veq.f32 v21, v7  }
0x22: {  	v21 =	vsel vm14, $0x1, v1  }
0x23: {  	(xrf0) =	vadd.scan.msk.s32 $0xffff, v21;
	_ =	sdelay $0x5  }
0x24: {  	v35 =	vsel vm4, $0x1, v1;
	v36, _, _ =	vpop (xrf0)  }
0x25: {  	v21 =	vsel vm5, $0x2, v35;
	vm4 =	veq.s32 v36, $0x1  }
0x26: {  	v21 =	vsel vm12, $0x3, v21;
	vm4 =	vmand vm14, vm4  }
0x27: {  	v21 =	vsel vm13, $0x4, v21;
	v37 =	vnsel vm4, $0x0, v0  }
0x28: {  	v21 =	vnsel vm4, $0x0, v21;
	(xrf0) =	vadd.scan.msk.s32 $0xffff, v37  }
0x29: {  	(xrf0) =	vadd.scan.msk.s32 $0xffff, v21;
	_ =	sdelay $0x4  }
0x2a: {  	v38, _, _ =	vpop (xrf0)  }
0x2b: {  	(v2sf) =	vpush v38, $0xF;
	v39, _, _ =	vpop (xrf0)  }
0x2c: {  	(v2sf) =	vpush v39, $0xF;
	_ =	sdelay $0xb  }
0x2d: {  	v14 =	vsel vm9, v14, v9;
	v41 =	vsel vm10, v16, v10  }
0x2e: {  	v40 =	vsel vm11, v15, v17;
	v10 =	vsel vm10, v10, v8;
	v42 =	vsel vm2, v14, v41  }
0x2f: {  	vm0 =	vmxor vm0, vm0;
	v13 =	vsel vm7, v40, v13;
	v43 =	vsel vm3, v11, v42;
	s28 =	spop (v2sf)  }
0x30: {  	v9 =	vsel vm3, v42, v11;
	v11 =	vsel vm2, v41, v14;
	v44 =	vbroadcast v38, $0xF;
	s29 =	spop (v2sf)  }
0x31: {  	vm3 =	vmmov vm0;
	v8 =	vsel vm8, v43, v12;
	v45 =	vsel vm8, v12, v43;
	p2 =	seq.s32 s29, $0x0  }
0x32: {  	vm4 =	vmmov vm0;
	vm2 =	veq.s32 v44, v0;
	s30 =	sshll.u32 s29, $0x4;
	vm3 =	vmneg @p2 vm3;
	p2 =	seq.s32 s29, $0x1  }
0x33: {  	v12 =	vsel vm6, v45, v13;
	s28 =	sadd.s32 s28, s30;
	vm3 =	vmand vm2, vm3;
	vm4 =	vmneg @p2 vm4  }
0x34: {  	v46 =	vmov s28;
	v47 =	vnsel vm3, $0x0, v10;
	vm3 =	vmand vm2, vm4  }
0x35: {  	vm11 =	veq.s32 v46, v0;
	vm8 =	veq.s32 v46, v2;
	vm9 =	veq.s32 v46, v3  }
0x36: {  	p2 =	seq.s32 s29, $0x2;
	v48 =	vsel vm3, v11, v47;
	vm3 =	vmmov vm0;
	v49 =	vsel vm11, $0xF149F2CA, v18  }
0x37: {  	vm10 =	veq.s32 v46, v4;
	vm3 =	vmneg @p2 vm3;
	vm4 =	vgt.f32 v49, $-1.000000020e+30  }
0x38: {  	v51 =	vsel vm8, $0xF149F2CA, v29;
	vm3 =	vmand vm2, vm3;
	v50 =	vnsel vm4, $0xF149F2CA, v49  }
0x39: {  	p2 =	seq.s32 s29, $0x3;
	v13 =	vsel vm3, v9, v48;
	vm3 =	vmmov vm0;
	vm4 =	vgt.f32 v51, v50  }
0x3a: {  	v52 =	vsel vm9, $0xF149F2CA, v25;
	vm3 =	vmneg @p2 vm3;
	v16 =	vsel vm4, v51, v50  }
0x3b: {  	v19 =	vsel vm10, $0xF149F2CA, v19;
	vm3 =	vmand vm2, vm3;
	vm5 =	vgt.f32 v52, v16  }
0x3c: {  	p2 =	seq.s32 s29, $0x4;
	v13 =	vsel vm3, v8, v13;
	vm3 =	vmmov vm0;
	v16 =	vsel vm5, v52, v16  }
0x3d: {  	vm11 =	veq.s32 v46, v5;
	vm3 =	vmneg @p2 vm3;
	vm6 =	vgt.f32 v19, v16  }
0x3e: {  	v54 =	vsel vm11, $0xF149F2CA, v34;
	vm2 =	vmand vm2, vm3;
	v53 =	vsel vm6, v19, v16  }
0x3f: {  	v13 =	vsel vm2, v12, v13;
	vm2 =	vgt.f32 v54, v53  }
0x40: {  	(xrf0) =	vadd.scan.msk.s32 $0xffff, v13;
	v55 =	vsel vm2, v54, v53  }
0x41: {  	(xrf0) =	vmax.scan.msk.f32 $0xffff, v55;
	_ =	sdelay $0x4  }
0x42: {  	v14, _, _ =	vpop (xrf0)  }
0x43: {  	v56, _, _ =	vpop (xrf0)  }
0x44: {  	v13 =	vbroadcast v56, $0xF;
	_ =	sdelay $0x1  }
0x45: {  	vm3 =	veq.f32 v55, v13  }
0x46: {  	v20 =	vsel vm3, $0x1, v1  }
0x47: {  	(xrf0) =	vadd.scan.msk.s32 $0xffff, v20;
	_ =	sdelay $0x5  }
0x48: {  	v57 =	vsel vm4, $0x1, v1;
	v58, _, _ =	vpop (xrf0)  }
0x49: {  	v20 =	vsel vm5, $0x2, v57;
	vm9 =	veq.s32 v58, $0x1  }
0x4a: {  	v20 =	vsel vm6, $0x3, v20;
	vm3 =	vmand vm3, vm9  }
0x4b: {  	v20 =	vsel vm2, $0x4, v20;
	v59 =	vnsel vm3, $0x0, v0  }
0x4c: {  	v20 =	vnsel vm3, $0x0, v20;
	(xrf0) =	vadd.scan.msk.s32 $0xffff, v59  }
0x4d: {  	(xrf0) =	vadd.scan.msk.s32 $0xffff, v20;
	_ =	sdelay $0x4  }
0x4e: {  	v60, _, _ =	vpop (xrf0)  }
0x4f: {  	(v2sf) =	vpush v60, $0xF;
	v61, _, _ =	vpop (xrf0)  }
0x50: {  	(v2sf) =	vpush v61, $0xF;
	_ =	sdelay $0xd  }
0x51: {  	s28 =	spop (v2sf)  }
0x52: {  	v20 =	vbroadcast v60, $0xF;
	s29 =	spop (v2sf)  }
0x53: {  	vm3 =	vmmov vm0;
	p2 =	seq.s32 s29, $0x0  }
0x54: {  	vm4 =	vmmov vm0;
	vm2 =	veq.s32 v20, v0;
	s31 =	sshll.u32 s29, $0x4;
	vm3 =	vmneg @p2 vm3;
	p2 =	seq.s32 s29, $0x1  }
0x55: {  	s28 =	sadd.s32 s28, s31;
	vm3 =	vmand vm2, vm3;
	vm4 =	vmneg @p2 vm4  }
0x56: {  	v62 =	vmov s28;
	v63 =	vnsel vm3, $0x0, v10;
	vm3 =	vmand vm2, vm4  }
0x57: {  	vm10 =	veq.s32 v62, v0;
	vm11 =	veq.s32 v62, v2;
	vm8 =	veq.s32 v62, v3  }
0x58: {  	p2 =	seq.s32 s29, $0x2;
	v21 =	vsel vm3, v11, v63;
	vm3 =	vmmov vm0;
	v24 =	vsel vm10, $0xF149F2CA, v49  }
0x59: {  	vm9 =	veq.s32 v62, v4;
	vm3 =	vmneg @p2 vm3;
	vm4 =	vgt.f32 v24, $-1.000000020e+30  }
0x5a: {  	v17 =	vsel vm11, $0xF149F2CA, v51;
	vm3 =	vmand vm2, vm3;
	v15 =	vnsel vm4, $0xF149F2CA, v24  }
0x5b: {  	p2 =	seq.s32 s29, $0x3;
	v21 =	vsel vm3, v9, v21;
	vm3 =	vmmov vm0;
	vm4 =	vgt.f32 v17, v15  }
0x5c: {  	v18 =	vsel vm8, $0xF149F2CA, v52;
	vm3 =	vmneg @p2 vm3;
	v15 =	vsel vm4, v17, v15  }
0x5d: {  	v19 =	vsel vm9, $0xF149F2CA, v19;
	vm3 =	vmand vm2, vm3;
	vm5 =	vgt.f32 v18, v15  }
0x5e: {  	p2 =	seq.s32 s29, $0x4;
	v21 =	vsel vm3, v8, v21;
	vm3 =	vmmov vm0;
	v15 =	vsel vm5, v18, v15  }
0x5f: {  	vm10 =	veq.s32 v62, v5;
	vm3 =	vmneg @p2 vm3;
	vm6 =	vgt.f32 v19, v15  }
0x60: {  	v20 =	vsel vm10, $0xF149F2CA, v54;
	vm2 =	vmand vm2, vm3;
	v15 =	vsel vm6, v19, v15  }
0x61: {  	v25 =	vsel vm2, v12, v21;
	vm2 =	vgt.f32 v20, v15  }
0x62: {  	(xrf0) =	vadd.scan.msk.s32 $0xffff, v25;
	v26 =	vsel vm2, v20, v15  }
0x63: {  	(xrf0) =	vmax.scan.msk.f32 $0xffff, v26;
	_ =	sdelay $0x4  }
0x64: {  	v16, _, _ =	vpop (xrf0)  }
0x65: {  	v27, _, _ =	vpop (xrf0)  }
0x66: {  	v15 =	vbroadcast v27, $0xF;
	_ =	sdelay $0x1  }
0x67: {  	vm3 =	veq.f32 v26, v15  }
0x68: {  	v21 =	vsel vm3, $0x1, v1  }
0x69: {  	(xrf0) =	vadd.scan.msk.s32 $0xffff, v21;
	_ =	sdelay $0x5  }
0x6a: {  	v28 =	vsel vm4, $0x1, v1;
	v29, _, _ =	vpop (xrf0)  }
0x6b: {  	v21 =	vsel vm5, $0x2, v28;
	vm11 =	veq.s32 v29, $0x1  }
0x6c: {  	v21 =	vsel vm6, $0x3, v21;
	vm3 =	vmand vm3, vm11  }
0x6d: {  	v21 =	vsel vm2, $0x4, v21;
	v30 =	vnsel vm3, $0x0, v0  }
0x6e: {  	v21 =	vnsel vm3, $0x0, v21;
	(xrf0) =	vadd.scan.msk.s32 $0xffff, v30  }
0x6f: {  	(xrf0) =	vadd.scan.msk.s32 $0xffff, v21;
	_ =	sdelay $0x4  }
0x70: {  	v31, _, _ =	vpop (xrf0)  }
0x71: {  	(v2sf) =	vpush v31, $0xF;
	v32, _, _ =	vpop (xrf0)  }
0x72: {  	(v2sf) =	vpush v32, $0xF;
	_ =	sdelay $0xd  }
0x73: {  	s28 =	spop (v2sf)  }
0x74: {  	v21 =	vbroadcast v31, $0xF;
	s29 =	spop (v2sf)  }
0x75: {  	vm3 =	vmmov vm0;
	p2 =	seq.s32 s29, $0x0  }
0x76: {  	vm4 =	vmmov vm0;
	vm2 =	veq.s32 v21, v0;
	s31 =	sshll.u32 s29, $0x4;
	vm3 =	vmneg @p2 vm3;
	p2 =	seq.s32 s29, $0x1  }
0x77: {  	s28 =	sadd.s32 s28, s31;
	vm3 =	vmand vm2, vm3;
	vm4 =	vmneg @p2 vm4  }
0x78: {  	v33 =	vmov s28;
	v34 =	vnsel vm3, $0x0, v10;
	vm3 =	vmand vm2, vm4  }
0x79: {  	vm8 =	veq.s32 v33, v0;
	vm9 =	veq.s32 v33, v2;
	vm10 =	veq.s32 v33, v3  }
0x7a: {  	p2 =	seq.s32 s29, $0x2;
	v23 =	vsel vm3, v11, v34;
	vm3 =	vmmov vm0;
	v22 =	vsel vm8, $0xF149F2CA, v24  }
0x7b: {  	vm11 =	veq.s32 v33, v4;
	vm3 =	vmneg @p2 vm3;
	vm4 =	vgt.f32 v22, $-1.000000020e+30  }
0x7c: {  	v36 =	vsel vm9, $0xF149F2CA, v17;
	vm3 =	vmand vm2, vm3;
	v35 =	vnsel vm4, $0xF149F2CA, v22  }
0x7d: {  	p2 =	seq.s32 s29, $0x3;
	v37 =	vsel vm3, v9, v23;
	vm3 =	vmmov vm0;
	vm4 =	vgt.f32 v36, v35  }
0x7e: {  	v39 =	vsel vm10, $0xF149F2CA, v18;
	vm3 =	vmneg @p2 vm3;
	v38 =	vsel vm4, v36, v35  }
0x7f: {  	v19 =	vsel vm11, $0xF149F2CA, v19;
	vm3 =	vmand vm2, vm3;
	vm5 =	vgt.f32 v39, v38  }
0x80: {  	p2 =	seq.s32 s29, $0x4;
	v17 =	vsel vm3, v8, v37;
	vm3 =	vmmov vm0;
	v18 =	vsel vm5, v39, v38  }
0x81: {  	vm9 =	veq.s32 v33, v5;
	vm3 =	vmneg @p2 vm3;
	vm6 =	vgt.f32 v19, v18  }
0x82: {  	v20 =	vsel vm9, $0xF149F2CA, v20;
	vm2 =	vmand vm2, vm3;
	v18 =	vsel vm6, v19, v18  }
0x83: {  	v17 =	vsel vm2, v12, v17;
	vm2 =	vgt.f32 v20, v18  }
0x84: {  	(xrf0) =	vadd.scan.msk.s32 $0xffff, v17;
	v40 =	vsel vm2, v20, v18  }
0x85: {  	(xrf0) =	vmax.scan.msk.f32 $0xffff, v40;
	_ =	sdelay $0x4  }
0x86: {  	v41, _, _ =	vpop (xrf0)  }
0x87: {  	v42, _, _ =	vpop (xrf0)  }
0x88: {  	v17 =	vbroadcast v42, $0xF;
	_ =	sdelay $0x1  }
0x89: {  	vm3 =	veq.f32 v40, v17  }
0x8a: {  	v21 =	vsel vm3, $0x1, v1  }
0x8b: {  	(xrf0) =	vadd.scan.msk.s32 $0xffff, v21;
	_ =	sdelay $0x5  }
0x8c: {  	v43 =	vsel vm4, $0x1, v1;
	v44, _, _ =	vpop (xrf0)  }
0x8d: {  	v21 =	vsel vm5, $0x2, v43;
	vm10 =	veq.s32 v44, $0x1  }
0x8e: {  	v21 =	vsel vm6, $0x3, v21;
	vm3 =	vmand vm3, vm10  }
0x8f: {  	v21 =	vsel vm2, $0x4, v21;
	v45 =	vnsel vm3, $0x0, v0  }
0x90: {  	v21 =	vnsel vm3, $0x0, v21;
	(xrf0) =	vadd.scan.msk.s32 $0xffff, v45  }
0x91: {  	(xrf0) =	vadd.scan.msk.s32 $0xffff, v21;
	_ =	sdelay $0x4  }
0x92: {  	v46, _, _ =	vpop (xrf0)  }
0x93: {  	(v2sf) =	vpush v46, $0xF;
	v47, _, _ =	vpop (xrf0)  }
0x94: {  	(v2sf) =	vpush v47, $0xF;
	_ =	sdelay $0xd  }
0x95: {  	s28 =	spop (v2sf)  }
0x96: {  	s29 =	spop (v2sf)  }
0x97: {  	vm4 =	vmmov vm0;
	s31 =	sshll.u32 s29, $0x4;
	p2 =	seq.s32 s29, $0x0  }
0x98: {  	vm5 =	vmmov vm0;
	vm6 =	vmmov vm0;
	s28 =	sadd.s32 s28, s31;
	vm4 =	vmneg @p2 vm4;
	p2 =	seq.s32 s29, $0x1  }
0x99: {  	v21 =	vbroadcast v46, $0xF;
	v48 =	vmov s28;
	vm5 =	vmneg @p2 vm5;
	p2 =	seq.s32 s29, $0x2  }
0x9a: {  	vm2 =	veq.s32 v48, v0;
	vm3 =	veq.s32 v48, v2;
	vm6 =	vmneg @p2 vm6  }
0x9b: {  	vm10 =	veq.s32 v48, v3;
	v22 =	vsel vm2, $0xF149F2CA, v22;
	v25 =	vsel vm3, $0xF149F2CA, v36  }
0x9c: {  	vm3 =	veq.s32 v21, v0;
	v24 =	vsel vm10, $0xF149F2CA, v39;
	vm10 =	veq.s32 v48, v5  }
0x9d: {  	vm2 =	vgt.f32 v22, $-1.000000020e+30;
	vm4 =	vmand vm3, vm4;
	vm11 =	vmand vm3, vm5  }
0x9e: {  	p2 =	seq.s32 s29, $0x3;
	vm9 =	vmand vm3, vm6;
	vm5 =	vmmov vm0;
	v22 =	vnsel vm2, $0xF149F2CA, v22  }
0x9f: {  	v50 =	vnsel vm4, $0x0, v10;
	vm5 =	vmneg @p2 vm5;
	vm2 =	vgt.f32 v25, v22  }
0xa0: {  	v49 =	vsel vm2, v25, v22;
	v22 =	vsel vm11, v11, v50;
	vm11 =	vmand vm3, vm5  }
0xa1: {  	v22 =	vsel vm9, v9, v22;
	vm5 =	vgt.f32 v24, v49;
	vm9 =	veq.s32 v48, v4  }
0xa2: {  	p2 =	seq.s32 s29, $0x4;
	vm4 =	vmmov vm0;
	v21 =	vsel vm5, v24, v49;
	v19 =	vsel vm9, $0xF149F2CA, v19  }
0xa3: {  	v20 =	vsel vm10, $0xF149F2CA, v20;
	vm4 =	vmneg @p2 vm4;
	vm6 =	vgt.f32 v19, v21  }
0xa4: {  	vm3 =	vmand vm3, vm4;
	v22 =	vsel vm11, v8, v22;
	v19 =	vsel vm6, v19, v21  }
0xa5: {  	v51 =	vsel vm3, v12, v22;
	vm3 =	vgt.f32 v20, v19  }
0xa6: {  	(xrf0) =	vadd.scan.msk.s32 $0xffff, v51;
	v19 =	vsel vm3, v20, v19  }
0xa7: {  	(xrf0) =	vmax.scan.msk.f32 $0xffff, v19;
	_ =	sdelay $0x4  }
0xa8: {  	v52, _, _ =	vpop (xrf0)  }
0xa9: {  	v53, _, _ =	vpop (xrf0)  }
0xaa: {  	v21 =	vbroadcast v53, $0xF;
	_ =	sdelay $0x1  }
0xab: {  	vm11 =	veq.f32 v19, v21  }
0xac: {  	v19 =	vsel vm11, $0x1, v1  }
0xad: {  	(xrf0) =	vadd.scan.msk.s32 $0xffff, v19;
	_ =	sdelay $0x5  }
0xae: {  	v54 =	vsel vm2, $0x1, v1;
	v55, _, _ =	vpop (xrf0)  }
0xaf: {  	v19 =	vsel vm5, $0x2, v54;
	vm2 =	veq.s32 v55, $0x1  }
0xb0: {  	v19 =	vsel vm6, $0x3, v19;
	vm2 =	vmand vm11, vm2  }
0xb1: {  	v19 =	vsel vm3, $0x4, v19;
	v56 =	vnsel vm2, $0x0, v0  }
0xb2: {  	v19 =	vnsel vm2, $0x0, v19;
	(xrf0) =	vadd.scan.msk.s32 $0xffff, v56  }
0xb3: {  	(xrf0) =	vadd.scan.msk.s32 $0xffff, v19;
	_ =	sdelay $0x4  }
0xb4: {  	v57, _, _ =	vpop (xrf0)  }
0xb5: {  	v58, _, _ =	vpop (xrf0)  }
0xb6: {  	(v2sf) =	vpush v58, $0xF;
	_ =	sdelay $0xe  }
0xb7: {  	v19 =	vbroadcast v57, $0xF;
	s31 =	spop (v2sf)  }
0xb8: {  	vm2 =	vmmov vm0;
	p2 =	seq.s32 s31, $0x0  }
0xb9: {  	vm4 =	vmmov vm0;
	vm3 =	veq.s32 v19, v0;
	vm2 =	vmneg @p2 vm2;
	p2 =	seq.s32 s31, $0x1  }
0xba: {  	vm2 =	vmand vm3, vm2;
	vm4 =	vmneg @p2 vm4  }
0xbb: {  	vm5 =	vmmov vm0;
	p2 =	seq.s32 s31, $0x2;
	v10 =	vnsel vm2, $0x0, v10;
	vm2 =	vmand vm3, vm4  }
0xbc: {  	vm5 =	vmneg @p2 vm5;
	p2 =	seq.s32 s31, $0x3;
	vm4 =	vmmov vm0;
	v10 =	vsel vm2, v11, v10  }
0xbd: {  	vm2 =	vmand vm3, vm5;
	vm4 =	vmneg @p2 vm4;
	p2 =	seq.s32 s31, $0x4;
	vm5 =	vmmov vm0  }
0xbe: {  	v9 =	vsel vm2, v9, v10;
	vm2 =	vmand vm3, vm4;
	vm5 =	vmneg @p2 vm5  }
0xbf: {  	v8 =	vsel vm2, v8, v9;
	vm2 =	vmand vm3, vm5  }
0xc0: {  	v8 =	vsel vm2, v12, v8  }
0xc1: {  	(xrf0) =	vadd.scan.msk.s32 $0xffff, v8;
	_ =	sdelay $0x1  }
0xc2: {  	v7 =	vnsel vm15, $0xF149F2CA, v7;
	v8 =	vbroadcast v14, $0xF  }
0xc3: {  	v59 =	vbroadcast v16, $0xF;
	v60 =	vbroadcast v41, $0xF;
	vm0 =	vcmask $0x314  }
0xc4: {  	v61 =	vbroadcast v52, $0xF;
	v7 =	vsel vm0, v7, v13;
	v8 =	vnsel vm15, $0x0, v8  }
0xc5: {  	v7 =	vsel vm1, v7, v15;
	v8 =	vsel vm0, v8, v59;
	vm0 =	vcmask $0xB14  }
0xc6: {  	v8 =	vsel vm1, v8, v60;
	v7 =	vsel vm0, v7, v17;
	v62, _, _ =	vpop (xrf0)  }
0xc7: {  	v8 =	vsel vm0, v8, v61;
	vm0 =	vcmask $0xF14;
	v63 =	vbroadcast v62, $0xF  }
0xc8: {  	v7 =	vsel vm0, v7, v21  }
0xc9: {  	[tilespmem:$0x8A80] =	vst v7;
	v8 =	vsel vm0, v8, v63  }
0xca: {  	[tilespmem:$0x8B00] =	vst v8  }
0xcb: {  	[hbm4b:s13+s4] =	stream.linear.scatter [tilespmem:s17], [sflag:$0x2], $0x80, $0x38;
	[tilespmem:$0x9480] =	vst v63  }
0xcc: {  	_ =	swait.ge [sflag:s16], $0x80  }
0xcd: {  	[sflag:s16] =	ssyncset.done $0x0  }
0xce: {  	[sflag:s16] =	ssyncadd.s32 $0xFFFFFF80  }
0xcf: {  	[hbm4b:s14+s4] =	stream.linear.scatter [tilespmem:s18], [sflag:$0x2], $0x80, $0x38;
	[tilespmem:$0x9480] =	vst v63  }
0xd0: {  	_ =	swait.ge [sflag:s16], $0x80  }
0xd1: {  	[sflag:s16] =	ssyncset.done $0x0  }
0xd2: {  	[sflag:s16] =	ssyncadd.s32 $0xFFFFFF80  }
.LBB2_5:
.Ltmp1:
0xd3: {  	(pc) =	sbr.rel @!p1 .LBB2_6-.Ltmp1, $2  }
0xd4: {  	_ =	sdelay $0x1  }
0xd5: {  	[bflag:$0x0] =	sbarrier.arrive $0xFFFF;
	_ =	sdelay $0x1  }
.LBB2_7:
0xd6: {  	s26 =	sadd.s32 $0x1, s26  }
0xd7: {  	p2 =	sne.s32 s26, s15  }
.Ltmp2:
0xd8: {  	_ = 	snop;
	(pc) =	sbr.rel @!p2 .LBB2_8-.Ltmp2, $1  }
0xd9: {  	_ =	sdelay $0x3  }
.LBB2_1:
.Ltmp3:
0xda: {  	(pc) =	sbr.rel @p0 .LBB2_5-.Ltmp3, $1  }
0xdb: {  	_ =	sdelay $0x3  }
0xdc: {  	s28 =	simm.s32 $0x0  }
0xdd: {  	[tilespmem:s28], [sflag:$0x2] =	stream.linear.gather [hbm4b:s12+s28], $0x7A20, $0x38;
	[tilespmem:$0x9480] =	vst v63  }
0xde: {  	_ =	swait.ge [sflag:s16], $0x7A20  }
0xdf: {  	[sflag:s16] =	ssyncset.done $0x0  }
0xe0: {  	s28 =	simm.s32 $0x0;
	[sflag:s16] =	ssyncadd.s32 $0xFFFF85E0  }
0xe1: {  	v8 =	vld [tilespmem:s28+$0x0];
	_ =	sdelay $0x1  }
0xe2: {  	s28 =	simm.s32 $0x10  }
0xe3: {  	v18 =	vld [tilespmem:s28+$0x0]  }
0xe4: {  	v7 =	vimm.f32 $-1.000000020e+30  }
0xe5: {  	v9 =	vimm.s32 $0x0;
	vm2 =	vgt.f32 v8, v7  }
0xe6: {  	v11 =	vor.u32 s9, v0;
	v15 =	vimm.s32 $0x0;
	v10 =	vsel vm2, v7, v8  }
0xe7: {  	v20 =	vsel vm2, v8, v7;
	v8 =	vsel vm2, v11, v9;
	vm9 =	vgt.f32 v10, v7  }
0xe8: {  	s28 =	sadd.s32 $0x10, s9;
	v14 =	vsel vm2, v9, v11;
	vm10 =	vgt.f32 v18, v20;
	v12 =	vsel vm9, v7, v10  }
0xe9: {  	v19 =	vsel vm9, v10, v7;
	v10 =	vor.u32 s28, v0;
	vm2 =	vgt.f32 v12, v7  }
0xea: {  	v11 =	vsel vm9, v9, v14;
	v24 =	vsel vm10, v20, v18;
	v13 =	vsel vm2, v7, v12  }
0xeb: {  	v21 =	vsel vm2, v12, v7;
	v17 =	vsel vm2, v9, v11;
	vm11 =	vgt.f32 v13, v7  }
0xec: {  	v11 =	vsel vm2, v11, v9;
	v12 =	vsel vm11, v17, v9;
	v23 =	vsel vm11, v7, v13  }
0xed: {  	s29 =	simm.s32 $0x80;
	v16 =	vmovc v8;
	v22 =	vsel vm11, v13, v7;
	v13 =	vimm.s32 $0x0;
	vm7 =	vgt.f32 v23, v7  }
.LBB2_3:
0xee: {  	s30 =	sshra.s32 s29, $0x2;
	p2 =	sne.s32 s29, $0x1E840;
	s29 =	sadd.s32 $0x40, s29;
	v9 =	vsel vm9, v14, v9;
	v14 =	vsel vm11, v15, v17;
	v7 =	vsel vm7, v23, v7;
	v15 =	vmovc v12  }
0xef: {  	v20 =	vsel vm10, v18, v20;
	vm9 =	vgt.f32 v24, v19;
	v18 =	vld [tilespmem:s30+$0x0];
	v13 =	vsel vm7, v14, v13  }
0xf0: {  	v8 =	vsel vm10, v10, v8;
	s28 =	sadd.s32 $0x10, s28;
	v17 =	vsel vm9, v19, v24;
	v19 =	vsel vm9, v24, v19  }
.Ltmp4:
0xf1: {  	v14 =	vsel vm10, v16, v10;
	v10 =	vor.u32 s28, v0;
	v16 =	vmovc v8;
	vm2 =	vgt.f32 v17, v21;
	(pc) =	sbr.rel @p2 .LBB2_3-.Ltmp4, $4  }
0xf2: {  	v23 =	vsel vm9, v9, v14;
	v25 =	vsel vm2, v21, v17;
	v21 =	vsel vm2, v17, v21  }
0xf3: {  	v17 =	vsel vm2, v11, v23;
	v11 =	vsel vm2, v23, v11;
	vm11 =	vgt.f32 v25, v22  }
0xf4: {  	v12 =	vsel vm11, v17, v12;
	v23 =	vsel vm11, v22, v25;
	vm10 =	vgt.f32 v18, v20  }
0xf5: {  	v22 =	vsel vm11, v25, v22;
	vm7 =	vgt.f32 v23, v7;
	v24 =	vsel vm10, v20, v18  }
.Ltmp5:
0xf6: {  	_ = 	snop;
	(pc) =	sbr.rel .LBB2_4-.Ltmp5, $1  }
0xf7: {  	_ =	sdelay $0x3  }
.LBB2_6:
0xf8: {  	[tilespmem:s19], [sflag:$0x2] =	stream.linear.gather [hbm4b:s10+s4], $0x800, $0x38;
	[tilespmem:$0x9480] =	vst v63  }
0xf9: {  	_ =	swait.ge [sflag:s16], $0x800  }
0xfa: {  	[sflag:s16] =	ssyncset.done $0x0  }
0xfb: {  	[sflag:s16] =	ssyncadd.s32 $0xFFFFF800  }
0xfc: {  	[tilespmem:s20], [sflag:$0x2] =	stream.linear.gather [hbm4b:s11+s4], $0x800, $0x38;
	[tilespmem:$0x9480] =	vst v63  }
0xfd: {  	_ =	swait.ge [sflag:s16], $0x800  }
0xfe: {  	[sflag:s16] =	ssyncset.done $0x0  }
0xff: {  	[sflag:s16] =	ssyncadd.s32 $0xFFFFF800  }
0x100: {  	v34 =	vld [tilespmem:$0x7A80];
	_ =	sdelay $0x1  }
0x101: {  	v19 =	vld [tilespmem:$0x7B00];
	_ =	sdelay $0x1  }
0x102: {  	v33 =	vld [tilespmem:$0x7B80]  }
0x103: {  	vm2 =	vgt.f32 v34, $-1.000000020e+30  }
0x104: {  	v32 =	vld [tilespmem:$0x7C00];
	v7 =	vnsel vm2, $0xF149F2CA, v34  }
0x105: {  	vm2 =	vgt.f32 v19, v7  }
0x106: {  	v20 =	vld [tilespmem:$0x7C80];
	v7 =	vsel vm2, v19, v7  }
0x107: {  	vm3 =	vgt.f32 v33, v7  }
0x108: {  	v31 =	vld [tilespmem:$0x7D00];
	v7 =	vsel vm3, v33, v7  }
0x109: {  	vm4 =	vgt.f32 v32, v7  }
0x10a: {  	v30 =	vld [tilespmem:$0x7D80];
	v7 =	vsel vm4, v32, v7  }
0x10b: {  	vm6 =	vgt.f32 v20, v7  }
0x10c: {  	v21 =	vld [tilespmem:$0x7E00];
	v7 =	vsel vm6, v20, v7  }
0x10d: {  	vm7 =	vgt.f32 v31, v7  }
0x10e: {  	v28 =	vld [tilespmem:$0x7E80];
	v7 =	vsel vm7, v31, v7  }
0x10f: {  	vm8 =	vgt.f32 v30, v7  }
0x110: {  	v27 =	vld [tilespmem:$0x7F00];
	v7 =	vsel vm8, v30, v7  }
0x111: {  	vm5 =	vgt.f32 v21, v7  }
0x112: {  	v22 =	vld [tilespmem:$0x7F80];
	v7 =	vsel vm5, v21, v7  }
0x113: {  	vm9 =	vgt.f32 v28, v7  }
0x114: {  	v26 =	vld [tilespmem:$0x8000];
	v7 =	vsel vm9, v28, v7  }
0x115: {  	vm10 =	vgt.f32 v27, v7  }
0x116: {  	v23 =	vld [tilespmem:$0x8080];
	v7 =	vsel vm10, v27, v7  }
0x117: {  	vm11 =	vgt.f32 v22, v7  }
0x118: {  	v29 =	vld [tilespmem:$0x8100];
	v7 =	vsel vm11, v22, v7  }
0x119: {  	vm12 =	vgt.f32 v26, v7  }
0x11a: {  	v25 =	vld [tilespmem:$0x8180];
	v7 =	vsel vm12, v26, v7  }
0x11b: {  	vm13 =	vgt.f32 v23, v7  }
0x11c: {  	v24 =	vld [tilespmem:$0x8200];
	v7 =	vsel vm13, v23, v7  }
0x11d: {  	vm14 =	vgt.f32 v29, v7  }
0x11e: {  	v7 =	vsel vm14, v29, v7  }
0x11f: {  	vm15 =	vgt.f32 v25, v7  }
0x120: {  	v7 =	vsel vm15, v25, v7  }
0x121: {  	vm1 =	vgt.f32 v24, v7  }
0x122: {  	v8 =	vsel vm1, v24, v7  }
0x123: {  	(xrf0) =	vmax.scan.msk.f32 $0xffff, v8;
	_ =	sdelay $0x5  }
0x124: {  	v7 =	vsel vm2, $0x1, v1;
	v9, _, _ =	vpop (xrf0)  }
0x125: {  	v10 =	vsel vm3, $0x2, v7;
	v7 =	vbroadcast v9, $0xF  }
0x126: {  	v47 =	vsel vm4, $0x3, v10  }
0x127: {  	v9 =	vsel vm6, $0x4, v47;
	vm2 =	veq.f32 v8, v7  }
0x128: {  	v8 =	vsel vm7, $0x5, v9;
	v48 =	vsel vm2, $0x1, v1  }
0x129: {  	v8 =	vsel vm8, $0x6, v8;
	(xrf0) =	vadd.scan.msk.s32 $0xffff, v48  }
0x12a: {  	v8 =	vsel vm5, $0x7, v8  }
0x12b: {  	v8 =	vsel vm9, $0x8, v8  }
0x12c: {  	v8 =	vsel vm10, $0x9, v8  }
0x12d: {  	v8 =	vsel vm11, $0xA, v8  }
0x12e: {  	v8 =	vsel vm12, $0xB, v8  }
0x12f: {  	v8 =	vsel vm13, $0xC, v8;
	v9, _, _ =	vpop (xrf0)  }
0x130: {  	v8 =	vsel vm14, $0xD, v8;
	vm3 =	veq.s32 v9, $0x1  }
0x131: {  	v8 =	vsel vm15, $0xE, v8;
	vm2 =	vmand vm2, vm3  }
0x132: {  	v8 =	vsel vm1, $0xF, v8;
	v49 =	vnsel vm2, $0x0, v0  }
0x133: {  	v8 =	vnsel vm2, $0x0, v8;
	(xrf0) =	vadd.scan.msk.s32 $0xffff, v49  }
0x134: {  	(xrf0) =	vadd.scan.msk.s32 $0xffff, v8;
	_ =	sdelay $0x4  }
0x135: {  	v8, _, _ =	vpop (xrf0)  }
0x136: {  	(v2sf) =	vpush v8, $0xF;
	v50, _, _ =	vpop (xrf0)  }
0x137: {  	(v2sf) =	vpush v50, $0xF;
	_ =	sdelay $0xd  }
0x138: {  	v14 =	vld [tilespmem:$0x8280];
	s29 =	spop (v2sf)  }
0x139: {  	v54 =	vimm.s32 $0x0;
	vm6 =	vmxor vm6, vm6;
	v51 =	vbroadcast v8, $0xF;
	s28 =	spop (v2sf)  }
0x13a: {  	v56 =	vimm.s32 $0x0;
	v36 =	vor.u32 $0x50, v0;
	v13 =	vld [tilespmem:$0x8300];
	vm1 =	vmmov vm6;
	p2 =	seq.s32 s28, $0x0  }
0x13b: {  	v12 =	vld [tilespmem:$0x8380];
	vm4 =	vmmov vm6;
	vm9 =	veq.s32 v51, v0;
	s30 =	sshll.u32 s28, $0x4;
	vm1 =	vmneg @p2 vm1  }
0x13c: {  	vm3 =	vmmov vm6;
	vm2 =	vmmov vm6;
	v8 =	vld [tilespmem:$0x8400];
	p2 =	seq.s32 s28, $0x1;
	s29 =	sadd.s32 s29, s30;
	vm1 =	vmand vm9, vm1  }
0x13d: {  	vm2 =	vmneg @p2 vm2;
	p2 =	seq.s32 s28, $0x2;
	v43 =	vmov s29;
	v15 =	vnsel vm1, $0x0, v14  }
0x13e: {  	v9 =	vld [tilespmem:$0x8480];
	vm1 =	vmand vm9, vm2;
	vm3 =	vmneg @p2 vm3;
	p2 =	seq.s32 s28, $0x3;
	vm2 =	vmmov vm6  }
0x13f: {  	v10 =	vld [tilespmem:$0x8500];
	v15 =	vsel vm1, v13, v15;
	vm1 =	vmand vm9, vm3;
	vm2 =	vmneg @p2 vm2  }
0x140: {  	v11 =	vld [tilespmem:$0x8580];
	p2 =	seq.s32 s28, $0x4;
	vm3 =	vmmov vm6;
	v16 =	vsel vm1, v12, v15;
	vm1 =	vmand vm9, vm2  }
0x141: {  	vm3 =	vmneg @p2 vm3;
	p2 =	seq.s32 s28, $0x5;
	vm2 =	vmmov vm6;
	v17 =	vsel vm1, v8, v16  }
0x142: {  	v15 =	vld [tilespmem:$0x8600];
	vm1 =	vmand vm9, vm3;
	vm2 =	vmneg @p2 vm2;
	p2 =	seq.s32 s28, $0x6;
	vm3 =	vmmov vm6  }
0x143: {  	v17 =	vsel vm1, v9, v17;
	vm1 =	vmand vm9, vm2;
	vm3 =	vmneg @p2 vm3  }
0x144: {  	v16 =	vld [tilespmem:$0x8680];
	p2 =	seq.s32 s28, $0x7;
	vm2 =	vmmov vm6;
	v18 =	vsel vm1, v10, v17;
	vm1 =	vmand vm9, vm3  }
0x145: {  	v17 =	vld [tilespmem:$0x8700];
	vm2 =	vmneg @p2 vm2;
	vm3 =	veq.s32 v43, v0;
	v18 =	vsel vm1, v11, v18  }
0x146: {  	p2 =	seq.s32 s28, $0x8;
	vm1 =	vmmov vm6;
	vm2 =	vmand vm9, vm2;
	v44 =	vsel vm3, $0xF149F2CA, v34  }
0x147: {  	vm1 =	vmneg @p2 vm1;
	v35 =	vsel vm2, v15, v18;
	p2 =	seq.s32 s28, $0x9;
	vm2 =	vmmov vm6  }
0x148: {  	vm3 =	veq.s32 v43, v2;
	vm1 =	vmand vm9, vm1;
	vm2 =	vmneg @p2 vm2  }
0x149: {  	v18 =	vld [tilespmem:$0x8780];
	v45 =	vsel vm3, $0xF149F2CA, v19;
	v35 =	vsel vm1, v16, v35;
	vm1 =	vmand vm9, vm2  }
0x14a: {  	p2 =	seq.s32 s28, $0xA;
	vm2 =	vgt.f32 v44, $-1.000000020e+30;
	v52 =	vsel vm1, v17, v35;
	vm1 =	vmmov vm6  }
0x14b: {  	v53 =	vnsel vm2, $0xF149F2CA, v44;
	vm2 =	veq.s32 v43, v3;
	vm1 =	vmneg @p2 vm1  }
0x14c: {  	vm0 =	vgt.f32 v45, v53;
	v46 =	vsel vm2, $0xF149F2CA, v33;
	vm2 =	veq.s32 v43, v4  }
0x14d: {  	v19 =	vsel vm0, $0xFFFFFFFF, v54;
	vm1 =	vmand vm9, vm1;
	v35 =	vsel vm0, v45, v53  }
0x14e: {  	v47 =	vsel vm2, $0xF149F2CA, v32;
	vm2 =	veq.s32 v43, v5;
	[tilespmem:$0x1FF70] =	vst v19;
	v19 =	vld [tilespmem:$0x8800];
	v55 =	vsel vm1, v18, v52  }
0x14f: {  	vm1 =	vmmov vm6;
	vm0 =	vgt.f32 v46, v35;
	v48 =	vsel vm2, $0xF149F2CA, v20  }
0x150: {  	p2 =	seq.s32 s28, $0xB;
	vm2 =	vmmov vm6;
	v34 =	vsel vm0, $0xFFFFFFFF, v56;
	v57 =	vsel vm0, v46, v35  }
0x151: {  	vm1 =	vmneg @p2 vm1;
	v35 =	vor.u32 $0x60, v0;
	vm12 =	vgt.f32 v47, v57  }
0x152: {  	vm0 =	vmmov vm6;
	vm1 =	vmand vm9, vm1;
	v32 =	vsel vm12, v47, v57  }
0x153: {  	p2 =	seq.s32 s28, $0xC;
	vm13 =	vgt.f32 v48, v32;
	v33 =	vsel vm1, v19, v55;
	vm1 =	veq.s32 v43, v36  }
0x154: {  	v20 =	vld [tilespmem:$0x8880];
	vm2 =	vmneg @p2 vm2;
	v32 =	vsel vm13, v48, v32;
	v49 =	vsel vm1, $0xF149F2CA, v31  }
0x155: {  	[tilespmem:$0x1FF80] =	vst v34;
	v34 =	vor.u32 $0x90, v0;
	vm1 =	veq.s32 v43, v35;
	vm14 =	vgt.f32 v49, v32  }
0x156: {  	v31 =	vor.u32 $0x70, v0;
	v50 =	vsel vm1, $0xF149F2CA, v30;
	v32 =	vsel vm14, v49, v32  }
0x157: {  	vm1 =	vmand vm9, vm2;
	vm2 =	veq.s32 v43, v31;
	vm15 =	vgt.f32 v50, v32  }
0x158: {  	v40 =	vsel vm2, $0xF149F2CA, v21;
	v30 =	vsel vm15, v50, v32;
	v32 =	vor.u32 $0x80, v0  }
0x159: {  	v33 =	vsel vm1, v20, v33;
	vm11 =	vgt.f32 v40, v30;
	vm1 =	veq.s32 v43, v32  }
0x15a: {  	p2 =	seq.s32 s28, $0xD;
	v21 =	vld [tilespmem:$0x8900];
	vm2 =	vmmov vm6;
	v30 =	vsel vm11, v40, v30;
	v51 =	vsel vm1, $0xF149F2CA, v28  }
0x15b: {  	vm2 =	vmneg @p2 vm2;
	vm1 =	veq.s32 v43, v34;
	vm10 =	vgt.f32 v51, v30  }
0x15c: {  	v52 =	vsel vm1, $0xF149F2CA, v27;
	v27 =	vor.u32 $0xA0, v0;
	v28 =	vsel vm10, v51, v30  }
0x15d: {  	vm1 =	vmand vm9, vm2;
	vm2 =	veq.s32 v43, v27;
	vm8 =	vgt.f32 v52, v28  }
0x15e: {  	v37 =	vsel vm2, $0xF149F2CA, v22;
	v30 =	vsel vm8, v52, v28;
	v28 =	vor.u32 $0xB0, v0  }
0x15f: {  	v39 =	vsel vm1, v21, v33;
	vm7 =	vgt.f32 v37, v30;
	vm1 =	veq.s32 v43, v28  }
0x160: {  	p2 =	seq.s32 s28, $0xE;
	v33 =	vor.u32 $0xC0, v0;
	v22 =	vld [tilespmem:$0x8980];
	v30 =	vsel vm7, v37, v30;
	v41 =	vsel vm1, $0xF149F2CA, v26  }
0x161: {  	vm4 =	vmneg @p2 vm4;
	vm1 =	veq.s32 v43, v33;
	vm3 =	vgt.f32 v41, v30  }
0x162: {  	v26 =	vor.u32 $0xD0, v0;
	v42 =	vsel vm1, $0xF149F2CA, v23;
	v30 =	vsel vm3, v41, v30  }
0x163: {  	vm1 =	vmand vm9, vm4;
	vm5 =	veq.s32 v43, v26;
	vm4 =	vgt.f32 v42, v30  }
0x164: {  	v23 =	vld [tilespmem:$0x8A00];
	v38 =	vsel vm5, $0xF149F2CA, v29;
	v29 =	vor.u32 $0xE0, v0;
	v30 =	vsel vm4, v42, v30  }
0x165: {  	v53 =	vsel vm1, v22, v39;
	vm1 =	veq.s32 v43, v29;
	vm5 =	vgt.f32 v38, v30  }
0x166: {  	p2 =	seq.s32 s28, $0xF;
	v39 =	vsel vm1, $0xF149F2CA, v25;
	v54 =	vsel vm5, v38, v30;
	v30 =	vor.u32 $0xF0, v0  }
0x167: {  	vm0 =	vmneg @p2 vm0;
	vm2 =	vgt.f32 v39, v54;
	vm1 =	veq.s32 v43, v30  }
0x168: {  	vm0 =	vmand vm9, vm0;
	v25 =	vsel vm2, v39, v54;
	v43 =	vsel vm1, $0xF149F2CA, v24  }
0x169: {  	v58 =	vsel vm0, v23, v53;
	vm0 =	vgt.f32 v43, v25  }
0x16a: {  	(xrf0) =	vadd.scan.msk.s32 $0xffff, v58;
	v59 =	vsel vm0, v43, v25  }
0x16b: {  	v60 =	vld [tilespmem:$0x1FF70];
	(xrf0) =	vmax.scan.msk.f32 $0xffff, v59  }
0x16c: {  	v55 =	vld [tilespmem:$0x1FF80];
	_ =	sdelay $0x3  }
0x16d: {  	vm1 =	vnez.u8 v60;
	v24, _, _ =	vpop (xrf0)  }
0x16e: {  	v25 =	vsel vm1, $0x1, v1;
	vm1 =	vnez.u8 v55;
	v61, _, _ =	vpop (xrf0)  }
0x16f: {  	v55 =	vsel vm1, $0x2, v25;
	v25 =	vbroadcast v61, $0xF  }
0x170: {  	v62 =	vsel vm12, $0x3, v55  }
0x171: {  	v54 =	vsel vm13, $0x4, v62;
	vm1 =	veq.f32 v59, v25  }
0x172: {  	v63 =	vsel vm14, $0x5, v54;
	v57 =	vsel vm1, $0x1, v1  }
0x173: {  	v53 =	vsel vm15, $0x6, v63;
	(xrf0) =	vadd.scan.msk.s32 $0xffff, v57  }
0x174: {  	v53 =	vsel vm11, $0x7, v53  }
0x175: {  	v53 =	vsel vm10, $0x8, v53  }
0x176: {  	v53 =	vsel vm8, $0x9, v53  }
0x177: {  	v53 =	vsel vm7, $0xA, v53  }
0x178: {  	v53 =	vsel vm3, $0xB, v53  }
0x179: {  	v53 =	vsel vm4, $0xC, v53;
	v54, _, _ =	vpop (xrf0)  }
0x17a: {  	v53 =	vsel vm5, $0xD, v53;
	vm3 =	veq.s32 v54, $0x1  }
0x17b: {  	v53 =	vsel vm2, $0xE, v53;
	vm1 =	vmand vm1, vm3  }
0x17c: {  	v53 =	vsel vm0, $0xF, v53;
	v58 =	vnsel vm1, $0x0, v0  }
0x17d: {  	v53 =	vnsel vm1, $0x0, v53;
	(xrf0) =	vadd.scan.msk.s32 $0xffff, v58  }
0x17e: {  	(xrf0) =	vadd.scan.msk.s32 $0xffff, v53;
	_ =	sdelay $0x4  }
0x17f: {  	v59, _, _ =	vpop (xrf0)  }
0x180: {  	(v2sf) =	vpush v59, $0xF;
	v60, _, _ =	vpop (xrf0)  }
0x181: {  	(v2sf) =	vpush v60, $0xF;
	_ =	sdelay $0xd  }
0x182: {  	s29 =	spop (v2sf)  }
0x183: {  	v53 =	vbroadcast v59, $0xF;
	s28 =	spop (v2sf)  }
0x184: {  	v56 =	vimm.s32 $0x0;
	vm0 =	vmmov vm6;
	p2 =	seq.s32 s28, $0x0  }
0x185: {  	v63 =	vimm.s32 $0x0;
	vm9 =	veq.s32 v53, v0;
	s31 =	sshll.u32 s28, $0x4;
	vm0 =	vmneg @p2 vm0  }
0x186: {  	vm2 =	vmmov vm6;
	vm1 =	vmmov vm6;
	p2 =	seq.s32 s28, $0x1;
	s29 =	sadd.s32 s29, s31;
	vm0 =	vmand vm9, vm0  }
0x187: {  	vm1 =	vmneg @p2 vm1;
	p2 =	seq.s32 s28, $0x2;
	v55 =	vmov s29;
	v61 =	vnsel vm0, $0x0, v14  }
0x188: {  	vm0 =	vmand vm9, vm1;
	vm2 =	vmneg @p2 vm2;
	p2 =	seq.s32 s28, $0x3;
	vm1 =	vmmov vm6  }
0x189: {  	v53 =	vsel vm0, v13, v61;
	vm0 =	vmand vm9, vm2;
	vm1 =	vmneg @p2 vm1  }
0x18a: {  	vm2 =	veq.s32 v55, v0;
	v53 =	vsel vm0, v12, v53;
	vm0 =	vmand vm9, vm1  }
0x18b: {  	p2 =	seq.s32 s28, $0x4;
	vm1 =	vmmov vm6;
	v44 =	vsel vm2, $0xF149F2CA, v44;
	vm2 =	veq.s32 v55, v2  }
0x18c: {  	v53 =	vsel vm0, v8, v53;
	vm1 =	vmneg @p2 vm1;
	p2 =	seq.s32 s28, $0x5;
	vm0 =	vmmov vm6  }
0x18d: {  	v45 =	vsel vm2, $0xF149F2CA, v45;
	vm1 =	vmand vm9, vm1;
	vm0 =	vmneg @p2 vm0  }
0x18e: {  	v53 =	vsel vm1, v9, v53;
	vm0 =	vmand vm9, vm0;
	vm1 =	vgt.f32 v44, $-1.000000020e+30  }
0x18f: {  	p2 =	seq.s32 s28, $0x6;
	v53 =	vsel vm0, v10, v53;
	vm0 =	vmmov vm6;
	v62 =	vnsel vm1, $0xF149F2CA, v44  }
0x190: {  	vm1 =	veq.s32 v55, v3;
	vm0 =	vmneg @p2 vm0;
	vm2 =	vgt.f32 v45, v62  }
0x191: {  	v46 =	vsel vm1, $0xF149F2CA, v46;
	vm1 =	veq.s32 v55, v4;
	vm0 =	vmand vm9, vm0  }
0x192: {  	v56 =	vsel vm2, $0xFFFFFFFF, v56;
	v54 =	vsel vm2, v45, v62;
	v47 =	vsel vm1, $0xF149F2CA, v47  }
0x193: {  	vm1 =	veq.s32 v55, v5;
	v53 =	vsel vm0, v11, v53;
	vm0 =	vmmov vm6  }
0x194: {  	p2 =	seq.s32 s28, $0x7;
	vm2 =	vgt.f32 v46, v54;
	v48 =	vsel vm1, $0xF149F2CA, v48;
	vm1 =	veq.s32 v55, v36  }
0x195: {  	[tilespmem:$0x1FF90] =	vst v56;
	vm0 =	vmneg @p2 vm0;
	v56 =	vsel vm2, $0xFFFFFFFF, v63;
	v54 =	vsel vm2, v46, v54  }
0x196: {  	v49 =	vsel vm1, $0xF149F2CA, v49;
	vm1 =	veq.s32 v55, v35;
	vm0 =	vmand vm9, vm0  }
0x197: {  	p2 =	seq.s32 s28, $0x8;
	vm12 =	vgt.f32 v47, v54;
	v53 =	vsel vm0, v15, v53;
	vm0 =	vmmov vm6  }
0x198: {  	v50 =	vsel vm1, $0xF149F2CA, v50;
	v54 =	vsel vm12, v47, v54;
	vm0 =	vmneg @p2 vm0  }
0x199: {  	vm1 =	veq.s32 v55, v31;
	vm13 =	vgt.f32 v48, v54;
	vm0 =	vmand vm9, vm0  }
0x19a: {  	p2 =	seq.s32 s28, $0x9;
	v54 =	vsel vm13, v48, v54;
	v53 =	vsel vm0, v16, v53;
	vm0 =	vmmov vm6  }
0x19b: {  	v40 =	vsel vm1, $0xF149F2CA, v40;
	vm14 =	vgt.f32 v49, v54;
	vm0 =	vmneg @p2 vm0  }
0x19c: {  	vm1 =	veq.s32 v55, v32;
	v54 =	vsel vm14, v49, v54;
	vm0 =	vmand vm9, vm0  }
0x19d: {  	p2 =	seq.s32 s28, $0xA;
	vm15 =	vgt.f32 v50, v54;
	v53 =	vsel vm0, v17, v53;
	vm0 =	vmmov vm6  }
0x19e: {  	v51 =	vsel vm1, $0xF149F2CA, v51;
	v54 =	vsel vm15, v50, v54;
	vm0 =	vmneg @p2 vm0  }
0x19f: {  	vm1 =	veq.s32 v55, v34;
	vm11 =	vgt.f32 v40, v54;
	vm0 =	vmand vm9, vm0  }
0x1a0: {  	p2 =	seq.s32 s28, $0xB;
	v54 =	vsel vm11, v40, v54;
	v53 =	vsel vm0, v18, v53;
	vm0 =	vmmov vm6  }
0x1a1: {  	v52 =	vsel vm1, $0xF149F2CA, v52;
	vm10 =	vgt.f32 v51, v54;
	vm0 =	vmneg @p2 vm0  }
0x1a2: {  	vm1 =	veq.s32 v55, v27;
	v54 =	vsel vm10, v51, v54;
	vm0 =	vmand vm9, vm0  }
0x1a3: {  	vm8 =	vgt.f32 v52, v54;
	v60 =	vsel vm0, v19, v53;
	vm0 =	vmmov vm6  }
0x1a4: {  	p2 =	seq.s32 s28, $0xC;
	v54 =	vsel vm8, v52, v54;
	v53 =	vsel vm1, $0xF149F2CA, v37;
	vm1 =	veq.s32 v55, v28  }
0x1a5: {  	vm0 =	vmneg @p2 vm0;
	vm7 =	vgt.f32 v53, v54;
	v41 =	vsel vm1, $0xF149F2CA, v41  }
0x1a6: {  	vm1 =	veq.s32 v55, v33;
	vm0 =	vmand vm9, vm0;
	v54 =	vsel vm7, v53, v54  }
0x1a7: {  	p2 =	seq.s32 s28, $0xD;
	v61 =	vsel vm0, v20, v60;
	vm0 =	vmmov vm6;
	vm3 =	vgt.f32 v41, v54  }
0x1a8: {  	v42 =	vsel vm1, $0xF149F2CA, v42;
	vm0 =	vmneg @p2 vm0;
	v54 =	vsel vm3, v41, v54  }
0x1a9: {  	vm1 =	veq.s32 v55, v26;
	vm0 =	vmand vm9, vm0;
	vm4 =	vgt.f32 v42, v54  }
0x1aa: {  	p2 =	seq.s32 s28, $0xE;
	v37 =	vsel vm0, v21, v61;
	vm0 =	vmmov vm6;
	v62 =	vsel vm4, v42, v54  }
0x1ab: {  	v54 =	vsel vm1, $0xF149F2CA, v38;
	vm1 =	veq.s32 v55, v29;
	vm0 =	vmneg @p2 vm0  }
0x1ac: {  	vm5 =	vgt.f32 v54, v62;
	v39 =	vsel vm1, $0xF149F2CA, v39;
	vm0 =	vmand vm9, vm0  }
0x1ad: {  	p2 =	seq.s32 s28, $0xF;
	v38 =	vsel vm5, v54, v62;
	v37 =	vsel vm0, v22, v37;
	vm0 =	vmmov vm6  }
0x1ae: {  	vm1 =	veq.s32 v55, v30;
	vm2 =	vgt.f32 v39, v38;
	vm0 =	vmneg @p2 vm0  }
0x1af: {  	v43 =	vsel vm1, $0xF149F2CA, v43;
	v38 =	vsel vm2, v39, v38;
	vm0 =	vmand vm9, vm0  }
0x1b0: {  	v37 =	vsel vm0, v23, v37;
	vm0 =	vgt.f32 v43, v38  }
0x1b1: {  	(xrf0) =	vadd.scan.msk.s32 $0xffff, v37;
	v63 =	vsel vm0, v43, v38  }
0x1b2: {  	[tilespmem:$0x1FFA0] =	vst v56;
	v60 =	vld [tilespmem:$0x1FF90];
	(xrf0) =	vmax.scan.msk.f32 $0xffff, v63  }
0x1b3: {  	v57 =	vld [tilespmem:$0x1FFA0];
	_ =	sdelay $0x3  }
0x1b4: {  	vm1 =	vnez.u8 v60;
	v37, _, _ =	vpop (xrf0)  }
0x1b5: {  	v38 =	vsel vm1, $0x1, v1;
	vm1 =	vnez.u8 v57;
	v61, _, _ =	vpop (xrf0)  }
0x1b6: {  	v57 =	vsel vm1, $0x2, v38;
	v38 =	vbroadcast v61, $0xF  }
0x1b7: {  	v62 =	vsel vm12, $0x3, v57  }
0x1b8: {  	v56 =	vsel vm13, $0x4, v62;
	vm1 =	veq.f32 v63, v38  }
0x1b9: {  	v63 =	vsel vm14, $0x5, v56;
	v60 =	vsel vm1, $0x1, v1  }
0x1ba: {  	v55 =	vsel vm15, $0x6, v63;
	(xrf0) =	vadd.scan.msk.s32 $0xffff, v60  }
0x1bb: {  	v55 =	vsel vm11, $0x7, v55  }
0x1bc: {  	v55 =	vsel vm10, $0x8, v55  }
0x1bd: {  	v55 =	vsel vm8, $0x9, v55  }
0x1be: {  	v55 =	vsel vm7, $0xA, v55  }
0x1bf: {  	v55 =	vsel vm3, $0xB, v55  }
0x1c0: {  	v55 =	vsel vm4, $0xC, v55;
	v56, _, _ =	vpop (xrf0)  }
0x1c1: {  	v55 =	vsel vm5, $0xD, v55;
	vm3 =	veq.s32 v56, $0x1  }
0x1c2: {  	v55 =	vsel vm2, $0xE, v55;
	vm1 =	vmand vm1, vm3  }
0x1c3: {  	v55 =	vsel vm0, $0xF, v55;
	v61 =	vnsel vm1, $0x0, v0  }
0x1c4: {  	v55 =	vnsel vm1, $0x0, v55;
	(xrf0) =	vadd.scan.msk.s32 $0xffff, v61  }
0x1c5: {  	(xrf0) =	vadd.scan.msk.s32 $0xffff, v55;
	_ =	sdelay $0x4  }
0x1c6: {  	v62, _, _ =	vpop (xrf0)  }
0x1c7: {  	(v2sf) =	vpush v62, $0xF;
	v63, _, _ =	vpop (xrf0)  }
0x1c8: {  	(v2sf) =	vpush v63, $0xF;
	_ =	sdelay $0xd  }
0x1c9: {  	s29 =	spop (v2sf)  }
0x1ca: {  	v55 =	vbroadcast v62, $0xF;
	s28 =	spop (v2sf)  }
0x1cb: {  	v58 =	vimm.s32 $0x0;
	vm2 =	vmmov vm6;
	vm0 =	vmmov vm6;
	p2 =	seq.s32 s28, $0x0  }
0x1cc: {  	vm1 =	vmmov vm6;
	vm9 =	veq.s32 v55, v0;
	vm0 =	vmneg @p2 vm0;
	p2 =	seq.s32 s28, $0x1  }
0x1cd: {  	v63 =	vimm.s32 $0x0;
	vm0 =	vmand vm9, vm0;
	vm1 =	vmneg @p2 vm1;
	p2 =	seq.s32 s28, $0x2  }
0x1ce: {  	s31 =	sshll.u32 s28, $0x4;
	v60 =	vnsel vm0, $0x0, v14;
	vm0 =	vmand vm9, vm1;
	vm2 =	vmneg @p2 vm2  }
0x1cf: {  	s29 =	sadd.s32 s29, s31;
	p2 =	seq.s32 s28, $0x3;
	vm1 =	vmmov vm6;
	v55 =	vsel vm0, v13, v60;
	vm0 =	vmand vm9, vm2  }
0x1d0: {  	vm1 =	vmneg @p2 vm1;
	v60 =	vmov s29;
	v55 =	vsel vm0, v12, v55  }
0x1d1: {  	p2 =	seq.s32 s28, $0x4;
	vm0 =	vmand vm9, vm1;
	vm1 =	vmmov vm6;
	vm2 =	veq.s32 v60, v0  }
0x1d2: {  	v55 =	vsel vm0, v8, v55;
	vm1 =	vmneg @p2 vm1;
	p2 =	seq.s32 s28, $0x5;
	vm0 =	vmmov vm6  }
0x1d3: {  	v56 =	vsel vm2, $0xF149F2CA, v44;
	vm1 =	vmand vm9, vm1;
	vm0 =	vmneg @p2 vm0  }
0x1d4: {  	vm2 =	veq.s32 v60, v2;
	v55 =	vsel vm1, v9, v55;
	vm0 =	vmand vm9, vm0  }
0x1d5: {  	v57 =	vsel vm2, $0xF149F2CA, v45;
	vm1 =	vgt.f32 v56, $-1.000000020e+30;
	v61 =	vsel vm0, v10, v55  }
0x1d6: {  	p2 =	seq.s32 s28, $0x6;
	vm0 =	vmmov vm6;
	v62 =	vnsel vm1, $0xF149F2CA, v56;
	vm1 =	veq.s32 v60, v3  }
0x1d7: {  	vm0 =	vmneg @p2 vm0;
	vm2 =	vgt.f32 v57, v62;
	v59 =	vsel vm1, $0xF149F2CA, v46  }
0x1d8: {  	vm0 =	vmand vm9, vm0;
	v45 =	vsel vm2, $0xFFFFFFFF, v63;
	v55 =	vsel vm2, v57, v62  }
0x1d9: {  	p2 =	seq.s32 s28, $0x7;
	v44 =	vsel vm0, v11, v61;
	vm0 =	vmmov vm6;
	vm2 =	vgt.f32 v59, v55  }
0x1da: {  	vm1 =	veq.s32 v60, v4;
	vm0 =	vmneg @p2 vm0;
	v46 =	vsel vm2, $0xFFFFFFFF, v58  }
0x1db: {  	[tilespmem:$0x1FFB0] =	vst v45;
	v45 =	vsel vm2, v59, v55;
	v58 =	vsel vm1, $0xF149F2CA, v47;
	vm1 =	veq.s32 v60, v5  }
0x1dc: {  	vm0 =	vmand vm9, vm0;
	vm12 =	vgt.f32 v58, v45;
	v55 =	vsel vm1, $0xF149F2CA, v48  }
0x1dd: {  	p2 =	seq.s32 s28, $0x8;
	v44 =	vsel vm0, v15, v44;
	vm0 =	vmmov vm6;
	v45 =	vsel vm12, v58, v45  }
0x1de: {  	vm0 =	vmneg @p2 vm0;
	vm13 =	vgt.f32 v55, v45  }
0x1df: {  	vm1 =	veq.s32 v60, v36;
	vm0 =	vmand vm9, vm0;
	v45 =	vsel vm13, v55, v45  }
0x1e0: {  	p2 =	seq.s32 s28, $0x9;
	v61 =	vsel vm0, v16, v44;
	vm0 =	vmmov vm6;
	v44 =	vsel vm1, $0xF149F2CA, v49  }
0x1e1: {  	vm1 =	veq.s32 v60, v35;
	vm0 =	vmneg @p2 vm0;
	vm14 =	vgt.f32 v44, v45  }
0x1e2: {  	vm0 =	vmand vm9, vm0;
	v62 =	vsel vm14, v44, v45;
	v45 =	vsel vm1, $0xF149F2CA, v50  }
0x1e3: {  	p2 =	seq.s32 s28, $0xA;
	vm1 =	veq.s32 v60, v31;
	v63 =	vsel vm0, v17, v61;
	vm0 =	vmmov vm6  }
0x1e4: {  	[tilespmem:$0x1FFC0] =	vst v46;
	vm15 =	vgt.f32 v45, v62;
	v46 =	vsel vm1, $0xF149F2CA, v40;
	vm0 =	vmneg @p2 vm0  }
0x1e5: {  	vm1 =	veq.s32 v60, v32;
	v47 =	vsel vm15, v45, v62;
	vm0 =	vmand vm9, vm0  }
0x1e6: {  	vm11 =	vgt.f32 v46, v47;
	v61 =	vsel vm0, v18, v63;
	vm0 =	vmmov vm6  }
0x1e7: {  	p2 =	seq.s32 s28, $0xB;
	v62 =	vsel vm11, v46, v47;
	v47 =	vsel vm1, $0xF149F2CA, v51;
	vm1 =	veq.s32 v60, v34  }
0x1e8: {  	vm0 =	vmneg @p2 vm0;
	vm10 =	vgt.f32 v47, v62;
	v48 =	vsel vm1, $0xF149F2CA, v52  }
0x1e9: {  	vm1 =	veq.s32 v60, v27;
	vm0 =	vmand vm9, vm0;
	v63 =	vsel vm10, v47, v62  }
0x1ea: {  	p2 =	seq.s32 s28, $0xC;
	v49 =	vsel vm1, $0xF149F2CA, v53;
	v40 =	vsel vm0, v19, v61;
	vm0 =	vmmov vm6  }
0x1eb: {  	vm1 =	veq.s32 v60, v28;
	vm8 =	vgt.f32 v48, v63;
	vm0 =	vmneg @p2 vm0  }
0x1ec: {  	v41 =	vsel vm1, $0xF149F2CA, v41;
	v61 =	vsel vm8, v48, v63;
	vm0 =	vmand vm9, vm0  }
0x1ed: {  	p2 =	seq.s32 s28, $0xD;
	vm7 =	vgt.f32 v49, v61;
	v40 =	vsel vm0, v20, v40;
	vm0 =	vmmov vm6  }
0x1ee: {  	vm1 =	veq.s32 v60, v33;
	v50 =	vsel vm7, v49, v61;
	vm0 =	vmneg @p2 vm0  }
0x1ef: {  	v42 =	vsel vm1, $0xF149F2CA, v42;
	vm3 =	vgt.f32 v41, v50;
	vm0 =	vmand vm9, vm0  }
0x1f0: {  	p2 =	seq.s32 s28, $0xE;
	v50 =	vsel vm3, v41, v50;
	v40 =	vsel vm0, v21, v40;
	vm0 =	vmmov vm6  }
0x1f1: {  	vm1 =	veq.s32 v60, v26;
	vm4 =	vgt.f32 v42, v50;
	vm0 =	vmneg @p2 vm0  }
0x1f2: {  	v62 =	vsel vm4, v42, v50;
	v50 =	vsel vm1, $0xF149F2CA, v54;
	vm1 =	veq.s32 v60, v29  }
0x1f3: {  	vm0 =	vmand vm9, vm0;
	vm5 =	vgt.f32 v50, v62;
	v51 =	vsel vm1, $0xF149F2CA, v39  }
0x1f4: {  	p2 =	seq.s32 s28, $0xF;
	v40 =	vsel vm0, v22, v40;
	vm0 =	vmmov vm6;
	v63 =	vsel vm5, v50, v62  }
0x1f5: {  	vm1 =	veq.s32 v60, v30;
	vm0 =	vmneg @p2 vm0;
	vm2 =	vgt.f32 v51, v63  }
0x1f6: {  	v43 =	vsel vm1, $0xF149F2CA, v43;
	vm0 =	vmand vm9, vm0;
	v39 =	vsel vm2, v51, v63  }
0x1f7: {  	v40 =	vsel vm0, v23, v40;
	vm0 =	vgt.f32 v43, v39  }
0x1f8: {  	(xrf0) =	vadd.scan.msk.s32 $0xffff, v40;
	v52 =	vsel vm0, v43, v39  }
0x1f9: {  	v61 =	vld [tilespmem:$0x1FFB0];
	(xrf0) =	vmax.scan.msk.f32 $0xffff, v52  }
0x1fa: {  	v63 =	vld [tilespmem:$0x1FFC0];
	_ =	sdelay $0x3  }
0x1fb: {  	vm1 =	vnez.u8 v61;
	v39, _, _ =	vpop (xrf0)  }
0x1fc: {  	v40 =	vsel vm1, $0x1, v1;
	vm1 =	vnez.u8 v63;
	v62, _, _ =	vpop (xrf0)  }
0x1fd: {  	v54 =	vsel vm1, $0x2, v40;
	v40 =	vbroadcast v62, $0xF  }
0x1fe: {  	v60 =	vsel vm12, $0x3, v54  }
0x1ff: {  	v53 =	vsel vm13, $0x4, v60;
	vm1 =	veq.f32 v52, v40  }
0x200: {  	v61 =	vsel vm14, $0x5, v53;
	v62 =	vsel vm1, $0x1, v1  }
0x201: {  	v52 =	vsel vm15, $0x6, v61;
	(xrf0) =	vadd.scan.msk.s32 $0xffff, v62  }
0x202: {  	v52 =	vsel vm11, $0x7, v52  }
0x203: {  	v52 =	vsel vm10, $0x8, v52  }
0x204: {  	v52 =	vsel vm8, $0x9, v52  }
0x205: {  	v52 =	vsel vm7, $0xA, v52  }
0x206: {  	v52 =	vsel vm3, $0xB, v52  }
0x207: {  	v52 =	vsel vm4, $0xC, v52;
	v53, _, _ =	vpop (xrf0)  }
0x208: {  	v52 =	vsel vm5, $0xD, v52;
	vm3 =	veq.s32 v53, $0x1  }
0x209: {  	v52 =	vsel vm2, $0xE, v52;
	vm1 =	vmand vm1, vm3  }
0x20a: {  	v52 =	vsel vm0, $0xF, v52;
	v63 =	vnsel vm1, $0x0, v0  }
0x20b: {  	v52 =	vnsel vm1, $0x0, v52;
	(xrf0) =	vadd.scan.msk.s32 $0xffff, v63  }
0x20c: {  	(xrf0) =	vadd.scan.msk.s32 $0xffff, v52;
	_ =	sdelay $0x4  }
0x20d: {  	v53, _, _ =	vpop (xrf0)  }
0x20e: {  	(v2sf) =	vpush v53, $0xF;
	v52, _, _ =	vpop (xrf0)  }
0x20f: {  	(v2sf) =	vpush v52, $0xF;
	_ =	sdelay $0xd  }
0x210: {  	s29 =	spop (v2sf)  }
0x211: {  	s28 =	spop (v2sf)  }
0x212: {  	s31 =	sshll.u32 s28, $0x4  }
0x213: {  	s29 =	sadd.s32 s29, s31  }
0x214: {  	v53 =	vbroadcast v53, $0xF;
	v52 =	vmov s29  }
0x215: {  	v62 =	vimm.s32 $0x0;
	vm0 =	veq.s32 v52, v0  }
0x216: {  	vm2 =	vmmov vm6;
	vm12 =	veq.s32 v53, v0;
	v60 =	vsel vm0, $0xF149F2CA, v56  }
0x217: {  	vm1 =	veq.s32 v52, v2;
	vm3 =	veq.s32 v52, v5;
	vm0 =	vgt.f32 v60, $-1.000000020e+30  }
0x218: {  	v61 =	vsel vm1, $0xF149F2CA, v57;
	v54 =	vnsel vm0, $0xF149F2CA, v60;
	vm0 =	veq.s32 v52, v3  }
0x219: {  	v60 =	vimm.s32 $0x0;
	vm1 =	vgt.f32 v61, v54;
	v63 =	vsel vm0, $0xF149F2CA, v59  }
0x21a: {  	vm0 =	veq.s32 v52, v4;
	v57 =	vsel vm1, $0xFFFFFFFF, v62;
	v54 =	vsel vm1, v61, v54  }
0x21b: {  	v61 =	vsel vm0, $0xF149F2CA, v58;
	vm0 =	vmmov vm6;
	vm1 =	vgt.f32 v63, v54  }
0x21c: {  	p2 =	seq.s32 s28, $0x0;
	[tilespmem:$0x1FFD0] =	vst v57;
	v57 =	vsel vm1, $0xFFFFFFFF, v60;
	v54 =	vsel vm1, v63, v54;
	vm1 =	vmmov vm6  }
0x21d: {  	v58 =	vsel vm3, $0xF149F2CA, v55;
	vm1 =	vmneg @p2 vm1;
	p2 =	seq.s32 s28, $0x1;
	vm11 =	vgt.f32 v61, v54  }
0x21e: {  	vm1 =	vmand vm12, vm1;
	vm0 =	vmneg @p2 vm0;
	p2 =	seq.s32 s28, $0x2;
	v62 =	vsel vm11, v61, v54  }
0x21f: {  	v63 =	vnsel vm1, $0x0, v14;
	vm0 =	vmand vm12, vm0;
	vm2 =	vmneg @p2 vm2  }
0x220: {  	p2 =	seq.s32 s28, $0x3;
	vm1 =	vmmov vm6;
	vm13 =	vgt.f32 v58, v62;
	v54 =	vsel vm0, v13, v63  }
0x221: {  	vm0 =	vmand vm12, vm2;
	vm1 =	vmneg @p2 vm1;
	p2 =	seq.s32 s28, $0x4;
	vm2 =	vmmov vm6  }
0x222: {  	v54 =	vsel vm0, v12, v54;
	vm0 =	vmand vm12, vm1;
	vm2 =	vmneg @p2 vm2  }
0x223: {  	p2 =	seq.s32 s28, $0x5;
	vm1 =	vmmov vm6;
	v54 =	vsel vm0, v8, v54;
	vm0 =	vmand vm12, vm2  }
0x224: {  	vm1 =	vmneg @p2 vm1;
	p2 =	seq.s32 s28, $0x6;
	vm2 =	vmmov vm6;
	v54 =	vsel vm0, v9, v54  }
0x225: {  	vm0 =	vmand vm12, vm1;
	vm2 =	vmneg @p2 vm2;
	vm1 =	veq.s32 v52, v36  }
0x226: {  	[tilespmem:$0x1FFE0] =	vst v57;
	p2 =	seq.s32 s28, $0x7;
	v57 =	vsel vm0, v10, v54;
	vm0 =	vmand vm12, vm2;
	vm2 =	vmmov vm6  }
0x227: {  	v36 =	vsel vm0, v11, v57;
	vm2 =	vmneg @p2 vm2;
	p2 =	seq.s32 s28, $0x8;
	vm0 =	vmmov vm6  }
0x228: {  	v53 =	vsel vm13, v58, v62;
	vm2 =	vmand vm12, vm2;
	vm0 =	vmneg @p2 vm0  }
0x229: {  	v44 =	vsel vm1, $0xF149F2CA, v44;
	v36 =	vsel vm2, v15, v36;
	vm0 =	vmand vm12, vm0  }
0x22a: {  	vm1 =	veq.s32 v52, v35;
	p2 =	seq.s32 s28, $0x9;
	v36 =	vsel vm0, v16, v36;
	vm0 =	vmmov vm6  }
0x22b: {  	vm14 =	vgt.f32 v44, v53;
	v60 =	vsel vm1, $0xF149F2CA, v45;
	vm0 =	vmneg @p2 vm0  }
0x22c: {  	vm1 =	veq.s32 v52, v31;
	v59 =	vsel vm14, v44, v53;
	vm0 =	vmand vm12, vm0  }
0x22d: {  	vm15 =	vgt.f32 v60, v59;
	p2 =	seq.s32 s28, $0xA;
	v36 =	vsel vm0, v17, v36;
	vm0 =	vmmov vm6  }
0x22e: {  	v62 =	vsel vm1, $0xF149F2CA, v46;
	v61 =	vsel vm15, v60, v59;
	vm0 =	vmneg @p2 vm0  }
0x22f: {  	vm10 =	vgt.f32 v62, v61;
	vm0 =	vmand vm12, vm0  }
0x230: {  	vm1 =	veq.s32 v52, v32;
	v31 =	vsel vm10, v62, v61;
	v63 =	vsel vm0, v18, v36  }
0x231: {  	p2 =	seq.s32 s28, $0xB;
	vm0 =	vmmov vm6;
	v36 =	vsel vm1, $0xF149F2CA, v47;
	vm1 =	veq.s32 v52, v34  }
0x232: {  	vm0 =	vmneg @p2 vm0;
	vm9 =	vgt.f32 v36, v31;
	v34 =	vsel vm1, $0xF149F2CA, v48  }
0x233: {  	vm1 =	veq.s32 v52, v27;
	v31 =	vsel vm9, v36, v31;
	vm0 =	vmand vm12, vm0  }
0x234: {  	v45 =	vsel vm1, $0xF149F2CA, v49;
	vm1 =	veq.s32 v52, v28;
	v32 =	vsel vm0, v19, v63  }
0x235: {  	p2 =	seq.s32 s28, $0xC;
	vm0 =	vmmov vm6;
	vm8 =	vgt.f32 v34, v31;
	v47 =	vsel vm1, $0xF149F2CA, v41  }
0x236: {  	vm1 =	veq.s32 v52, v33;
	v44 =	vsel vm8, v34, v31;
	vm0 =	vmneg @p2 vm0  }
0x237: {  	v48 =	vsel vm1, $0xF149F2CA, v42;
	vm0 =	vmand vm12, vm0;
	vm7 =	vgt.f32 v45, v44  }
0x238: {  	p2 =	seq.s32 s28, $0xD;
	v46 =	vsel vm0, v20, v32;
	vm0 =	vmmov vm6;
	v27 =	vsel vm7, v45, v44  }
0x239: {  	vm1 =	veq.s32 v52, v26;
	vm0 =	vmneg @p2 vm0;
	vm3 =	vgt.f32 v47, v27  }
0x23a: {  	v50 =	vsel vm1, $0xF149F2CA, v50;
	vm0 =	vmand vm12, vm0;
	v27 =	vsel vm3, v47, v27  }
0x23b: {  	p2 =	seq.s32 s28, $0xE;
	v28 =	vsel vm0, v21, v46;
	vm0 =	vmmov vm6;
	vm4 =	vgt.f32 v48, v27  }
0x23c: {  	vm1 =	veq.s32 v52, v29;
	vm0 =	vmneg @p2 vm0;
	v49 =	vsel vm4, v48, v27  }
0x23d: {  	v53 =	vsel vm1, $0xF149F2CA, v51;
	vm0 =	vmand vm12, vm0;
	vm5 =	vgt.f32 v50, v49  }
0x23e: {  	p2 =	seq.s32 s28, $0xF;
	v28 =	vsel vm0, v22, v28;
	vm0 =	vmmov vm6;
	v26 =	vsel vm5, v50, v49  }
0x23f: {  	vm1 =	veq.s32 v52, v30;
	vm0 =	vmneg @p2 vm0;
	vm2 =	vgt.f32 v53, v26  }
0x240: {  	v54 =	vsel vm1, $0xF149F2CA, v43;
	vm0 =	vmand vm12, vm0;
	v26 =	vsel vm2, v53, v26  }
0x241: {  	v55 =	vsel vm0, v23, v28;
	vm0 =	vgt.f32 v54, v26  }
0x242: {  	(xrf0) =	vadd.scan.msk.s32 $0xffff, v55;
	v56 =	vsel vm0, v54, v26  }
0x243: {  	v58 =	vld [tilespmem:$0x1FFD0];
	(xrf0) =	vmax.scan.msk.f32 $0xffff, v56  }
0x244: {  	v60 =	vld [tilespmem:$0x1FFE0];
	_ =	sdelay $0x3  }
0x245: {  	vm1 =	vnez.u8 v58;
	v57, _, _ =	vpop (xrf0)  }
0x246: {  	v28 =	vsel vm1, $0x1, v1;
	vm1 =	vnez.u8 v60;
	v59, _, _ =	vpop (xrf0)  }
0x247: {  	v28 =	vsel vm1, $0x2, v28;
	v29 =	vbroadcast v59, $0xF  }
0x248: {  	v28 =	vsel vm11, $0x3, v28  }
0x249: {  	v28 =	vsel vm13, $0x4, v28;
	vm1 =	veq.f32 v56, v29  }
0x24a: {  	v61 =	vsel vm14, $0x5, v28;
	v62 =	vsel vm1, $0x1, v1  }
0x24b: {  	v27 =	vsel vm15, $0x6, v61;
	(xrf0) =	vadd.scan.msk.s32 $0xffff, v62  }
0x24c: {  	v27 =	vsel vm10, $0x7, v27  }
0x24d: {  	v27 =	vsel vm9, $0x8, v27  }
0x24e: {  	v27 =	vsel vm8, $0x9, v27  }
0x24f: {  	v27 =	vsel vm7, $0xA, v27  }
0x250: {  	v27 =	vsel vm3, $0xB, v27  }
0x251: {  	v27 =	vsel vm4, $0xC, v27;
	v28, _, _ =	vpop (xrf0)  }
0x252: {  	v27 =	vsel vm5, $0xD, v27;
	vm3 =	veq.s32 v28, $0x1  }
0x253: {  	v27 =	vsel vm2, $0xE, v27;
	vm1 =	vmand vm1, vm3  }
0x254: {  	v27 =	vsel vm0, $0xF, v27;
	v33 =	vnsel vm1, $0x0, v0  }
0x255: {  	v27 =	vnsel vm1, $0x0, v27;
	(xrf0) =	vadd.scan.msk.s32 $0xffff, v33  }
0x256: {  	(xrf0) =	vadd.scan.msk.s32 $0xffff, v27;
	_ =	sdelay $0x4  }
0x257: {  	v34, _, _ =	vpop (xrf0)  }
0x258: {  	v35, _, _ =	vpop (xrf0)  }
0x259: {  	(v2sf) =	vpush v35, $0xF;
	_ =	sdelay $0xc  }
0x25a: {  	v63 =	vld [tilespmem:$0x1FFF0];
	_ =	sdelay $0x1  }
0x25b: {  	v27 =	vbroadcast v34, $0xF;
	s31 =	spop (v2sf)  }
0x25c: {  	vm0 =	vmmov vm6;
	p2 =	seq.s32 s31, $0x0  }
0x25d: {  	vm1 =	vmmov vm6;
	vm9 =	veq.s32 v27, v0;
	vm0 =	vmneg @p2 vm0;
	p2 =	seq.s32 s31, $0x1  }
0x25e: {  	vm15 =	vnez.u8 v63;
	vm0 =	vmand vm9, vm0;
	vm1 =	vmneg @p2 vm1  }
0x25f: {  	vm2 =	vmmov vm6;
	p2 =	seq.s32 s31, $0x2;
	v14 =	vnsel vm0, $0x0, v14;
	vm0 =	vmand vm9, vm1  }
0x260: {  	vm2 =	vmneg @p2 vm2;
	p2 =	seq.s32 s31, $0x3;
	vm1 =	vmmov vm6;
	v13 =	vsel vm0, v13, v14  }
0x261: {  	vm0 =	vmand vm9, vm2;
	vm1 =	vmneg @p2 vm1;
	p2 =	seq.s32 s31, $0x4;
	vm2 =	vmmov vm6  }
0x262: {  	v12 =	vsel vm0, v12, v13;
	vm0 =	vmand vm9, vm1;
	vm2 =	vmneg @p2 vm2  }
0x263: {  	p2 =	seq.s32 s31, $0x5;
	vm1 =	vmmov vm6;
	v8 =	vsel vm0, v8, v12;
	vm0 =	vmand vm9, vm2  }
0x264: {  	vm1 =	vmneg @p2 vm1;
	p2 =	seq.s32 s31, $0x6;
	vm2 =	vmmov vm6;
	v8 =	vsel vm0, v9, v8  }
0x265: {  	vm0 =	vmand vm9, vm1;
	vm2 =	vmneg @p2 vm2;
	p2 =	seq.s32 s31, $0x7;
	vm1 =	vmmov vm6  }
0x266: {  	v8 =	vsel vm0, v10, v8;
	vm0 =	vmand vm9, vm2;
	vm1 =	vmneg @p2 vm1  }
0x267: {  	p2 =	seq.s32 s31, $0x8;
	vm2 =	vmmov vm6;
	v8 =	vsel vm0, v11, v8;
	vm0 =	vmand vm9, vm1  }
0x268: {  	vm2 =	vmneg @p2 vm2;
	p2 =	seq.s32 s31, $0x9;
	vm1 =	vmmov vm6;
	v8 =	vsel vm0, v15, v8  }
0x269: {  	vm0 =	vmand vm9, vm2;
	vm1 =	vmneg @p2 vm1;
	p2 =	seq.s32 s31, $0xA;
	vm2 =	vmmov vm6  }
0x26a: {  	v8 =	vsel vm0, v16, v8;
	vm0 =	vmand vm9, vm1;
	vm2 =	vmneg @p2 vm2  }
0x26b: {  	p2 =	seq.s32 s31, $0xB;
	vm1 =	vmmov vm6;
	v8 =	vsel vm0, v17, v8;
	vm0 =	vmand vm9, vm2  }
0x26c: {  	vm1 =	vmneg @p2 vm1;
	p2 =	seq.s32 s31, $0xC;
	vm2 =	vmmov vm6;
	v8 =	vsel vm0, v18, v8  }
0x26d: {  	vm0 =	vmand vm9, vm1;
	vm2 =	vmneg @p2 vm2;
	p2 =	seq.s32 s31, $0xD;
	vm1 =	vmmov vm6  }
0x26e: {  	v8 =	vsel vm0, v19, v8;
	vm0 =	vmand vm9, vm2;
	vm1 =	vmneg @p2 vm1  }
0x26f: {  	p2 =	seq.s32 s31, $0xE;
	v8 =	vsel vm0, v20, v8;
	vm0 =	vmand vm9, vm1;
	vm1 =	vmmov vm6  }
0x270: {  	v7 =	vnsel vm15, $0xF149F2CA, v7;
	vm2 =	vcmask $0x314;
	vm1 =	vmneg @p2 vm1  }
0x271: {  	v7 =	vsel vm2, v7, v25;
	v8 =	vsel vm0, v21, v8;
	p2 =	seq.s32 s31, $0xF;
	vm1 =	vmand vm9, vm1  }
0x272: {  	vm6 =	vmneg @p2 vm6;
	v8 =	vsel vm1, v22, v8;
	vm1 =	vcmask $0x714  }
0x273: {  	vm3 =	vcmask $0xB14;
	vm0 =	vmand vm9, vm6;
	v7 =	vsel vm1, v7, v38  }
0x274: {  	v8 =	vsel vm0, v23, v8;
	vm0 =	vcmask $0xF14;
	v7 =	vsel vm3, v7, v40  }
0x275: {  	(xrf0) =	vadd.scan.msk.s32 $0xffff, v8;
	v8 =	vsel vm0, v7, v29  }
0x276: {  	(xrf0) =	vmax.scan.msk.f32 $0xffff, v8;
	_ =	sdelay $0x4  }
0x277: {  	v36, _, _ =	vpop (xrf0)  }
0x278: {  	v7, _, _ =	vpop (xrf0)  }
0x279: {  	v7 =	vbroadcast v7, $0xF;
	_ =	sdelay $0x1  }
0x27a: {  	v38 =	vsub.f32 v8, v7;
	_ =	sdelay $0x1  }
0x27b: {  	v10 =	vmul.f32 $8.838834610e-02, v38;
	_ =	sdelay $0x1  }
0x27c: {  	v10 =	vmul.f32 $1.442695020e+00, v10;
	_ =	sdelay $0x1  }
0x27d: {  	(erf) = vpow2.f32 v10;
	_ =	sdelay $0x8  }
0x27e: {  	vm7 =	vmmov $0x1f;
	v10 =	vpop (erf)  }
0x27f: {  	v10 =	vnsel vm7, $0x0, v10  }
0x280: {  	(xrf2) =	vadd.scan.msk.f32 $0xffff, v10;
	_ =	sdelay $0x9  }
0x281: {  	v40, _, _ =	vpop (xrf2)  }
0x282: {  	v11 =	vbroadcast v40, $0xF;
	_ =	sdelay $0x1  }
0x283: {  	v41 =	vbroadcast v24, $0xF;
	(erf) = vrcp.f32 v11  }
0x284: {  	v42 =	vbroadcast v37, $0xF  }
0x285: {  	v43 =	vbroadcast v39, $0xF;
	v12 =	vnsel vm15, $0x0, v41  }
0x286: {  	v44 =	vbroadcast v57, $0xF;
	v11 =	vsel vm2, v12, v42  }
0x287: {  	v9 =	vbroadcast v36, $0xF;
	v11 =	vsel vm1, v11, v43  }
0x288: {  	v11 =	vsel vm3, v11, v44  }
0x289: {  	v9 =	vsel vm0, v11, v9  }
0x28a: {  	v11 =	vnsel vm7, $0x0, v9  }
0x28b: {  	[tilespmem:$0x8B80] =	vst v11  }
0x28c: {  	[tilespmem:s23], [sflag:$0x1] =	stream.indirect.gather [hbm4b:s1+s21], $0x80, s22, s21, $0xb8;
	v45 =	vpop (erf);
	[tilespmem:$0x9480] =	vst v63  }
0x28d: {  	_ =	swait.ge [sflag:s24], $0x800  }
0x28e: {  	[sflag:s24] =	ssyncset.done $0x0  }
0x28f: {  	[sflag:s24] =	ssyncadd.s32 $0xFFFFF800  }
0x290: {  	v10 =	vmul.f32 v45, v10;
	v46 =	vld [tilespmem:$0x8C00]  }
0x291: {  	v48 =	vld [tilespmem:$0x8C80]  }
0x292: {  	v11 =	vnsel vm15, $0x0, v10;
	v49 =	vld [tilespmem:$0x8D00]  }
0x293: {  	vm2 =	vcmask $0x308;
	(xrf2) =	vadd.scan.msk.f32 $0xffff, v11;
	v51 =	vld [tilespmem:$0x8D80]  }
0x294: {  	vm3 =	vcmask $0x70C;
	v47 =	vsel vm2, $0x0, v10;
	v52 =	vld [tilespmem:$0x8E00]  }
0x295: {  	v50 =	vsel vm3, $0x0, v10;
	v53 =	vld [tilespmem:$0x8C10];
	(xrf2) =	vadd.scan.msk.f32 $0xffff, v47  }
0x296: {  	vm3 =	vcmask $0xB10;
	v55 =	vld [tilespmem:$0x8C90];
	(xrf2) =	vadd.scan.msk.f32 $0xffff, v50  }
0x297: {  	v54 =	vsel vm3, $0x0, v10;
	v56 =	vld [tilespmem:$0x8D10]  }
0x298: {  	v57 =	vld [tilespmem:$0x8D90];
	(xrf2) =	vadd.scan.msk.f32 $0xffff, v54  }
0x299: {  	v21 =	vld [tilespmem:$0x8E10]  }
0x29a: {  	v60 =	vld [tilespmem:$0x8C20]  }
0x29b: {  	v61 =	vld [tilespmem:$0x8CA0]  }
0x29c: {  	v63 =	vld [tilespmem:$0x8D20]  }
0x29d: {  	v38 =	vld [tilespmem:$0x8C30];
	v59, _, _ =	vpop (xrf2)  }
0x29e: {  	v36 =	vld [tilespmem:$0x8DA0];
	v22 =	vbroadcast v59, $0xF  }
0x29f: {  	v39 =	vld [tilespmem:$0x8CB0];
	v62, _, _ =	vpop (xrf2)  }
0x2a0: {  	v28 =	vld [tilespmem:$0x8E20];
	v24 =	vbroadcast v62, $0xF;
	v37, _, _ =	vpop (xrf2);
	v11 =	vmul.f32 v22, v46  }
0x2a1: {  	v58 =	vsel vm0, $0x0, v10;
	v41 =	vld [tilespmem:$0x8D30];
	v27 =	vbroadcast v37, $0xF;
	v16 =	vmul.f32 v22, v53  }
0x2a2: {  	vm0 =	vgt.f32 v8, $5.000000000e-01;
	v42 =	vld [tilespmem:$0x8DB0];
	v40, _, _ =	vpop (xrf2);
	v20 =	vmul.f32 v22, v60;
	v54 =	vmul.f32 v22, v38  }
0x2a3: {  	v8 =	vnsel vm7, $0x0, v8;
	v45 =	vld [tilespmem:$0x8C40];
	(xrf2) =	vadd.scan.msk.f32 $0xffff, v58;
	v13 =	vmul.f32 v24, v48;
	v31 =	vbroadcast v40, $0xF  }
0x2a4: {  	v46 =	vld [tilespmem:$0x8CC0];
	v18 =	vmul.f32 v24, v55;
	v59 =	vmul.f32 v24, v39;
	v11 =	vadd.f32 $0.0e+00, v11  }
0x2a5: {  	v60 =	vld [tilespmem:$0x8CD0];
	v12 =	vmul.f32 v27, v49;
	v16 =	vadd.f32 $0.0e+00, v16;
	v48 =	vmul.f32 v27, v56  }
0x2a6: {  	v39 =	vld [tilespmem:$0x8C60];
	v50 =	vadd.f32 $0.0e+00, v20;
	v56 =	vmul.f32 v27, v63;
	v15 =	vmul.f32 v31, v51  }
0x2a7: {  	v49 =	vld [tilespmem:$0x8D40];
	v58 =	vadd.f32 $0.0e+00, v54;
	v51 =	vmul.f32 v24, v61;
	v53 =	vmul.f32 v31, v57  }
0x2a8: {  	v63 =	vld [tilespmem:$0x8DD0];
	v54 =	vnsel vm0, $0x0, v6;
	v61 =	vmul.f32 v22, v45;
	v26 =	vmul.f32 v31, v36  }
0x2a9: {  	v62 =	vld [tilespmem:$0x8D50];
	v40 =	vmul.f32 v31, v42;
	v11 =	vadd.f32 v11, v13;
	v47 =	vadd.f32 v16, v18  }
0x2aa: {  	v57 =	vld [tilespmem:$0x8C50];
	v16 =	vadd.f32 v58, v59;
	v13 =	vmul.f32 v27, v41;
	v55 =	vadd.f32 v50, v51  }
0x2ab: {  	v42 =	vld [tilespmem:$0x8CE0];
	v18 =	vadd.f32 $0.0e+00, v61;
	v36 =	vmul.f32 v24, v46;
	v25 =	vmul.f32 v24, v60  }
0x2ac: {  	v43 =	vld [tilespmem:$0x8E30];
	v11 =	vadd.f32 v11, v12;
	v13 =	vadd.f32 v16, v13;
	v46 =	vmul.f32 v22, v39  }
0x2ad: {  	v29 =	vld [tilespmem:$0x8E40];
	v44, _, _ =	vpop (xrf2);
	v18 =	vadd.f32 v18, v36;
	v17 =	vmul.f32 v27, v49;
	v19 =	vmul.f32 v31, v63  }
0x2ae: {  	v37 =	vld [tilespmem:$0x8E50];
	v33 =	vbroadcast v44, $0xF;
	v11 =	vadd.f32 v11, v15;
	v15 =	vadd.f32 v47, v48  }
0x2af: {  	v41 =	vld [tilespmem:$0x8C70];
	v38 =	vmul.f32 v22, v57;
	v13 =	vadd.f32 v13, v40;
	v44 =	vmul.f32 v27, v62  }
0x2b0: {  	v45 =	vld [tilespmem:$0x8D60];
	v49 =	vmul.f32 v24, v42;
	v17 =	vadd.f32 v18, v17;
	v14 =	vmul.f32 v33, v52  }
0x2b1: {  	v15 =	vadd.f32 v15, v53;
	v21 =	vmul.f32 v33, v21;
	v12 =	vmul.f32 v33, v43;
	v43 =	vld [tilespmem:$0x8CF0]  }
0x2b2: {  	v52 =	vld [tilespmem:$0x8DC0];
	v28 =	vmul.f32 v33, v28;
	v16 =	vadd.f32 $0.0e+00, v38;
	v11 =	vadd.f32 v11, v14  }
0x2b3: {  	v47 =	vld [tilespmem:$0x8D70];
	v29 =	vmul.f32 v33, v29;
	v14 =	vadd.f32 v55, v56;
	v15 =	vadd.f32 v15, v21  }
0x2b4: {  	v48 =	vld [tilespmem:$0x8DE0];
	v16 =	vadd.f32 v16, v25;
	v12 =	vadd.f32 v13, v12;
	v21 =	vmul.f32 v22, v41  }
0x2b5: {  	v50 =	vld [tilespmem:$0x8DF0];
	v57 =	vmul.f32 v33, v37;
	v13 =	vadd.f32 $0.0e+00, v46;
	v14 =	vadd.f32 v14, v26  }
0x2b6: {  	v51 =	vld [tilespmem:$0x8E60];
	v16 =	vadd.f32 v16, v44;
	v21 =	vadd.f32 $0.0e+00, v21;
	v18 =	vmul.f32 v24, v43  }
0x2b7: {  	(xrf2) =	vadd.scan.msk.f32 $0xffff, v54;
	v53 =	vld [tilespmem:$0x8E70];
	v13 =	vadd.f32 v13, v49;
	v23 =	vmul.f32 v31, v52;
	v52 =	vmul.f32 v27, v45  }
0x2b8: {  	[tilespmem:$0x8A80] =	vst v8;
	v20 =	vmul.f32 v27, v47;
	v14 =	vadd.f32 v14, v28;
	v18 =	vadd.f32 v21, v18  }
0x2b9: {  	v56 =	vmul.f32 v31, v48;
	[tilespmem:$0x9400] =	vst v11;
	v55 =	vadd.f32 v16, v19;
	v13 =	vadd.f32 v13, v52  }
0x2ba: {  	v58 =	vmul.f32 v31, v50;
	[tilespmem:$0x9410] =	vst v15;
	v17 =	vadd.f32 v17, v23;
	v18 =	vadd.f32 v18, v20  }
0x2bb: {  	v60 =	vmul.f32 v33, v51;
	[tilespmem:$0x9430] =	vst v12;
	v11 =	vadd.f32 v55, v57;
	v13 =	vadd.f32 v13, v56  }
0x2bc: {  	v62 =	vmul.f32 v33, v53;
	[tilespmem:$0x9420] =	vst v14;
	v59 =	vadd.f32 v17, v29;
	v61 =	vadd.f32 v18, v58  }
0x2bd: {  	[tilespmem:$0x9450] =	vst v11;
	v13 =	vadd.f32 v13, v60  }
0x2be: {  	[tilespmem:$0x9440] =	vst v59;
	v63 =	vadd.f32 v61, v62  }
0x2bf: {  	[tilespmem:$0x9460] =	vst v13  }
0x2c0: {  	[tilespmem:$0x9470] =	vst v63  }
0x2c1: {  	v8, _, _ =	vpop (xrf2);
	[hbm4b:s6+s4] =	stream.linear.scatter [tilespmem:s17], [sflag:$0x2], $0x80, $0x38;
	[tilespmem:$0x9480] =	vst v63  }
0x2c2: {  	_ =	swait.ge [sflag:s16], $0x80  }
0x2c3: {  	[sflag:s16] =	ssyncset.done $0x0  }
0x2c4: {  	[sflag:s16] =	ssyncadd.s32 $0xFFFFFF80  }
0x2c5: {  	[tilespmem:$0x8B00] =	vst v9  }
0x2c6: {  	[hbm4b:s2+s4] =	stream.linear.scatter [tilespmem:s18], [sflag:$0x2], $0x80, $0x38;
	[tilespmem:$0x9480] =	vst v63  }
0x2c7: {  	_ =	swait.ge [sflag:s16], $0x80  }
0x2c8: {  	[sflag:s16] =	ssyncset.done $0x0  }
0x2c9: {  	[sflag:s16] =	ssyncadd.s32 $0xFFFFFF80  }
0x2ca: {  	[tilespmem:$0x8A80] =	vst v10  }
0x2cb: {  	[hbm4b:s7+s4] =	stream.linear.scatter [tilespmem:s17], [sflag:$0x2], $0x80, $0x38;
	[tilespmem:$0x9480] =	vst v63  }
0x2cc: {  	_ =	swait.ge [sflag:s16], $0x80  }
0x2cd: {  	[sflag:s16] =	ssyncset.done $0x0  }
0x2ce: {  	[sflag:s16] =	ssyncadd.s32 $0xFFFFFF80  }
0x2cf: {  	[hbm4b:s8+s4] =	stream.linear.scatter [tilespmem:s25], [sflag:$0x2], $0x80, $0x38;
	[tilespmem:$0x9480] =	vst v63  }
0x2d0: {  	v8 =	vbroadcast v8, $0xF;
	_ =	swait.ge [sflag:s16], $0x80  }
0x2d1: {  	v7 =	vnsel vm15, $0x0, v7;
	[sflag:s16] =	ssyncset.done $0x0  }
0x2d2: {  	v7 =	vsel vm2, v7, v8;
	[sflag:s16] =	ssyncadd.s32 $0xFFFFFF80  }
.Ltmp6:
0x2d3: {  	[tilespmem:$0x8A80] =	vst v7;
	(pc) =	sbr.rel .LBB2_7-.Ltmp6, $4  }
0x2d4: {  	[hbm4b:s3+s4] =	stream.linear.scatter [tilespmem:s17], [sflag:$0x2], $0x80, $0x38;
	[tilespmem:$0x9480] =	vst v63  }
0x2d5: {  	_ =	swait.ge [sflag:s16], $0x80  }
0x2d6: {  	[sflag:s16] =	ssyncset.done $0x0  }
0x2d7: {  	[sflag:s16] =	ssyncadd.s32 $0xFFFFFF80  }
.LBB2_8:
0x2d8: {  	_ =	sfence.sel $0x180000  }
0x2d9: {  	[bflag:$0x0] =	sbarrier.arrive $0xFFFF  }
0x2da: {  	p0 =	sne.s32 s5, $0x0;
	_ =	strace $0x90000047  }
0x2db: {  	s0 =	sadd.s32 @!p0 $0x100000, s0;
	[bflag:$0x2] =	sbarrier.arrive $0xFFFF  }
0x2dc: {  	[sflag:s0] =	ssyncadd.tile.s32 @!p0 $0x1;
	_ =	shalt  }
.Lfunc_end2:
_tile_overlayer_lowered:
.L_overlay_start_2:
0x2dd: {  	(tag) =	ssettag $0x2  }
0x2de: {  	s0 =	rddreg [dreg:$0x0];
	s2 =	stileid.u32  }
0x2df: {  	s1 =	rddreg [dreg:$0x1];
	p0 =	sne.s32 s2, $0x0  }
0x2e0: {  	s3 =	rddreg [dreg:$0x2];
	[bflag:$0x3] =	sbarrier.arrive $0xFFFF;
	s2 =	simm.s32 @!p0 $0x1C02  }
0x2e1: {  	[timem:s3], [sflag:s2] =	dma.local @!p0 [hbm:s0], s1  }
0x2e2: {  	s0 =	simm.s32 @!p0 $0x2  }
0x2e3: {  	_ =	swait.ge @!p0 [sflag:s0], s1  }
0x2e4: {  	s1 =	ssub.s32 @!p0 $0x0, s1;
	[sflag:s0] =	ssyncset.done @!p0 $0x0  }
0x2e5: {  	[sflag:s0] =	ssyncadd.s32 @!p0 s1  }
0x2e6: {  	[bflag:$0x3] =	sbarrier.arrive $0xFFFF  }
0x2e7: {  	_ =	shalt  }

</sc_bundles>
